<compile_context>
chip_gen: v7x
topology: tpu7x:2x2x1
jax: 0.10.2.dev20260603
libtpu: 0.0.44.dev20260713+nightly
codegen_flags: <defaults>
</compile_context>

<pallas_src>
import dataclasses
import functools

import jax
import jax.numpy as jnp
from jax import lax
from jax.experimental import pallas as pl
from jax.experimental.pallas import tpu as pltpu
from jax.experimental.pallas import tpu_sc as plsc

N = 10000
NPAD = 10240
RPT = NPAD // 16
NHALF = NPAD // 2
RPT2 = NHALF // 16
NW = 32
CB = 128
CH = 80
EPT = CH * CB
EPAD = NW * EPT
HEADS = 3
ATT = 64
GDIM = HEADS * ATT


@functools.cache
def _sc_cp():
    cp = pltpu.CompilerParams()
    if "needs_layout_passes" in pltpu.CompilerParams.__dataclass_fields__:
        cp = dataclasses.replace(cp, needs_layout_passes=False)
    return cp


@functools.cache
def _sc_mesh():
    return plsc.VectorSubcoreMesh(core_axis_name="c", subcore_axis_name="s")


def _worker(c, s):
    return c * 16 + s


def _zero_rows(buf, rows, width):
    @pl.loop(0, rows)
    def _(i):
        @pl.loop(0, width, step=16)
        def _(q):
            buf[i, pl.ds(q, 16)] = jnp.zeros((16,), jnp.float32)



def _sc_degree(didx):

    @functools.partial(
        pl.kernel,
        out_type=jax.ShapeDtypeStruct((NW, 1, NPAD), jnp.float32),
        mesh=_sc_mesh(),
        compiler_params=_sc_cp(),
        scratch_types=[
            pltpu.VMEM((CH, CB), jnp.int32),
            pltpu.VMEM((8, NPAD), jnp.float32),
            pltpu.VMEM((1, NPAD), jnp.float32),
        ],
    )
    def k(didx_hbm, out_hbm, dv, hist, obuf):
        c = lax.axis_index("c")
        s = lax.axis_index("s")
        w = _worker(c, s)

        @pl.loop(0, 8)
        def _(r):
            @pl.loop(0, NPAD, step=16)
            def _(q):
                hist[r, pl.ds(q, 16)] = jnp.zeros((16,), jnp.float32)

        pltpu.sync_copy(didx_hbm.at[w], dv)
        lanes = lax.iota(jnp.int32, 16)
        region = lanes & 7
        m_lo = lanes < 8
        m_hi = lanes >= 8
        ones = jnp.full((16,), 1.0, jnp.float32)

        @pl.loop(0, CH)
        def _(j):
            @pl.loop(0, 8)
            def _(kk):
                d16 = dv[j, pl.ds(kk * 16, 16)]
                plsc.addupdate_scatter(hist, [region, d16], ones, mask=m_lo)
                plsc.addupdate_scatter(hist, [region, d16], ones, mask=m_hi)

        @pl.loop(0, NPAD, step=16)
        def _(q):
            acc = hist[0, pl.ds(q, 16)]
            for r in range(1, 8):
                acc = acc + hist[r, pl.ds(q, 16)]
            obuf[0, pl.ds(q, 16)] = acc

        pltpu.sync_copy(obuf, out_hbm.at[w])

    return k(didx)


def _sc_segsum(table, sidx, didx):

    @functools.partial(
        pl.kernel,
        out_type=jax.ShapeDtypeStruct((2, NPAD, 128), jnp.float32),
        mesh=_sc_mesh(),
        scratch_types=[
            pltpu.VMEM((CH, CB), jnp.int32),
            pltpu.VMEM((CH, CB), jnp.int32),
            pltpu.VMEM((CB, 128), jnp.float32),
            pltpu.VMEM_SHARED((NPAD, 128), jnp.float32),
        ],
    )
    def k(tab_hbm, sidx_hbm, didx_hbm, out_hbm, sv, dv, rows_v, acc_sh):
        c = lax.axis_index("c")
        s = lax.axis_index("s")
        w = _worker(c, s)

        _zero_rows(rows_v, CB, 128)
        for t in range(5):
            pltpu.sync_copy(rows_v, acc_sh.at[pl.ds(s * RPT + t * CB, CB)])
        pltpu.sync_copy(sidx_hbm.at[w], sv)
        pltpu.sync_copy(didx_hbm.at[w], dv)
        plsc.subcore_barrier()

        @pl.loop(0, CH)
        def _(j):
            pltpu.sync_copy(tab_hbm.at[sv.at[j]], rows_v)
            pltpu.sync_copy(rows_v, acc_sh.at[dv.at[j]], add=True)

        plsc.subcore_barrier()
        for t in range(5):
            pltpu.sync_copy(acc_sh.at[pl.ds(s * RPT + t * CB, CB)],
                            out_hbm.at[c, pl.ds(s * RPT + t * CB, CB)])

    return k(table, sidx, didx)


def _sc_gat_edges(a_s0, a_s1, a_s2, a_d0, a_d1, a_d2, sidx, didx, sms, smd):

    @functools.partial(
        pl.kernel,
        out_type=jax.ShapeDtypeStruct((NW * CH * 16, 128), jnp.float32),
        mesh=_sc_mesh(),
        compiler_params=_sc_cp(),
        scratch_types=[
            pltpu.VMEM((CH, CB), jnp.int32),
            pltpu.VMEM((CH, CB), jnp.int32),
            pltpu.VMEM((NPAD,), jnp.float32),
            pltpu.VMEM((NPAD,), jnp.float32),
            pltpu.VMEM((NPAD,), jnp.float32),
            pltpu.VMEM((NPAD,), jnp.float32),
            pltpu.VMEM((NPAD,), jnp.float32),
            pltpu.VMEM((NPAD,), jnp.float32),
            pltpu.VMEM((16, 128), jnp.float32),
            pltpu.VMEM((128,), jnp.float32),
            pltpu.VMEM((128,), jnp.float32),
        ],
    )
    def k(as0_hbm, as1_hbm, as2_hbm, ad0_hbm, ad1_hbm, ad2_hbm,
          sidx_hbm, didx_hbm, sms_hbm, smd_hbm, es_hbm,
          sv, dv, t_s0, t_s1, t_s2, t_d0, t_d1, t_d2, es_b, sm0, sm1):
        c = lax.axis_index("c")
        s = lax.axis_index("s")
        w = _worker(c, s)

        _zero_rows(es_b, 16, 128)
        pltpu.sync_copy(sidx_hbm.at[w], sv)
        pltpu.sync_copy(didx_hbm.at[w], dv)
        pltpu.sync_copy(as0_hbm, t_s0)
        pltpu.sync_copy(as1_hbm, t_s1)
        pltpu.sync_copy(as2_hbm, t_s2)
        pltpu.sync_copy(ad0_hbm, t_d0)
        pltpu.sync_copy(ad1_hbm, t_d1)
        pltpu.sync_copy(ad2_hbm, t_d2)
        pltpu.sync_copy(sms_hbm, sm0)
        pltpu.sync_copy(smd_hbm, sm1)
        shv = sm0[pl.ds(0, 16)] + sm1[pl.ds(0, 16)]
        lanes = lax.iota(jnp.int32, 16)
        rsub = lax.shift_right_logical(lanes, 3)
        csub = (lanes & 7) * 16
        tabs = ((t_s0, t_d0), (t_s1, t_d1), (t_s2, t_d2))

        @pl.loop(0, CH)
        def _(j):
            @pl.loop(0, 8)
            def _(kk):
                s16 = sv[j, pl.ds(kk * 16, 16)]
                d16 = dv[j, pl.ds(kk * 16, 16)]
                for h, (ts, td) in enumerate(tabs):
                    a = plsc.load_gather(ts, [s16]) + plsc.load_gather(td, [d16])
                    a = jnp.where(a > 0.0, a, a * jnp.float32(0.2))
                    esv = jnp.exp(a - shv)
                    plsc.store_scatter(es_b, [2 * kk + rsub, csub + h], esv)

            pltpu.sync_copy(es_b, es_hbm.at[pl.ds((w * CH + j) * 16, 16)])

    return k(a_s0, a_s1, a_s2, a_d0, a_d1, a_d2, sidx, didx, sms, smd)


def _sc_gat_msgs(tab, es, sidx, didx, two_heads):

    @functools.partial(
        pl.kernel,
        out_type=jax.ShapeDtypeStruct((2, NPAD, 128), jnp.float32),
        mesh=_sc_mesh(),
        scratch_types=[
            pltpu.VMEM((CH, CB), jnp.int32),
            pltpu.VMEM((CH, CB), jnp.int32),
            pltpu.VMEM((16, 128), jnp.float32),
            pltpu.VMEM((CB, 128), jnp.float32),
            pltpu.VMEM_SHARED((NPAD, 128), jnp.float32),
        ],
    )
    def k(tab_hbm, es_hbm, sidx_hbm, didx_hbm, out_hbm,
          sv, dv, es_v, rows_v, acc_sh):
        c = lax.axis_index("c")
        s = lax.axis_index("s")
        w = _worker(c, s)

        _zero_rows(rows_v, CB, 128)
        for t in range(5):
            pltpu.sync_copy(rows_v, acc_sh.at[pl.ds(s * RPT + t * CB, CB)])
        pltpu.sync_copy(sidx_hbm.at[w], sv)
        pltpu.sync_copy(didx_hbm.at[w], dv)
        plsc.subcore_barrier()

        @pl.loop(0, CH)
        def _(j):
            pltpu.sync_copy(tab_hbm.at[sv.at[j]], rows_v)
            pltpu.sync_copy(es_hbm.at[pl.ds((w * CH + j) * 16, 16)], es_v)

            @pl.loop(0, CB)
            def _(e):
                erow = es_v[lax.shift_right_logical(e, 3),
                            pl.ds((e & 7) * 16, 16)]
                if two_heads:
                    scv0 = jnp.full((16,), erow[0], jnp.float32)
                    scv1 = jnp.full((16,), erow[1], jnp.float32)
                    for q in range(4):
                        rows_v[e, pl.ds(q * 16, 16)] = (
                            rows_v[e, pl.ds(q * 16, 16)] * scv0)
                        rows_v[e, pl.ds(64 + q * 16, 16)] = (
                            rows_v[e, pl.ds(64 + q * 16, 16)] * scv1)
                else:
                    scv2 = jnp.full((16,), erow[2], jnp.float32)
                    for q in range(4):
                        rows_v[e, pl.ds(q * 16, 16)] = (
                            rows_v[e, pl.ds(q * 16, 16)] * scv2)
                    rows_v[e, pl.ds(64, 16)] = erow

            pltpu.sync_copy(rows_v, acc_sh.at[dv.at[j]], add=True)

        plsc.subcore_barrier()
        for t in range(5):
            pltpu.sync_copy(acc_sh.at[pl.ds(s * RPT + t * CB, CB)],
                            out_hbm.at[c, pl.ds(s * RPT + t * CB, CB)])

    return k(tab, es, sidx, didx)



BR = 1024
GSTEPS = NPAD // BR


def _dot(a, b):
    return jnp.dot(a, b, preferred_element_type=jnp.float32,
                   precision=lax.Precision.HIGHEST)


def _ln(x, g, b):
    mu = jnp.mean(x, axis=-1, keepdims=True)
    var = jnp.mean((x - mu) ** 2, axis=-1, keepdims=True)
    return (x - mu) * lax.rsqrt(var + 1e-5) * g + b


def _mish_tc(x):
    return x * jnp.tanh(jax.nn.softplus(x))


def _dinv_of(dp):
    ones32 = jnp.ones((NW, 1), jnp.float32)
    deg = lax.dot_general(dp, ones32, (((0,), (0,)), ((), ())),
                          preferred_element_type=jnp.float32,
                          precision=lax.Precision.HIGHEST) + 1.0
    return lax.rsqrt(deg)


def _dp_spec():
    return pl.BlockSpec((NW, BR), lambda i: (0, i))


def _rows(width):
    return pl.BlockSpec((BR, width), lambda i: (i, 0))


def _rep(shape):
    return pl.BlockSpec(shape, lambda i: tuple(0 for _ in shape))


def _tc_prescale(h, p0):

    def body(h_ref, dp_ref, o_ref):
        o_ref[...] = h_ref[...] * _dinv_of(dp_ref[...])

    return pl.pallas_call(
        body,
        grid=(GSTEPS,),
        in_specs=[_rows(128), _dp_spec()],
        out_specs=_rows(128),
        out_shape=jax.ShapeDtypeStruct((NPAD, 128), jnp.float32),
    )(h, p0)


def _tc_mm(x, w):
    def body(x_ref, w_ref, o_ref):
        o_ref[...] = _dot(x_ref[...], w_ref[...])

    return pl.pallas_call(
        body,
        grid=(GSTEPS,),
        in_specs=[_rows(x.shape[1]), _rep(w.shape)],
        out_specs=_rows(w.shape[1]),
        out_shape=jax.ShapeDtypeStruct((x.shape[0], w.shape[1]), jnp.float32),
    )(x, w)


def _tc_post_gcn1(a0, a1, hp, p0, b1, g1, t1, Wg, asv, adv):

    def body(a0_ref, a1_ref, hp_ref, dp_ref, b1_ref, g1_ref, t1_ref,
             wg_ref, asv_ref, adv_ref,
             out1_ref, h2a_ref, h2b_ref, asr_ref, adr_ref, sms_ref, smd_ref):
        i = pl.program_id(0)
        dinv = _dinv_of(dp_ref[...])
        t = dinv * (a0_ref[...] + a1_ref[...] + hp_ref[...]) + b1_ref[...]
        out1 = _mish_tc(_ln(t, g1_ref[...], t1_ref[...]))
        out1_ref[...] = out1
        h2 = _dot(out1, wg_ref[...])
        h2a_ref[...] = h2[:, :128]
        h2b_ref[...] = jnp.concatenate(
            [h2[:, 128:], jnp.zeros((BR, 64), jnp.float32)], axis=1)
        ms = h2 * asv_ref[...]
        md = h2 * adv_ref[...]
        cols_s = [jnp.sum(ms[:, h * ATT:(h + 1) * ATT], axis=1, keepdims=True)
                  for h in range(HEADS)]
        cols_d = [jnp.sum(md[:, h * ATT:(h + 1) * ATT], axis=1, keepdims=True)
                  for h in range(HEADS)]
        zpad = jnp.zeros((BR, 16 - HEADS), jnp.float32)
        asr = jnp.concatenate(cols_s + [zpad], axis=1)
        adr = jnp.concatenate(cols_d + [zpad], axis=1)
        asr_ref[...] = asr
        adr_ref[...] = adr

        @pl.when(i == 0)
        def _():
            sms_ref[...] = jnp.full((128,), -jnp.inf, jnp.float32)
            smd_ref[...] = jnp.full((128,), -jnp.inf, jnp.float32)

        sms_ref[...] = jnp.maximum(sms_ref[...], jnp.max(asr))
        smd_ref[...] = jnp.maximum(smd_ref[...], jnp.max(adr))

    return pl.pallas_call(
        body,
        grid=(GSTEPS,),
        in_specs=[_rows(128), _rows(128), _rows(128), _dp_spec(),
                  _rep((1, 128)), _rep((1, 128)), _rep((1, 128)),
                  _rep((128, GDIM)), _rep((1, GDIM)), _rep((1, GDIM))],
        out_specs=(_rows(128), _rows(128), _rows(128), _rows(16), _rows(16),
                   pl.BlockSpec((128,), lambda i: (0,)),
                   pl.BlockSpec((128,), lambda i: (0,))),
        out_shape=(
            jax.ShapeDtypeStruct((NPAD, 128), jnp.float32),
            jax.ShapeDtypeStruct((NPAD, 128), jnp.float32),
            jax.ShapeDtypeStruct((NPAD, 128), jnp.float32),
            jax.ShapeDtypeStruct((NPAD, 16), jnp.float32),
            jax.ShapeDtypeStruct((NPAD, 16), jnp.float32),
            jax.ShapeDtypeStruct((128,), jnp.float32),
            jax.ShapeDtypeStruct((128,), jnp.float32),
        ),
    )(a0, a1, hp, p0, b1, g1, t1, Wg, asv, adv)


def _tc_post_gat(m1a, m1b, m2a, m2b, asr, adr, sms, smd, h2a, h2b,
                 bg, g2, t2, W2, p0):

    def body(m1a_ref, m1b_ref, m2a_ref, m2b_ref, asr_ref, adr_ref, sms_ref,
             smd_ref, h2a_ref, h2b_ref, bg_ref, g2_ref, t2_ref, w2_ref,
             dp_ref, hp3_ref):
        s = jnp.max(sms_ref[...]) + jnp.max(smd_ref[...])
        aself = asr_ref[...] + adr_ref[...]
        aself = jnp.where(aself > 0.0, aself, aself * jnp.float32(0.2))
        exself = jnp.exp(aself - s)
        m2 = m2a_ref[...] + m2b_ref[...]
        den = m2[:, 64:80]
        dtot = den + exself + 1e-16 * jnp.exp(-s)
        r = 1.0 / dtot
        r192 = jnp.concatenate(
            [jnp.broadcast_to(r[:, h:h + 1], (BR, ATT)) for h in range(HEADS)],
            axis=1)
        e192 = jnp.concatenate(
            [jnp.broadcast_to(exself[:, h:h + 1], (BR, ATT))
             for h in range(HEADS)], axis=1)
        h2 = jnp.concatenate([h2a_ref[...], h2b_ref[...][:, :64]], axis=1)
        m192 = jnp.concatenate([m1a_ref[...] + m1b_ref[...], m2[:, :64]],
                               axis=1)
        gpre = (m192 + e192 * h2) * r192 + bg_ref[...]
        g = _mish_tc(_ln(gpre, g2_ref[...], t2_ref[...]))
        h3 = _dot(g, w2_ref[...])
        hp3_ref[...] = h3 * _dinv_of(dp_ref[...])

    return pl.pallas_call(
        body,
        grid=(GSTEPS,),
        in_specs=[_rows(128), _rows(128), _rows(128), _rows(128),
                  _rows(16), _rows(16),
                  pl.BlockSpec((128,), lambda i: (0,)),
                  pl.BlockSpec((128,), lambda i: (0,)),
                  _rows(128), _rows(128),
                  _rep((1, GDIM)), _rep((1, GDIM)), _rep((1, GDIM)),
                  _rep((GDIM, 128)), _dp_spec()],
        out_specs=_rows(128),
        out_shape=jax.ShapeDtypeStruct((NPAD, 128), jnp.float32),
    )(m1a, m1b, m2a, m2b, asr, adr, sms, smd, h2a, h2b,
      bg, g2, t2, W2, p0)


def _tc_post_gcn2(a0, a1, hp3, p0, b2):
    def body(a0_ref, a1_ref, hp_ref, dp_ref, b2_ref, o_ref):
        dinv = _dinv_of(dp_ref[...])
        o_ref[...] = dinv * (a0_ref[...] + a1_ref[...] + hp_ref[...]) + b2_ref[...]

    return pl.pallas_call(
        body,
        grid=(GSTEPS,),
        in_specs=[_rows(128), _rows(128), _rows(128), _dp_spec(),
                  _rep((1, 128))],
        out_specs=_rows(128),
        out_shape=jax.ShapeDtypeStruct((NPAD, 128), jnp.float32),
    )(a0, a1, hp3, p0, b2)



def kernel(x, edge_index, W1, b1, ln1_g, ln1_b, Wg, att_src, att_dst, bg,
           ln2_g, ln2_b, W2, b2):
    E = edge_index.shape[1]
    src = jnp.concatenate(
        [edge_index[0], jnp.full((EPAD - E,), N, jnp.int32)]).reshape(NW, CH, CB)
    dst = jnp.concatenate(
        [edge_index[1], jnp.full((EPAD - E,), N, jnp.int32)]).reshape(NW, CH, CB)
    xp = jnp.zeros((NPAD, x.shape[1]), jnp.float32).at[:N].set(x)

    b1r = b1.reshape(1, -1)
    g1r = ln1_g.reshape(1, -1)
    t1r = ln1_b.reshape(1, -1)
    bgr = bg.reshape(1, -1)
    g2r = ln2_g.reshape(1, -1)
    t2r = ln2_b.reshape(1, -1)
    b2r = b2.reshape(1, -1)
    asv = att_src.reshape(1, -1)
    adv = att_dst.reshape(1, -1)

    dp = _sc_degree(dst).reshape(NW, NPAD)

    h = _tc_mm(xp, W1)
    hp = _tc_prescale(h, dp)
    accp = _sc_segsum(hp, src, dst)
    out1, h2a, h2b, asr, adr, sms, smd = _tc_post_gcn1(
        accp[0], accp[1], hp, dp, b1r, g1r, t1r, Wg, asv, adv)

    a_s = [asr[:, h] + 0.0 for h in range(HEADS)]
    a_d = [adr[:, h] + 0.0 for h in range(HEADS)]
    es = _sc_gat_edges(a_s[0], a_s[1], a_s[2], a_d[0], a_d[1], a_d[2],
                       src, dst, sms, smd)
    m1 = _sc_gat_msgs(h2a, es, src, dst, True)
    m1, h2b = lax.optimization_barrier((m1, h2b))
    m2 = _sc_gat_msgs(h2b, es, src, dst, False)
    hp3 = _tc_post_gat(m1[0], m1[1], m2[0], m2[1], asr, adr, sms, smd,
                       h2a, h2b, bgr, g2r, t2r, W2, dp)

    acc2 = _sc_segsum(hp3, src, dst)
    out2 = _tc_post_gcn2(acc2[0], acc2[1], hp3, dp, b2r)

    return (out1[:N], out2[:N])

# --- scband reference (transcript-rebuilt; emitter-appended) ---
"""Pipeline reference for scband-gcn-encoder-60842506715396 (READ-ONLY COPY).

The authoritative reference and input builder live on the scoring server;
editing this copy changes nothing except your own understanding.
"""

import jax, jax.numpy as jnp
import numpy as np

N = 10000
E = 320000
IN_DIM = 128
HID = 128
ATT = 64
HEADS = 3
OUT = 128

def _glorot(key, shape):
    fan_in, fan_out = shape[0], shape[-1]
    lim = jnp.sqrt(6.0 / (fan_in + fan_out))
    return jax.random.uniform(key, shape, dtype=jnp.float32, minval=-lim, maxval=lim)

def setup_inputs(seed: int = 0) -> dict:
    key = jax.random.key(seed)
    ks = jax.random.split(key, 16)
    x = jax.random.normal(ks[0], (N, IN_DIM), dtype=jnp.float32)
    edge_index = jax.random.randint(ks[1], (2, E), 0, N, dtype=jnp.int32)
    W1 = _glorot(ks[2], (IN_DIM, HID)); b1 = jnp.zeros((HID,), jnp.float32)
    ln1_g = jnp.ones((HID,), jnp.float32); ln1_b = jnp.zeros((HID,), jnp.float32)
    Wg = _glorot(ks[3], (HID, HEADS * ATT))
    att_src = _glorot(ks[4], (HEADS, ATT)); att_dst = _glorot(ks[5], (HEADS, ATT))
    bg = jnp.zeros((HEADS * ATT,), jnp.float32)
    ln2_g = jnp.ones((HEADS * ATT,), jnp.float32); ln2_b = jnp.zeros((HEADS * ATT,), jnp.float32)
    W2 = _glorot(ks[6], (HEADS * ATT, OUT)); b2 = jnp.zeros((OUT,), jnp.float32)
    return {"x": x, "edge_index": edge_index, "W1": W1, "b1": b1, "ln1_g": ln1_g, "ln1_b": ln1_b,
            "Wg": Wg, "att_src": att_src, "att_dst": att_dst, "bg": bg,
            "ln2_g": ln2_g, "ln2_b": ln2_b, "W2": W2, "b2": b2}

def _add_self_loops(edge_index, n):
    loop = jnp.arange(n, dtype=edge_index.dtype)
    src = jnp.concatenate([edge_index[0], loop])
    dst = jnp.concatenate([edge_index[1], loop])
    return src, dst

def _gcn_conv(x, edge_index, W, b, n):
    src, dst = _add_self_loops(edge_index, n)
    ones = jnp.ones(src.shape[0], dtype=x.dtype)
    deg = jax.ops.segment_sum(ones, dst, num_segments=n)
    dinv = jnp.where(deg > 0, jax.lax.rsqrt(jnp.maximum(deg, 1e-12)), 0.0)
    norm = dinv[src] * dinv[dst]
    h = x @ W
    msg = jnp.take(h, src, axis=0) * norm[:, None]
    out = jax.ops.segment_sum(msg, dst, num_segments=n)
    return out + b

def _gat_conv(x, edge_index, W, att_src, att_dst, b, n, H, C):
    src, dst = _add_self_loops(edge_index, n)
    h = (x @ W).reshape(n, H, C)
    a_src = (h * att_src[None, :, :]).sum(-1)
    a_dst = (h * att_dst[None, :, :]).sum(-1)
    alpha = jnp.take(a_src, src, axis=0) + jnp.take(a_dst, dst, axis=0)
    alpha = jax.nn.leaky_relu(alpha, 0.2)
    amax = jax.ops.segment_max(alpha, dst, num_segments=n)
    amax = jnp.where(jnp.isfinite(amax), amax, 0.0)
    ex = jnp.exp(alpha - jnp.take(amax, dst, axis=0))
    denom = jax.ops.segment_sum(ex, dst, num_segments=n)
    w = ex / (jnp.take(denom, dst, axis=0) + 1e-16)
    msg = jnp.take(h, src, axis=0) * w[:, :, None]
    out = jax.ops.segment_sum(msg, dst, num_segments=n)
    return out.reshape(n, H * C) + b

def _layer_norm(x, g, b):
    mu = jnp.mean(x, axis=-1, keepdims=True)
    var = jnp.mean((x - mu) ** 2, axis=-1, keepdims=True)
    return (x - mu) * jax.lax.rsqrt(var + 1e-5) * g + b

def _mish(x):
    return x * jnp.tanh(jax.nn.softplus(x))

def reference(x, edge_index, W1, b1, ln1_g, ln1_b, Wg, att_src, att_dst, bg, ln2_g, ln2_b, W2, b2):
    n = x.shape[0]
    h = _gcn_conv(x, edge_index, W1, b1, n)
    h = _layer_norm(h, ln1_g, ln1_b)
    h = _mish(h)
    out = h
    g = _gat_conv(h, edge_index, Wg, att_src, att_dst, bg, n, HEADS, ATT)
    g = _layer_norm(g, ln2_g, ln2_b)
    g = _mish(g)
    gcn_result = _gcn_conv(g, edge_index, W2, b2, n)
    return (out, gcn_result)

if __name__ == "__main__":
    import jax
    _d = setup_inputs()
    print(jax.jit(kernel)(*tuple(_d.values())))

</pallas_src>

<mosaic_0001>
#map = affine_map<(d0, d1) -> (0, 0, 0)>
module attributes {stable_mosaic.version = 14 : i64} {
  func.func @k(%arg0: i32, %arg1: i32, %arg2: memref<32x80x128xi32, #tpu.memory_space<hbm>>, %arg3: memref<32x1x10240xf32, #tpu.memory_space<hbm>>, %arg4: memref<80x128xi32, #tpu.memory_space<vmem>>, %arg5: memref<8x10240xf32, #tpu.memory_space<vmem>>, %arg6: memref<1x10240xf32, #tpu.memory_space<vmem>>) attributes {dimension_semantics = [#tpu.dimension_semantics<core_parallel>, #tpu.dimension_semantics<subcore_parallel>], iteration_bounds = array<i64: 2, 16>, scalar_prefetch = 0 : i64, scratch_operands = 3 : i64, tpu.core_type = #tpu.core_type<sc_vector_subcore>, window_params = [{transform_indices = #map}, {transform_indices = #map}]} {
    %mul3A = arith.constant 16 : i32
    %mul3A_0 = arith.muli %arg0, %mul3A : i32
    %add3A = arith.addi %mul3A_0, %arg1 : i32
    %scan3A = arith.constant 0 : i32
    %scan3A_1 = arith.constant 8 : i32
    %scan3A_2 = arith.addi %scan3A, %scan3A_1 : i32
    %scan3A_3 = arith.constant 1 : i32
    scf.for %scan3A_22 = %scan3A to %scan3A_2 step %scan3A_3  : i32 {
      %mul3A_23 = arith.constant 1 : i32
      %mul3A_24 = arith.muli %scan3A_22, %mul3A_23 : i32
      %add3A_25 = arith.constant 0 : i32
      %add3A_26 = arith.addi %add3A_25, %mul3A_24 : i32
      %scan3A_27 = arith.constant 0 : i32
      %scan3A_28 = arith.constant 640 : i32
      %scan3A_29 = arith.addi %scan3A_27, %scan3A_28 : i32
      %scan3A_30 = arith.constant 1 : i32
      scf.for %scan3A_32 = %scan3A_27 to %scan3A_29 step %scan3A_30  : i32 {
        %mul3A_33 = arith.constant 16 : i32
        %mul3A_34 = arith.muli %scan3A_32, %mul3A_33 : i32
        %add3A_35 = arith.constant 0 : i32
        %add3A_36 = arith.addi %add3A_35, %mul3A_34 : i32
        %broadcast_in_dim3A_37 = arith.constant 0.000000e+00 : f32
        %broadcast_in_dim3A_38 = vector.broadcast %broadcast_in_dim3A_37 : f32 to vector<16xf32>
        %swap3A = arith.index_cast %add3A_26 : i32 to index
        %swap3A_39 = arith.index_cast %add3A_36 : i32 to index
        %swap3A_40 = tpu.vector_load %arg5[%swap3A, %swap3A_39] {strides = array<i32>} : memref<8x10240xf32, #tpu.memory_space<vmem>>, vector<16xf32>,
        tpu.vector_store %arg5[%swap3A, %swap3A_39], %broadcast_in_dim3A_38 {strides = array<i32>} : memref<8x10240xf32, #tpu.memory_space<vmem>>, vector<16xf32>,
      }
      %scan3A_31 = arith.constant 640 : i32
    }
    %scan3A_4 = arith.constant 8 : i32
    "tpu.region"() ({
      %run_scoped3A = tpu.sem_alloc : memref<!tpu.dma_semaphore, #tpu.memory_space<semaphore_mem>>
      %dma_start3A = arith.constant 0 : i32
      %dma_start3A_22 = arith.constant 0 : i32
      %dma_start3A_23 = tpu.memref_slice %arg2[%add3A, %dma_start3A, %dma_start3A_22] : memref<32x80x128xi32, #tpu.memory_space<hbm>> -> memref<1x80x128xi32, #tpu.memory_space<hbm>>
      %dma_start3A_24 = tpu.memref_squeeze %dma_start3A_23 : memref<1x80x128xi32, #tpu.memory_space<hbm>> -> memref<80x128xi32, #tpu.memory_space<hbm>>
      %dma_start3A_25 = arith.constant 0 : i32
      %dma_start3A_26 = arith.constant 0 : i32
      %dma_start3A_27 = tpu.memref_slice %arg2[%add3A, %dma_start3A_25, %dma_start3A_26] : memref<32x80x128xi32, #tpu.memory_space<hbm>> -> memref<1x80x128xi32, #tpu.memory_space<hbm>>
      %dma_start3A_28 = tpu.memref_squeeze %dma_start3A_27 : memref<1x80x128xi32, #tpu.memory_space<hbm>> -> memref<80x128xi32, #tpu.memory_space<hbm>>
      tpu.enqueue_dma source(%dma_start3A_28 : memref<80x128xi32, #tpu.memory_space<hbm>>) target(%arg4 : memref<80x128xi32, #tpu.memory_space<vmem>>) target_semaphore(%run_scoped3A : memref<!tpu.dma_semaphore, #tpu.memory_space<semaphore_mem>>)
      %dma_wait3A = arith.constant 0 : i32
      %dma_wait3A_29 = arith.constant 0 : i32
      %dma_wait3A_30 = tpu.memref_slice %arg2[%add3A, %dma_wait3A, %dma_wait3A_29] : memref<32x80x128xi32, #tpu.memory_space<hbm>> -> memref<1x80x128xi32, #tpu.memory_space<hbm>>
      %dma_wait3A_31 = tpu.memref_squeeze %dma_wait3A_30 : memref<1x80x128xi32, #tpu.memory_space<hbm>> -> memref<80x128xi32, #tpu.memory_space<hbm>>
      %dma_wait3A_32 = arith.constant 0 : i32
      %dma_wait3A_33 = arith.constant 0 : i32
      %dma_wait3A_34 = tpu.memref_slice %arg2[%add3A, %dma_wait3A_32, %dma_wait3A_33] : memref<32x80x128xi32, #tpu.memory_space<hbm>> -> memref<1x80x128xi32, #tpu.memory_space<hbm>>
      %dma_wait3A_35 = tpu.memref_squeeze %dma_wait3A_34 : memref<1x80x128xi32, #tpu.memory_space<hbm>> -> memref<80x128xi32, #tpu.memory_space<hbm>>
      tpu.wait_dma2 semaphore(%run_scoped3A : memref<!tpu.dma_semaphore, #tpu.memory_space<semaphore_mem>>) src(%dma_wait3A_35 : memref<80x128xi32, #tpu.memory_space<hbm>>) dst(%arg4 : memref<80x128xi32, #tpu.memory_space<vmem>>)
      tpu.yield
    }) : () -> ()
    %iota3A = tpu.iota {dimensions = array<i32: 0>} : vector<16xi32>
    %and3A = arith.constant 7 : i32
    %and3A_5 = vector.broadcast %and3A : i32 to vector<16xi32>
    %and3A_6 = arith.andi %iota3A, %and3A_5 : vector<16xi32>
    %lt3A = arith.constant 8 : i32
    %lt3A_7 = vector.broadcast %lt3A : i32 to vector<16xi32>
    %lt3A_8 = arith.cmpi slt, %iota3A, %lt3A_7 : vector<16xi32>
    %ge3A = arith.constant 8 : i32
    %ge3A_9 = vector.broadcast %ge3A : i32 to vector<16xi32>
    %ge3A_10 = arith.cmpi sge, %iota3A, %ge3A_9 : vector<16xi32>
    %broadcast_in_dim3A = arith.constant 1.000000e+00 : f32
    %broadcast_in_dim3A_11 = vector.broadcast %broadcast_in_dim3A : f32 to vector<16xf32>
    %scan3A_12 = arith.constant 0 : i32
    %scan3A_13 = arith.constant 80 : i32
    %scan3A_14 = arith.addi %scan3A_12, %scan3A_13 : i32
    %scan3A_15 = arith.constant 1 : i32
    scf.for %scan3A_22 = %scan3A_12 to %scan3A_14 step %scan3A_15  : i32 {
      %mul3A_23 = arith.constant 1 : i32
      %mul3A_24 = arith.muli %scan3A_22, %mul3A_23 : i32
      %add3A_25 = arith.constant 0 : i32
      %add3A_26 = arith.addi %add3A_25, %mul3A_24 : i32
      %scan3A_27 = arith.constant 0 : i32
      %scan3A_28 = arith.constant 8 : i32
      %scan3A_29 = arith.addi %scan3A_27, %scan3A_28 : i32
      %scan3A_30 = arith.constant 1 : i32
      scf.for %scan3A_32 = %scan3A_27 to %scan3A_29 step %scan3A_30  : i32 {
        %mul3A_33 = arith.constant 1 : i32
        %mul3A_34 = arith.muli %scan3A_32, %mul3A_33 : i32
        %add3A_35 = arith.constant 0 : i32
        %add3A_36 = arith.addi %add3A_35, %mul3A_34 : i32
        %mul3A_37 = arith.constant 16 : i32
        %mul3A_38 = arith.muli %add3A_36, %mul3A_37 : i32
        %get3A = arith.index_cast %add3A_26 : i32 to index
        %get3A_39 = arith.index_cast %mul3A_38 : i32 to index
        %get3A_40 = tpu.vector_load %arg4[%get3A, %get3A_39] {strides = array<i32>} : memref<80x128xi32, #tpu.memory_space<vmem>>, vector<16xi32>,
        tpu.vector_store_idx %arg5[%and3A_6, %get3A_40], %broadcast_in_dim3A_11 masked %lt3A_8 {add = true} : memref<8x10240xf32, #tpu.memory_space<vmem>>[vector<16xi32>, vector<16xi32>], vector<16xf32>, vector<16xi1>
        tpu.vector_store_idx %arg5[%and3A_6, %get3A_40], %broadcast_in_dim3A_11 masked %ge3A_10 {add = true} : memref<8x10240xf32, #tpu.memory_space<vmem>>[vector<16xi32>, vector<16xi32>], vector<16xf32>, vector<16xi1>
      }
      %scan3A_31 = arith.constant 8 : i32
    }
    %scan3A_16 = arith.constant 80 : i32
    %scan3A_17 = arith.constant 0 : i32
    %scan3A_18 = arith.constant 640 : i32
    %scan3A_19 = arith.addi %scan3A_17, %scan3A_18 : i32
    %scan3A_20 = arith.constant 1 : i32
    scf.for %scan3A_22 = %scan3A_17 to %scan3A_19 step %scan3A_20  : i32 {
      %mul3A_23 = arith.constant 16 : i32
      %mul3A_24 = arith.muli %scan3A_22, %mul3A_23 : i32
      %add3A_25 = arith.constant 0 : i32
      %add3A_26 = arith.addi %add3A_25, %mul3A_24 : i32
      %get3A = arith.constant 0 : i32
      %get3A_27 = arith.index_cast %get3A : i32 to index
      %get3A_28 = arith.index_cast %add3A_26 : i32 to index
      %get3A_29 = tpu.vector_load %arg5[%get3A_27, %get3A_28] {strides = array<i32>} : memref<8x10240xf32, #tpu.memory_space<vmem>>, vector<16xf32>,
      %get3A_30 = arith.constant 1 : i32
      %get3A_31 = arith.index_cast %get3A_30 : i32 to index
      %get3A_32 = arith.index_cast %add3A_26 : i32 to index
      %get3A_33 = tpu.vector_load %arg5[%get3A_31, %get3A_32] {strides = array<i32>} : memref<8x10240xf32, #tpu.memory_space<vmem>>, vector<16xf32>,
      %add3A_34 = arith.addf %get3A_29, %get3A_33 : vector<16xf32>
      %get3A_35 = arith.constant 2 : i32
      %get3A_36 = arith.index_cast %get3A_35 : i32 to index
      %get3A_37 = arith.index_cast %add3A_26 : i32 to index
      %get3A_38 = tpu.vector_load %arg5[%get3A_36, %get3A_37] {strides = array<i32>} : memref<8x10240xf32, #tpu.memory_space<vmem>>, vector<16xf32>,
      %add3A_39 = arith.addf %add3A_34, %get3A_38 : vector<16xf32>
      %get3A_40 = arith.constant 3 : i32
      %get3A_41 = arith.index_cast %get3A_40 : i32 to index
      %get3A_42 = arith.index_cast %add3A_26 : i32 to index
      %get3A_43 = tpu.vector_load %arg5[%get3A_41, %get3A_42] {strides = array<i32>} : memref<8x10240xf32, #tpu.memory_space<vmem>>, vector<16xf32>,
      %add3A_44 = arith.addf %add3A_39, %get3A_43 : vector<16xf32>
      %get3A_45 = arith.constant 4 : i32
      %get3A_46 = arith.index_cast %get3A_45 : i32 to index
      %get3A_47 = arith.index_cast %add3A_26 : i32 to index
      %get3A_48 = tpu.vector_load %arg5[%get3A_46, %get3A_47] {strides = array<i32>} : memref<8x10240xf32, #tpu.memory_space<vmem>>, vector<16xf32>,
      %add3A_49 = arith.addf %add3A_44, %get3A_48 : vector<16xf32>
      %get3A_50 = arith.constant 5 : i32
      %get3A_51 = arith.index_cast %get3A_50 : i32 to index
      %get3A_52 = arith.index_cast %add3A_26 : i32 to index
      %get3A_53 = tpu.vector_load %arg5[%get3A_51, %get3A_52] {strides = array<i32>} : memref<8x10240xf32, #tpu.memory_space<vmem>>, vector<16xf32>,
      %add3A_54 = arith.addf %add3A_49, %get3A_53 : vector<16xf32>
      %get3A_55 = arith.constant 6 : i32
      %get3A_56 = arith.index_cast %get3A_55 : i32 to index
      %get3A_57 = arith.index_cast %add3A_26 : i32 to index
      %get3A_58 = tpu.vector_load %arg5[%get3A_56, %get3A_57] {strides = array<i32>} : memref<8x10240xf32, #tpu.memory_space<vmem>>, vector<16xf32>,
      %add3A_59 = arith.addf %add3A_54, %get3A_58 : vector<16xf32>
      %get3A_60 = arith.constant 7 : i32
      %get3A_61 = arith.index_cast %get3A_60 : i32 to index
      %get3A_62 = arith.index_cast %add3A_26 : i32 to index
      %get3A_63 = tpu.vector_load %arg5[%get3A_61, %get3A_62] {strides = array<i32>} : memref<8x10240xf32, #tpu.memory_space<vmem>>, vector<16xf32>,
      %add3A_64 = arith.addf %add3A_59, %get3A_63 : vector<16xf32>
      %swap3A = arith.constant 0 : i32
      %swap3A_65 = arith.index_cast %swap3A : i32 to index
      %swap3A_66 = arith.index_cast %add3A_26 : i32 to index
      %swap3A_67 = tpu.vector_load %arg6[%swap3A_65, %swap3A_66] {strides = array<i32>} : memref<1x10240xf32, #tpu.memory_space<vmem>>, vector<16xf32>,
      tpu.vector_store %arg6[%swap3A_65, %swap3A_66], %add3A_64 {strides = array<i32>} : memref<1x10240xf32, #tpu.memory_space<vmem>>, vector<16xf32>,
    }
    %scan3A_21 = arith.constant 640 : i32
    "tpu.region"() ({
      %run_scoped3A = tpu.sem_alloc : memref<!tpu.dma_semaphore, #tpu.memory_space<semaphore_mem>>
      %dma_start3A = arith.constant 0 : i32
      %dma_start3A_22 = arith.constant 0 : i32
      %dma_start3A_23 = tpu.memref_slice %arg3[%add3A, %dma_start3A, %dma_start3A_22] : memref<32x1x10240xf32, #tpu.memory_space<hbm>> -> memref<1x1x10240xf32, #tpu.memory_space<hbm>>
      %dma_start3A_24 = tpu.memref_squeeze %dma_start3A_23 : memref<1x1x10240xf32, #tpu.memory_space<hbm>> -> memref<1x10240xf32, #tpu.memory_space<hbm>>
      %dma_start3A_25 = arith.constant 0 : i32
      %dma_start3A_26 = arith.constant 0 : i32
      %dma_start3A_27 = tpu.memref_slice %arg3[%add3A, %dma_start3A_25, %dma_start3A_26] : memref<32x1x10240xf32, #tpu.memory_space<hbm>> -> memref<1x1x10240xf32, #tpu.memory_space<hbm>>
      %dma_start3A_28 = tpu.memref_squeeze %dma_start3A_27 : memref<1x1x10240xf32, #tpu.memory_space<hbm>> -> memref<1x10240xf32, #tpu.memory_space<hbm>>
      tpu.enqueue_dma source(%arg6 : memref<1x10240xf32, #tpu.memory_space<vmem>>) target(%dma_start3A_28 : memref<1x10240xf32, #tpu.memory_space<hbm>>) target_semaphore(%run_scoped3A : memref<!tpu.dma_semaphore, #tpu.memory_space<semaphore_mem>>)
      %dma_wait3A = arith.constant 0 : i32
      %dma_wait3A_29 = arith.constant 0 : i32
      %dma_wait3A_30 = tpu.memref_slice %arg3[%add3A, %dma_wait3A, %dma_wait3A_29] : memref<32x1x10240xf32, #tpu.memory_space<hbm>> -> memref<1x1x10240xf32, #tpu.memory_space<hbm>>
      %dma_wait3A_31 = tpu.memref_squeeze %dma_wait3A_30 : memref<1x1x10240xf32, #tpu.memory_space<hbm>> -> memref<1x10240xf32, #tpu.memory_space<hbm>>
      %dma_wait3A_32 = arith.constant 0 : i32
      %dma_wait3A_33 = arith.constant 0 : i32
      %dma_wait3A_34 = tpu.memref_slice %arg3[%add3A, %dma_wait3A_32, %dma_wait3A_33] : memref<32x1x10240xf32, #tpu.memory_space<hbm>> -> memref<1x1x10240xf32, #tpu.memory_space<hbm>>
      %dma_wait3A_35 = tpu.memref_squeeze %dma_wait3A_34 : memref<1x1x10240xf32, #tpu.memory_space<hbm>> -> memref<1x10240xf32, #tpu.memory_space<hbm>>
      tpu.wait_dma2 semaphore(%run_scoped3A : memref<!tpu.dma_semaphore, #tpu.memory_space<semaphore_mem>>) src(%arg6 : memref<1x10240xf32, #tpu.memory_space<vmem>>) dst(%dma_wait3A_35 : memref<1x10240xf32, #tpu.memory_space<hbm>>)
      tpu.yield
    }) : () -> ()
    return
  }
}

#map = affine_map<(d0, d1) -> (0, 0)>
#map1 = affine_map<(d0, d1) -> (0, 0, 0)>
module attributes {stable_mosaic.version = 14 : i64} {
  func.func @k(%arg0: i32, %arg1: i32, %arg2: memref<10240x128xf32, #tpu.memory_space<hbm>>, %arg3: memref<32x80x128xi32, #tpu.memory_space<hbm>>, %arg4: memref<32x80x128xi32, #tpu.memory_space<hbm>>, %arg5: memref<2x10240x128xf32, #tpu.memory_space<hbm>>, %arg6: memref<80x128xi32, #tpu.memory_space<vmem>>, %arg7: memref<80x128xi32, #tpu.memory_space<vmem>>, %arg8: memref<128x128xf32, #tpu.memory_space<vmem>>, %arg9: memref<10240x128xf32, #tpu.memory_space<vmem_shared>>) attributes {dimension_semantics = [#tpu.dimension_semantics<core_parallel>, #tpu.dimension_semantics<subcore_parallel>], iteration_bounds = array<i64: 2, 16>, scalar_prefetch = 0 : i64, scratch_operands = 4 : i64, tpu.core_type = #tpu.core_type<sc_vector_subcore>, window_params = [{transform_indices = #map}, {transform_indices = #map1}, {transform_indices = #map1}, {transform_indices = #map1}]} {
    %mul3A = arith.constant 16 : i32
    %mul3A_0 = arith.muli %arg0, %mul3A : i32
    %add3A = arith.addi %mul3A_0, %arg1 : i32
    %scan3A = arith.constant 0 : i32
    %scan3A_1 = arith.constant 128 : i32
    %scan3A_2 = arith.addi %scan3A, %scan3A_1 : i32
    %scan3A_3 = arith.constant 1 : i32
    scf.for %scan3A_71 = %scan3A to %scan3A_2 step %scan3A_3  : i32 {
      %mul3A_72 = arith.constant 1 : i32
      %mul3A_73 = arith.muli %scan3A_71, %mul3A_72 : i32
      %add3A_74 = arith.constant 0 : i32
      %add3A_75 = arith.addi %add3A_74, %mul3A_73 : i32
      %scan3A_76 = arith.constant 0 : i32
      %scan3A_77 = arith.constant 8 : i32
      %scan3A_78 = arith.addi %scan3A_76, %scan3A_77 : i32
      %scan3A_79 = arith.constant 1 : i32
      scf.for %scan3A_81 = %scan3A_76 to %scan3A_78 step %scan3A_79  : i32 {
        %mul3A_82 = arith.constant 16 : i32
        %mul3A_83 = arith.muli %scan3A_81, %mul3A_82 : i32
        %add3A_84 = arith.constant 0 : i32
        %add3A_85 = arith.addi %add3A_84, %mul3A_83 : i32
        %broadcast_in_dim3A = arith.constant 0.000000e+00 : f32
        %broadcast_in_dim3A_86 = vector.broadcast %broadcast_in_dim3A : f32 to vector<16xf32>
        %swap3A = arith.index_cast %add3A_75 : i32 to index
        %swap3A_87 = arith.index_cast %add3A_85 : i32 to index
        %swap3A_88 = tpu.vector_load %arg8[%swap3A, %swap3A_87] {strides = array<i32>} : memref<128x128xf32, #tpu.memory_space<vmem>>, vector<1x16xf32>,
        %swap3A_89 = vector.shape_cast %swap3A_88 : vector<1x16xf32> to vector<16xf32>
        %swap3A_90 = vector.shape_cast %broadcast_in_dim3A_86 : vector<16xf32> to vector<1x16xf32>
        tpu.vector_store %arg8[%swap3A, %swap3A_87], %swap3A_90 {strides = array<i32>} : memref<128x128xf32, #tpu.memory_space<vmem>>, vector<1x16xf32>,
      }
      %scan3A_80 = arith.constant 8 : i32
    }
    %scan3A_4 = arith.constant 128 : i32
    %mul3A_5 = arith.constant 640 : i32
    %mul3A_6 = arith.muli %arg1, %mul3A_5 : i32
    %add3A_7 = arith.constant 0 : i32
    %add3A_8 = arith.addi %mul3A_6, %add3A_7 : i32
    "tpu.region"() ({
      %run_scoped3A = tpu.sem_alloc : memref<!tpu.dma_semaphore, #tpu.memory_space<semaphore_mem>>
      %dma_start3A = arith.constant 0 : i32
      %dma_start3A_71 = tpu.memref_slice %arg9[%add3A_8, %dma_start3A] : memref<10240x128xf32, #tpu.memory_space<vmem_shared>> -> memref<128x128xf32, #tpu.memory_space<vmem_shared>>
      %dma_start3A_72 = arith.constant 0 : i32
      %dma_start3A_73 = tpu.memref_slice %arg9[%add3A_8, %dma_start3A_72] : memref<10240x128xf32, #tpu.memory_space<vmem_shared>> -> memref<128x128xf32, #tpu.memory_space<vmem_shared>>
      tpu.enqueue_dma source(%arg8 : memref<128x128xf32, #tpu.memory_space<vmem>>) target(%dma_start3A_73 : memref<128x128xf32, #tpu.memory_space<vmem_shared>>) target_semaphore(%run_scoped3A : memref<!tpu.dma_semaphore, #tpu.memory_space<semaphore_mem>>)
      %dma_wait3A = arith.constant 0 : i32
      %dma_wait3A_74 = tpu.memref_slice %arg9[%add3A_8, %dma_wait3A] : memref<10240x128xf32, #tpu.memory_space<vmem_shared>> -> memref<128x128xf32, #tpu.memory_space<vmem_shared>>
      %dma_wait3A_75 = arith.constant 0 : i32
      %dma_wait3A_76 = tpu.memref_slice %arg9[%add3A_8, %dma_wait3A_75] : memref<10240x128xf32, #tpu.memory_space<vmem_shared>> -> memref<128x128xf32, #tpu.memory_space<vmem_shared>>
      tpu.wait_dma2 semaphore(%run_scoped3A : memref<!tpu.dma_semaphore, #tpu.memory_space<semaphore_mem>>) src(%arg8 : memref<128x128xf32, #tpu.memory_space<vmem>>) dst(%dma_wait3A_76 : memref<128x128xf32, #tpu.memory_space<vmem_shared>>)
      tpu.yield
    }) : () -> ()
    %mul3A_9 = arith.constant 640 : i32
    %mul3A_10 = arith.muli %arg1, %mul3A_9 : i32
    %add3A_11 = arith.constant 128 : i32
    %add3A_12 = arith.addi %mul3A_10, %add3A_11 : i32
    "tpu.region"() ({
      %run_scoped3A = tpu.sem_alloc : memref<!tpu.dma_semaphore, #tpu.memory_space<semaphore_mem>>
      %dma_start3A = arith.constant 0 : i32
      %dma_start3A_71 = tpu.memref_slice %arg9[%add3A_12, %dma_start3A] : memref<10240x128xf32, #tpu.memory_space<vmem_shared>> -> memref<128x128xf32, #tpu.memory_space<vmem_shared>>
      %dma_start3A_72 = arith.constant 0 : i32
      %dma_start3A_73 = tpu.memref_slice %arg9[%add3A_12, %dma_start3A_72] : memref<10240x128xf32, #tpu.memory_space<vmem_shared>> -> memref<128x128xf32, #tpu.memory_space<vmem_shared>>
      tpu.enqueue_dma source(%arg8 : memref<128x128xf32, #tpu.memory_space<vmem>>) target(%dma_start3A_73 : memref<128x128xf32, #tpu.memory_space<vmem_shared>>) target_semaphore(%run_scoped3A : memref<!tpu.dma_semaphore, #tpu.memory_space<semaphore_mem>>)
      %dma_wait3A = arith.constant 0 : i32
      %dma_wait3A_74 = tpu.memref_slice %arg9[%add3A_12, %dma_wait3A] : memref<10240x128xf32, #tpu.memory_space<vmem_shared>> -> memref<128x128xf32, #tpu.memory_space<vmem_shared>>
      %dma_wait3A_75 = arith.constant 0 : i32
      %dma_wait3A_76 = tpu.memref_slice %arg9[%add3A_12, %dma_wait3A_75] : memref<10240x128xf32, #tpu.memory_space<vmem_shared>> -> memref<128x128xf32, #tpu.memory_space<vmem_shared>>
      tpu.wait_dma2 semaphore(%run_scoped3A : memref<!tpu.dma_semaphore, #tpu.memory_space<semaphore_mem>>) src(%arg8 : memref<128x128xf32, #tpu.memory_space<vmem>>) dst(%dma_wait3A_76 : memref<128x128xf32, #tpu.memory_space<vmem_shared>>)
      tpu.yield
    }) : () -> ()
    %mul3A_13 = arith.constant 640 : i32
    %mul3A_14 = arith.muli %arg1, %mul3A_13 : i32
    %add3A_15 = arith.constant 256 : i32
    %add3A_16 = arith.addi %mul3A_14, %add3A_15 : i32
    "tpu.region"() ({
      %run_scoped3A = tpu.sem_alloc : memref<!tpu.dma_semaphore, #tpu.memory_space<semaphore_mem>>
      %dma_start3A = arith.constant 0 : i32
      %dma_start3A_71 = tpu.memref_slice %arg9[%add3A_16, %dma_start3A] : memref<10240x128xf32, #tpu.memory_space<vmem_shared>> -> memref<128x128xf32, #tpu.memory_space<vmem_shared>>
      %dma_start3A_72 = arith.constant 0 : i32
      %dma_start3A_73 = tpu.memref_slice %arg9[%add3A_16, %dma_start3A_72] : memref<10240x128xf32, #tpu.memory_space<vmem_shared>> -> memref<128x128xf32, #tpu.memory_space<vmem_shared>>
      tpu.enqueue_dma source(%arg8 : memref<128x128xf32, #tpu.memory_space<vmem>>) target(%dma_start3A_73 : memref<128x128xf32, #tpu.memory_space<vmem_shared>>) target_semaphore(%run_scoped3A : memref<!tpu.dma_semaphore, #tpu.memory_space<semaphore_mem>>)
      %dma_wait3A = arith.constant 0 : i32
      %dma_wait3A_74 = tpu.memref_slice %arg9[%add3A_16, %dma_wait3A] : memref<10240x128xf32, #tpu.memory_space<vmem_shared>> -> memref<128x128xf32, #tpu.memory_space<vmem_shared>>
      %dma_wait3A_75 = arith.constant 0 : i32
      %dma_wait3A_76 = tpu.memref_slice %arg9[%add3A_16, %dma_wait3A_75] : memref<10240x128xf32, #tpu.memory_space<vmem_shared>> -> memref<128x128xf32, #tpu.memory_space<vmem_shared>>
      tpu.wait_dma2 semaphore(%run_scoped3A : memref<!tpu.dma_semaphore, #tpu.memory_space<semaphore_mem>>) src(%arg8 : memref<128x128xf32, #tpu.memory_space<vmem>>) dst(%dma_wait3A_76 : memref<128x128xf32, #tpu.memory_space<vmem_shared>>)
      tpu.yield
    }) : () -> ()
    %mul3A_17 = arith.constant 640 : i32
    %mul3A_18 = arith.muli %arg1, %mul3A_17 : i32
    %add3A_19 = arith.constant 384 : i32
    %add3A_20 = arith.addi %mul3A_18, %add3A_19 : i32
    "tpu.region"() ({
      %run_scoped3A = tpu.sem_alloc : memref<!tpu.dma_semaphore, #tpu.memory_space<semaphore_mem>>
      %dma_start3A = arith.constant 0 : i32
      %dma_start3A_71 = tpu.memref_slice %arg9[%add3A_20, %dma_start3A] : memref<10240x128xf32, #tpu.memory_space<vmem_shared>> -> memref<128x128xf32, #tpu.memory_space<vmem_shared>>
      %dma_start3A_72 = arith.constant 0 : i32
      %dma_start3A_73 = tpu.memref_slice %arg9[%add3A_20, %dma_start3A_72] : memref<10240x128xf32, #tpu.memory_space<vmem_shared>> -> memref<128x128xf32, #tpu.memory_space<vmem_shared>>
      tpu.enqueue_dma source(%arg8 : memref<128x128xf32, #tpu.memory_space<vmem>>) target(%dma_start3A_73 : memref<128x128xf32, #tpu.memory_space<vmem_shared>>) target_semaphore(%run_scoped3A : memref<!tpu.dma_semaphore, #tpu.memory_space<semaphore_mem>>)
      %dma_wait3A = arith.constant 0 : i32
      %dma_wait3A_74 = tpu.memref_slice %arg9[%add3A_20, %dma_wait3A] : memref<10240x128xf32, #tpu.memory_space<vmem_shared>> -> memref<128x128xf32, #tpu.memory_space<vmem_shared>>
      %dma_wait3A_75 = arith.constant 0 : i32
      %dma_wait3A_76 = tpu.memref_slice %arg9[%add3A_20, %dma_wait3A_75] : memref<10240x128xf32, #tpu.memory_space<vmem_shared>> -> memref<128x128xf32, #tpu.memory_space<vmem_shared>>
      tpu.wait_dma2 semaphore(%run_scoped3A : memref<!tpu.dma_semaphore, #tpu.memory_space<semaphore_mem>>) src(%arg8 : memref<128x128xf32, #tpu.memory_space<vmem>>) dst(%dma_wait3A_76 : memref<128x128xf32, #tpu.memory_space<vmem_shared>>)
      tpu.yield
    }) : () -> ()
    %mul3A_21 = arith.constant 640 : i32
    %mul3A_22 = arith.muli %arg1, %mul3A_21 : i32
    %add3A_23 = arith.constant 512 : i32
    %add3A_24 = arith.addi %mul3A_22, %add3A_23 : i32
    "tpu.region"() ({
      %run_scoped3A = tpu.sem_alloc : memref<!tpu.dma_semaphore, #tpu.memory_space<semaphore_mem>>
      %dma_start3A = arith.constant 0 : i32
      %dma_start3A_71 = tpu.memref_slice %arg9[%add3A_24, %dma_start3A] : memref<10240x128xf32, #tpu.memory_space<vmem_shared>> -> memref<128x128xf32, #tpu.memory_space<vmem_shared>>
      %dma_start3A_72 = arith.constant 0 : i32
      %dma_start3A_73 = tpu.memref_slice %arg9[%add3A_24, %dma_start3A_72] : memref<10240x128xf32, #tpu.memory_space<vmem_shared>> -> memref<128x128xf32, #tpu.memory_space<vmem_shared>>
      tpu.enqueue_dma source(%arg8 : memref<128x128xf32, #tpu.memory_space<vmem>>) target(%dma_start3A_73 : memref<128x128xf32, #tpu.memory_space<vmem_shared>>) target_semaphore(%run_scoped3A : memref<!tpu.dma_semaphore, #tpu.memory_space<semaphore_mem>>)
      %dma_wait3A = arith.constant 0 : i32
      %dma_wait3A_74 = tpu.memref_slice %arg9[%add3A_24, %dma_wait3A] : memref<10240x128xf32, #tpu.memory_space<vmem_shared>> -> memref<128x128xf32, #tpu.memory_space<vmem_shared>>
      %dma_wait3A_75 = arith.constant 0 : i32
      %dma_wait3A_76 = tpu.memref_slice %arg9[%add3A_24, %dma_wait3A_75] : memref<10240x128xf32, #tpu.memory_space<vmem_shared>> -> memref<128x128xf32, #tpu.memory_space<vmem_shared>>
      tpu.wait_dma2 semaphore(%run_scoped3A : memref<!tpu.dma_semaphore, #tpu.memory_space<semaphore_mem>>) src(%arg8 : memref<128x128xf32, #tpu.memory_space<vmem>>) dst(%dma_wait3A_76 : memref<128x128xf32, #tpu.memory_space<vmem_shared>>)
      tpu.yield
    }) : () -> ()
    "tpu.region"() ({
      %run_scoped3A = tpu.sem_alloc : memref<!tpu.dma_semaphore, #tpu.memory_space<semaphore_mem>>
      %dma_start3A = arith.constant 0 : i32
      %dma_start3A_71 = arith.constant 0 : i32
      %dma_start3A_72 = tpu.memref_slice %arg3[%add3A, %dma_start3A, %dma_start3A_71] : memref<32x80x128xi32, #tpu.memory_space<hbm>> -> memref<1x80x128xi32, #tpu.memory_space<hbm>>
      %dma_start3A_73 = tpu.memref_squeeze %dma_start3A_72 : memref<1x80x128xi32, #tpu.memory_space<hbm>> -> memref<80x128xi32, #tpu.memory_space<hbm>>
      %dma_start3A_74 = arith.constant 0 : i32
      %dma_start3A_75 = arith.constant 0 : i32
      %dma_start3A_76 = tpu.memref_slice %arg3[%add3A, %dma_start3A_74, %dma_start3A_75] : memref<32x80x128xi32, #tpu.memory_space<hbm>> -> memref<1x80x128xi32, #tpu.memory_space<hbm>>
      %dma_start3A_77 = tpu.memref_squeeze %dma_start3A_76 : memref<1x80x128xi32, #tpu.memory_space<hbm>> -> memref<80x128xi32, #tpu.memory_space<hbm>>
      tpu.enqueue_dma source(%dma_start3A_77 : memref<80x128xi32, #tpu.memory_space<hbm>>) target(%arg6 : memref<80x128xi32, #tpu.memory_space<vmem>>) target_semaphore(%run_scoped3A : memref<!tpu.dma_semaphore, #tpu.memory_space<semaphore_mem>>)
      %dma_wait3A = arith.constant 0 : i32
      %dma_wait3A_78 = arith.constant 0 : i32
      %dma_wait3A_79 = tpu.memref_slice %arg3[%add3A, %dma_wait3A, %dma_wait3A_78] : memref<32x80x128xi32, #tpu.memory_space<hbm>> -> memref<1x80x128xi32, #tpu.memory_space<hbm>>
      %dma_wait3A_80 = tpu.memref_squeeze %dma_wait3A_79 : memref<1x80x128xi32, #tpu.memory_space<hbm>> -> memref<80x128xi32, #tpu.memory_space<hbm>>
      %dma_wait3A_81 = arith.constant 0 : i32
      %dma_wait3A_82 = arith.constant 0 : i32
      %dma_wait3A_83 = tpu.memref_slice %arg3[%add3A, %dma_wait3A_81, %dma_wait3A_82] : memref<32x80x128xi32, #tpu.memory_space<hbm>> -> memref<1x80x128xi32, #tpu.memory_space<hbm>>
      %dma_wait3A_84 = tpu.memref_squeeze %dma_wait3A_83 : memref<1x80x128xi32, #tpu.memory_space<hbm>> -> memref<80x128xi32, #tpu.memory_space<hbm>>
      tpu.wait_dma2 semaphore(%run_scoped3A : memref<!tpu.dma_semaphore, #tpu.memory_space<semaphore_mem>>) src(%dma_wait3A_84 : memref<80x128xi32, #tpu.memory_space<hbm>>) dst(%arg6 : memref<80x128xi32, #tpu.memory_space<vmem>>)
      tpu.yield
    }) : () -> ()
    "tpu.region"() ({
      %run_scoped3A = tpu.sem_alloc : memref<!tpu.dma_semaphore, #tpu.memory_space<semaphore_mem>>
      %dma_start3A = arith.constant 0 : i32
      %dma_start3A_71 = arith.constant 0 : i32
      %dma_start3A_72 = tpu.memref_slice %arg4[%add3A, %dma_start3A, %dma_start3A_71] : memref<32x80x128xi32, #tpu.memory_space<hbm>> -> memref<1x80x128xi32, #tpu.memory_space<hbm>>
      %dma_start3A_73 = tpu.memref_squeeze %dma_start3A_72 : memref<1x80x128xi32, #tpu.memory_space<hbm>> -> memref<80x128xi32, #tpu.memory_space<hbm>>
      %dma_start3A_74 = arith.constant 0 : i32
      %dma_start3A_75 = arith.constant 0 : i32
      %dma_start3A_76 = tpu.memref_slice %arg4[%add3A, %dma_start3A_74, %dma_start3A_75] : memref<32x80x128xi32, #tpu.memory_space<hbm>> -> memref<1x80x128xi32, #tpu.memory_space<hbm>>
      %dma_start3A_77 = tpu.memref_squeeze %dma_start3A_76 : memref<1x80x128xi32, #tpu.memory_space<hbm>> -> memref<80x128xi32, #tpu.memory_space<hbm>>
      tpu.enqueue_dma source(%dma_start3A_77 : memref<80x128xi32, #tpu.memory_space<hbm>>) target(%arg7 : memref<80x128xi32, #tpu.memory_space<vmem>>) target_semaphore(%run_scoped3A : memref<!tpu.dma_semaphore, #tpu.memory_space<semaphore_mem>>)
      %dma_wait3A = arith.constant 0 : i32
      %dma_wait3A_78 = arith.constant 0 : i32
      %dma_wait3A_79 = tpu.memref_slice %arg4[%add3A, %dma_wait3A, %dma_wait3A_78] : memref<32x80x128xi32, #tpu.memory_space<hbm>> -> memref<1x80x128xi32, #tpu.memory_space<hbm>>
      %dma_wait3A_80 = tpu.memref_squeeze %dma_wait3A_79 : memref<1x80x128xi32, #tpu.memory_space<hbm>> -> memref<80x128xi32, #tpu.memory_space<hbm>>
      %dma_wait3A_81 = arith.constant 0 : i32
      %dma_wait3A_82 = arith.constant 0 : i32
      %dma_wait3A_83 = tpu.memref_slice %arg4[%add3A, %dma_wait3A_81, %dma_wait3A_82] : memref<32x80x128xi32, #tpu.memory_space<hbm>> -> memref<1x80x128xi32, #tpu.memory_space<hbm>>
      %dma_wait3A_84 = tpu.memref_squeeze %dma_wait3A_83 : memref<1x80x128xi32, #tpu.memory_space<hbm>> -> memref<80x128xi32, #tpu.memory_space<hbm>>
      tpu.wait_dma2 semaphore(%run_scoped3A : memref<!tpu.dma_semaphore, #tpu.memory_space<semaphore_mem>>) src(%dma_wait3A_84 : memref<80x128xi32, #tpu.memory_space<hbm>>) dst(%arg7 : memref<80x128xi32, #tpu.memory_space<vmem>>)
      tpu.yield
    }) : () -> ()
    %barrier3A = arith.constant 0 : index
    tpu.barrier barrier_id(%barrier3A)
    %scan3A_25 = arith.constant 0 : i32
    %scan3A_26 = arith.constant 80 : i32
    %scan3A_27 = arith.addi %scan3A_25, %scan3A_26 : i32
    %scan3A_28 = arith.constant 1 : i32
    scf.for %scan3A_71 = %scan3A_25 to %scan3A_27 step %scan3A_28  : i32 {
      %mul3A_72 = arith.constant 1 : i32
      %mul3A_73 = arith.muli %scan3A_71, %mul3A_72 : i32
      %add3A_74 = arith.constant 0 : i32
      %add3A_75 = arith.addi %add3A_74, %mul3A_73 : i32
      "tpu.region"() ({
        %run_scoped3A = tpu.sem_alloc : memref<!tpu.dma_semaphore, #tpu.memory_space<semaphore_mem>>
        %dma_start3A = arith.constant 0 : i32
        %dma_start3A_76 = tpu.memref_slice %arg6[%add3A_75, %dma_start3A] : memref<80x128xi32, #tpu.memory_space<vmem>> -> memref<1x128xi32, #tpu.memory_space<vmem>>
        %dma_start3A_77 = tpu.memref_squeeze %dma_start3A_76 : memref<1x128xi32, #tpu.memory_space<vmem>> -> memref<128xi32, #tpu.memory_space<vmem>>
        %dma_start3A_78 = arith.constant 0 : i32
        %dma_start3A_79 = arith.constant 0 : i32
        %dma_start3A_80 = tpu.memref_slice %arg2[%dma_start3A_78, %dma_start3A_79] : memref<10240x128xf32, #tpu.memory_space<hbm>> -> memref<10240x128xf32, #tpu.memory_space<hbm>>
        tpu.enqueue_indirect_dma source(%dma_start3A_80 : memref<10240x128xf32, #tpu.memory_space<hbm>>) target(%arg8 : memref<128x128xf32, #tpu.memory_space<vmem>>) offsets(%dma_start3A_77 : memref<128xi32, #tpu.memory_space<vmem>>) semaphore(%run_scoped3A : memref<!tpu.dma_semaphore, #tpu.memory_space<semaphore_mem>>)
        %dma_wait3A = arith.constant 0 : i32
        %dma_wait3A_81 = tpu.memref_slice %arg6[%add3A_75, %dma_wait3A] : memref<80x128xi32, #tpu.memory_space<vmem>> -> memref<1x128xi32, #tpu.memory_space<vmem>>
        %dma_wait3A_82 = tpu.memref_squeeze %dma_wait3A_81 : memref<1x128xi32, #tpu.memory_space<vmem>> -> memref<128xi32, #tpu.memory_space<vmem>>
        %dma_wait3A_83 = arith.constant 0 : i32
        %dma_wait3A_84 = arith.constant 0 : i32
        %dma_wait3A_85 = tpu.memref_slice %arg2[%dma_wait3A_83, %dma_wait3A_84] : memref<10240x128xf32, #tpu.memory_space<hbm>> -> memref<10240x128xf32, #tpu.memory_space<hbm>>
        tpu.wait_indirect_dma semaphore(%run_scoped3A : memref<!tpu.dma_semaphore, #tpu.memory_space<semaphore_mem>>) src(%dma_wait3A_85 : memref<10240x128xf32, #tpu.memory_space<hbm>>) dst(%arg8 : memref<128x128xf32, #tpu.memory_space<vmem>>)
        tpu.yield
      }) : () -> ()
      "tpu.region"() ({
        %run_scoped3A = tpu.sem_alloc : memref<!tpu.dma_semaphore, #tpu.memory_space<semaphore_mem>>
        %dma_start3A = arith.constant 0 : i32
        %dma_start3A_76 = tpu.memref_slice %arg7[%add3A_75, %dma_start3A] : memref<80x128xi32, #tpu.memory_space<vmem>> -> memref<1x128xi32, #tpu.memory_space<vmem>>
        %dma_start3A_77 = tpu.memref_squeeze %dma_start3A_76 : memref<1x128xi32, #tpu.memory_space<vmem>> -> memref<128xi32, #tpu.memory_space<vmem>>
        %dma_start3A_78 = arith.constant 0 : i32
        %dma_start3A_79 = arith.constant 0 : i32
        %dma_start3A_80 = tpu.memref_slice %arg9[%dma_start3A_78, %dma_start3A_79] : memref<10240x128xf32, #tpu.memory_space<vmem_shared>> -> memref<10240x128xf32, #tpu.memory_space<vmem_shared>>
        tpu.enqueue_indirect_dma source(%arg8 : memref<128x128xf32, #tpu.memory_space<vmem>>) target(%dma_start3A_80 : memref<10240x128xf32, #tpu.memory_space<vmem_shared>>) offsets(%dma_start3A_77 : memref<128xi32, #tpu.memory_space<vmem>>) semaphore(%run_scoped3A : memref<!tpu.dma_semaphore, #tpu.memory_space<semaphore_mem>>) {add = true}
        %dma_wait3A = arith.constant 0 : i32
        %dma_wait3A_81 = tpu.memref_slice %arg7[%add3A_75, %dma_wait3A] : memref<80x128xi32, #tpu.memory_space<vmem>> -> memref<1x128xi32, #tpu.memory_space<vmem>>
        %dma_wait3A_82 = tpu.memref_squeeze %dma_wait3A_81 : memref<1x128xi32, #tpu.memory_space<vmem>> -> memref<128xi32, #tpu.memory_space<vmem>>
        %dma_wait3A_83 = arith.constant 0 : i32
        %dma_wait3A_84 = arith.constant 0 : i32
        %dma_wait3A_85 = tpu.memref_slice %arg9[%dma_wait3A_83, %dma_wait3A_84] : memref<10240x128xf32, #tpu.memory_space<vmem_shared>> -> memref<10240x128xf32, #tpu.memory_space<vmem_shared>>
        tpu.wait_indirect_dma semaphore(%run_scoped3A : memref<!tpu.dma_semaphore, #tpu.memory_space<semaphore_mem>>) src(%arg8 : memref<128x128xf32, #tpu.memory_space<vmem>>) dst(%dma_wait3A_85 : memref<10240x128xf32, #tpu.memory_space<vmem_shared>>)
        tpu.yield
      }) : () -> ()
    }
    %scan3A_29 = arith.constant 80 : i32
    %barrier3A_30 = arith.constant 0 : index
    tpu.barrier barrier_id(%barrier3A_30)
    %mul3A_31 = arith.constant 640 : i32
    %mul3A_32 = arith.muli %arg1, %mul3A_31 : i32
    %add3A_33 = arith.constant 0 : i32
    %add3A_34 = arith.addi %mul3A_32, %add3A_33 : i32
    %mul3A_35 = arith.constant 640 : i32
    %mul3A_36 = arith.muli %arg1, %mul3A_35 : i32
    %add3A_37 = arith.constant 0 : i32
    %add3A_38 = arith.addi %mul3A_36, %add3A_37 : i32
    "tpu.region"() ({
      %run_scoped3A = tpu.sem_alloc : memref<!tpu.dma_semaphore, #tpu.memory_space<semaphore_mem>>
      %dma_start3A = arith.constant 0 : i32
      %dma_start3A_71 = tpu.memref_slice %arg5[%arg0, %add3A_38, %dma_start3A] : memref<2x10240x128xf32, #tpu.memory_space<hbm>> -> memref<1x128x128xf32, #tpu.memory_space<hbm>>
      %dma_start3A_72 = tpu.memref_squeeze %dma_start3A_71 : memref<1x128x128xf32, #tpu.memory_space<hbm>> -> memref<128x128xf32, #tpu.memory_space<hbm>>
      %dma_start3A_73 = arith.constant 0 : i32
      %dma_start3A_74 = tpu.memref_slice %arg9[%add3A_34, %dma_start3A_73] : memref<10240x128xf32, #tpu.memory_space<vmem_shared>> -> memref<128x128xf32, #tpu.memory_space<vmem_shared>>
      tpu.enqueue_dma source(%dma_start3A_74 : memref<128x128xf32, #tpu.memory_space<vmem_shared>>) target(%dma_start3A_72 : memref<128x128xf32, #tpu.memory_space<hbm>>) target_semaphore(%run_scoped3A : memref<!tpu.dma_semaphore, #tpu.memory_space<semaphore_mem>>)
      %dma_wait3A = arith.constant 0 : i32
      %dma_wait3A_75 = tpu.memref_slice %arg5[%arg0, %add3A_38, %dma_wait3A] : memref<2x10240x128xf32, #tpu.memory_space<hbm>> -> memref<1x128x128xf32, #tpu.memory_space<hbm>>
      %dma_wait3A_76 = tpu.memref_squeeze %dma_wait3A_75 : memref<1x128x128xf32, #tpu.memory_space<hbm>> -> memref<128x128xf32, #tpu.memory_space<hbm>>
      %dma_wait3A_77 = arith.constant 0 : i32
      %dma_wait3A_78 = tpu.memref_slice %arg9[%add3A_34, %dma_wait3A_77] : memref<10240x128xf32, #tpu.memory_space<vmem_shared>> -> memref<128x128xf32, #tpu.memory_space<vmem_shared>>
      tpu.wait_dma2 semaphore(%run_scoped3A : memref<!tpu.dma_semaphore, #tpu.memory_space<semaphore_mem>>) src(%dma_wait3A_78 : memref<128x128xf32, #tpu.memory_space<vmem_shared>>) dst(%dma_wait3A_76 : memref<128x128xf32, #tpu.memory_space<hbm>>)
      tpu.yield
    }) : () -> ()
    %mul3A_39 = arith.constant 640 : i32
    %mul3A_40 = arith.muli %arg1, %mul3A_39 : i32
    %add3A_41 = arith.constant 128 : i32
    %add3A_42 = arith.addi %mul3A_40, %add3A_41 : i32
    %mul3A_43 = arith.constant 640 : i32
    %mul3A_44 = arith.muli %arg1, %mul3A_43 : i32
    %add3A_45 = arith.constant 128 : i32
    %add3A_46 = arith.addi %mul3A_44, %add3A_45 : i32
    "tpu.region"() ({
      %run_scoped3A = tpu.sem_alloc : memref<!tpu.dma_semaphore, #tpu.memory_space<semaphore_mem>>
      %dma_start3A = arith.constant 0 : i32
      %dma_start3A_71 = tpu.memref_slice %arg5[%arg0, %add3A_46, %dma_start3A] : memref<2x10240x128xf32, #tpu.memory_space<hbm>> -> memref<1x128x128xf32, #tpu.memory_space<hbm>>
      %dma_start3A_72 = tpu.memref_squeeze %dma_start3A_71 : memref<1x128x128xf32, #tpu.memory_space<hbm>> -> memref<128x128xf32, #tpu.memory_space<hbm>>
      %dma_start3A_73 = arith.constant 0 : i32
      %dma_start3A_74 = tpu.memref_slice %arg9[%add3A_42, %dma_start3A_73] : memref<10240x128xf32, #tpu.memory_space<vmem_shared>> -> memref<128x128xf32, #tpu.memory_space<vmem_shared>>
      tpu.enqueue_dma source(%dma_start3A_74 : memref<128x128xf32, #tpu.memory_space<vmem_shared>>) target(%dma_start3A_72 : memref<128x128xf32, #tpu.memory_space<hbm>>) target_semaphore(%run_scoped3A : memref<!tpu.dma_semaphore, #tpu.memory_space<semaphore_mem>>)
      %dma_wait3A = arith.constant 0 : i32
      %dma_wait3A_75 = tpu.memref_slice %arg5[%arg0, %add3A_46, %dma_wait3A] : memref<2x10240x128xf32, #tpu.memory_space<hbm>> -> memref<1x128x128xf32, #tpu.memory_space<hbm>>
      %dma_wait3A_76 = tpu.memref_squeeze %dma_wait3A_75 : memref<1x128x128xf32, #tpu.memory_space<hbm>> -> memref<128x128xf32, #tpu.memory_space<hbm>>
      %dma_wait3A_77 = arith.constant 0 : i32
      %dma_wait3A_78 = tpu.memref_slice %arg9[%add3A_42, %dma_wait3A_77] : memref<10240x128xf32, #tpu.memory_space<vmem_shared>> -> memref<128x128xf32, #tpu.memory_space<vmem_shared>>
      tpu.wait_dma2 semaphore(%run_scoped3A : memref<!tpu.dma_semaphore, #tpu.memory_space<semaphore_mem>>) src(%dma_wait3A_78 : memref<128x128xf32, #tpu.memory_space<vmem_shared>>) dst(%dma_wait3A_76 : memref<128x128xf32, #tpu.memory_space<hbm>>)
      tpu.yield
    }) : () -> ()
    %mul3A_47 = arith.constant 640 : i32
    %mul3A_48 = arith.muli %arg1, %mul3A_47 : i32
    %add3A_49 = arith.constant 256 : i32
    %add3A_50 = arith.addi %mul3A_48, %add3A_49 : i32
    %mul3A_51 = arith.constant 640 : i32
    %mul3A_52 = arith.muli %arg1, %mul3A_51 : i32
    %add3A_53 = arith.constant 256 : i32
    %add3A_54 = arith.addi %mul3A_52, %add3A_53 : i32
    "tpu.region"() ({
      %run_scoped3A = tpu.sem_alloc : memref<!tpu.dma_semaphore, #tpu.memory_space<semaphore_mem>>
      %dma_start3A = arith.constant 0 : i32
      %dma_start3A_71 = tpu.memref_slice %arg5[%arg0, %add3A_54, %dma_start3A] : memref<2x10240x128xf32, #tpu.memory_space<hbm>> -> memref<1x128x128xf32, #tpu.memory_space<hbm>>
      %dma_start3A_72 = tpu.memref_squeeze %dma_start3A_71 : memref<1x128x128xf32, #tpu.memory_space<hbm>> -> memref<128x128xf32, #tpu.memory_space<hbm>>
      %dma_start3A_73 = arith.constant 0 : i32
      %dma_start3A_74 = tpu.memref_slice %arg9[%add3A_50, %dma_start3A_73] : memref<10240x128xf32, #tpu.memory_space<vmem_shared>> -> memref<128x128xf32, #tpu.memory_space<vmem_shared>>
      tpu.enqueue_dma source(%dma_start3A_74 : memref<128x128xf32, #tpu.memory_space<vmem_shared>>) target(%dma_start3A_72 : memref<128x128xf32, #tpu.memory_space<hbm>>) target_semaphore(%run_scoped3A : memref<!tpu.dma_semaphore, #tpu.memory_space<semaphore_mem>>)
      %dma_wait3A = arith.constant 0 : i32
      %dma_wait3A_75 = tpu.memref_slice %arg5[%arg0, %add3A_54, %dma_wait3A] : memref<2x10240x128xf32, #tpu.memory_space<hbm>> -> memref<1x128x128xf32, #tpu.memory_space<hbm>>
      %dma_wait3A_76 = tpu.memref_squeeze %dma_wait3A_75 : memref<1x128x128xf32, #tpu.memory_space<hbm>> -> memref<128x128xf32, #tpu.memory_space<hbm>>
      %dma_wait3A_77 = arith.constant 0 : i32
      %dma_wait3A_78 = tpu.memref_slice %arg9[%add3A_50, %dma_wait3A_77] : memref<10240x128xf32, #tpu.memory_space<vmem_shared>> -> memref<128x128xf32, #tpu.memory_space<vmem_shared>>
      tpu.wait_dma2 semaphore(%run_scoped3A : memref<!tpu.dma_semaphore, #tpu.memory_space<semaphore_mem>>) src(%dma_wait3A_78 : memref<128x128xf32, #tpu.memory_space<vmem_shared>>) dst(%dma_wait3A_76 : memref<128x128xf32, #tpu.memory_space<hbm>>)
      tpu.yield
    }) : () -> ()
    %mul3A_55 = arith.constant 640 : i32
    %mul3A_56 = arith.muli %arg1, %mul3A_55 : i32
    %add3A_57 = arith.constant 384 : i32
    %add3A_58 = arith.addi %mul3A_56, %add3A_57 : i32
    %mul3A_59 = arith.constant 640 : i32
    %mul3A_60 = arith.muli %arg1, %mul3A_59 : i32
    %add3A_61 = arith.constant 384 : i32
    %add3A_62 = arith.addi %mul3A_60, %add3A_61 : i32
    "tpu.region"() ({
      %run_scoped3A = tpu.sem_alloc : memref<!tpu.dma_semaphore, #tpu.memory_space<semaphore_mem>>
      %dma_start3A = arith.constant 0 : i32
      %dma_start3A_71 = tpu.memref_slice %arg5[%arg0, %add3A_62, %dma_start3A] : memref<2x10240x128xf32, #tpu.memory_space<hbm>> -> memref<1x128x128xf32, #tpu.memory_space<hbm>>
      %dma_start3A_72 = tpu.memref_squeeze %dma_start3A_71 : memref<1x128x128xf32, #tpu.memory_space<hbm>> -> memref<128x128xf32, #tpu.memory_space<hbm>>
      %dma_start3A_73 = arith.constant 0 : i32
      %dma_start3A_74 = tpu.memref_slice %arg9[%add3A_58, %dma_start3A_73] : memref<10240x128xf32, #tpu.memory_space<vmem_shared>> -> memref<128x128xf32, #tpu.memory_space<vmem_shared>>
      tpu.enqueue_dma source(%dma_start3A_74 : memref<128x128xf32, #tpu.memory_space<vmem_shared>>) target(%dma_start3A_72 : memref<128x128xf32, #tpu.memory_space<hbm>>) target_semaphore(%run_scoped3A : memref<!tpu.dma_semaphore, #tpu.memory_space<semaphore_mem>>)
      %dma_wait3A = arith.constant 0 : i32
      %dma_wait3A_75 = tpu.memref_slice %arg5[%arg0, %add3A_62, %dma_wait3A] : memref<2x10240x128xf32, #tpu.memory_space<hbm>> -> memref<1x128x128xf32, #tpu.memory_space<hbm>>
      %dma_wait3A_76 = tpu.memref_squeeze %dma_wait3A_75 : memref<1x128x128xf32, #tpu.memory_space<hbm>> -> memref<128x128xf32, #tpu.memory_space<hbm>>
      %dma_wait3A_77 = arith.constant 0 : i32
      %dma_wait3A_78 = tpu.memref_slice %arg9[%add3A_58, %dma_wait3A_77] : memref<10240x128xf32, #tpu.memory_space<vmem_shared>> -> memref<128x128xf32, #tpu.memory_space<vmem_shared>>
      tpu.wait_dma2 semaphore(%run_scoped3A : memref<!tpu.dma_semaphore, #tpu.memory_space<semaphore_mem>>) src(%dma_wait3A_78 : memref<128x128xf32, #tpu.memory_space<vmem_shared>>) dst(%dma_wait3A_76 : memref<128x128xf32, #tpu.memory_space<hbm>>)
      tpu.yield
    }) : () -> ()
    %mul3A_63 = arith.constant 640 : i32
    %mul3A_64 = arith.muli %arg1, %mul3A_63 : i32
    %add3A_65 = arith.constant 512 : i32
    %add3A_66 = arith.addi %mul3A_64, %add3A_65 : i32
    %mul3A_67 = arith.constant 640 : i32
    %mul3A_68 = arith.muli %arg1, %mul3A_67 : i32
    %add3A_69 = arith.constant 512 : i32
    %add3A_70 = arith.addi %mul3A_68, %add3A_69 : i32
    "tpu.region"() ({
      %run_scoped3A = tpu.sem_alloc : memref<!tpu.dma_semaphore, #tpu.memory_space<semaphore_mem>>
      %dma_start3A = arith.constant 0 : i32
      %dma_start3A_71 = tpu.memref_slice %arg5[%arg0, %add3A_70, %dma_start3A] : memref<2x10240x128xf32, #tpu.memory_space<hbm>> -> memref<1x128x128xf32, #tpu.memory_space<hbm>>
      %dma_start3A_72 = tpu.memref_squeeze %dma_start3A_71 : memref<1x128x128xf32, #tpu.memory_space<hbm>> -> memref<128x128xf32, #tpu.memory_space<hbm>>
      %dma_start3A_73 = arith.constant 0 : i32
      %dma_start3A_74 = tpu.memref_slice %arg9[%add3A_66, %dma_start3A_73] : memref<10240x128xf32, #tpu.memory_space<vmem_shared>> -> memref<128x128xf32, #tpu.memory_space<vmem_shared>>
      tpu.enqueue_dma source(%dma_start3A_74 : memref<128x128xf32, #tpu.memory_space<vmem_shared>>) target(%dma_start3A_72 : memref<128x128xf32, #tpu.memory_space<hbm>>) target_semaphore(%run_scoped3A : memref<!tpu.dma_semaphore, #tpu.memory_space<semaphore_mem>>)
      %dma_wait3A = arith.constant 0 : i32
      %dma_wait3A_75 = tpu.memref_slice %arg5[%arg0, %add3A_70, %dma_wait3A] : memref<2x10240x128xf32, #tpu.memory_space<hbm>> -> memref<1x128x128xf32, #tpu.memory_space<hbm>>
      %dma_wait3A_76 = tpu.memref_squeeze %dma_wait3A_75 : memref<1x128x128xf32, #tpu.memory_space<hbm>> -> memref<128x128xf32, #tpu.memory_space<hbm>>
      %dma_wait3A_77 = arith.constant 0 : i32
      %dma_wait3A_78 = tpu.memref_slice %arg9[%add3A_66, %dma_wait3A_77] : memref<10240x128xf32, #tpu.memory_space<vmem_shared>> -> memref<128x128xf32, #tpu.memory_space<vmem_shared>>
      tpu.wait_dma2 semaphore(%run_scoped3A : memref<!tpu.dma_semaphore, #tpu.memory_space<semaphore_mem>>) src(%dma_wait3A_78 : memref<128x128xf32, #tpu.memory_space<vmem_shared>>) dst(%dma_wait3A_76 : memref<128x128xf32, #tpu.memory_space<hbm>>)
      tpu.yield
    }) : () -> ()
    return
  }
}

#map = affine_map<(d0, d1) -> (0, 0)>
#map1 = affine_map<(d0, d1) -> (0, 0, 0)>
module attributes {stable_mosaic.version = 14 : i64} {
  func.func @k(%arg0: i32, %arg1: i32, %arg2: memref<10240x128xf32, #tpu.memory_space<hbm>>, %arg3: memref<40960x128xf32, #tpu.memory_space<hbm>>, %arg4: memref<32x80x128xi32, #tpu.memory_space<hbm>>, %arg5: memref<32x80x128xi32, #tpu.memory_space<hbm>>, %arg6: memref<2x10240x128xf32, #tpu.memory_space<hbm>>, %arg7: memref<80x128xi32, #tpu.memory_space<vmem>>, %arg8: memref<80x128xi32, #tpu.memory_space<vmem>>, %arg9: memref<16x128xf32, #tpu.memory_space<vmem>>, %arg10: memref<128x128xf32, #tpu.memory_space<vmem>>, %arg11: memref<10240x128xf32, #tpu.memory_space<vmem_shared>>) attributes {dimension_semantics = [#tpu.dimension_semantics<core_parallel>, #tpu.dimension_semantics<subcore_parallel>], iteration_bounds = array<i64: 2, 16>, scalar_prefetch = 0 : i64, scratch_operands = 5 : i64, tpu.core_type = #tpu.core_type<sc_vector_subcore>, window_params = [{transform_indices = #map}, {transform_indices = #map}, {transform_indices = #map1}, {transform_indices = #map1}, {transform_indices = #map1}]} {
    %mul3A = arith.constant 16 : i32
    %mul3A_0 = arith.muli %arg0, %mul3A : i32
    %add3A = arith.addi %mul3A_0, %arg1 : i32
    %scan3A = arith.constant 0 : i32
    %scan3A_1 = arith.constant 128 : i32
    %scan3A_2 = arith.addi %scan3A, %scan3A_1 : i32
    %scan3A_3 = arith.constant 1 : i32
    scf.for %scan3A_71 = %scan3A to %scan3A_2 step %scan3A_3  : i32 {
      %mul3A_72 = arith.constant 1 : i32
      %mul3A_73 = arith.muli %scan3A_71, %mul3A_72 : i32
      %add3A_74 = arith.constant 0 : i32
      %add3A_75 = arith.addi %add3A_74, %mul3A_73 : i32
      %scan3A_76 = arith.constant 0 : i32
      %scan3A_77 = arith.constant 8 : i32
      %scan3A_78 = arith.addi %scan3A_76, %scan3A_77 : i32
      %scan3A_79 = arith.constant 1 : i32
      scf.for %scan3A_81 = %scan3A_76 to %scan3A_78 step %scan3A_79  : i32 {
        %mul3A_82 = arith.constant 16 : i32
        %mul3A_83 = arith.muli %scan3A_81, %mul3A_82 : i32
        %add3A_84 = arith.constant 0 : i32
        %add3A_85 = arith.addi %add3A_84, %mul3A_83 : i32
        %broadcast_in_dim3A = arith.constant 0.000000e+00 : f32
        %broadcast_in_dim3A_86 = vector.broadcast %broadcast_in_dim3A : f32 to vector<16xf32>
        %swap3A = arith.index_cast %add3A_75 : i32 to index
        %swap3A_87 = arith.index_cast %add3A_85 : i32 to index
        %swap3A_88 = tpu.vector_load %arg10[%swap3A, %swap3A_87] {strides = array<i32>} : memref<128x128xf32, #tpu.memory_space<vmem>>, vector<1x16xf32>,
        %swap3A_89 = vector.shape_cast %swap3A_88 : vector<1x16xf32> to vector<16xf32>
        %swap3A_90 = vector.shape_cast %broadcast_in_dim3A_86 : vector<16xf32> to vector<1x16xf32>
        tpu.vector_store %arg10[%swap3A, %swap3A_87], %swap3A_90 {strides = array<i32>} : memref<128x128xf32, #tpu.memory_space<vmem>>, vector<1x16xf32>,
      }
      %scan3A_80 = arith.constant 8 : i32
    }
    %scan3A_4 = arith.constant 128 : i32
    %mul3A_5 = arith.constant 640 : i32
    %mul3A_6 = arith.muli %arg1, %mul3A_5 : i32
    %add3A_7 = arith.constant 0 : i32
    %add3A_8 = arith.addi %mul3A_6, %add3A_7 : i32
    "tpu.region"() ({
      %run_scoped3A = tpu.sem_alloc : memref<!tpu.dma_semaphore, #tpu.memory_space<semaphore_mem>>
      %dma_start3A = arith.constant 0 : i32
      %dma_start3A_71 = tpu.memref_slice %arg11[%add3A_8, %dma_start3A] : memref<10240x128xf32, #tpu.memory_space<vmem_shared>> -> memref<128x128xf32, #tpu.memory_space<vmem_shared>>
      %dma_start3A_72 = arith.constant 0 : i32
      %dma_start3A_73 = tpu.memref_slice %arg11[%add3A_8, %dma_start3A_72] : memref<10240x128xf32, #tpu.memory_space<vmem_shared>> -> memref<128x128xf32, #tpu.memory_space<vmem_shared>>
      tpu.enqueue_dma source(%arg10 : memref<128x128xf32, #tpu.memory_space<vmem>>) target(%dma_start3A_73 : memref<128x128xf32, #tpu.memory_space<vmem_shared>>) target_semaphore(%run_scoped3A : memref<!tpu.dma_semaphore, #tpu.memory_space<semaphore_mem>>)
      %dma_wait3A = arith.constant 0 : i32
      %dma_wait3A_74 = tpu.memref_slice %arg11[%add3A_8, %dma_wait3A] : memref<10240x128xf32, #tpu.memory_space<vmem_shared>> -> memref<128x128xf32, #tpu.memory_space<vmem_shared>>
      %dma_wait3A_75 = arith.constant 0 : i32
      %dma_wait3A_76 = tpu.memref_slice %arg11[%add3A_8, %dma_wait3A_75] : memref<10240x128xf32, #tpu.memory_space<vmem_shared>> -> memref<128x128xf32, #tpu.memory_space<vmem_shared>>
      tpu.wait_dma2 semaphore(%run_scoped3A : memref<!tpu.dma_semaphore, #tpu.memory_space<semaphore_mem>>) src(%arg10 : memref<128x128xf32, #tpu.memory_space<vmem>>) dst(%dma_wait3A_76 : memref<128x128xf32, #tpu.memory_space<vmem_shared>>)
      tpu.yield
    }) : () -> ()
    %mul3A_9 = arith.constant 640 : i32
    %mul3A_10 = arith.muli %arg1, %mul3A_9 : i32
    %add3A_11 = arith.constant 128 : i32
    %add3A_12 = arith.addi %mul3A_10, %add3A_11 : i32
    "tpu.region"() ({
      %run_scoped3A = tpu.sem_alloc : memref<!tpu.dma_semaphore, #tpu.memory_space<semaphore_mem>>
      %dma_start3A = arith.constant 0 : i32
      %dma_start3A_71 = tpu.memref_slice %arg11[%add3A_12, %dma_start3A] : memref<10240x128xf32, #tpu.memory_space<vmem_shared>> -> memref<128x128xf32, #tpu.memory_space<vmem_shared>>
      %dma_start3A_72 = arith.constant 0 : i32
      %dma_start3A_73 = tpu.memref_slice %arg11[%add3A_12, %dma_start3A_72] : memref<10240x128xf32, #tpu.memory_space<vmem_shared>> -> memref<128x128xf32, #tpu.memory_space<vmem_shared>>
      tpu.enqueue_dma source(%arg10 : memref<128x128xf32, #tpu.memory_space<vmem>>) target(%dma_start3A_73 : memref<128x128xf32, #tpu.memory_space<vmem_shared>>) target_semaphore(%run_scoped3A : memref<!tpu.dma_semaphore, #tpu.memory_space<semaphore_mem>>)
      %dma_wait3A = arith.constant 0 : i32
      %dma_wait3A_74 = tpu.memref_slice %arg11[%add3A_12, %dma_wait3A] : memref<10240x128xf32, #tpu.memory_space<vmem_shared>> -> memref<128x128xf32, #tpu.memory_space<vmem_shared>>
      %dma_wait3A_75 = arith.constant 0 : i32
      %dma_wait3A_76 = tpu.memref_slice %arg11[%add3A_12, %dma_wait3A_75] : memref<10240x128xf32, #tpu.memory_space<vmem_shared>> -> memref<128x128xf32, #tpu.memory_space<vmem_shared>>
      tpu.wait_dma2 semaphore(%run_scoped3A : memref<!tpu.dma_semaphore, #tpu.memory_space<semaphore_mem>>) src(%arg10 : memref<128x128xf32, #tpu.memory_space<vmem>>) dst(%dma_wait3A_76 : memref<128x128xf32, #tpu.memory_space<vmem_shared>>)
      tpu.yield
    }) : () -> ()
    %mul3A_13 = arith.constant 640 : i32
    %mul3A_14 = arith.muli %arg1, %mul3A_13 : i32
    %add3A_15 = arith.constant 256 : i32
    %add3A_16 = arith.addi %mul3A_14, %add3A_15 : i32
    "tpu.region"() ({
      %run_scoped3A = tpu.sem_alloc : memref<!tpu.dma_semaphore, #tpu.memory_space<semaphore_mem>>
      %dma_start3A = arith.constant 0 : i32
      %dma_start3A_71 = tpu.memref_slice %arg11[%add3A_16, %dma_start3A] : memref<10240x128xf32, #tpu.memory_space<vmem_shared>> -> memref<128x128xf32, #tpu.memory_space<vmem_shared>>
      %dma_start3A_72 = arith.constant 0 : i32
      %dma_start3A_73 = tpu.memref_slice %arg11[%add3A_16, %dma_start3A_72] : memref<10240x128xf32, #tpu.memory_space<vmem_shared>> -> memref<128x128xf32, #tpu.memory_space<vmem_shared>>
      tpu.enqueue_dma source(%arg10 : memref<128x128xf32, #tpu.memory_space<vmem>>) target(%dma_start3A_73 : memref<128x128xf32, #tpu.memory_space<vmem_shared>>) target_semaphore(%run_scoped3A : memref<!tpu.dma_semaphore, #tpu.memory_space<semaphore_mem>>)
      %dma_wait3A = arith.constant 0 : i32
      %dma_wait3A_74 = tpu.memref_slice %arg11[%add3A_16, %dma_wait3A] : memref<10240x128xf32, #tpu.memory_space<vmem_shared>> -> memref<128x128xf32, #tpu.memory_space<vmem_shared>>
      %dma_wait3A_75 = arith.constant 0 : i32
      %dma_wait3A_76 = tpu.memref_slice %arg11[%add3A_16, %dma_wait3A_75] : memref<10240x128xf32, #tpu.memory_space<vmem_shared>> -> memref<128x128xf32, #tpu.memory_space<vmem_shared>>
      tpu.wait_dma2 semaphore(%run_scoped3A : memref<!tpu.dma_semaphore, #tpu.memory_space<semaphore_mem>>) src(%arg10 : memref<128x128xf32, #tpu.memory_space<vmem>>) dst(%dma_wait3A_76 : memref<128x128xf32, #tpu.memory_space<vmem_shared>>)
      tpu.yield
    }) : () -> ()
    %mul3A_17 = arith.constant 640 : i32
    %mul3A_18 = arith.muli %arg1, %mul3A_17 : i32
    %add3A_19 = arith.constant 384 : i32
    %add3A_20 = arith.addi %mul3A_18, %add3A_19 : i32
    "tpu.region"() ({
      %run_scoped3A = tpu.sem_alloc : memref<!tpu.dma_semaphore, #tpu.memory_space<semaphore_mem>>
      %dma_start3A = arith.constant 0 : i32
      %dma_start3A_71 = tpu.memref_slice %arg11[%add3A_20, %dma_start3A] : memref<10240x128xf32, #tpu.memory_space<vmem_shared>> -> memref<128x128xf32, #tpu.memory_space<vmem_shared>>
      %dma_start3A_72 = arith.constant 0 : i32
      %dma_start3A_73 = tpu.memref_slice %arg11[%add3A_20, %dma_start3A_72] : memref<10240x128xf32, #tpu.memory_space<vmem_shared>> -> memref<128x128xf32, #tpu.memory_space<vmem_shared>>
      tpu.enqueue_dma source(%arg10 : memref<128x128xf32, #tpu.memory_space<vmem>>) target(%dma_start3A_73 : memref<128x128xf32, #tpu.memory_space<vmem_shared>>) target_semaphore(%run_scoped3A : memref<!tpu.dma_semaphore, #tpu.memory_space<semaphore_mem>>)
      %dma_wait3A = arith.constant 0 : i32
      %dma_wait3A_74 = tpu.memref_slice %arg11[%add3A_20, %dma_wait3A] : memref<10240x128xf32, #tpu.memory_space<vmem_shared>> -> memref<128x128xf32, #tpu.memory_space<vmem_shared>>
      %dma_wait3A_75 = arith.constant 0 : i32
      %dma_wait3A_76 = tpu.memref_slice %arg11[%add3A_20, %dma_wait3A_75] : memref<10240x128xf32, #tpu.memory_space<vmem_shared>> -> memref<128x128xf32, #tpu.memory_space<vmem_shared>>
      tpu.wait_dma2 semaphore(%run_scoped3A : memref<!tpu.dma_semaphore, #tpu.memory_space<semaphore_mem>>) src(%arg10 : memref<128x128xf32, #tpu.memory_space<vmem>>) dst(%dma_wait3A_76 : memref<128x128xf32, #tpu.memory_space<vmem_shared>>)
      tpu.yield
    }) : () -> ()
    %mul3A_21 = arith.constant 640 : i32
    %mul3A_22 = arith.muli %arg1, %mul3A_21 : i32
    %add3A_23 = arith.constant 512 : i32
    %add3A_24 = arith.addi %mul3A_22, %add3A_23 : i32
    "tpu.region"() ({
      %run_scoped3A = tpu.sem_alloc : memref<!tpu.dma_semaphore, #tpu.memory_space<semaphore_mem>>
      %dma_start3A = arith.constant 0 : i32
      %dma_start3A_71 = tpu.memref_slice %arg11[%add3A_24, %dma_start3A] : memref<10240x128xf32, #tpu.memory_space<vmem_shared>> -> memref<128x128xf32, #tpu.memory_space<vmem_shared>>
      %dma_start3A_72 = arith.constant 0 : i32
      %dma_start3A_73 = tpu.memref_slice %arg11[%add3A_24, %dma_start3A_72] : memref<10240x128xf32, #tpu.memory_space<vmem_shared>> -> memref<128x128xf32, #tpu.memory_space<vmem_shared>>
      tpu.enqueue_dma source(%arg10 : memref<128x128xf32, #tpu.memory_space<vmem>>) target(%dma_start3A_73 : memref<128x128xf32, #tpu.memory_space<vmem_shared>>) target_semaphore(%run_scoped3A : memref<!tpu.dma_semaphore, #tpu.memory_space<semaphore_mem>>)
      %dma_wait3A = arith.constant 0 : i32
      %dma_wait3A_74 = tpu.memref_slice %arg11[%add3A_24, %dma_wait3A] : memref<10240x128xf32, #tpu.memory_space<vmem_shared>> -> memref<128x128xf32, #tpu.memory_space<vmem_shared>>
      %dma_wait3A_75 = arith.constant 0 : i32
      %dma_wait3A_76 = tpu.memref_slice %arg11[%add3A_24, %dma_wait3A_75] : memref<10240x128xf32, #tpu.memory_space<vmem_shared>> -> memref<128x128xf32, #tpu.memory_space<vmem_shared>>
      tpu.wait_dma2 semaphore(%run_scoped3A : memref<!tpu.dma_semaphore, #tpu.memory_space<semaphore_mem>>) src(%arg10 : memref<128x128xf32, #tpu.memory_space<vmem>>) dst(%dma_wait3A_76 : memref<128x128xf32, #tpu.memory_space<vmem_shared>>)
      tpu.yield
    }) : () -> ()
    "tpu.region"() ({
      %run_scoped3A = tpu.sem_alloc : memref<!tpu.dma_semaphore, #tpu.memory_space<semaphore_mem>>
      %dma_start3A = arith.constant 0 : i32
      %dma_start3A_71 = arith.constant 0 : i32
      %dma_start3A_72 = tpu.memref_slice %arg4[%add3A, %dma_start3A, %dma_start3A_71] : memref<32x80x128xi32, #tpu.memory_space<hbm>> -> memref<1x80x128xi32, #tpu.memory_space<hbm>>
      %dma_start3A_73 = tpu.memref_squeeze %dma_start3A_72 : memref<1x80x128xi32, #tpu.memory_space<hbm>> -> memref<80x128xi32, #tpu.memory_space<hbm>>
      %dma_start3A_74 = arith.constant 0 : i32
      %dma_start3A_75 = arith.constant 0 : i32
      %dma_start3A_76 = tpu.memref_slice %arg4[%add3A, %dma_start3A_74, %dma_start3A_75] : memref<32x80x128xi32, #tpu.memory_space<hbm>> -> memref<1x80x128xi32, #tpu.memory_space<hbm>>
      %dma_start3A_77 = tpu.memref_squeeze %dma_start3A_76 : memref<1x80x128xi32, #tpu.memory_space<hbm>> -> memref<80x128xi32, #tpu.memory_space<hbm>>
      tpu.enqueue_dma source(%dma_start3A_77 : memref<80x128xi32, #tpu.memory_space<hbm>>) target(%arg7 : memref<80x128xi32, #tpu.memory_space<vmem>>) target_semaphore(%run_scoped3A : memref<!tpu.dma_semaphore, #tpu.memory_space<semaphore_mem>>)
      %dma_wait3A = arith.constant 0 : i32
      %dma_wait3A_78 = arith.constant 0 : i32
      %dma_wait3A_79 = tpu.memref_slice %arg4[%add3A, %dma_wait3A, %dma_wait3A_78] : memref<32x80x128xi32, #tpu.memory_space<hbm>> -> memref<1x80x128xi32, #tpu.memory_space<hbm>>
      %dma_wait3A_80 = tpu.memref_squeeze %dma_wait3A_79 : memref<1x80x128xi32, #tpu.memory_space<hbm>> -> memref<80x128xi32, #tpu.memory_space<hbm>>
      %dma_wait3A_81 = arith.constant 0 : i32
      %dma_wait3A_82 = arith.constant 0 : i32
      %dma_wait3A_83 = tpu.memref_slice %arg4[%add3A, %dma_wait3A_81, %dma_wait3A_82] : memref<32x80x128xi32, #tpu.memory_space<hbm>> -> memref<1x80x128xi32, #tpu.memory_space<hbm>>
      %dma_wait3A_84 = tpu.memref_squeeze %dma_wait3A_83 : memref<1x80x128xi32, #tpu.memory_space<hbm>> -> memref<80x128xi32, #tpu.memory_space<hbm>>
      tpu.wait_dma2 semaphore(%run_scoped3A : memref<!tpu.dma_semaphore, #tpu.memory_space<semaphore_mem>>) src(%dma_wait3A_84 : memref<80x128xi32, #tpu.memory_space<hbm>>) dst(%arg7 : memref<80x128xi32, #tpu.memory_space<vmem>>)
      tpu.yield
    }) : () -> ()
    "tpu.region"() ({
      %run_scoped3A = tpu.sem_alloc : memref<!tpu.dma_semaphore, #tpu.memory_space<semaphore_mem>>
      %dma_start3A = arith.constant 0 : i32
      %dma_start3A_71 = arith.constant 0 : i32
      %dma_start3A_72 = tpu.memref_slice %arg5[%add3A, %dma_start3A, %dma_start3A_71] : memref<32x80x128xi32, #tpu.memory_space<hbm>> -> memref<1x80x128xi32, #tpu.memory_space<hbm>>
      %dma_start3A_73 = tpu.memref_squeeze %dma_start3A_72 : memref<1x80x128xi32, #tpu.memory_space<hbm>> -> memref<80x128xi32, #tpu.memory_space<hbm>>
      %dma_start3A_74 = arith.constant 0 : i32
      %dma_start3A_75 = arith.constant 0 : i32
      %dma_start3A_76 = tpu.memref_slice %arg5[%add3A, %dma_start3A_74, %dma_start3A_75] : memref<32x80x128xi32, #tpu.memory_space<hbm>> -> memref<1x80x128xi32, #tpu.memory_space<hbm>>
      %dma_start3A_77 = tpu.memref_squeeze %dma_start3A_76 : memref<1x80x128xi32, #tpu.memory_space<hbm>> -> memref<80x128xi32, #tpu.memory_space<hbm>>
      tpu.enqueue_dma source(%dma_start3A_77 : memref<80x128xi32, #tpu.memory_space<hbm>>) target(%arg8 : memref<80x128xi32, #tpu.memory_space<vmem>>) target_semaphore(%run_scoped3A : memref<!tpu.dma_semaphore, #tpu.memory_space<semaphore_mem>>)
      %dma_wait3A = arith.constant 0 : i32
      %dma_wait3A_78 = arith.constant 0 : i32
      %dma_wait3A_79 = tpu.memref_slice %arg5[%add3A, %dma_wait3A, %dma_wait3A_78] : memref<32x80x128xi32, #tpu.memory_space<hbm>> -> memref<1x80x128xi32, #tpu.memory_space<hbm>>
      %dma_wait3A_80 = tpu.memref_squeeze %dma_wait3A_79 : memref<1x80x128xi32, #tpu.memory_space<hbm>> -> memref<80x128xi32, #tpu.memory_space<hbm>>
      %dma_wait3A_81 = arith.constant 0 : i32
      %dma_wait3A_82 = arith.constant 0 : i32
      %dma_wait3A_83 = tpu.memref_slice %arg5[%add3A, %dma_wait3A_81, %dma_wait3A_82] : memref<32x80x128xi32, #tpu.memory_space<hbm>> -> memref<1x80x128xi32, #tpu.memory_space<hbm>>
      %dma_wait3A_84 = tpu.memref_squeeze %dma_wait3A_83 : memref<1x80x128xi32, #tpu.memory_space<hbm>> -> memref<80x128xi32, #tpu.memory_space<hbm>>
      tpu.wait_dma2 semaphore(%run_scoped3A : memref<!tpu.dma_semaphore, #tpu.memory_space<semaphore_mem>>) src(%dma_wait3A_84 : memref<80x128xi32, #tpu.memory_space<hbm>>) dst(%arg8 : memref<80x128xi32, #tpu.memory_space<vmem>>)
      tpu.yield
    }) : () -> ()
    %barrier3A = arith.constant 0 : index
    tpu.barrier barrier_id(%barrier3A)
    %scan3A_25 = arith.constant 0 : i32
    %scan3A_26 = arith.constant 80 : i32
    %scan3A_27 = arith.addi %scan3A_25, %scan3A_26 : i32
    %scan3A_28 = arith.constant 1 : i32
    scf.for %scan3A_71 = %scan3A_25 to %scan3A_27 step %scan3A_28  : i32 {
      %mul3A_72 = arith.constant 1 : i32
      %mul3A_73 = arith.muli %scan3A_71, %mul3A_72 : i32
      %add3A_74 = arith.constant 0 : i32
      %add3A_75 = arith.addi %add3A_74, %mul3A_73 : i32
      "tpu.region"() ({
        %run_scoped3A = tpu.sem_alloc : memref<!tpu.dma_semaphore, #tpu.memory_space<semaphore_mem>>
        %dma_start3A = arith.constant 0 : i32
        %dma_start3A_86 = tpu.memref_slice %arg7[%add3A_75, %dma_start3A] : memref<80x128xi32, #tpu.memory_space<vmem>> -> memref<1x128xi32, #tpu.memory_space<vmem>>
        %dma_start3A_87 = tpu.memref_squeeze %dma_start3A_86 : memref<1x128xi32, #tpu.memory_space<vmem>> -> memref<128xi32, #tpu.memory_space<vmem>>
        %dma_start3A_88 = arith.constant 0 : i32
        %dma_start3A_89 = arith.constant 0 : i32
        %dma_start3A_90 = tpu.memref_slice %arg2[%dma_start3A_88, %dma_start3A_89] : memref<10240x128xf32, #tpu.memory_space<hbm>> -> memref<10240x128xf32, #tpu.memory_space<hbm>>
        tpu.enqueue_indirect_dma source(%dma_start3A_90 : memref<10240x128xf32, #tpu.memory_space<hbm>>) target(%arg10 : memref<128x128xf32, #tpu.memory_space<vmem>>) offsets(%dma_start3A_87 : memref<128xi32, #tpu.memory_space<vmem>>) semaphore(%run_scoped3A : memref<!tpu.dma_semaphore, #tpu.memory_space<semaphore_mem>>)
        %dma_wait3A = arith.constant 0 : i32
        %dma_wait3A_91 = tpu.memref_slice %arg7[%add3A_75, %dma_wait3A] : memref<80x128xi32, #tpu.memory_space<vmem>> -> memref<1x128xi32, #tpu.memory_space<vmem>>
        %dma_wait3A_92 = tpu.memref_squeeze %dma_wait3A_91 : memref<1x128xi32, #tpu.memory_space<vmem>> -> memref<128xi32, #tpu.memory_space<vmem>>
        %dma_wait3A_93 = arith.constant 0 : i32
        %dma_wait3A_94 = arith.constant 0 : i32
        %dma_wait3A_95 = tpu.memref_slice %arg2[%dma_wait3A_93, %dma_wait3A_94] : memref<10240x128xf32, #tpu.memory_space<hbm>> -> memref<10240x128xf32, #tpu.memory_space<hbm>>
        tpu.wait_indirect_dma semaphore(%run_scoped3A : memref<!tpu.dma_semaphore, #tpu.memory_space<semaphore_mem>>) src(%dma_wait3A_95 : memref<10240x128xf32, #tpu.memory_space<hbm>>) dst(%arg10 : memref<128x128xf32, #tpu.memory_space<vmem>>)
        tpu.yield
      }) : () -> ()
      %mul3A_76 = arith.constant 80 : i32
      %mul3A_77 = arith.muli %add3A, %mul3A_76 : i32
      %add3A_78 = arith.addi %mul3A_77, %add3A_75 : i32
      %mul3A_79 = arith.constant 16 : i32
      %mul3A_80 = arith.muli %add3A_78, %mul3A_79 : i32
      "tpu.region"() ({
        %run_scoped3A = tpu.sem_alloc : memref<!tpu.dma_semaphore, #tpu.memory_space<semaphore_mem>>
        %dma_start3A = arith.constant 0 : i32
        %dma_start3A_86 = tpu.memref_slice %arg3[%mul3A_80, %dma_start3A] : memref<40960x128xf32, #tpu.memory_space<hbm>> -> memref<16x128xf32, #tpu.memory_space<hbm>>
        %dma_start3A_87 = arith.constant 0 : i32
        %dma_start3A_88 = tpu.memref_slice %arg3[%mul3A_80, %dma_start3A_87] : memref<40960x128xf32, #tpu.memory_space<hbm>> -> memref<16x128xf32, #tpu.memory_space<hbm>>
        tpu.enqueue_dma source(%dma_start3A_88 : memref<16x128xf32, #tpu.memory_space<hbm>>) target(%arg9 : memref<16x128xf32, #tpu.memory_space<vmem>>) target_semaphore(%run_scoped3A : memref<!tpu.dma_semaphore, #tpu.memory_space<semaphore_mem>>)
        %dma_wait3A = arith.constant 0 : i32
        %dma_wait3A_89 = tpu.memref_slice %arg3[%mul3A_80, %dma_wait3A] : memref<40960x128xf32, #tpu.memory_space<hbm>> -> memref<16x128xf32, #tpu.memory_space<hbm>>
        %dma_wait3A_90 = arith.constant 0 : i32
        %dma_wait3A_91 = tpu.memref_slice %arg3[%mul3A_80, %dma_wait3A_90] : memref<40960x128xf32, #tpu.memory_space<hbm>> -> memref<16x128xf32, #tpu.memory_space<hbm>>
        tpu.wait_dma2 semaphore(%run_scoped3A : memref<!tpu.dma_semaphore, #tpu.memory_space<semaphore_mem>>) src(%dma_wait3A_91 : memref<16x128xf32, #tpu.memory_space<hbm>>) dst(%arg9 : memref<16x128xf32, #tpu.memory_space<vmem>>)
        tpu.yield
      }) : () -> ()
      %scan3A_81 = arith.constant 0 : i32
      %scan3A_82 = arith.constant 128 : i32
      %scan3A_83 = arith.addi %scan3A_81, %scan3A_82 : i32
      %scan3A_84 = arith.constant 1 : i32
      scf.for %scan3A_86 = %scan3A_81 to %scan3A_83 step %scan3A_84  : i32 {
        %mul3A_87 = arith.constant 1 : i32
        %mul3A_88 = arith.muli %scan3A_86, %mul3A_87 : i32
        %add3A_89 = arith.constant 0 : i32
        %add3A_90 = arith.addi %add3A_89, %mul3A_88 : i32
        %shift_right_logical3A = arith.constant 3 : i32
        %shift_right_logical3A_91 = arith.shrui %add3A_90, %shift_right_logical3A : i32
        %and3A = arith.constant 7 : i32
        %and3A_92 = arith.andi %add3A_90, %and3A : i32
        %mul3A_93 = arith.constant 16 : i32
        %mul3A_94 = arith.muli %and3A_92, %mul3A_93 : i32
        %get3A = arith.index_cast %shift_right_logical3A_91 : i32 to index
        %get3A_95 = arith.index_cast %mul3A_94 : i32 to index
        %get3A_96 = tpu.vector_load %arg9[%get3A, %get3A_95] {strides = array<i32>} : memref<16x128xf32, #tpu.memory_space<vmem>>, vector<1x16xf32>,
        %get3A_97 = vector.shape_cast %get3A_96 : vector<1x16xf32> to vector<16xf32>
        %slice3A = vector.extract_strided_slice %get3A_97 {offsets = [0], sizes = [1], strides = [1]} : vector<16xf32> to vector<1xf32>
        %squeeze3A = vector.extract %slice3A[0] : f32 from vector<1xf32>
        %broadcast_in_dim3A = vector.broadcast %squeeze3A : f32 to vector<16xf32>
        %slice3A_98 = vector.extract_strided_slice %get3A_97 {offsets = [1], sizes = [1], strides = [1]} : vector<16xf32> to vector<1xf32>
        %squeeze3A_99 = vector.extract %slice3A_98[0] : f32 from vector<1xf32>
        %broadcast_in_dim3A_100 = vector.broadcast %squeeze3A_99 : f32 to vector<16xf32>
        %get3A_101 = arith.index_cast %add3A_90 : i32 to index
        %get3A_102 = arith.constant 0 : index
        %get3A_103 = tpu.vector_load %arg10[%get3A_101, %get3A_102] {strides = array<i32>} : memref<128x128xf32, #tpu.memory_space<vmem>>, vector<1x16xf32>,
        %get3A_104 = vector.shape_cast %get3A_103 : vector<1x16xf32> to vector<16xf32>
        %mul3A_105 = arith.mulf %get3A_104, %broadcast_in_dim3A : vector<16xf32>
        %swap3A = arith.index_cast %add3A_90 : i32 to index
        %swap3A_106 = arith.constant 0 : index
        %swap3A_107 = tpu.vector_load %arg10[%swap3A, %swap3A_106] {strides = array<i32>} : memref<128x128xf32, #tpu.memory_space<vmem>>, vector<1x16xf32>,
        %swap3A_108 = vector.shape_cast %swap3A_107 : vector<1x16xf32> to vector<16xf32>
        %swap3A_109 = vector.shape_cast %mul3A_105 : vector<16xf32> to vector<1x16xf32>
        tpu.vector_store %arg10[%swap3A, %swap3A_106], %swap3A_109 {strides = array<i32>} : memref<128x128xf32, #tpu.memory_space<vmem>>, vector<1x16xf32>,
        %get3A_110 = arith.index_cast %add3A_90 : i32 to index
        %get3A_111 = arith.constant 64 : index
        %get3A_112 = tpu.vector_load %arg10[%get3A_110, %get3A_111] {strides = array<i32>} : memref<128x128xf32, #tpu.memory_space<vmem>>, vector<1x16xf32>,
        %get3A_113 = vector.shape_cast %get3A_112 : vector<1x16xf32> to vector<16xf32>
        %mul3A_114 = arith.mulf %get3A_113, %broadcast_in_dim3A_100 : vector<16xf32>
        %swap3A_115 = arith.index_cast %add3A_90 : i32 to index
        %swap3A_116 = arith.constant 64 : index
        %swap3A_117 = tpu.vector_load %arg10[%swap3A_115, %swap3A_116] {strides = array<i32>} : memref<128x128xf32, #tpu.memory_space<vmem>>, vector<1x16xf32>,
        %swap3A_118 = vector.shape_cast %swap3A_117 : vector<1x16xf32> to vector<16xf32>
        %swap3A_119 = vector.shape_cast %mul3A_114 : vector<16xf32> to vector<1x16xf32>
        tpu.vector_store %arg10[%swap3A_115, %swap3A_116], %swap3A_119 {strides = array<i32>} : memref<128x128xf32, #tpu.memory_space<vmem>>, vector<1x16xf32>,
        %get3A_120 = arith.index_cast %add3A_90 : i32 to index
        %get3A_121 = arith.constant 16 : index
        %get3A_122 = tpu.vector_load %arg10[%get3A_120, %get3A_121] {strides = array<i32>} : memref<128x128xf32, #tpu.memory_space<vmem>>, vector<1x16xf32>,
        %get3A_123 = vector.shape_cast %get3A_122 : vector<1x16xf32> to vector<16xf32>
        %mul3A_124 = arith.mulf %get3A_123, %broadcast_in_dim3A : vector<16xf32>
        %swap3A_125 = arith.index_cast %add3A_90 : i32 to index
        %swap3A_126 = arith.constant 16 : index
        %swap3A_127 = tpu.vector_load %arg10[%swap3A_125, %swap3A_126] {strides = array<i32>} : memref<128x128xf32, #tpu.memory_space<vmem>>, vector<1x16xf32>,
        %swap3A_128 = vector.shape_cast %swap3A_127 : vector<1x16xf32> to vector<16xf32>
        %swap3A_129 = vector.shape_cast %mul3A_124 : vector<16xf32> to vector<1x16xf32>
        tpu.vector_store %arg10[%swap3A_125, %swap3A_126], %swap3A_129 {strides = array<i32>} : memref<128x128xf32, #tpu.memory_space<vmem>>, vector<1x16xf32>,
        %get3A_130 = arith.index_cast %add3A_90 : i32 to index
        %get3A_131 = arith.constant 80 : index
        %get3A_132 = tpu.vector_load %arg10[%get3A_130, %get3A_131] {strides = array<i32>} : memref<128x128xf32, #tpu.memory_space<vmem>>, vector<1x16xf32>,
        %get3A_133 = vector.shape_cast %get3A_132 : vector<1x16xf32> to vector<16xf32>
        %mul3A_134 = arith.mulf %get3A_133, %broadcast_in_dim3A_100 : vector<16xf32>
        %swap3A_135 = arith.index_cast %add3A_90 : i32 to index
        %swap3A_136 = arith.constant 80 : index
        %swap3A_137 = tpu.vector_load %arg10[%swap3A_135, %swap3A_136] {strides = array<i32>} : memref<128x128xf32, #tpu.memory_space<vmem>>, vector<1x16xf32>,
        %swap3A_138 = vector.shape_cast %swap3A_137 : vector<1x16xf32> to vector<16xf32>
        %swap3A_139 = vector.shape_cast %mul3A_134 : vector<16xf32> to vector<1x16xf32>
        tpu.vector_store %arg10[%swap3A_135, %swap3A_136], %swap3A_139 {strides = array<i32>} : memref<128x128xf32, #tpu.memory_space<vmem>>, vector<1x16xf32>,
        %get3A_140 = arith.index_cast %add3A_90 : i32 to index
        %get3A_141 = arith.constant 32 : index
        %get3A_142 = tpu.vector_load %arg10[%get3A_140, %get3A_141] {strides = array<i32>} : memref<128x128xf32, #tpu.memory_space<vmem>>, vector<1x16xf32>,
        %get3A_143 = vector.shape_cast %get3A_142 : vector<1x16xf32> to vector<16xf32>
        %mul3A_144 = arith.mulf %get3A_143, %broadcast_in_dim3A : vector<16xf32>
        %swap3A_145 = arith.index_cast %add3A_90 : i32 to index
        %swap3A_146 = arith.constant 32 : index
        %swap3A_147 = tpu.vector_load %arg10[%swap3A_145, %swap3A_146] {strides = array<i32>} : memref<128x128xf32, #tpu.memory_space<vmem>>, vector<1x16xf32>,
        %swap3A_148 = vector.shape_cast %swap3A_147 : vector<1x16xf32> to vector<16xf32>
        %swap3A_149 = vector.shape_cast %mul3A_144 : vector<16xf32> to vector<1x16xf32>
        tpu.vector_store %arg10[%swap3A_145, %swap3A_146], %swap3A_149 {strides = array<i32>} : memref<128x128xf32, #tpu.memory_space<vmem>>, vector<1x16xf32>,
        %get3A_150 = arith.index_cast %add3A_90 : i32 to index
        %get3A_151 = arith.constant 96 : index
        %get3A_152 = tpu.vector_load %arg10[%get3A_150, %get3A_151] {strides = array<i32>} : memref<128x128xf32, #tpu.memory_space<vmem>>, vector<1x16xf32>,
        %get3A_153 = vector.shape_cast %get3A_152 : vector<1x16xf32> to vector<16xf32>
        %mul3A_154 = arith.mulf %get3A_153, %broadcast_in_dim3A_100 : vector<16xf32>
        %swap3A_155 = arith.index_cast %add3A_90 : i32 to index
        %swap3A_156 = arith.constant 96 : index
        %swap3A_157 = tpu.vector_load %arg10[%swap3A_155, %swap3A_156] {strides = array<i32>} : memref<128x128xf32, #tpu.memory_space<vmem>>, vector<1x16xf32>,
        %swap3A_158 = vector.shape_cast %swap3A_157 : vector<1x16xf32> to vector<16xf32>
        %swap3A_159 = vector.shape_cast %mul3A_154 : vector<16xf32> to vector<1x16xf32>
        tpu.vector_store %arg10[%swap3A_155, %swap3A_156], %swap3A_159 {strides = array<i32>} : memref<128x128xf32, #tpu.memory_space<vmem>>, vector<1x16xf32>,
        %get3A_160 = arith.index_cast %add3A_90 : i32 to index
        %get3A_161 = arith.constant 48 : index
        %get3A_162 = tpu.vector_load %arg10[%get3A_160, %get3A_161] {strides = array<i32>} : memref<128x128xf32, #tpu.memory_space<vmem>>, vector<1x16xf32>,
        %get3A_163 = vector.shape_cast %get3A_162 : vector<1x16xf32> to vector<16xf32>
        %mul3A_164 = arith.mulf %get3A_163, %broadcast_in_dim3A : vector<16xf32>
        %swap3A_165 = arith.index_cast %add3A_90 : i32 to index
        %swap3A_166 = arith.constant 48 : index
        %swap3A_167 = tpu.vector_load %arg10[%swap3A_165, %swap3A_166] {strides = array<i32>} : memref<128x128xf32, #tpu.memory_space<vmem>>, vector<1x16xf32>,
        %swap3A_168 = vector.shape_cast %swap3A_167 : vector<1x16xf32> to vector<16xf32>
        %swap3A_169 = vector.shape_cast %mul3A_164 : vector<16xf32> to vector<1x16xf32>
        tpu.vector_store %arg10[%swap3A_165, %swap3A_166], %swap3A_169 {strides = array<i32>} : memref<128x128xf32, #tpu.memory_space<vmem>>, vector<1x16xf32>,
        %get3A_170 = arith.index_cast %add3A_90 : i32 to index
        %get3A_171 = arith.constant 112 : index
        %get3A_172 = tpu.vector_load %arg10[%get3A_170, %get3A_171] {strides = array<i32>} : memref<128x128xf32, #tpu.memory_space<vmem>>, vector<1x16xf32>,
        %get3A_173 = vector.shape_cast %get3A_172 : vector<1x16xf32> to vector<16xf32>
        %mul3A_174 = arith.mulf %get3A_173, %broadcast_in_dim3A_100 : vector<16xf32>
        %swap3A_175 = arith.index_cast %add3A_90 : i32 to index
        %swap3A_176 = arith.constant 112 : index
        %swap3A_177 = tpu.vector_load %arg10[%swap3A_175, %swap3A_176] {strides = array<i32>} : memref<128x128xf32, #tpu.memory_space<vmem>>, vector<1x16xf32>,
        %swap3A_178 = vector.shape_cast %swap3A_177 : vector<1x16xf32> to vector<16xf32>
        %swap3A_179 = vector.shape_cast %mul3A_174 : vector<16xf32> to vector<1x16xf32>
        tpu.vector_store %arg10[%swap3A_175, %swap3A_176], %swap3A_179 {strides = array<i32>} : memref<128x128xf32, #tpu.memory_space<vmem>>, vector<1x16xf32>,
      }
      %scan3A_85 = arith.constant 128 : i32
      "tpu.region"() ({
        %run_scoped3A = tpu.sem_alloc : memref<!tpu.dma_semaphore, #tpu.memory_space<semaphore_mem>>
        %dma_start3A = arith.constant 0 : i32
        %dma_start3A_86 = tpu.memref_slice %arg8[%add3A_75, %dma_start3A] : memref<80x128xi32, #tpu.memory_space<vmem>> -> memref<1x128xi32, #tpu.memory_space<vmem>>
        %dma_start3A_87 = tpu.memref_squeeze %dma_start3A_86 : memref<1x128xi32, #tpu.memory_space<vmem>> -> memref<128xi32, #tpu.memory_space<vmem>>
        %dma_start3A_88 = arith.constant 0 : i32
        %dma_start3A_89 = arith.constant 0 : i32
        %dma_start3A_90 = tpu.memref_slice %arg11[%dma_start3A_88, %dma_start3A_89] : memref<10240x128xf32, #tpu.memory_space<vmem_shared>> -> memref<10240x128xf32, #tpu.memory_space<vmem_shared>>
        tpu.enqueue_indirect_dma source(%arg10 : memref<128x128xf32, #tpu.memory_space<vmem>>) target(%dma_start3A_90 : memref<10240x128xf32, #tpu.memory_space<vmem_shared>>) offsets(%dma_start3A_87 : memref<128xi32, #tpu.memory_space<vmem>>) semaphore(%run_scoped3A : memref<!tpu.dma_semaphore, #tpu.memory_space<semaphore_mem>>) {add = true}
        %dma_wait3A = arith.constant 0 : i32
        %dma_wait3A_91 = tpu.memref_slice %arg8[%add3A_75, %dma_wait3A] : memref<80x128xi32, #tpu.memory_space<vmem>> -> memref<1x128xi32, #tpu.memory_space<vmem>>
        %dma_wait3A_92 = tpu.memref_squeeze %dma_wait3A_91 : memref<1x128xi32, #tpu.memory_space<vmem>> -> memref<128xi32, #tpu.memory_space<vmem>>
        %dma_wait3A_93 = arith.constant 0 : i32
        %dma_wait3A_94 = arith.constant 0 : i32
        %dma_wait3A_95 = tpu.memref_slice %arg11[%dma_wait3A_93, %dma_wait3A_94] : memref<10240x128xf32, #tpu.memory_space<vmem_shared>> -> memref<10240x128xf32, #tpu.memory_space<vmem_shared>>
        tpu.wait_indirect_dma semaphore(%run_scoped3A : memref<!tpu.dma_semaphore, #tpu.memory_space<semaphore_mem>>) src(%arg10 : memref<128x128xf32, #tpu.memory_space<vmem>>) dst(%dma_wait3A_95 : memref<10240x128xf32, #tpu.memory_space<vmem_shared>>)
        tpu.yield
      }) : () -> ()
    }
    %scan3A_29 = arith.constant 80 : i32
    %barrier3A_30 = arith.constant 0 : index
    tpu.barrier barrier_id(%barrier3A_30)
    %mul3A_31 = arith.constant 640 : i32
    %mul3A_32 = arith.muli %arg1, %mul3A_31 : i32
    %add3A_33 = arith.constant 0 : i32
    %add3A_34 = arith.addi %mul3A_32, %add3A_33 : i32
    %mul3A_35 = arith.constant 640 : i32
    %mul3A_36 = arith.muli %arg1, %mul3A_35 : i32
    %add3A_37 = arith.constant 0 : i32
    %add3A_38 = arith.addi %mul3A_36, %add3A_37 : i32
    "tpu.region"() ({
      %run_scoped3A = tpu.sem_alloc : memref<!tpu.dma_semaphore, #tpu.memory_space<semaphore_mem>>
      %dma_start3A = arith.constant 0 : i32
      %dma_start3A_71 = tpu.memref_slice %arg6[%arg0, %add3A_38, %dma_start3A] : memref<2x10240x128xf32, #tpu.memory_space<hbm>> -> memref<1x128x128xf32, #tpu.memory_space<hbm>>
      %dma_start3A_72 = tpu.memref_squeeze %dma_start3A_71 : memref<1x128x128xf32, #tpu.memory_space<hbm>> -> memref<128x128xf32, #tpu.memory_space<hbm>>
      %dma_start3A_73 = arith.constant 0 : i32
      %dma_start3A_74 = tpu.memref_slice %arg11[%add3A_34, %dma_start3A_73] : memref<10240x128xf32, #tpu.memory_space<vmem_shared>> -> memref<128x128xf32, #tpu.memory_space<vmem_shared>>
      tpu.enqueue_dma source(%dma_start3A_74 : memref<128x128xf32, #tpu.memory_space<vmem_shared>>) target(%dma_start3A_72 : memref<128x128xf32, #tpu.memory_space<hbm>>) target_semaphore(%run_scoped3A : memref<!tpu.dma_semaphore, #tpu.memory_space<semaphore_mem>>)
      %dma_wait3A = arith.constant 0 : i32
      %dma_wait3A_75 = tpu.memref_slice %arg6[%arg0, %add3A_38, %dma_wait3A] : memref<2x10240x128xf32, #tpu.memory_space<hbm>> -> memref<1x128x128xf32, #tpu.memory_space<hbm>>
      %dma_wait3A_76 = tpu.memref_squeeze %dma_wait3A_75 : memref<1x128x128xf32, #tpu.memory_space<hbm>> -> memref<128x128xf32, #tpu.memory_space<hbm>>
      %dma_wait3A_77 = arith.constant 0 : i32
      %dma_wait3A_78 = tpu.memref_slice %arg11[%add3A_34, %dma_wait3A_77] : memref<10240x128xf32, #tpu.memory_space<vmem_shared>> -> memref<128x128xf32, #tpu.memory_space<vmem_shared>>
      tpu.wait_dma2 semaphore(%run_scoped3A : memref<!tpu.dma_semaphore, #tpu.memory_space<semaphore_mem>>) src(%dma_wait3A_78 : memref<128x128xf32, #tpu.memory_space<vmem_shared>>) dst(%dma_wait3A_76 : memref<128x128xf32, #tpu.memory_space<hbm>>)
      tpu.yield
    }) : () -> ()
    %mul3A_39 = arith.constant 640 : i32
    %mul3A_40 = arith.muli %arg1, %mul3A_39 : i32
    %add3A_41 = arith.constant 128 : i32
    %add3A_42 = arith.addi %mul3A_40, %add3A_41 : i32
    %mul3A_43 = arith.constant 640 : i32
    %mul3A_44 = arith.muli %arg1, %mul3A_43 : i32
    %add3A_45 = arith.constant 128 : i32
    %add3A_46 = arith.addi %mul3A_44, %add3A_45 : i32
    "tpu.region"() ({
      %run_scoped3A = tpu.sem_alloc : memref<!tpu.dma_semaphore, #tpu.memory_space<semaphore_mem>>
      %dma_start3A = arith.constant 0 : i32
      %dma_start3A_71 = tpu.memref_slice %arg6[%arg0, %add3A_46, %dma_start3A] : memref<2x10240x128xf32, #tpu.memory_space<hbm>> -> memref<1x128x128xf32, #tpu.memory_space<hbm>>
      %dma_start3A_72 = tpu.memref_squeeze %dma_start3A_71 : memref<1x128x128xf32, #tpu.memory_space<hbm>> -> memref<128x128xf32, #tpu.memory_space<hbm>>
      %dma_start3A_73 = arith.constant 0 : i32
      %dma_start3A_74 = tpu.memref_slice %arg11[%add3A_42, %dma_start3A_73] : memref<10240x128xf32, #tpu.memory_space<vmem_shared>> -> memref<128x128xf32, #tpu.memory_space<vmem_shared>>
      tpu.enqueue_dma source(%dma_start3A_74 : memref<128x128xf32, #tpu.memory_space<vmem_shared>>) target(%dma_start3A_72 : memref<128x128xf32, #tpu.memory_space<hbm>>) target_semaphore(%run_scoped3A : memref<!tpu.dma_semaphore, #tpu.memory_space<semaphore_mem>>)
      %dma_wait3A = arith.constant 0 : i32
      %dma_wait3A_75 = tpu.memref_slice %arg6[%arg0, %add3A_46, %dma_wait3A] : memref<2x10240x128xf32, #tpu.memory_space<hbm>> -> memref<1x128x128xf32, #tpu.memory_space<hbm>>
      %dma_wait3A_76 = tpu.memref_squeeze %dma_wait3A_75 : memref<1x128x128xf32, #tpu.memory_space<hbm>> -> memref<128x128xf32, #tpu.memory_space<hbm>>
      %dma_wait3A_77 = arith.constant 0 : i32
      %dma_wait3A_78 = tpu.memref_slice %arg11[%add3A_42, %dma_wait3A_77] : memref<10240x128xf32, #tpu.memory_space<vmem_shared>> -> memref<128x128xf32, #tpu.memory_space<vmem_shared>>
      tpu.wait_dma2 semaphore(%run_scoped3A : memref<!tpu.dma_semaphore, #tpu.memory_space<semaphore_mem>>) src(%dma_wait3A_78 : memref<128x128xf32, #tpu.memory_space<vmem_shared>>) dst(%dma_wait3A_76 : memref<128x128xf32, #tpu.memory_space<hbm>>)
      tpu.yield
    }) : () -> ()
    %mul3A_47 = arith.constant 640 : i32
    %mul3A_48 = arith.muli %arg1, %mul3A_47 : i32
    %add3A_49 = arith.constant 256 : i32
    %add3A_50 = arith.addi %mul3A_48, %add3A_49 : i32
    %mul3A_51 = arith.constant 640 : i32
    %mul3A_52 = arith.muli %arg1, %mul3A_51 : i32
    %add3A_53 = arith.constant 256 : i32
    %add3A_54 = arith.addi %mul3A_52, %add3A_53 : i32
    "tpu.region"() ({
      %run_scoped3A = tpu.sem_alloc : memref<!tpu.dma_semaphore, #tpu.memory_space<semaphore_mem>>
      %dma_start3A = arith.constant 0 : i32
      %dma_start3A_71 = tpu.memref_slice %arg6[%arg0, %add3A_54, %dma_start3A] : memref<2x10240x128xf32, #tpu.memory_space<hbm>> -> memref<1x128x128xf32, #tpu.memory_space<hbm>>
      %dma_start3A_72 = tpu.memref_squeeze %dma_start3A_71 : memref<1x128x128xf32, #tpu.memory_space<hbm>> -> memref<128x128xf32, #tpu.memory_space<hbm>>
      %dma_start3A_73 = arith.constant 0 : i32
      %dma_start3A_74 = tpu.memref_slice %arg11[%add3A_50, %dma_start3A_73] : memref<10240x128xf32, #tpu.memory_space<vmem_shared>> -> memref<128x128xf32, #tpu.memory_space<vmem_shared>>
      tpu.enqueue_dma source(%dma_start3A_74 : memref<128x128xf32, #tpu.memory_space<vmem_shared>>) target(%dma_start3A_72 : memref<128x128xf32, #tpu.memory_space<hbm>>) target_semaphore(%run_scoped3A : memref<!tpu.dma_semaphore, #tpu.memory_space<semaphore_mem>>)
      %dma_wait3A = arith.constant 0 : i32
      %dma_wait3A_75 = tpu.memref_slice %arg6[%arg0, %add3A_54, %dma_wait3A] : memref<2x10240x128xf32, #tpu.memory_space<hbm>> -> memref<1x128x128xf32, #tpu.memory_space<hbm>>
      %dma_wait3A_76 = tpu.memref_squeeze %dma_wait3A_75 : memref<1x128x128xf32, #tpu.memory_space<hbm>> -> memref<128x128xf32, #tpu.memory_space<hbm>>
      %dma_wait3A_77 = arith.constant 0 : i32
      %dma_wait3A_78 = tpu.memref_slice %arg11[%add3A_50, %dma_wait3A_77] : memref<10240x128xf32, #tpu.memory_space<vmem_shared>> -> memref<128x128xf32, #tpu.memory_space<vmem_shared>>
      tpu.wait_dma2 semaphore(%run_scoped3A : memref<!tpu.dma_semaphore, #tpu.memory_space<semaphore_mem>>) src(%dma_wait3A_78 : memref<128x128xf32, #tpu.memory_space<vmem_shared>>) dst(%dma_wait3A_76 : memref<128x128xf32, #tpu.memory_space<hbm>>)
      tpu.yield
    }) : () -> ()
    %mul3A_55 = arith.constant 640 : i32
    %mul3A_56 = arith.muli %arg1, %mul3A_55 : i32
    %add3A_57 = arith.constant 384 : i32
    %add3A_58 = arith.addi %mul3A_56, %add3A_57 : i32
    %mul3A_59 = arith.constant 640 : i32
    %mul3A_60 = arith.muli %arg1, %mul3A_59 : i32
    %add3A_61 = arith.constant 384 : i32
    %add3A_62 = arith.addi %mul3A_60, %add3A_61 : i32
    "tpu.region"() ({
      %run_scoped3A = tpu.sem_alloc : memref<!tpu.dma_semaphore, #tpu.memory_space<semaphore_mem>>
      %dma_start3A = arith.constant 0 : i32
      %dma_start3A_71 = tpu.memref_slice %arg6[%arg0, %add3A_62, %dma_start3A] : memref<2x10240x128xf32, #tpu.memory_space<hbm>> -> memref<1x128x128xf32, #tpu.memory_space<hbm>>
      %dma_start3A_72 = tpu.memref_squeeze %dma_start3A_71 : memref<1x128x128xf32, #tpu.memory_space<hbm>> -> memref<128x128xf32, #tpu.memory_space<hbm>>
      %dma_start3A_73 = arith.constant 0 : i32
      %dma_start3A_74 = tpu.memref_slice %arg11[%add3A_58, %dma_start3A_73] : memref<10240x128xf32, #tpu.memory_space<vmem_shared>> -> memref<128x128xf32, #tpu.memory_space<vmem_shared>>
      tpu.enqueue_dma source(%dma_start3A_74 : memref<128x128xf32, #tpu.memory_space<vmem_shared>>) target(%dma_start3A_72 : memref<128x128xf32, #tpu.memory_space<hbm>>) target_semaphore(%run_scoped3A : memref<!tpu.dma_semaphore, #tpu.memory_space<semaphore_mem>>)
      %dma_wait3A = arith.constant 0 : i32
      %dma_wait3A_75 = tpu.memref_slice %arg6[%arg0, %add3A_62, %dma_wait3A] : memref<2x10240x128xf32, #tpu.memory_space<hbm>> -> memref<1x128x128xf32, #tpu.memory_space<hbm>>
      %dma_wait3A_76 = tpu.memref_squeeze %dma_wait3A_75 : memref<1x128x128xf32, #tpu.memory_space<hbm>> -> memref<128x128xf32, #tpu.memory_space<hbm>>
      %dma_wait3A_77 = arith.constant 0 : i32
      %dma_wait3A_78 = tpu.memref_slice %arg11[%add3A_58, %dma_wait3A_77] : memref<10240x128xf32, #tpu.memory_space<vmem_shared>> -> memref<128x128xf32, #tpu.memory_space<vmem_shared>>
      tpu.wait_dma2 semaphore(%run_scoped3A : memref<!tpu.dma_semaphore, #tpu.memory_space<semaphore_mem>>) src(%dma_wait3A_78 : memref<128x128xf32, #tpu.memory_space<vmem_shared>>) dst(%dma_wait3A_76 : memref<128x128xf32, #tpu.memory_space<hbm>>)
      tpu.yield
    }) : () -> ()
    %mul3A_63 = arith.constant 640 : i32
    %mul3A_64 = arith.muli %arg1, %mul3A_63 : i32
    %add3A_65 = arith.constant 512 : i32
    %add3A_66 = arith.addi %mul3A_64, %add3A_65 : i32
    %mul3A_67 = arith.constant 640 : i32
    %mul3A_68 = arith.muli %arg1, %mul3A_67 : i32
    %add3A_69 = arith.constant 512 : i32
    %add3A_70 = arith.addi %mul3A_68, %add3A_69 : i32
    "tpu.region"() ({
      %run_scoped3A = tpu.sem_alloc : memref<!tpu.dma_semaphore, #tpu.memory_space<semaphore_mem>>
      %dma_start3A = arith.constant 0 : i32
      %dma_start3A_71 = tpu.memref_slice %arg6[%arg0, %add3A_70, %dma_start3A] : memref<2x10240x128xf32, #tpu.memory_space<hbm>> -> memref<1x128x128xf32, #tpu.memory_space<hbm>>
      %dma_start3A_72 = tpu.memref_squeeze %dma_start3A_71 : memref<1x128x128xf32, #tpu.memory_space<hbm>> -> memref<128x128xf32, #tpu.memory_space<hbm>>
      %dma_start3A_73 = arith.constant 0 : i32
      %dma_start3A_74 = tpu.memref_slice %arg11[%add3A_66, %dma_start3A_73] : memref<10240x128xf32, #tpu.memory_space<vmem_shared>> -> memref<128x128xf32, #tpu.memory_space<vmem_shared>>
      tpu.enqueue_dma source(%dma_start3A_74 : memref<128x128xf32, #tpu.memory_space<vmem_shared>>) target(%dma_start3A_72 : memref<128x128xf32, #tpu.memory_space<hbm>>) target_semaphore(%run_scoped3A : memref<!tpu.dma_semaphore, #tpu.memory_space<semaphore_mem>>)
      %dma_wait3A = arith.constant 0 : i32
      %dma_wait3A_75 = tpu.memref_slice %arg6[%arg0, %add3A_70, %dma_wait3A] : memref<2x10240x128xf32, #tpu.memory_space<hbm>> -> memref<1x128x128xf32, #tpu.memory_space<hbm>>
      %dma_wait3A_76 = tpu.memref_squeeze %dma_wait3A_75 : memref<1x128x128xf32, #tpu.memory_space<hbm>> -> memref<128x128xf32, #tpu.memory_space<hbm>>
      %dma_wait3A_77 = arith.constant 0 : i32
      %dma_wait3A_78 = tpu.memref_slice %arg11[%add3A_66, %dma_wait3A_77] : memref<10240x128xf32, #tpu.memory_space<vmem_shared>> -> memref<128x128xf32, #tpu.memory_space<vmem_shared>>
      tpu.wait_dma2 semaphore(%run_scoped3A : memref<!tpu.dma_semaphore, #tpu.memory_space<semaphore_mem>>) src(%dma_wait3A_78 : memref<128x128xf32, #tpu.memory_space<vmem_shared>>) dst(%dma_wait3A_76 : memref<128x128xf32, #tpu.memory_space<hbm>>)
      tpu.yield
    }) : () -> ()
    return
  }
}

#map = affine_map<(d0, d1) -> (0)>
#map1 = affine_map<(d0, d1) -> (0, 0, 0)>
#map2 = affine_map<(d0, d1) -> (0, 0)>
module attributes {stable_mosaic.version = 14 : i64} {
  func.func @k(%arg0: i32, %arg1: i32, %arg2: memref<10240xf32, #tpu.memory_space<hbm>>, %arg3: memref<10240xf32, #tpu.memory_space<hbm>>, %arg4: memref<10240xf32, #tpu.memory_space<hbm>>, %arg5: memref<10240xf32, #tpu.memory_space<hbm>>, %arg6: memref<10240xf32, #tpu.memory_space<hbm>>, %arg7: memref<10240xf32, #tpu.memory_space<hbm>>, %arg8: memref<32x80x128xi32, #tpu.memory_space<hbm>>, %arg9: memref<32x80x128xi32, #tpu.memory_space<hbm>>, %arg10: memref<128xf32, #tpu.memory_space<hbm>>, %arg11: memref<128xf32, #tpu.memory_space<hbm>>, %arg12: memref<40960x128xf32, #tpu.memory_space<hbm>>, %arg13: memref<80x128xi32, #tpu.memory_space<vmem>>, %arg14: memref<80x128xi32, #tpu.memory_space<vmem>>, %arg15: memref<10240xf32, #tpu.memory_space<vmem>>, %arg16: memref<10240xf32, #tpu.memory_space<vmem>>, %arg17: memref<10240xf32, #tpu.memory_space<vmem>>, %arg18: memref<10240xf32, #tpu.memory_space<vmem>>, %arg19: memref<10240xf32, #tpu.memory_space<vmem>>, %arg20: memref<10240xf32, #tpu.memory_space<vmem>>, %arg21: memref<16x128xf32, #tpu.memory_space<vmem>>, %arg22: memref<128xf32, #tpu.memory_space<vmem>>, %arg23: memref<128xf32, #tpu.memory_space<vmem>>) attributes {dimension_semantics = [#tpu.dimension_semantics<core_parallel>, #tpu.dimension_semantics<subcore_parallel>], iteration_bounds = array<i64: 2, 16>, scalar_prefetch = 0 : i64, scratch_operands = 11 : i64, tpu.core_type = #tpu.core_type<sc_vector_subcore>, window_params = [{transform_indices = #map}, {transform_indices = #map}, {transform_indices = #map}, {transform_indices = #map}, {transform_indices = #map}, {transform_indices = #map}, {transform_indices = #map1}, {transform_indices = #map1}, {transform_indices = #map}, {transform_indices = #map}, {transform_indices = #map2}]} {
    %mul3A = arith.constant 16 : i32
    %mul3A_0 = arith.muli %arg0, %mul3A : i32
    %add3A = arith.addi %mul3A_0, %arg1 : i32
    %scan3A = arith.constant 0 : i32
    %scan3A_1 = arith.constant 16 : i32
    %scan3A_2 = arith.addi %scan3A, %scan3A_1 : i32
    %scan3A_3 = arith.constant 1 : i32
    scf.for %scan3A_21 = %scan3A to %scan3A_2 step %scan3A_3  : i32 {
      %mul3A_22 = arith.constant 1 : i32
      %mul3A_23 = arith.muli %scan3A_21, %mul3A_22 : i32
      %add3A_24 = arith.constant 0 : i32
      %add3A_25 = arith.addi %add3A_24, %mul3A_23 : i32
      %scan3A_26 = arith.constant 0 : i32
      %scan3A_27 = arith.constant 8 : i32
      %scan3A_28 = arith.addi %scan3A_26, %scan3A_27 : i32
      %scan3A_29 = arith.constant 1 : i32
      scf.for %scan3A_31 = %scan3A_26 to %scan3A_28 step %scan3A_29  : i32 {
        %mul3A_32 = arith.constant 16 : i32
        %mul3A_33 = arith.muli %scan3A_31, %mul3A_32 : i32
        %add3A_34 = arith.constant 0 : i32
        %add3A_35 = arith.addi %add3A_34, %mul3A_33 : i32
        %broadcast_in_dim3A = arith.constant 0.000000e+00 : f32
        %broadcast_in_dim3A_36 = vector.broadcast %broadcast_in_dim3A : f32 to vector<16xf32>
        %swap3A = arith.index_cast %add3A_25 : i32 to index
        %swap3A_37 = arith.index_cast %add3A_35 : i32 to index
        %swap3A_38 = tpu.vector_load %arg21[%swap3A, %swap3A_37] {strides = array<i32>} : memref<16x128xf32, #tpu.memory_space<vmem>>, vector<16xf32>,
        tpu.vector_store %arg21[%swap3A, %swap3A_37], %broadcast_in_dim3A_36 {strides = array<i32>} : memref<16x128xf32, #tpu.memory_space<vmem>>, vector<16xf32>,
      }
      %scan3A_30 = arith.constant 8 : i32
    }
    %scan3A_4 = arith.constant 16 : i32
    "tpu.region"() ({
      %run_scoped3A = tpu.sem_alloc : memref<!tpu.dma_semaphore, #tpu.memory_space<semaphore_mem>>
      %dma_start3A = arith.constant 0 : i32
      %dma_start3A_21 = arith.constant 0 : i32
      %dma_start3A_22 = tpu.memref_slice %arg8[%add3A, %dma_start3A, %dma_start3A_21] : memref<32x80x128xi32, #tpu.memory_space<hbm>> -> memref<1x80x128xi32, #tpu.memory_space<hbm>>
      %dma_start3A_23 = tpu.memref_squeeze %dma_start3A_22 : memref<1x80x128xi32, #tpu.memory_space<hbm>> -> memref<80x128xi32, #tpu.memory_space<hbm>>
      %dma_start3A_24 = arith.constant 0 : i32
      %dma_start3A_25 = arith.constant 0 : i32
      %dma_start3A_26 = tpu.memref_slice %arg8[%add3A, %dma_start3A_24, %dma_start3A_25] : memref<32x80x128xi32, #tpu.memory_space<hbm>> -> memref<1x80x128xi32, #tpu.memory_space<hbm>>
      %dma_start3A_27 = tpu.memref_squeeze %dma_start3A_26 : memref<1x80x128xi32, #tpu.memory_space<hbm>> -> memref<80x128xi32, #tpu.memory_space<hbm>>
      tpu.enqueue_dma source(%dma_start3A_27 : memref<80x128xi32, #tpu.memory_space<hbm>>) target(%arg13 : memref<80x128xi32, #tpu.memory_space<vmem>>) target_semaphore(%run_scoped3A : memref<!tpu.dma_semaphore, #tpu.memory_space<semaphore_mem>>)
      %dma_wait3A = arith.constant 0 : i32
      %dma_wait3A_28 = arith.constant 0 : i32
      %dma_wait3A_29 = tpu.memref_slice %arg8[%add3A, %dma_wait3A, %dma_wait3A_28] : memref<32x80x128xi32, #tpu.memory_space<hbm>> -> memref<1x80x128xi32, #tpu.memory_space<hbm>>
      %dma_wait3A_30 = tpu.memref_squeeze %dma_wait3A_29 : memref<1x80x128xi32, #tpu.memory_space<hbm>> -> memref<80x128xi32, #tpu.memory_space<hbm>>
      %dma_wait3A_31 = arith.constant 0 : i32
      %dma_wait3A_32 = arith.constant 0 : i32
      %dma_wait3A_33 = tpu.memref_slice %arg8[%add3A, %dma_wait3A_31, %dma_wait3A_32] : memref<32x80x128xi32, #tpu.memory_space<hbm>> -> memref<1x80x128xi32, #tpu.memory_space<hbm>>
      %dma_wait3A_34 = tpu.memref_squeeze %dma_wait3A_33 : memref<1x80x128xi32, #tpu.memory_space<hbm>> -> memref<80x128xi32, #tpu.memory_space<hbm>>
      tpu.wait_dma2 semaphore(%run_scoped3A : memref<!tpu.dma_semaphore, #tpu.memory_space<semaphore_mem>>) src(%dma_wait3A_34 : memref<80x128xi32, #tpu.memory_space<hbm>>) dst(%arg13 : memref<80x128xi32, #tpu.memory_space<vmem>>)
      tpu.yield
    }) : () -> ()
    "tpu.region"() ({
      %run_scoped3A = tpu.sem_alloc : memref<!tpu.dma_semaphore, #tpu.memory_space<semaphore_mem>>
      %dma_start3A = arith.constant 0 : i32
      %dma_start3A_21 = arith.constant 0 : i32
      %dma_start3A_22 = tpu.memref_slice %arg9[%add3A, %dma_start3A, %dma_start3A_21] : memref<32x80x128xi32, #tpu.memory_space<hbm>> -> memref<1x80x128xi32, #tpu.memory_space<hbm>>
      %dma_start3A_23 = tpu.memref_squeeze %dma_start3A_22 : memref<1x80x128xi32, #tpu.memory_space<hbm>> -> memref<80x128xi32, #tpu.memory_space<hbm>>
      %dma_start3A_24 = arith.constant 0 : i32
      %dma_start3A_25 = arith.constant 0 : i32
      %dma_start3A_26 = tpu.memref_slice %arg9[%add3A, %dma_start3A_24, %dma_start3A_25] : memref<32x80x128xi32, #tpu.memory_space<hbm>> -> memref<1x80x128xi32, #tpu.memory_space<hbm>>
      %dma_start3A_27 = tpu.memref_squeeze %dma_start3A_26 : memref<1x80x128xi32, #tpu.memory_space<hbm>> -> memref<80x128xi32, #tpu.memory_space<hbm>>
      tpu.enqueue_dma source(%dma_start3A_27 : memref<80x128xi32, #tpu.memory_space<hbm>>) target(%arg14 : memref<80x128xi32, #tpu.memory_space<vmem>>) target_semaphore(%run_scoped3A : memref<!tpu.dma_semaphore, #tpu.memory_space<semaphore_mem>>)
      %dma_wait3A = arith.constant 0 : i32
      %dma_wait3A_28 = arith.constant 0 : i32
      %dma_wait3A_29 = tpu.memref_slice %arg9[%add3A, %dma_wait3A, %dma_wait3A_28] : memref<32x80x128xi32, #tpu.memory_space<hbm>> -> memref<1x80x128xi32, #tpu.memory_space<hbm>>
      %dma_wait3A_30 = tpu.memref_squeeze %dma_wait3A_29 : memref<1x80x128xi32, #tpu.memory_space<hbm>> -> memref<80x128xi32, #tpu.memory_space<hbm>>
      %dma_wait3A_31 = arith.constant 0 : i32
      %dma_wait3A_32 = arith.constant 0 : i32
      %dma_wait3A_33 = tpu.memref_slice %arg9[%add3A, %dma_wait3A_31, %dma_wait3A_32] : memref<32x80x128xi32, #tpu.memory_space<hbm>> -> memref<1x80x128xi32, #tpu.memory_space<hbm>>
      %dma_wait3A_34 = tpu.memref_squeeze %dma_wait3A_33 : memref<1x80x128xi32, #tpu.memory_space<hbm>> -> memref<80x128xi32, #tpu.memory_space<hbm>>
      tpu.wait_dma2 semaphore(%run_scoped3A : memref<!tpu.dma_semaphore, #tpu.memory_space<semaphore_mem>>) src(%dma_wait3A_34 : memref<80x128xi32, #tpu.memory_space<hbm>>) dst(%arg14 : memref<80x128xi32, #tpu.memory_space<vmem>>)
      tpu.yield
    }) : () -> ()
    "tpu.region"() ({
      %run_scoped3A = tpu.sem_alloc : memref<!tpu.dma_semaphore, #tpu.memory_space<semaphore_mem>>
      tpu.enqueue_dma source(%arg2 : memref<10240xf32, #tpu.memory_space<hbm>>) target(%arg15 : memref<10240xf32, #tpu.memory_space<vmem>>) target_semaphore(%run_scoped3A : memref<!tpu.dma_semaphore, #tpu.memory_space<semaphore_mem>>)
      tpu.wait_dma2 semaphore(%run_scoped3A : memref<!tpu.dma_semaphore, #tpu.memory_space<semaphore_mem>>) src(%arg2 : memref<10240xf32, #tpu.memory_space<hbm>>) dst(%arg15 : memref<10240xf32, #tpu.memory_space<vmem>>)
      tpu.yield
    }) : () -> ()
    "tpu.region"() ({
      %run_scoped3A = tpu.sem_alloc : memref<!tpu.dma_semaphore, #tpu.memory_space<semaphore_mem>>
      tpu.enqueue_dma source(%arg3 : memref<10240xf32, #tpu.memory_space<hbm>>) target(%arg16 : memref<10240xf32, #tpu.memory_space<vmem>>) target_semaphore(%run_scoped3A : memref<!tpu.dma_semaphore, #tpu.memory_space<semaphore_mem>>)
      tpu.wait_dma2 semaphore(%run_scoped3A : memref<!tpu.dma_semaphore, #tpu.memory_space<semaphore_mem>>) src(%arg3 : memref<10240xf32, #tpu.memory_space<hbm>>) dst(%arg16 : memref<10240xf32, #tpu.memory_space<vmem>>)
      tpu.yield
    }) : () -> ()
    "tpu.region"() ({
      %run_scoped3A = tpu.sem_alloc : memref<!tpu.dma_semaphore, #tpu.memory_space<semaphore_mem>>
      tpu.enqueue_dma source(%arg4 : memref<10240xf32, #tpu.memory_space<hbm>>) target(%arg17 : memref<10240xf32, #tpu.memory_space<vmem>>) target_semaphore(%run_scoped3A : memref<!tpu.dma_semaphore, #tpu.memory_space<semaphore_mem>>)
      tpu.wait_dma2 semaphore(%run_scoped3A : memref<!tpu.dma_semaphore, #tpu.memory_space<semaphore_mem>>) src(%arg4 : memref<10240xf32, #tpu.memory_space<hbm>>) dst(%arg17 : memref<10240xf32, #tpu.memory_space<vmem>>)
      tpu.yield
    }) : () -> ()
    "tpu.region"() ({
      %run_scoped3A = tpu.sem_alloc : memref<!tpu.dma_semaphore, #tpu.memory_space<semaphore_mem>>
      tpu.enqueue_dma source(%arg5 : memref<10240xf32, #tpu.memory_space<hbm>>) target(%arg18 : memref<10240xf32, #tpu.memory_space<vmem>>) target_semaphore(%run_scoped3A : memref<!tpu.dma_semaphore, #tpu.memory_space<semaphore_mem>>)
      tpu.wait_dma2 semaphore(%run_scoped3A : memref<!tpu.dma_semaphore, #tpu.memory_space<semaphore_mem>>) src(%arg5 : memref<10240xf32, #tpu.memory_space<hbm>>) dst(%arg18 : memref<10240xf32, #tpu.memory_space<vmem>>)
      tpu.yield
    }) : () -> ()
    "tpu.region"() ({
      %run_scoped3A = tpu.sem_alloc : memref<!tpu.dma_semaphore, #tpu.memory_space<semaphore_mem>>
      tpu.enqueue_dma source(%arg6 : memref<10240xf32, #tpu.memory_space<hbm>>) target(%arg19 : memref<10240xf32, #tpu.memory_space<vmem>>) target_semaphore(%run_scoped3A : memref<!tpu.dma_semaphore, #tpu.memory_space<semaphore_mem>>)
      tpu.wait_dma2 semaphore(%run_scoped3A : memref<!tpu.dma_semaphore, #tpu.memory_space<semaphore_mem>>) src(%arg6 : memref<10240xf32, #tpu.memory_space<hbm>>) dst(%arg19 : memref<10240xf32, #tpu.memory_space<vmem>>)
      tpu.yield
    }) : () -> ()
    "tpu.region"() ({
      %run_scoped3A = tpu.sem_alloc : memref<!tpu.dma_semaphore, #tpu.memory_space<semaphore_mem>>
      tpu.enqueue_dma source(%arg7 : memref<10240xf32, #tpu.memory_space<hbm>>) target(%arg20 : memref<10240xf32, #tpu.memory_space<vmem>>) target_semaphore(%run_scoped3A : memref<!tpu.dma_semaphore, #tpu.memory_space<semaphore_mem>>)
      tpu.wait_dma2 semaphore(%run_scoped3A : memref<!tpu.dma_semaphore, #tpu.memory_space<semaphore_mem>>) src(%arg7 : memref<10240xf32, #tpu.memory_space<hbm>>) dst(%arg20 : memref<10240xf32, #tpu.memory_space<vmem>>)
      tpu.yield
    }) : () -> ()
    "tpu.region"() ({
      %run_scoped3A = tpu.sem_alloc : memref<!tpu.dma_semaphore, #tpu.memory_space<semaphore_mem>>
      tpu.enqueue_dma source(%arg10 : memref<128xf32, #tpu.memory_space<hbm>>) target(%arg22 : memref<128xf32, #tpu.memory_space<vmem>>) target_semaphore(%run_scoped3A : memref<!tpu.dma_semaphore, #tpu.memory_space<semaphore_mem>>)
      tpu.wait_dma2 semaphore(%run_scoped3A : memref<!tpu.dma_semaphore, #tpu.memory_space<semaphore_mem>>) src(%arg10 : memref<128xf32, #tpu.memory_space<hbm>>) dst(%arg22 : memref<128xf32, #tpu.memory_space<vmem>>)
      tpu.yield
    }) : () -> ()
    "tpu.region"() ({
      %run_scoped3A = tpu.sem_alloc : memref<!tpu.dma_semaphore, #tpu.memory_space<semaphore_mem>>
      tpu.enqueue_dma source(%arg11 : memref<128xf32, #tpu.memory_space<hbm>>) target(%arg23 : memref<128xf32, #tpu.memory_space<vmem>>) target_semaphore(%run_scoped3A : memref<!tpu.dma_semaphore, #tpu.memory_space<semaphore_mem>>)
      tpu.wait_dma2 semaphore(%run_scoped3A : memref<!tpu.dma_semaphore, #tpu.memory_space<semaphore_mem>>) src(%arg11 : memref<128xf32, #tpu.memory_space<hbm>>) dst(%arg23 : memref<128xf32, #tpu.memory_space<vmem>>)
      tpu.yield
    }) : () -> ()
    %get3A = arith.constant 0 : index
    %get3A_5 = tpu.vector_load %arg22[%get3A] {strides = array<i32>} : memref<128xf32, #tpu.memory_space<vmem>>, vector<16xf32>,
    %get3A_6 = arith.constant 0 : index
    %get3A_7 = tpu.vector_load %arg23[%get3A_6] {strides = array<i32>} : memref<128xf32, #tpu.memory_space<vmem>>, vector<16xf32>,
    %add3A_8 = arith.addf %get3A_5, %get3A_7 : vector<16xf32>
    %iota3A = tpu.iota {dimensions = array<i32: 0>} : vector<16xi32>
    %shift_right_logical3A = arith.constant 3 : i32
    %shift_right_logical3A_9 = vector.broadcast %shift_right_logical3A : i32 to vector<16xi32>
    %shift_right_logical3A_10 = arith.shrui %iota3A, %shift_right_logical3A_9 : vector<16xi32>
    %and3A = arith.constant 7 : i32
    %and3A_11 = vector.broadcast %and3A : i32 to vector<16xi32>
    %and3A_12 = arith.andi %iota3A, %and3A_11 : vector<16xi32>
    %mul3A_13 = arith.constant 16 : i32
    %mul3A_14 = vector.broadcast %mul3A_13 : i32 to vector<16xi32>
    %mul3A_15 = arith.muli %and3A_12, %mul3A_14 : vector<16xi32>
    %scan3A_16 = arith.constant 0 : i32
    %scan3A_17 = arith.constant 80 : i32
    %scan3A_18 = arith.addi %scan3A_16, %scan3A_17 : i32
    %scan3A_19 = arith.constant 1 : i32
    scf.for %scan3A_21 = %scan3A_16 to %scan3A_18 step %scan3A_19  : i32 {
      %mul3A_22 = arith.constant 1 : i32
      %mul3A_23 = arith.muli %scan3A_21, %mul3A_22 : i32
      %add3A_24 = arith.constant 0 : i32
      %add3A_25 = arith.addi %add3A_24, %mul3A_23 : i32
      %scan3A_26 = arith.constant 0 : i32
      %scan3A_27 = arith.constant 8 : i32
      %scan3A_28 = arith.addi %scan3A_26, %scan3A_27 : i32
      %scan3A_29 = arith.constant 1 : i32
      scf.for %scan3A_36 = %scan3A_26 to %scan3A_28 step %scan3A_29  : i32 {
        %mul3A_37 = arith.constant 1 : i32
        %mul3A_38 = arith.muli %scan3A_36, %mul3A_37 : i32
        %add3A_39 = arith.constant 0 : i32
        %add3A_40 = arith.addi %add3A_39, %mul3A_38 : i32
        %mul3A_41 = arith.constant 16 : i32
        %mul3A_42 = arith.muli %add3A_40, %mul3A_41 : i32
        %get3A_43 = arith.index_cast %add3A_25 : i32 to index
        %get3A_44 = arith.index_cast %mul3A_42 : i32 to index
        %get3A_45 = tpu.vector_load %arg13[%get3A_43, %get3A_44] {strides = array<i32>} : memref<80x128xi32, #tpu.memory_space<vmem>>, vector<16xi32>,
        %mul3A_46 = arith.constant 16 : i32
        %mul3A_47 = arith.muli %add3A_40, %mul3A_46 : i32
        %get3A_48 = arith.index_cast %add3A_25 : i32 to index
        %get3A_49 = arith.index_cast %mul3A_47 : i32 to index
        %get3A_50 = tpu.vector_load %arg14[%get3A_48, %get3A_49] {strides = array<i32>} : memref<80x128xi32, #tpu.memory_space<vmem>>, vector<16xi32>,
        %gather3A = tpu.vector_load_idx %arg15[%get3A_45] : memref<10240xf32, #tpu.memory_space<vmem>>[vector<16xi32>], vector<16xf32>,
        %gather3A_51 = tpu.vector_load_idx %arg18[%get3A_50] : memref<10240xf32, #tpu.memory_space<vmem>>[vector<16xi32>], vector<16xf32>,
        %add3A_52 = arith.addf %gather3A, %gather3A_51 : vector<16xf32>
        %gt3A = arith.constant 0.000000e+00 : f32
        %gt3A_53 = vector.broadcast %gt3A : f32 to vector<16xf32>
        %gt3A_54 = arith.cmpf ogt, %add3A_52, %gt3A_53 : vector<16xf32>
        %mul3A_55 = arith.constant 2.000000e-01 : f32
        %mul3A_56 = vector.broadcast %mul3A_55 : f32 to vector<16xf32>
        %mul3A_57 = arith.mulf %add3A_52, %mul3A_56 : vector<16xf32>
        %select_n3A = arith.select %gt3A_54, %add3A_52, %mul3A_57 : vector<16xi1>, vector<16xf32>
        %sub3A = arith.subf %select_n3A, %add3A_8 : vector<16xf32>
        %exp3A = math.exp %sub3A : vector<16xf32>
        %mul3A_58 = arith.constant 2 : i32
        %mul3A_59 = arith.muli %mul3A_58, %add3A_40 : i32
        %add3A_60 = vector.broadcast %mul3A_59 : i32 to vector<16xi32>
        %add3A_61 = arith.addi %add3A_60, %shift_right_logical3A_10 : vector<16xi32>
        %add3A_62 = arith.constant 0 : i32
        %add3A_63 = vector.broadcast %add3A_62 : i32 to vector<16xi32>
        %add3A_64 = arith.addi %mul3A_15, %add3A_63 : vector<16xi32>
        tpu.vector_store_idx %arg21[%add3A_61, %add3A_64], %exp3A : memref<16x128xf32, #tpu.memory_space<vmem>>[vector<16xi32>, vector<16xi32>], vector<16xf32>,
        %gather3A_65 = tpu.vector_load_idx %arg16[%get3A_45] : memref<10240xf32, #tpu.memory_space<vmem>>[vector<16xi32>], vector<16xf32>,
        %gather3A_66 = tpu.vector_load_idx %arg19[%get3A_50] : memref<10240xf32, #tpu.memory_space<vmem>>[vector<16xi32>], vector<16xf32>,
        %add3A_67 = arith.addf %gather3A_65, %gather3A_66 : vector<16xf32>
        %gt3A_68 = arith.constant 0.000000e+00 : f32
        %gt3A_69 = vector.broadcast %gt3A_68 : f32 to vector<16xf32>
        %gt3A_70 = arith.cmpf ogt, %add3A_67, %gt3A_69 : vector<16xf32>
        %mul3A_71 = arith.constant 2.000000e-01 : f32
        %mul3A_72 = vector.broadcast %mul3A_71 : f32 to vector<16xf32>
        %mul3A_73 = arith.mulf %add3A_67, %mul3A_72 : vector<16xf32>
        %select_n3A_74 = arith.select %gt3A_70, %add3A_67, %mul3A_73 : vector<16xi1>, vector<16xf32>
        %sub3A_75 = arith.subf %select_n3A_74, %add3A_8 : vector<16xf32>
        %exp3A_76 = math.exp %sub3A_75 : vector<16xf32>
        %mul3A_77 = arith.constant 2 : i32
        %mul3A_78 = arith.muli %mul3A_77, %add3A_40 : i32
        %add3A_79 = vector.broadcast %mul3A_78 : i32 to vector<16xi32>
        %add3A_80 = arith.addi %add3A_79, %shift_right_logical3A_10 : vector<16xi32>
        %add3A_81 = arith.constant 1 : i32
        %add3A_82 = vector.broadcast %add3A_81 : i32 to vector<16xi32>
        %add3A_83 = arith.addi %mul3A_15, %add3A_82 : vector<16xi32>
        tpu.vector_store_idx %arg21[%add3A_80, %add3A_83], %exp3A_76 : memref<16x128xf32, #tpu.memory_space<vmem>>[vector<16xi32>, vector<16xi32>], vector<16xf32>,
        %gather3A_84 = tpu.vector_load_idx %arg17[%get3A_45] : memref<10240xf32, #tpu.memory_space<vmem>>[vector<16xi32>], vector<16xf32>,
        %gather3A_85 = tpu.vector_load_idx %arg20[%get3A_50] : memref<10240xf32, #tpu.memory_space<vmem>>[vector<16xi32>], vector<16xf32>,
        %add3A_86 = arith.addf %gather3A_84, %gather3A_85 : vector<16xf32>
        %gt3A_87 = arith.constant 0.000000e+00 : f32
        %gt3A_88 = vector.broadcast %gt3A_87 : f32 to vector<16xf32>
        %gt3A_89 = arith.cmpf ogt, %add3A_86, %gt3A_88 : vector<16xf32>
        %mul3A_90 = arith.constant 2.000000e-01 : f32
        %mul3A_91 = vector.broadcast %mul3A_90 : f32 to vector<16xf32>
        %mul3A_92 = arith.mulf %add3A_86, %mul3A_91 : vector<16xf32>
        %select_n3A_93 = arith.select %gt3A_89, %add3A_86, %mul3A_92 : vector<16xi1>, vector<16xf32>
        %sub3A_94 = arith.subf %select_n3A_93, %add3A_8 : vector<16xf32>
        %exp3A_95 = math.exp %sub3A_94 : vector<16xf32>
        %mul3A_96 = arith.constant 2 : i32
        %mul3A_97 = arith.muli %mul3A_96, %add3A_40 : i32
        %add3A_98 = vector.broadcast %mul3A_97 : i32 to vector<16xi32>
        %add3A_99 = arith.addi %add3A_98, %shift_right_logical3A_10 : vector<16xi32>
        %add3A_100 = arith.constant 2 : i32
        %add3A_101 = vector.broadcast %add3A_100 : i32 to vector<16xi32>
        %add3A_102 = arith.addi %mul3A_15, %add3A_101 : vector<16xi32>
        tpu.vector_store_idx %arg21[%add3A_99, %add3A_102], %exp3A_95 : memref<16x128xf32, #tpu.memory_space<vmem>>[vector<16xi32>, vector<16xi32>], vector<16xf32>,
      }
      %scan3A_30 = arith.constant 8 : i32
      %mul3A_31 = arith.constant 80 : i32
      %mul3A_32 = arith.muli %add3A, %mul3A_31 : i32
      %add3A_33 = arith.addi %mul3A_32, %add3A_25 : i32
      %mul3A_34 = arith.constant 16 : i32
      %mul3A_35 = arith.muli %add3A_33, %mul3A_34 : i32
      "tpu.region"() ({
        %run_scoped3A = tpu.sem_alloc : memref<!tpu.dma_semaphore, #tpu.memory_space<semaphore_mem>>
        %dma_start3A = arith.constant 0 : i32
        %dma_start3A_36 = tpu.memref_slice %arg12[%mul3A_35, %dma_start3A] : memref<40960x128xf32, #tpu.memory_space<hbm>> -> memref<16x128xf32, #tpu.memory_space<hbm>>
        %dma_start3A_37 = arith.constant 0 : i32
        %dma_start3A_38 = tpu.memref_slice %arg12[%mul3A_35, %dma_start3A_37] : memref<40960x128xf32, #tpu.memory_space<hbm>> -> memref<16x128xf32, #tpu.memory_space<hbm>>
        tpu.enqueue_dma source(%arg21 : memref<16x128xf32, #tpu.memory_space<vmem>>) target(%dma_start3A_38 : memref<16x128xf32, #tpu.memory_space<hbm>>) target_semaphore(%run_scoped3A : memref<!tpu.dma_semaphore, #tpu.memory_space<semaphore_mem>>)
        %dma_wait3A = arith.constant 0 : i32
        %dma_wait3A_39 = tpu.memref_slice %arg12[%mul3A_35, %dma_wait3A] : memref<40960x128xf32, #tpu.memory_space<hbm>> -> memref<16x128xf32, #tpu.memory_space<hbm>>
        %dma_wait3A_40 = arith.constant 0 : i32
        %dma_wait3A_41 = tpu.memref_slice %arg12[%mul3A_35, %dma_wait3A_40] : memref<40960x128xf32, #tpu.memory_space<hbm>> -> memref<16x128xf32, #tpu.memory_space<hbm>>
        tpu.wait_dma2 semaphore(%run_scoped3A : memref<!tpu.dma_semaphore, #tpu.memory_space<semaphore_mem>>) src(%arg21 : memref<16x128xf32, #tpu.memory_space<vmem>>) dst(%dma_wait3A_41 : memref<16x128xf32, #tpu.memory_space<hbm>>)
        tpu.yield
      }) : () -> ()
    }
    %scan3A_20 = arith.constant 80 : i32
    return
  }
}

#map = affine_map<(d0, d1) -> (0, 0)>
#map1 = affine_map<(d0, d1) -> (0, 0, 0)>
module attributes {stable_mosaic.version = 14 : i64} {
  func.func @k(%arg0: i32, %arg1: i32, %arg2: memref<10240x128xf32, #tpu.memory_space<hbm>>, %arg3: memref<40960x128xf32, #tpu.memory_space<hbm>>, %arg4: memref<32x80x128xi32, #tpu.memory_space<hbm>>, %arg5: memref<32x80x128xi32, #tpu.memory_space<hbm>>, %arg6: memref<2x10240x128xf32, #tpu.memory_space<hbm>>, %arg7: memref<80x128xi32, #tpu.memory_space<vmem>>, %arg8: memref<80x128xi32, #tpu.memory_space<vmem>>, %arg9: memref<16x128xf32, #tpu.memory_space<vmem>>, %arg10: memref<128x128xf32, #tpu.memory_space<vmem>>, %arg11: memref<10240x128xf32, #tpu.memory_space<vmem_shared>>) attributes {dimension_semantics = [#tpu.dimension_semantics<core_parallel>, #tpu.dimension_semantics<subcore_parallel>], iteration_bounds = array<i64: 2, 16>, scalar_prefetch = 0 : i64, scratch_operands = 5 : i64, tpu.core_type = #tpu.core_type<sc_vector_subcore>, window_params = [{transform_indices = #map}, {transform_indices = #map}, {transform_indices = #map1}, {transform_indices = #map1}, {transform_indices = #map1}]} {
    %mul3A = arith.constant 16 : i32
    %mul3A_0 = arith.muli %arg0, %mul3A : i32
    %add3A = arith.addi %mul3A_0, %arg1 : i32
    %scan3A = arith.constant 0 : i32
    %scan3A_1 = arith.constant 128 : i32
    %scan3A_2 = arith.addi %scan3A, %scan3A_1 : i32
    %scan3A_3 = arith.constant 1 : i32
    scf.for %scan3A_71 = %scan3A to %scan3A_2 step %scan3A_3  : i32 {
      %mul3A_72 = arith.constant 1 : i32
      %mul3A_73 = arith.muli %scan3A_71, %mul3A_72 : i32
      %add3A_74 = arith.constant 0 : i32
      %add3A_75 = arith.addi %add3A_74, %mul3A_73 : i32
      %scan3A_76 = arith.constant 0 : i32
      %scan3A_77 = arith.constant 8 : i32
      %scan3A_78 = arith.addi %scan3A_76, %scan3A_77 : i32
      %scan3A_79 = arith.constant 1 : i32
      scf.for %scan3A_81 = %scan3A_76 to %scan3A_78 step %scan3A_79  : i32 {
        %mul3A_82 = arith.constant 16 : i32
        %mul3A_83 = arith.muli %scan3A_81, %mul3A_82 : i32
        %add3A_84 = arith.constant 0 : i32
        %add3A_85 = arith.addi %add3A_84, %mul3A_83 : i32
        %broadcast_in_dim3A = arith.constant 0.000000e+00 : f32
        %broadcast_in_dim3A_86 = vector.broadcast %broadcast_in_dim3A : f32 to vector<16xf32>
        %swap3A = arith.index_cast %add3A_75 : i32 to index
        %swap3A_87 = arith.index_cast %add3A_85 : i32 to index
        %swap3A_88 = tpu.vector_load %arg10[%swap3A, %swap3A_87] {strides = array<i32>} : memref<128x128xf32, #tpu.memory_space<vmem>>, vector<1x16xf32>,
        %swap3A_89 = vector.shape_cast %swap3A_88 : vector<1x16xf32> to vector<16xf32>
        %swap3A_90 = vector.shape_cast %broadcast_in_dim3A_86 : vector<16xf32> to vector<1x16xf32>
        tpu.vector_store %arg10[%swap3A, %swap3A_87], %swap3A_90 {strides = array<i32>} : memref<128x128xf32, #tpu.memory_space<vmem>>, vector<1x16xf32>,
      }
      %scan3A_80 = arith.constant 8 : i32
    }
    %scan3A_4 = arith.constant 128 : i32
    %mul3A_5 = arith.constant 640 : i32
    %mul3A_6 = arith.muli %arg1, %mul3A_5 : i32
    %add3A_7 = arith.constant 0 : i32
    %add3A_8 = arith.addi %mul3A_6, %add3A_7 : i32
    "tpu.region"() ({
      %run_scoped3A = tpu.sem_alloc : memref<!tpu.dma_semaphore, #tpu.memory_space<semaphore_mem>>
      %dma_start3A = arith.constant 0 : i32
      %dma_start3A_71 = tpu.memref_slice %arg11[%add3A_8, %dma_start3A] : memref<10240x128xf32, #tpu.memory_space<vmem_shared>> -> memref<128x128xf32, #tpu.memory_space<vmem_shared>>
      %dma_start3A_72 = arith.constant 0 : i32
      %dma_start3A_73 = tpu.memref_slice %arg11[%add3A_8, %dma_start3A_72] : memref<10240x128xf32, #tpu.memory_space<vmem_shared>> -> memref<128x128xf32, #tpu.memory_space<vmem_shared>>
      tpu.enqueue_dma source(%arg10 : memref<128x128xf32, #tpu.memory_space<vmem>>) target(%dma_start3A_73 : memref<128x128xf32, #tpu.memory_space<vmem_shared>>) target_semaphore(%run_scoped3A : memref<!tpu.dma_semaphore, #tpu.memory_space<semaphore_mem>>)
      %dma_wait3A = arith.constant 0 : i32
      %dma_wait3A_74 = tpu.memref_slice %arg11[%add3A_8, %dma_wait3A] : memref<10240x128xf32, #tpu.memory_space<vmem_shared>> -> memref<128x128xf32, #tpu.memory_space<vmem_shared>>
      %dma_wait3A_75 = arith.constant 0 : i32
      %dma_wait3A_76 = tpu.memref_slice %arg11[%add3A_8, %dma_wait3A_75] : memref<10240x128xf32, #tpu.memory_space<vmem_shared>> -> memref<128x128xf32, #tpu.memory_space<vmem_shared>>
      tpu.wait_dma2 semaphore(%run_scoped3A : memref<!tpu.dma_semaphore, #tpu.memory_space<semaphore_mem>>) src(%arg10 : memref<128x128xf32, #tpu.memory_space<vmem>>) dst(%dma_wait3A_76 : memref<128x128xf32, #tpu.memory_space<vmem_shared>>)
      tpu.yield
    }) : () -> ()
    %mul3A_9 = arith.constant 640 : i32
    %mul3A_10 = arith.muli %arg1, %mul3A_9 : i32
    %add3A_11 = arith.constant 128 : i32
    %add3A_12 = arith.addi %mul3A_10, %add3A_11 : i32
    "tpu.region"() ({
      %run_scoped3A = tpu.sem_alloc : memref<!tpu.dma_semaphore, #tpu.memory_space<semaphore_mem>>
      %dma_start3A = arith.constant 0 : i32
      %dma_start3A_71 = tpu.memref_slice %arg11[%add3A_12, %dma_start3A] : memref<10240x128xf32, #tpu.memory_space<vmem_shared>> -> memref<128x128xf32, #tpu.memory_space<vmem_shared>>
      %dma_start3A_72 = arith.constant 0 : i32
      %dma_start3A_73 = tpu.memref_slice %arg11[%add3A_12, %dma_start3A_72] : memref<10240x128xf32, #tpu.memory_space<vmem_shared>> -> memref<128x128xf32, #tpu.memory_space<vmem_shared>>
      tpu.enqueue_dma source(%arg10 : memref<128x128xf32, #tpu.memory_space<vmem>>) target(%dma_start3A_73 : memref<128x128xf32, #tpu.memory_space<vmem_shared>>) target_semaphore(%run_scoped3A : memref<!tpu.dma_semaphore, #tpu.memory_space<semaphore_mem>>)
      %dma_wait3A = arith.constant 0 : i32
      %dma_wait3A_74 = tpu.memref_slice %arg11[%add3A_12, %dma_wait3A] : memref<10240x128xf32, #tpu.memory_space<vmem_shared>> -> memref<128x128xf32, #tpu.memory_space<vmem_shared>>
      %dma_wait3A_75 = arith.constant 0 : i32
      %dma_wait3A_76 = tpu.memref_slice %arg11[%add3A_12, %dma_wait3A_75] : memref<10240x128xf32, #tpu.memory_space<vmem_shared>> -> memref<128x128xf32, #tpu.memory_space<vmem_shared>>
      tpu.wait_dma2 semaphore(%run_scoped3A : memref<!tpu.dma_semaphore, #tpu.memory_space<semaphore_mem>>) src(%arg10 : memref<128x128xf32, #tpu.memory_space<vmem>>) dst(%dma_wait3A_76 : memref<128x128xf32, #tpu.memory_space<vmem_shared>>)
      tpu.yield
    }) : () -> ()
    %mul3A_13 = arith.constant 640 : i32
    %mul3A_14 = arith.muli %arg1, %mul3A_13 : i32
    %add3A_15 = arith.constant 256 : i32
    %add3A_16 = arith.addi %mul3A_14, %add3A_15 : i32
    "tpu.region"() ({
      %run_scoped3A = tpu.sem_alloc : memref<!tpu.dma_semaphore, #tpu.memory_space<semaphore_mem>>
      %dma_start3A = arith.constant 0 : i32
      %dma_start3A_71 = tpu.memref_slice %arg11[%add3A_16, %dma_start3A] : memref<10240x128xf32, #tpu.memory_space<vmem_shared>> -> memref<128x128xf32, #tpu.memory_space<vmem_shared>>
      %dma_start3A_72 = arith.constant 0 : i32
      %dma_start3A_73 = tpu.memref_slice %arg11[%add3A_16, %dma_start3A_72] : memref<10240x128xf32, #tpu.memory_space<vmem_shared>> -> memref<128x128xf32, #tpu.memory_space<vmem_shared>>
      tpu.enqueue_dma source(%arg10 : memref<128x128xf32, #tpu.memory_space<vmem>>) target(%dma_start3A_73 : memref<128x128xf32, #tpu.memory_space<vmem_shared>>) target_semaphore(%run_scoped3A : memref<!tpu.dma_semaphore, #tpu.memory_space<semaphore_mem>>)
      %dma_wait3A = arith.constant 0 : i32
      %dma_wait3A_74 = tpu.memref_slice %arg11[%add3A_16, %dma_wait3A] : memref<10240x128xf32, #tpu.memory_space<vmem_shared>> -> memref<128x128xf32, #tpu.memory_space<vmem_shared>>
      %dma_wait3A_75 = arith.constant 0 : i32
      %dma_wait3A_76 = tpu.memref_slice %arg11[%add3A_16, %dma_wait3A_75] : memref<10240x128xf32, #tpu.memory_space<vmem_shared>> -> memref<128x128xf32, #tpu.memory_space<vmem_shared>>
      tpu.wait_dma2 semaphore(%run_scoped3A : memref<!tpu.dma_semaphore, #tpu.memory_space<semaphore_mem>>) src(%arg10 : memref<128x128xf32, #tpu.memory_space<vmem>>) dst(%dma_wait3A_76 : memref<128x128xf32, #tpu.memory_space<vmem_shared>>)
      tpu.yield
    }) : () -> ()
    %mul3A_17 = arith.constant 640 : i32
    %mul3A_18 = arith.muli %arg1, %mul3A_17 : i32
    %add3A_19 = arith.constant 384 : i32
    %add3A_20 = arith.addi %mul3A_18, %add3A_19 : i32
    "tpu.region"() ({
      %run_scoped3A = tpu.sem_alloc : memref<!tpu.dma_semaphore, #tpu.memory_space<semaphore_mem>>
      %dma_start3A = arith.constant 0 : i32
      %dma_start3A_71 = tpu.memref_slice %arg11[%add3A_20, %dma_start3A] : memref<10240x128xf32, #tpu.memory_space<vmem_shared>> -> memref<128x128xf32, #tpu.memory_space<vmem_shared>>
      %dma_start3A_72 = arith.constant 0 : i32
      %dma_start3A_73 = tpu.memref_slice %arg11[%add3A_20, %dma_start3A_72] : memref<10240x128xf32, #tpu.memory_space<vmem_shared>> -> memref<128x128xf32, #tpu.memory_space<vmem_shared>>
      tpu.enqueue_dma source(%arg10 : memref<128x128xf32, #tpu.memory_space<vmem>>) target(%dma_start3A_73 : memref<128x128xf32, #tpu.memory_space<vmem_shared>>) target_semaphore(%run_scoped3A : memref<!tpu.dma_semaphore, #tpu.memory_space<semaphore_mem>>)
      %dma_wait3A = arith.constant 0 : i32
      %dma_wait3A_74 = tpu.memref_slice %arg11[%add3A_20, %dma_wait3A] : memref<10240x128xf32, #tpu.memory_space<vmem_shared>> -> memref<128x128xf32, #tpu.memory_space<vmem_shared>>
      %dma_wait3A_75 = arith.constant 0 : i32
      %dma_wait3A_76 = tpu.memref_slice %arg11[%add3A_20, %dma_wait3A_75] : memref<10240x128xf32, #tpu.memory_space<vmem_shared>> -> memref<128x128xf32, #tpu.memory_space<vmem_shared>>
      tpu.wait_dma2 semaphore(%run_scoped3A : memref<!tpu.dma_semaphore, #tpu.memory_space<semaphore_mem>>) src(%arg10 : memref<128x128xf32, #tpu.memory_space<vmem>>) dst(%dma_wait3A_76 : memref<128x128xf32, #tpu.memory_space<vmem_shared>>)
      tpu.yield
    }) : () -> ()
    %mul3A_21 = arith.constant 640 : i32
    %mul3A_22 = arith.muli %arg1, %mul3A_21 : i32
    %add3A_23 = arith.constant 512 : i32
    %add3A_24 = arith.addi %mul3A_22, %add3A_23 : i32
    "tpu.region"() ({
      %run_scoped3A = tpu.sem_alloc : memref<!tpu.dma_semaphore, #tpu.memory_space<semaphore_mem>>
      %dma_start3A = arith.constant 0 : i32
      %dma_start3A_71 = tpu.memref_slice %arg11[%add3A_24, %dma_start3A] : memref<10240x128xf32, #tpu.memory_space<vmem_shared>> -> memref<128x128xf32, #tpu.memory_space<vmem_shared>>
      %dma_start3A_72 = arith.constant 0 : i32
      %dma_start3A_73 = tpu.memref_slice %arg11[%add3A_24, %dma_start3A_72] : memref<10240x128xf32, #tpu.memory_space<vmem_shared>> -> memref<128x128xf32, #tpu.memory_space<vmem_shared>>
      tpu.enqueue_dma source(%arg10 : memref<128x128xf32, #tpu.memory_space<vmem>>) target(%dma_start3A_73 : memref<128x128xf32, #tpu.memory_space<vmem_shared>>) target_semaphore(%run_scoped3A : memref<!tpu.dma_semaphore, #tpu.memory_space<semaphore_mem>>)
      %dma_wait3A = arith.constant 0 : i32
      %dma_wait3A_74 = tpu.memref_slice %arg11[%add3A_24, %dma_wait3A] : memref<10240x128xf32, #tpu.memory_space<vmem_shared>> -> memref<128x128xf32, #tpu.memory_space<vmem_shared>>
      %dma_wait3A_75 = arith.constant 0 : i32
      %dma_wait3A_76 = tpu.memref_slice %arg11[%add3A_24, %dma_wait3A_75] : memref<10240x128xf32, #tpu.memory_space<vmem_shared>> -> memref<128x128xf32, #tpu.memory_space<vmem_shared>>
      tpu.wait_dma2 semaphore(%run_scoped3A : memref<!tpu.dma_semaphore, #tpu.memory_space<semaphore_mem>>) src(%arg10 : memref<128x128xf32, #tpu.memory_space<vmem>>) dst(%dma_wait3A_76 : memref<128x128xf32, #tpu.memory_space<vmem_shared>>)
      tpu.yield
    }) : () -> ()
    "tpu.region"() ({
      %run_scoped3A = tpu.sem_alloc : memref<!tpu.dma_semaphore, #tpu.memory_space<semaphore_mem>>
      %dma_start3A = arith.constant 0 : i32
      %dma_start3A_71 = arith.constant 0 : i32
      %dma_start3A_72 = tpu.memref_slice %arg4[%add3A, %dma_start3A, %dma_start3A_71] : memref<32x80x128xi32, #tpu.memory_space<hbm>> -> memref<1x80x128xi32, #tpu.memory_space<hbm>>
      %dma_start3A_73 = tpu.memref_squeeze %dma_start3A_72 : memref<1x80x128xi32, #tpu.memory_space<hbm>> -> memref<80x128xi32, #tpu.memory_space<hbm>>
      %dma_start3A_74 = arith.constant 0 : i32
      %dma_start3A_75 = arith.constant 0 : i32
      %dma_start3A_76 = tpu.memref_slice %arg4[%add3A, %dma_start3A_74, %dma_start3A_75] : memref<32x80x128xi32, #tpu.memory_space<hbm>> -> memref<1x80x128xi32, #tpu.memory_space<hbm>>
      %dma_start3A_77 = tpu.memref_squeeze %dma_start3A_76 : memref<1x80x128xi32, #tpu.memory_space<hbm>> -> memref<80x128xi32, #tpu.memory_space<hbm>>
      tpu.enqueue_dma source(%dma_start3A_77 : memref<80x128xi32, #tpu.memory_space<hbm>>) target(%arg7 : memref<80x128xi32, #tpu.memory_space<vmem>>) target_semaphore(%run_scoped3A : memref<!tpu.dma_semaphore, #tpu.memory_space<semaphore_mem>>)
      %dma_wait3A = arith.constant 0 : i32
      %dma_wait3A_78 = arith.constant 0 : i32
      %dma_wait3A_79 = tpu.memref_slice %arg4[%add3A, %dma_wait3A, %dma_wait3A_78] : memref<32x80x128xi32, #tpu.memory_space<hbm>> -> memref<1x80x128xi32, #tpu.memory_space<hbm>>
      %dma_wait3A_80 = tpu.memref_squeeze %dma_wait3A_79 : memref<1x80x128xi32, #tpu.memory_space<hbm>> -> memref<80x128xi32, #tpu.memory_space<hbm>>
      %dma_wait3A_81 = arith.constant 0 : i32
      %dma_wait3A_82 = arith.constant 0 : i32
      %dma_wait3A_83 = tpu.memref_slice %arg4[%add3A, %dma_wait3A_81, %dma_wait3A_82] : memref<32x80x128xi32, #tpu.memory_space<hbm>> -> memref<1x80x128xi32, #tpu.memory_space<hbm>>
      %dma_wait3A_84 = tpu.memref_squeeze %dma_wait3A_83 : memref<1x80x128xi32, #tpu.memory_space<hbm>> -> memref<80x128xi32, #tpu.memory_space<hbm>>
      tpu.wait_dma2 semaphore(%run_scoped3A : memref<!tpu.dma_semaphore, #tpu.memory_space<semaphore_mem>>) src(%dma_wait3A_84 : memref<80x128xi32, #tpu.memory_space<hbm>>) dst(%arg7 : memref<80x128xi32, #tpu.memory_space<vmem>>)
      tpu.yield
    }) : () -> ()
    "tpu.region"() ({
      %run_scoped3A = tpu.sem_alloc : memref<!tpu.dma_semaphore, #tpu.memory_space<semaphore_mem>>
      %dma_start3A = arith.constant 0 : i32
      %dma_start3A_71 = arith.constant 0 : i32
      %dma_start3A_72 = tpu.memref_slice %arg5[%add3A, %dma_start3A, %dma_start3A_71] : memref<32x80x128xi32, #tpu.memory_space<hbm>> -> memref<1x80x128xi32, #tpu.memory_space<hbm>>
      %dma_start3A_73 = tpu.memref_squeeze %dma_start3A_72 : memref<1x80x128xi32, #tpu.memory_space<hbm>> -> memref<80x128xi32, #tpu.memory_space<hbm>>
      %dma_start3A_74 = arith.constant 0 : i32
      %dma_start3A_75 = arith.constant 0 : i32
      %dma_start3A_76 = tpu.memref_slice %arg5[%add3A, %dma_start3A_74, %dma_start3A_75] : memref<32x80x128xi32, #tpu.memory_space<hbm>> -> memref<1x80x128xi32, #tpu.memory_space<hbm>>
      %dma_start3A_77 = tpu.memref_squeeze %dma_start3A_76 : memref<1x80x128xi32, #tpu.memory_space<hbm>> -> memref<80x128xi32, #tpu.memory_space<hbm>>
      tpu.enqueue_dma source(%dma_start3A_77 : memref<80x128xi32, #tpu.memory_space<hbm>>) target(%arg8 : memref<80x128xi32, #tpu.memory_space<vmem>>) target_semaphore(%run_scoped3A : memref<!tpu.dma_semaphore, #tpu.memory_space<semaphore_mem>>)
      %dma_wait3A = arith.constant 0 : i32
      %dma_wait3A_78 = arith.constant 0 : i32
      %dma_wait3A_79 = tpu.memref_slice %arg5[%add3A, %dma_wait3A, %dma_wait3A_78] : memref<32x80x128xi32, #tpu.memory_space<hbm>> -> memref<1x80x128xi32, #tpu.memory_space<hbm>>
      %dma_wait3A_80 = tpu.memref_squeeze %dma_wait3A_79 : memref<1x80x128xi32, #tpu.memory_space<hbm>> -> memref<80x128xi32, #tpu.memory_space<hbm>>
      %dma_wait3A_81 = arith.constant 0 : i32
      %dma_wait3A_82 = arith.constant 0 : i32
      %dma_wait3A_83 = tpu.memref_slice %arg5[%add3A, %dma_wait3A_81, %dma_wait3A_82] : memref<32x80x128xi32, #tpu.memory_space<hbm>> -> memref<1x80x128xi32, #tpu.memory_space<hbm>>
      %dma_wait3A_84 = tpu.memref_squeeze %dma_wait3A_83 : memref<1x80x128xi32, #tpu.memory_space<hbm>> -> memref<80x128xi32, #tpu.memory_space<hbm>>
      tpu.wait_dma2 semaphore(%run_scoped3A : memref<!tpu.dma_semaphore, #tpu.memory_space<semaphore_mem>>) src(%dma_wait3A_84 : memref<80x128xi32, #tpu.memory_space<hbm>>) dst(%arg8 : memref<80x128xi32, #tpu.memory_space<vmem>>)
      tpu.yield
    }) : () -> ()
    %barrier3A = arith.constant 0 : index
    tpu.barrier barrier_id(%barrier3A)
    %scan3A_25 = arith.constant 0 : i32
    %scan3A_26 = arith.constant 80 : i32
    %scan3A_27 = arith.addi %scan3A_25, %scan3A_26 : i32
    %scan3A_28 = arith.constant 1 : i32
    scf.for %scan3A_71 = %scan3A_25 to %scan3A_27 step %scan3A_28  : i32 {
      %mul3A_72 = arith.constant 1 : i32
      %mul3A_73 = arith.muli %scan3A_71, %mul3A_72 : i32
      %add3A_74 = arith.constant 0 : i32
      %add3A_75 = arith.addi %add3A_74, %mul3A_73 : i32
      "tpu.region"() ({
        %run_scoped3A = tpu.sem_alloc : memref<!tpu.dma_semaphore, #tpu.memory_space<semaphore_mem>>
        %dma_start3A = arith.constant 0 : i32
        %dma_start3A_86 = tpu.memref_slice %arg7[%add3A_75, %dma_start3A] : memref<80x128xi32, #tpu.memory_space<vmem>> -> memref<1x128xi32, #tpu.memory_space<vmem>>
        %dma_start3A_87 = tpu.memref_squeeze %dma_start3A_86 : memref<1x128xi32, #tpu.memory_space<vmem>> -> memref<128xi32, #tpu.memory_space<vmem>>
        %dma_start3A_88 = arith.constant 0 : i32
        %dma_start3A_89 = arith.constant 0 : i32
        %dma_start3A_90 = tpu.memref_slice %arg2[%dma_start3A_88, %dma_start3A_89] : memref<10240x128xf32, #tpu.memory_space<hbm>> -> memref<10240x128xf32, #tpu.memory_space<hbm>>
        tpu.enqueue_indirect_dma source(%dma_start3A_90 : memref<10240x128xf32, #tpu.memory_space<hbm>>) target(%arg10 : memref<128x128xf32, #tpu.memory_space<vmem>>) offsets(%dma_start3A_87 : memref<128xi32, #tpu.memory_space<vmem>>) semaphore(%run_scoped3A : memref<!tpu.dma_semaphore, #tpu.memory_space<semaphore_mem>>)
        %dma_wait3A = arith.constant 0 : i32
        %dma_wait3A_91 = tpu.memref_slice %arg7[%add3A_75, %dma_wait3A] : memref<80x128xi32, #tpu.memory_space<vmem>> -> memref<1x128xi32, #tpu.memory_space<vmem>>
        %dma_wait3A_92 = tpu.memref_squeeze %dma_wait3A_91 : memref<1x128xi32, #tpu.memory_space<vmem>> -> memref<128xi32, #tpu.memory_space<vmem>>
        %dma_wait3A_93 = arith.constant 0 : i32
        %dma_wait3A_94 = arith.constant 0 : i32
        %dma_wait3A_95 = tpu.memref_slice %arg2[%dma_wait3A_93, %dma_wait3A_94] : memref<10240x128xf32, #tpu.memory_space<hbm>> -> memref<10240x128xf32, #tpu.memory_space<hbm>>
        tpu.wait_indirect_dma semaphore(%run_scoped3A : memref<!tpu.dma_semaphore, #tpu.memory_space<semaphore_mem>>) src(%dma_wait3A_95 : memref<10240x128xf32, #tpu.memory_space<hbm>>) dst(%arg10 : memref<128x128xf32, #tpu.memory_space<vmem>>)
        tpu.yield
      }) : () -> ()
      %mul3A_76 = arith.constant 80 : i32
      %mul3A_77 = arith.muli %add3A, %mul3A_76 : i32
      %add3A_78 = arith.addi %mul3A_77, %add3A_75 : i32
      %mul3A_79 = arith.constant 16 : i32
      %mul3A_80 = arith.muli %add3A_78, %mul3A_79 : i32
      "tpu.region"() ({
        %run_scoped3A = tpu.sem_alloc : memref<!tpu.dma_semaphore, #tpu.memory_space<semaphore_mem>>
        %dma_start3A = arith.constant 0 : i32
        %dma_start3A_86 = tpu.memref_slice %arg3[%mul3A_80, %dma_start3A] : memref<40960x128xf32, #tpu.memory_space<hbm>> -> memref<16x128xf32, #tpu.memory_space<hbm>>
        %dma_start3A_87 = arith.constant 0 : i32
        %dma_start3A_88 = tpu.memref_slice %arg3[%mul3A_80, %dma_start3A_87] : memref<40960x128xf32, #tpu.memory_space<hbm>> -> memref<16x128xf32, #tpu.memory_space<hbm>>
        tpu.enqueue_dma source(%dma_start3A_88 : memref<16x128xf32, #tpu.memory_space<hbm>>) target(%arg9 : memref<16x128xf32, #tpu.memory_space<vmem>>) target_semaphore(%run_scoped3A : memref<!tpu.dma_semaphore, #tpu.memory_space<semaphore_mem>>)
        %dma_wait3A = arith.constant 0 : i32
        %dma_wait3A_89 = tpu.memref_slice %arg3[%mul3A_80, %dma_wait3A] : memref<40960x128xf32, #tpu.memory_space<hbm>> -> memref<16x128xf32, #tpu.memory_space<hbm>>
        %dma_wait3A_90 = arith.constant 0 : i32
        %dma_wait3A_91 = tpu.memref_slice %arg3[%mul3A_80, %dma_wait3A_90] : memref<40960x128xf32, #tpu.memory_space<hbm>> -> memref<16x128xf32, #tpu.memory_space<hbm>>
        tpu.wait_dma2 semaphore(%run_scoped3A : memref<!tpu.dma_semaphore, #tpu.memory_space<semaphore_mem>>) src(%dma_wait3A_91 : memref<16x128xf32, #tpu.memory_space<hbm>>) dst(%arg9 : memref<16x128xf32, #tpu.memory_space<vmem>>)
        tpu.yield
      }) : () -> ()
      %scan3A_81 = arith.constant 0 : i32
      %scan3A_82 = arith.constant 128 : i32
      %scan3A_83 = arith.addi %scan3A_81, %scan3A_82 : i32
      %scan3A_84 = arith.constant 1 : i32
      scf.for %scan3A_86 = %scan3A_81 to %scan3A_83 step %scan3A_84  : i32 {
        %mul3A_87 = arith.constant 1 : i32
        %mul3A_88 = arith.muli %scan3A_86, %mul3A_87 : i32
        %add3A_89 = arith.constant 0 : i32
        %add3A_90 = arith.addi %add3A_89, %mul3A_88 : i32
        %shift_right_logical3A = arith.constant 3 : i32
        %shift_right_logical3A_91 = arith.shrui %add3A_90, %shift_right_logical3A : i32
        %and3A = arith.constant 7 : i32
        %and3A_92 = arith.andi %add3A_90, %and3A : i32
        %mul3A_93 = arith.constant 16 : i32
        %mul3A_94 = arith.muli %and3A_92, %mul3A_93 : i32
        %get3A = arith.index_cast %shift_right_logical3A_91 : i32 to index
        %get3A_95 = arith.index_cast %mul3A_94 : i32 to index
        %get3A_96 = tpu.vector_load %arg9[%get3A, %get3A_95] {strides = array<i32>} : memref<16x128xf32, #tpu.memory_space<vmem>>, vector<1x16xf32>,
        %get3A_97 = vector.shape_cast %get3A_96 : vector<1x16xf32> to vector<16xf32>
        %slice3A = vector.extract_strided_slice %get3A_97 {offsets = [2], sizes = [1], strides = [1]} : vector<16xf32> to vector<1xf32>
        %squeeze3A = vector.extract %slice3A[0] : f32 from vector<1xf32>
        %broadcast_in_dim3A = vector.broadcast %squeeze3A : f32 to vector<16xf32>
        %get3A_98 = arith.index_cast %add3A_90 : i32 to index
        %get3A_99 = arith.constant 0 : index
        %get3A_100 = tpu.vector_load %arg10[%get3A_98, %get3A_99] {strides = array<i32>} : memref<128x128xf32, #tpu.memory_space<vmem>>, vector<1x16xf32>,
        %get3A_101 = vector.shape_cast %get3A_100 : vector<1x16xf32> to vector<16xf32>
        %mul3A_102 = arith.mulf %get3A_101, %broadcast_in_dim3A : vector<16xf32>
        %swap3A = arith.index_cast %add3A_90 : i32 to index
        %swap3A_103 = arith.constant 0 : index
        %swap3A_104 = tpu.vector_load %arg10[%swap3A, %swap3A_103] {strides = array<i32>} : memref<128x128xf32, #tpu.memory_space<vmem>>, vector<1x16xf32>,
        %swap3A_105 = vector.shape_cast %swap3A_104 : vector<1x16xf32> to vector<16xf32>
        %swap3A_106 = vector.shape_cast %mul3A_102 : vector<16xf32> to vector<1x16xf32>
        tpu.vector_store %arg10[%swap3A, %swap3A_103], %swap3A_106 {strides = array<i32>} : memref<128x128xf32, #tpu.memory_space<vmem>>, vector<1x16xf32>,
        %get3A_107 = arith.index_cast %add3A_90 : i32 to index
        %get3A_108 = arith.constant 16 : index
        %get3A_109 = tpu.vector_load %arg10[%get3A_107, %get3A_108] {strides = array<i32>} : memref<128x128xf32, #tpu.memory_space<vmem>>, vector<1x16xf32>,
        %get3A_110 = vector.shape_cast %get3A_109 : vector<1x16xf32> to vector<16xf32>
        %mul3A_111 = arith.mulf %get3A_110, %broadcast_in_dim3A : vector<16xf32>
        %swap3A_112 = arith.index_cast %add3A_90 : i32 to index
        %swap3A_113 = arith.constant 16 : index
        %swap3A_114 = tpu.vector_load %arg10[%swap3A_112, %swap3A_113] {strides = array<i32>} : memref<128x128xf32, #tpu.memory_space<vmem>>, vector<1x16xf32>,
        %swap3A_115 = vector.shape_cast %swap3A_114 : vector<1x16xf32> to vector<16xf32>
        %swap3A_116 = vector.shape_cast %mul3A_111 : vector<16xf32> to vector<1x16xf32>
        tpu.vector_store %arg10[%swap3A_112, %swap3A_113], %swap3A_116 {strides = array<i32>} : memref<128x128xf32, #tpu.memory_space<vmem>>, vector<1x16xf32>,
        %get3A_117 = arith.index_cast %add3A_90 : i32 to index
        %get3A_118 = arith.constant 32 : index
        %get3A_119 = tpu.vector_load %arg10[%get3A_117, %get3A_118] {strides = array<i32>} : memref<128x128xf32, #tpu.memory_space<vmem>>, vector<1x16xf32>,
        %get3A_120 = vector.shape_cast %get3A_119 : vector<1x16xf32> to vector<16xf32>
        %mul3A_121 = arith.mulf %get3A_120, %broadcast_in_dim3A : vector<16xf32>
        %swap3A_122 = arith.index_cast %add3A_90 : i32 to index
        %swap3A_123 = arith.constant 32 : index
        %swap3A_124 = tpu.vector_load %arg10[%swap3A_122, %swap3A_123] {strides = array<i32>} : memref<128x128xf32, #tpu.memory_space<vmem>>, vector<1x16xf32>,
        %swap3A_125 = vector.shape_cast %swap3A_124 : vector<1x16xf32> to vector<16xf32>
        %swap3A_126 = vector.shape_cast %mul3A_121 : vector<16xf32> to vector<1x16xf32>
        tpu.vector_store %arg10[%swap3A_122, %swap3A_123], %swap3A_126 {strides = array<i32>} : memref<128x128xf32, #tpu.memory_space<vmem>>, vector<1x16xf32>,
        %get3A_127 = arith.index_cast %add3A_90 : i32 to index
        %get3A_128 = arith.constant 48 : index
        %get3A_129 = tpu.vector_load %arg10[%get3A_127, %get3A_128] {strides = array<i32>} : memref<128x128xf32, #tpu.memory_space<vmem>>, vector<1x16xf32>,
        %get3A_130 = vector.shape_cast %get3A_129 : vector<1x16xf32> to vector<16xf32>
        %mul3A_131 = arith.mulf %get3A_130, %broadcast_in_dim3A : vector<16xf32>
        %swap3A_132 = arith.index_cast %add3A_90 : i32 to index
        %swap3A_133 = arith.constant 48 : index
        %swap3A_134 = tpu.vector_load %arg10[%swap3A_132, %swap3A_133] {strides = array<i32>} : memref<128x128xf32, #tpu.memory_space<vmem>>, vector<1x16xf32>,
        %swap3A_135 = vector.shape_cast %swap3A_134 : vector<1x16xf32> to vector<16xf32>
        %swap3A_136 = vector.shape_cast %mul3A_131 : vector<16xf32> to vector<1x16xf32>
        tpu.vector_store %arg10[%swap3A_132, %swap3A_133], %swap3A_136 {strides = array<i32>} : memref<128x128xf32, #tpu.memory_space<vmem>>, vector<1x16xf32>,
        %swap3A_137 = arith.index_cast %add3A_90 : i32 to index
        %swap3A_138 = arith.constant 64 : index
        %swap3A_139 = tpu.vector_load %arg10[%swap3A_137, %swap3A_138] {strides = array<i32>} : memref<128x128xf32, #tpu.memory_space<vmem>>, vector<1x16xf32>,
        %swap3A_140 = vector.shape_cast %swap3A_139 : vector<1x16xf32> to vector<16xf32>
        %swap3A_141 = vector.shape_cast %get3A_97 : vector<16xf32> to vector<1x16xf32>
        tpu.vector_store %arg10[%swap3A_137, %swap3A_138], %swap3A_141 {strides = array<i32>} : memref<128x128xf32, #tpu.memory_space<vmem>>, vector<1x16xf32>,
      }
      %scan3A_85 = arith.constant 128 : i32
      "tpu.region"() ({
        %run_scoped3A = tpu.sem_alloc : memref<!tpu.dma_semaphore, #tpu.memory_space<semaphore_mem>>
        %dma_start3A = arith.constant 0 : i32
        %dma_start3A_86 = tpu.memref_slice %arg8[%add3A_75, %dma_start3A] : memref<80x128xi32, #tpu.memory_space<vmem>> -> memref<1x128xi32, #tpu.memory_space<vmem>>
        %dma_start3A_87 = tpu.memref_squeeze %dma_start3A_86 : memref<1x128xi32, #tpu.memory_space<vmem>> -> memref<128xi32, #tpu.memory_space<vmem>>
        %dma_start3A_88 = arith.constant 0 : i32
        %dma_start3A_89 = arith.constant 0 : i32
        %dma_start3A_90 = tpu.memref_slice %arg11[%dma_start3A_88, %dma_start3A_89] : memref<10240x128xf32, #tpu.memory_space<vmem_shared>> -> memref<10240x128xf32, #tpu.memory_space<vmem_shared>>
        tpu.enqueue_indirect_dma source(%arg10 : memref<128x128xf32, #tpu.memory_space<vmem>>) target(%dma_start3A_90 : memref<10240x128xf32, #tpu.memory_space<vmem_shared>>) offsets(%dma_start3A_87 : memref<128xi32, #tpu.memory_space<vmem>>) semaphore(%run_scoped3A : memref<!tpu.dma_semaphore, #tpu.memory_space<semaphore_mem>>) {add = true}
        %dma_wait3A = arith.constant 0 : i32
        %dma_wait3A_91 = tpu.memref_slice %arg8[%add3A_75, %dma_wait3A] : memref<80x128xi32, #tpu.memory_space<vmem>> -> memref<1x128xi32, #tpu.memory_space<vmem>>
        %dma_wait3A_92 = tpu.memref_squeeze %dma_wait3A_91 : memref<1x128xi32, #tpu.memory_space<vmem>> -> memref<128xi32, #tpu.memory_space<vmem>>
        %dma_wait3A_93 = arith.constant 0 : i32
        %dma_wait3A_94 = arith.constant 0 : i32
        %dma_wait3A_95 = tpu.memref_slice %arg11[%dma_wait3A_93, %dma_wait3A_94] : memref<10240x128xf32, #tpu.memory_space<vmem_shared>> -> memref<10240x128xf32, #tpu.memory_space<vmem_shared>>
        tpu.wait_indirect_dma semaphore(%run_scoped3A : memref<!tpu.dma_semaphore, #tpu.memory_space<semaphore_mem>>) src(%arg10 : memref<128x128xf32, #tpu.memory_space<vmem>>) dst(%dma_wait3A_95 : memref<10240x128xf32, #tpu.memory_space<vmem_shared>>)
        tpu.yield
      }) : () -> ()
    }
    %scan3A_29 = arith.constant 80 : i32
    %barrier3A_30 = arith.constant 0 : index
    tpu.barrier barrier_id(%barrier3A_30)
    %mul3A_31 = arith.constant 640 : i32
    %mul3A_32 = arith.muli %arg1, %mul3A_31 : i32
    %add3A_33 = arith.constant 0 : i32
    %add3A_34 = arith.addi %mul3A_32, %add3A_33 : i32
    %mul3A_35 = arith.constant 640 : i32
    %mul3A_36 = arith.muli %arg1, %mul3A_35 : i32
    %add3A_37 = arith.constant 0 : i32
    %add3A_38 = arith.addi %mul3A_36, %add3A_37 : i32
    "tpu.region"() ({
      %run_scoped3A = tpu.sem_alloc : memref<!tpu.dma_semaphore, #tpu.memory_space<semaphore_mem>>
      %dma_start3A = arith.constant 0 : i32
      %dma_start3A_71 = tpu.memref_slice %arg6[%arg0, %add3A_38, %dma_start3A] : memref<2x10240x128xf32, #tpu.memory_space<hbm>> -> memref<1x128x128xf32, #tpu.memory_space<hbm>>
      %dma_start3A_72 = tpu.memref_squeeze %dma_start3A_71 : memref<1x128x128xf32, #tpu.memory_space<hbm>> -> memref<128x128xf32, #tpu.memory_space<hbm>>
      %dma_start3A_73 = arith.constant 0 : i32
      %dma_start3A_74 = tpu.memref_slice %arg11[%add3A_34, %dma_start3A_73] : memref<10240x128xf32, #tpu.memory_space<vmem_shared>> -> memref<128x128xf32, #tpu.memory_space<vmem_shared>>
      tpu.enqueue_dma source(%dma_start3A_74 : memref<128x128xf32, #tpu.memory_space<vmem_shared>>) target(%dma_start3A_72 : memref<128x128xf32, #tpu.memory_space<hbm>>) target_semaphore(%run_scoped3A : memref<!tpu.dma_semaphore, #tpu.memory_space<semaphore_mem>>)
      %dma_wait3A = arith.constant 0 : i32
      %dma_wait3A_75 = tpu.memref_slice %arg6[%arg0, %add3A_38, %dma_wait3A] : memref<2x10240x128xf32, #tpu.memory_space<hbm>> -> memref<1x128x128xf32, #tpu.memory_space<hbm>>
      %dma_wait3A_76 = tpu.memref_squeeze %dma_wait3A_75 : memref<1x128x128xf32, #tpu.memory_space<hbm>> -> memref<128x128xf32, #tpu.memory_space<hbm>>
      %dma_wait3A_77 = arith.constant 0 : i32
      %dma_wait3A_78 = tpu.memref_slice %arg11[%add3A_34, %dma_wait3A_77] : memref<10240x128xf32, #tpu.memory_space<vmem_shared>> -> memref<128x128xf32, #tpu.memory_space<vmem_shared>>
      tpu.wait_dma2 semaphore(%run_scoped3A : memref<!tpu.dma_semaphore, #tpu.memory_space<semaphore_mem>>) src(%dma_wait3A_78 : memref<128x128xf32, #tpu.memory_space<vmem_shared>>) dst(%dma_wait3A_76 : memref<128x128xf32, #tpu.memory_space<hbm>>)
      tpu.yield
    }) : () -> ()
    %mul3A_39 = arith.constant 640 : i32
    %mul3A_40 = arith.muli %arg1, %mul3A_39 : i32
    %add3A_41 = arith.constant 128 : i32
    %add3A_42 = arith.addi %mul3A_40, %add3A_41 : i32
    %mul3A_43 = arith.constant 640 : i32
    %mul3A_44 = arith.muli %arg1, %mul3A_43 : i32
    %add3A_45 = arith.constant 128 : i32
    %add3A_46 = arith.addi %mul3A_44, %add3A_45 : i32
    "tpu.region"() ({
      %run_scoped3A = tpu.sem_alloc : memref<!tpu.dma_semaphore, #tpu.memory_space<semaphore_mem>>
      %dma_start3A = arith.constant 0 : i32
      %dma_start3A_71 = tpu.memref_slice %arg6[%arg0, %add3A_46, %dma_start3A] : memref<2x10240x128xf32, #tpu.memory_space<hbm>> -> memref<1x128x128xf32, #tpu.memory_space<hbm>>
      %dma_start3A_72 = tpu.memref_squeeze %dma_start3A_71 : memref<1x128x128xf32, #tpu.memory_space<hbm>> -> memref<128x128xf32, #tpu.memory_space<hbm>>
      %dma_start3A_73 = arith.constant 0 : i32
      %dma_start3A_74 = tpu.memref_slice %arg11[%add3A_42, %dma_start3A_73] : memref<10240x128xf32, #tpu.memory_space<vmem_shared>> -> memref<128x128xf32, #tpu.memory_space<vmem_shared>>
      tpu.enqueue_dma source(%dma_start3A_74 : memref<128x128xf32, #tpu.memory_space<vmem_shared>>) target(%dma_start3A_72 : memref<128x128xf32, #tpu.memory_space<hbm>>) target_semaphore(%run_scoped3A : memref<!tpu.dma_semaphore, #tpu.memory_space<semaphore_mem>>)
      %dma_wait3A = arith.constant 0 : i32
      %dma_wait3A_75 = tpu.memref_slice %arg6[%arg0, %add3A_46, %dma_wait3A] : memref<2x10240x128xf32, #tpu.memory_space<hbm>> -> memref<1x128x128xf32, #tpu.memory_space<hbm>>
      %dma_wait3A_76 = tpu.memref_squeeze %dma_wait3A_75 : memref<1x128x128xf32, #tpu.memory_space<hbm>> -> memref<128x128xf32, #tpu.memory_space<hbm>>
      %dma_wait3A_77 = arith.constant 0 : i32
      %dma_wait3A_78 = tpu.memref_slice %arg11[%add3A_42, %dma_wait3A_77] : memref<10240x128xf32, #tpu.memory_space<vmem_shared>> -> memref<128x128xf32, #tpu.memory_space<vmem_shared>>
      tpu.wait_dma2 semaphore(%run_scoped3A : memref<!tpu.dma_semaphore, #tpu.memory_space<semaphore_mem>>) src(%dma_wait3A_78 : memref<128x128xf32, #tpu.memory_space<vmem_shared>>) dst(%dma_wait3A_76 : memref<128x128xf32, #tpu.memory_space<hbm>>)
      tpu.yield
    }) : () -> ()
    %mul3A_47 = arith.constant 640 : i32
    %mul3A_48 = arith.muli %arg1, %mul3A_47 : i32
    %add3A_49 = arith.constant 256 : i32
    %add3A_50 = arith.addi %mul3A_48, %add3A_49 : i32
    %mul3A_51 = arith.constant 640 : i32
    %mul3A_52 = arith.muli %arg1, %mul3A_51 : i32
    %add3A_53 = arith.constant 256 : i32
    %add3A_54 = arith.addi %mul3A_52, %add3A_53 : i32
    "tpu.region"() ({
      %run_scoped3A = tpu.sem_alloc : memref<!tpu.dma_semaphore, #tpu.memory_space<semaphore_mem>>
      %dma_start3A = arith.constant 0 : i32
      %dma_start3A_71 = tpu.memref_slice %arg6[%arg0, %add3A_54, %dma_start3A] : memref<2x10240x128xf32, #tpu.memory_space<hbm>> -> memref<1x128x128xf32, #tpu.memory_space<hbm>>
      %dma_start3A_72 = tpu.memref_squeeze %dma_start3A_71 : memref<1x128x128xf32, #tpu.memory_space<hbm>> -> memref<128x128xf32, #tpu.memory_space<hbm>>
      %dma_start3A_73 = arith.constant 0 : i32
      %dma_start3A_74 = tpu.memref_slice %arg11[%add3A_50, %dma_start3A_73] : memref<10240x128xf32, #tpu.memory_space<vmem_shared>> -> memref<128x128xf32, #tpu.memory_space<vmem_shared>>
      tpu.enqueue_dma source(%dma_start3A_74 : memref<128x128xf32, #tpu.memory_space<vmem_shared>>) target(%dma_start3A_72 : memref<128x128xf32, #tpu.memory_space<hbm>>) target_semaphore(%run_scoped3A : memref<!tpu.dma_semaphore, #tpu.memory_space<semaphore_mem>>)
      %dma_wait3A = arith.constant 0 : i32
      %dma_wait3A_75 = tpu.memref_slice %arg6[%arg0, %add3A_54, %dma_wait3A] : memref<2x10240x128xf32, #tpu.memory_space<hbm>> -> memref<1x128x128xf32, #tpu.memory_space<hbm>>
      %dma_wait3A_76 = tpu.memref_squeeze %dma_wait3A_75 : memref<1x128x128xf32, #tpu.memory_space<hbm>> -> memref<128x128xf32, #tpu.memory_space<hbm>>
      %dma_wait3A_77 = arith.constant 0 : i32
      %dma_wait3A_78 = tpu.memref_slice %arg11[%add3A_50, %dma_wait3A_77] : memref<10240x128xf32, #tpu.memory_space<vmem_shared>> -> memref<128x128xf32, #tpu.memory_space<vmem_shared>>
      tpu.wait_dma2 semaphore(%run_scoped3A : memref<!tpu.dma_semaphore, #tpu.memory_space<semaphore_mem>>) src(%dma_wait3A_78 : memref<128x128xf32, #tpu.memory_space<vmem_shared>>) dst(%dma_wait3A_76 : memref<128x128xf32, #tpu.memory_space<hbm>>)
      tpu.yield
    }) : () -> ()
    %mul3A_55 = arith.constant 640 : i32
    %mul3A_56 = arith.muli %arg1, %mul3A_55 : i32
    %add3A_57 = arith.constant 384 : i32
    %add3A_58 = arith.addi %mul3A_56, %add3A_57 : i32
    %mul3A_59 = arith.constant 640 : i32
    %mul3A_60 = arith.muli %arg1, %mul3A_59 : i32
    %add3A_61 = arith.constant 384 : i32
    %add3A_62 = arith.addi %mul3A_60, %add3A_61 : i32
    "tpu.region"() ({
      %run_scoped3A = tpu.sem_alloc : memref<!tpu.dma_semaphore, #tpu.memory_space<semaphore_mem>>
      %dma_start3A = arith.constant 0 : i32
      %dma_start3A_71 = tpu.memref_slice %arg6[%arg0, %add3A_62, %dma_start3A] : memref<2x10240x128xf32, #tpu.memory_space<hbm>> -> memref<1x128x128xf32, #tpu.memory_space<hbm>>
      %dma_start3A_72 = tpu.memref_squeeze %dma_start3A_71 : memref<1x128x128xf32, #tpu.memory_space<hbm>> -> memref<128x128xf32, #tpu.memory_space<hbm>>
      %dma_start3A_73 = arith.constant 0 : i32
      %dma_start3A_74 = tpu.memref_slice %arg11[%add3A_58, %dma_start3A_73] : memref<10240x128xf32, #tpu.memory_space<vmem_shared>> -> memref<128x128xf32, #tpu.memory_space<vmem_shared>>
      tpu.enqueue_dma source(%dma_start3A_74 : memref<128x128xf32, #tpu.memory_space<vmem_shared>>) target(%dma_start3A_72 : memref<128x128xf32, #tpu.memory_space<hbm>>) target_semaphore(%run_scoped3A : memref<!tpu.dma_semaphore, #tpu.memory_space<semaphore_mem>>)
      %dma_wait3A = arith.constant 0 : i32
      %dma_wait3A_75 = tpu.memref_slice %arg6[%arg0, %add3A_62, %dma_wait3A] : memref<2x10240x128xf32, #tpu.memory_space<hbm>> -> memref<1x128x128xf32, #tpu.memory_space<hbm>>
      %dma_wait3A_76 = tpu.memref_squeeze %dma_wait3A_75 : memref<1x128x128xf32, #tpu.memory_space<hbm>> -> memref<128x128xf32, #tpu.memory_space<hbm>>
      %dma_wait3A_77 = arith.constant 0 : i32
      %dma_wait3A_78 = tpu.memref_slice %arg11[%add3A_58, %dma_wait3A_77] : memref<10240x128xf32, #tpu.memory_space<vmem_shared>> -> memref<128x128xf32, #tpu.memory_space<vmem_shared>>
      tpu.wait_dma2 semaphore(%run_scoped3A : memref<!tpu.dma_semaphore, #tpu.memory_space<semaphore_mem>>) src(%dma_wait3A_78 : memref<128x128xf32, #tpu.memory_space<vmem_shared>>) dst(%dma_wait3A_76 : memref<128x128xf32, #tpu.memory_space<hbm>>)
      tpu.yield
    }) : () -> ()
    %mul3A_63 = arith.constant 640 : i32
    %mul3A_64 = arith.muli %arg1, %mul3A_63 : i32
    %add3A_65 = arith.constant 512 : i32
    %add3A_66 = arith.addi %mul3A_64, %add3A_65 : i32
    %mul3A_67 = arith.constant 640 : i32
    %mul3A_68 = arith.muli %arg1, %mul3A_67 : i32
    %add3A_69 = arith.constant 512 : i32
    %add3A_70 = arith.addi %mul3A_68, %add3A_69 : i32
    "tpu.region"() ({
      %run_scoped3A = tpu.sem_alloc : memref<!tpu.dma_semaphore, #tpu.memory_space<semaphore_mem>>
      %dma_start3A = arith.constant 0 : i32
      %dma_start3A_71 = tpu.memref_slice %arg6[%arg0, %add3A_70, %dma_start3A] : memref<2x10240x128xf32, #tpu.memory_space<hbm>> -> memref<1x128x128xf32, #tpu.memory_space<hbm>>
      %dma_start3A_72 = tpu.memref_squeeze %dma_start3A_71 : memref<1x128x128xf32, #tpu.memory_space<hbm>> -> memref<128x128xf32, #tpu.memory_space<hbm>>
      %dma_start3A_73 = arith.constant 0 : i32
      %dma_start3A_74 = tpu.memref_slice %arg11[%add3A_66, %dma_start3A_73] : memref<10240x128xf32, #tpu.memory_space<vmem_shared>> -> memref<128x128xf32, #tpu.memory_space<vmem_shared>>
      tpu.enqueue_dma source(%dma_start3A_74 : memref<128x128xf32, #tpu.memory_space<vmem_shared>>) target(%dma_start3A_72 : memref<128x128xf32, #tpu.memory_space<hbm>>) target_semaphore(%run_scoped3A : memref<!tpu.dma_semaphore, #tpu.memory_space<semaphore_mem>>)
      %dma_wait3A = arith.constant 0 : i32
      %dma_wait3A_75 = tpu.memref_slice %arg6[%arg0, %add3A_70, %dma_wait3A] : memref<2x10240x128xf32, #tpu.memory_space<hbm>> -> memref<1x128x128xf32, #tpu.memory_space<hbm>>
      %dma_wait3A_76 = tpu.memref_squeeze %dma_wait3A_75 : memref<1x128x128xf32, #tpu.memory_space<hbm>> -> memref<128x128xf32, #tpu.memory_space<hbm>>
      %dma_wait3A_77 = arith.constant 0 : i32
      %dma_wait3A_78 = tpu.memref_slice %arg11[%add3A_66, %dma_wait3A_77] : memref<10240x128xf32, #tpu.memory_space<vmem_shared>> -> memref<128x128xf32, #tpu.memory_space<vmem_shared>>
      tpu.wait_dma2 semaphore(%run_scoped3A : memref<!tpu.dma_semaphore, #tpu.memory_space<semaphore_mem>>) src(%dma_wait3A_78 : memref<128x128xf32, #tpu.memory_space<vmem_shared>>) dst(%dma_wait3A_76 : memref<128x128xf32, #tpu.memory_space<hbm>>)
      tpu.yield
    }) : () -> ()
    return
  }
}

#map = affine_map<(d0, d1) -> (0, 0)>
#map1 = affine_map<(d0, d1) -> (0, 0, 0)>
module attributes {stable_mosaic.version = 14 : i64} {
  func.func @k(%arg0: i32, %arg1: i32, %arg2: memref<10240x128xf32, #tpu.memory_space<hbm>>, %arg3: memref<32x80x128xi32, #tpu.memory_space<hbm>>, %arg4: memref<32x80x128xi32, #tpu.memory_space<hbm>>, %arg5: memref<2x10240x128xf32, #tpu.memory_space<hbm>>, %arg6: memref<80x128xi32, #tpu.memory_space<vmem>>, %arg7: memref<80x128xi32, #tpu.memory_space<vmem>>, %arg8: memref<128x128xf32, #tpu.memory_space<vmem>>, %arg9: memref<10240x128xf32, #tpu.memory_space<vmem_shared>>) attributes {dimension_semantics = [#tpu.dimension_semantics<core_parallel>, #tpu.dimension_semantics<subcore_parallel>], iteration_bounds = array<i64: 2, 16>, scalar_prefetch = 0 : i64, scratch_operands = 4 : i64, tpu.core_type = #tpu.core_type<sc_vector_subcore>, window_params = [{transform_indices = #map}, {transform_indices = #map1}, {transform_indices = #map1}, {transform_indices = #map1}]} {
    %mul3A = arith.constant 16 : i32
    %mul3A_0 = arith.muli %arg0, %mul3A : i32
    %add3A = arith.addi %mul3A_0, %arg1 : i32
    %scan3A = arith.constant 0 : i32
    %scan3A_1 = arith.constant 128 : i32
    %scan3A_2 = arith.addi %scan3A, %scan3A_1 : i32
    %scan3A_3 = arith.constant 1 : i32
    scf.for %scan3A_71 = %scan3A to %scan3A_2 step %scan3A_3  : i32 {
      %mul3A_72 = arith.constant 1 : i32
      %mul3A_73 = arith.muli %scan3A_71, %mul3A_72 : i32
      %add3A_74 = arith.constant 0 : i32
      %add3A_75 = arith.addi %add3A_74, %mul3A_73 : i32
      %scan3A_76 = arith.constant 0 : i32
      %scan3A_77 = arith.constant 8 : i32
      %scan3A_78 = arith.addi %scan3A_76, %scan3A_77 : i32
      %scan3A_79 = arith.constant 1 : i32
      scf.for %scan3A_81 = %scan3A_76 to %scan3A_78 step %scan3A_79  : i32 {
        %mul3A_82 = arith.constant 16 : i32
        %mul3A_83 = arith.muli %scan3A_81, %mul3A_82 : i32
        %add3A_84 = arith.constant 0 : i32
        %add3A_85 = arith.addi %add3A_84, %mul3A_83 : i32
        %broadcast_in_dim3A = arith.constant 0.000000e+00 : f32
        %broadcast_in_dim3A_86 = vector.broadcast %broadcast_in_dim3A : f32 to vector<16xf32>
        %swap3A = arith.index_cast %add3A_75 : i32 to index
        %swap3A_87 = arith.index_cast %add3A_85 : i32 to index
        %swap3A_88 = tpu.vector_load %arg8[%swap3A, %swap3A_87] {strides = array<i32>} : memref<128x128xf32, #tpu.memory_space<vmem>>, vector<1x16xf32>,
        %swap3A_89 = vector.shape_cast %swap3A_88 : vector<1x16xf32> to vector<16xf32>
        %swap3A_90 = vector.shape_cast %broadcast_in_dim3A_86 : vector<16xf32> to vector<1x16xf32>
        tpu.vector_store %arg8[%swap3A, %swap3A_87], %swap3A_90 {strides = array<i32>} : memref<128x128xf32, #tpu.memory_space<vmem>>, vector<1x16xf32>,
      }
      %scan3A_80 = arith.constant 8 : i32
    }
    %scan3A_4 = arith.constant 128 : i32
    %mul3A_5 = arith.constant 640 : i32
    %mul3A_6 = arith.muli %arg1, %mul3A_5 : i32
    %add3A_7 = arith.constant 0 : i32
    %add3A_8 = arith.addi %mul3A_6, %add3A_7 : i32
    "tpu.region"() ({
      %run_scoped3A = tpu.sem_alloc : memref<!tpu.dma_semaphore, #tpu.memory_space<semaphore_mem>>
      %dma_start3A = arith.constant 0 : i32
      %dma_start3A_71 = tpu.memref_slice %arg9[%add3A_8, %dma_start3A] : memref<10240x128xf32, #tpu.memory_space<vmem_shared>> -> memref<128x128xf32, #tpu.memory_space<vmem_shared>>
      %dma_start3A_72 = arith.constant 0 : i32
      %dma_start3A_73 = tpu.memref_slice %arg9[%add3A_8, %dma_start3A_72] : memref<10240x128xf32, #tpu.memory_space<vmem_shared>> -> memref<128x128xf32, #tpu.memory_space<vmem_shared>>
      tpu.enqueue_dma source(%arg8 : memref<128x128xf32, #tpu.memory_space<vmem>>) target(%dma_start3A_73 : memref<128x128xf32, #tpu.memory_space<vmem_shared>>) target_semaphore(%run_scoped3A : memref<!tpu.dma_semaphore, #tpu.memory_space<semaphore_mem>>)
      %dma_wait3A = arith.constant 0 : i32
      %dma_wait3A_74 = tpu.memref_slice %arg9[%add3A_8, %dma_wait3A] : memref<10240x128xf32, #tpu.memory_space<vmem_shared>> -> memref<128x128xf32, #tpu.memory_space<vmem_shared>>
      %dma_wait3A_75 = arith.constant 0 : i32
      %dma_wait3A_76 = tpu.memref_slice %arg9[%add3A_8, %dma_wait3A_75] : memref<10240x128xf32, #tpu.memory_space<vmem_shared>> -> memref<128x128xf32, #tpu.memory_space<vmem_shared>>
      tpu.wait_dma2 semaphore(%run_scoped3A : memref<!tpu.dma_semaphore, #tpu.memory_space<semaphore_mem>>) src(%arg8 : memref<128x128xf32, #tpu.memory_space<vmem>>) dst(%dma_wait3A_76 : memref<128x128xf32, #tpu.memory_space<vmem_shared>>)
      tpu.yield
    }) : () -> ()
    %mul3A_9 = arith.constant 640 : i32
    %mul3A_10 = arith.muli %arg1, %mul3A_9 : i32
    %add3A_11 = arith.constant 128 : i32
    %add3A_12 = arith.addi %mul3A_10, %add3A_11 : i32
    "tpu.region"() ({
      %run_scoped3A = tpu.sem_alloc : memref<!tpu.dma_semaphore, #tpu.memory_space<semaphore_mem>>
      %dma_start3A = arith.constant 0 : i32
      %dma_start3A_71 = tpu.memref_slice %arg9[%add3A_12, %dma_start3A] : memref<10240x128xf32, #tpu.memory_space<vmem_shared>> -> memref<128x128xf32, #tpu.memory_space<vmem_shared>>
      %dma_start3A_72 = arith.constant 0 : i32
      %dma_start3A_73 = tpu.memref_slice %arg9[%add3A_12, %dma_start3A_72] : memref<10240x128xf32, #tpu.memory_space<vmem_shared>> -> memref<128x128xf32, #tpu.memory_space<vmem_shared>>
      tpu.enqueue_dma source(%arg8 : memref<128x128xf32, #tpu.memory_space<vmem>>) target(%dma_start3A_73 : memref<128x128xf32, #tpu.memory_space<vmem_shared>>) target_semaphore(%run_scoped3A : memref<!tpu.dma_semaphore, #tpu.memory_space<semaphore_mem>>)
      %dma_wait3A = arith.constant 0 : i32
      %dma_wait3A_74 = tpu.memref_slice %arg9[%add3A_12, %dma_wait3A] : memref<10240x128xf32, #tpu.memory_space<vmem_shared>> -> memref<128x128xf32, #tpu.memory_space<vmem_shared>>
      %dma_wait3A_75 = arith.constant 0 : i32
      %dma_wait3A_76 = tpu.memref_slice %arg9[%add3A_12, %dma_wait3A_75] : memref<10240x128xf32, #tpu.memory_space<vmem_shared>> -> memref<128x128xf32, #tpu.memory_space<vmem_shared>>
      tpu.wait_dma2 semaphore(%run_scoped3A : memref<!tpu.dma_semaphore, #tpu.memory_space<semaphore_mem>>) src(%arg8 : memref<128x128xf32, #tpu.memory_space<vmem>>) dst(%dma_wait3A_76 : memref<128x128xf32, #tpu.memory_space<vmem_shared>>)
      tpu.yield
    }) : () -> ()
    %mul3A_13 = arith.constant 640 : i32
    %mul3A_14 = arith.muli %arg1, %mul3A_13 : i32
    %add3A_15 = arith.constant 256 : i32
    %add3A_16 = arith.addi %mul3A_14, %add3A_15 : i32
    "tpu.region"() ({
      %run_scoped3A = tpu.sem_alloc : memref<!tpu.dma_semaphore, #tpu.memory_space<semaphore_mem>>
      %dma_start3A = arith.constant 0 : i32
      %dma_start3A_71 = tpu.memref_slice %arg9[%add3A_16, %dma_start3A] : memref<10240x128xf32, #tpu.memory_space<vmem_shared>> -> memref<128x128xf32, #tpu.memory_space<vmem_shared>>
      %dma_start3A_72 = arith.constant 0 : i32
      %dma_start3A_73 = tpu.memref_slice %arg9[%add3A_16, %dma_start3A_72] : memref<10240x128xf32, #tpu.memory_space<vmem_shared>> -> memref<128x128xf32, #tpu.memory_space<vmem_shared>>
      tpu.enqueue_dma source(%arg8 : memref<128x128xf32, #tpu.memory_space<vmem>>) target(%dma_start3A_73 : memref<128x128xf32, #tpu.memory_space<vmem_shared>>) target_semaphore(%run_scoped3A : memref<!tpu.dma_semaphore, #tpu.memory_space<semaphore_mem>>)
      %dma_wait3A = arith.constant 0 : i32
      %dma_wait3A_74 = tpu.memref_slice %arg9[%add3A_16, %dma_wait3A] : memref<10240x128xf32, #tpu.memory_space<vmem_shared>> -> memref<128x128xf32, #tpu.memory_space<vmem_shared>>
      %dma_wait3A_75 = arith.constant 0 : i32
      %dma_wait3A_76 = tpu.memref_slice %arg9[%add3A_16, %dma_wait3A_75] : memref<10240x128xf32, #tpu.memory_space<vmem_shared>> -> memref<128x128xf32, #tpu.memory_space<vmem_shared>>
      tpu.wait_dma2 semaphore(%run_scoped3A : memref<!tpu.dma_semaphore, #tpu.memory_space<semaphore_mem>>) src(%arg8 : memref<128x128xf32, #tpu.memory_space<vmem>>) dst(%dma_wait3A_76 : memref<128x128xf32, #tpu.memory_space<vmem_shared>>)
      tpu.yield
    }) : () -> ()
    %mul3A_17 = arith.constant 640 : i32
    %mul3A_18 = arith.muli %arg1, %mul3A_17 : i32
    %add3A_19 = arith.constant 384 : i32
    %add3A_20 = arith.addi %mul3A_18, %add3A_19 : i32
    "tpu.region"() ({
      %run_scoped3A = tpu.sem_alloc : memref<!tpu.dma_semaphore, #tpu.memory_space<semaphore_mem>>
      %dma_start3A = arith.constant 0 : i32
      %dma_start3A_71 = tpu.memref_slice %arg9[%add3A_20, %dma_start3A] : memref<10240x128xf32, #tpu.memory_space<vmem_shared>> -> memref<128x128xf32, #tpu.memory_space<vmem_shared>>
      %dma_start3A_72 = arith.constant 0 : i32
      %dma_start3A_73 = tpu.memref_slice %arg9[%add3A_20, %dma_start3A_72] : memref<10240x128xf32, #tpu.memory_space<vmem_shared>> -> memref<128x128xf32, #tpu.memory_space<vmem_shared>>
      tpu.enqueue_dma source(%arg8 : memref<128x128xf32, #tpu.memory_space<vmem>>) target(%dma_start3A_73 : memref<128x128xf32, #tpu.memory_space<vmem_shared>>) target_semaphore(%run_scoped3A : memref<!tpu.dma_semaphore, #tpu.memory_space<semaphore_mem>>)
      %dma_wait3A = arith.constant 0 : i32
      %dma_wait3A_74 = tpu.memref_slice %arg9[%add3A_20, %dma_wait3A] : memref<10240x128xf32, #tpu.memory_space<vmem_shared>> -> memref<128x128xf32, #tpu.memory_space<vmem_shared>>
      %dma_wait3A_75 = arith.constant 0 : i32
      %dma_wait3A_76 = tpu.memref_slice %arg9[%add3A_20, %dma_wait3A_75] : memref<10240x128xf32, #tpu.memory_space<vmem_shared>> -> memref<128x128xf32, #tpu.memory_space<vmem_shared>>
      tpu.wait_dma2 semaphore(%run_scoped3A : memref<!tpu.dma_semaphore, #tpu.memory_space<semaphore_mem>>) src(%arg8 : memref<128x128xf32, #tpu.memory_space<vmem>>) dst(%dma_wait3A_76 : memref<128x128xf32, #tpu.memory_space<vmem_shared>>)
      tpu.yield
    }) : () -> ()
    %mul3A_21 = arith.constant 640 : i32
    %mul3A_22 = arith.muli %arg1, %mul3A_21 : i32
    %add3A_23 = arith.constant 512 : i32
    %add3A_24 = arith.addi %mul3A_22, %add3A_23 : i32
    "tpu.region"() ({
      %run_scoped3A = tpu.sem_alloc : memref<!tpu.dma_semaphore, #tpu.memory_space<semaphore_mem>>
      %dma_start3A = arith.constant 0 : i32
      %dma_start3A_71 = tpu.memref_slice %arg9[%add3A_24, %dma_start3A] : memref<10240x128xf32, #tpu.memory_space<vmem_shared>> -> memref<128x128xf32, #tpu.memory_space<vmem_shared>>
      %dma_start3A_72 = arith.constant 0 : i32
      %dma_start3A_73 = tpu.memref_slice %arg9[%add3A_24, %dma_start3A_72] : memref<10240x128xf32, #tpu.memory_space<vmem_shared>> -> memref<128x128xf32, #tpu.memory_space<vmem_shared>>
      tpu.enqueue_dma source(%arg8 : memref<128x128xf32, #tpu.memory_space<vmem>>) target(%dma_start3A_73 : memref<128x128xf32, #tpu.memory_space<vmem_shared>>) target_semaphore(%run_scoped3A : memref<!tpu.dma_semaphore, #tpu.memory_space<semaphore_mem>>)
      %dma_wait3A = arith.constant 0 : i32
      %dma_wait3A_74 = tpu.memref_slice %arg9[%add3A_24, %dma_wait3A] : memref<10240x128xf32, #tpu.memory_space<vmem_shared>> -> memref<128x128xf32, #tpu.memory_space<vmem_shared>>
      %dma_wait3A_75 = arith.constant 0 : i32
      %dma_wait3A_76 = tpu.memref_slice %arg9[%add3A_24, %dma_wait3A_75] : memref<10240x128xf32, #tpu.memory_space<vmem_shared>> -> memref<128x128xf32, #tpu.memory_space<vmem_shared>>
      tpu.wait_dma2 semaphore(%run_scoped3A : memref<!tpu.dma_semaphore, #tpu.memory_space<semaphore_mem>>) src(%arg8 : memref<128x128xf32, #tpu.memory_space<vmem>>) dst(%dma_wait3A_76 : memref<128x128xf32, #tpu.memory_space<vmem_shared>>)
      tpu.yield
    }) : () -> ()
    "tpu.region"() ({
      %run_scoped3A = tpu.sem_alloc : memref<!tpu.dma_semaphore, #tpu.memory_space<semaphore_mem>>
      %dma_start3A = arith.constant 0 : i32
      %dma_start3A_71 = arith.constant 0 : i32
      %dma_start3A_72 = tpu.memref_slice %arg3[%add3A, %dma_start3A, %dma_start3A_71] : memref<32x80x128xi32, #tpu.memory_space<hbm>> -> memref<1x80x128xi32, #tpu.memory_space<hbm>>
      %dma_start3A_73 = tpu.memref_squeeze %dma_start3A_72 : memref<1x80x128xi32, #tpu.memory_space<hbm>> -> memref<80x128xi32, #tpu.memory_space<hbm>>
      %dma_start3A_74 = arith.constant 0 : i32
      %dma_start3A_75 = arith.constant 0 : i32
      %dma_start3A_76 = tpu.memref_slice %arg3[%add3A, %dma_start3A_74, %dma_start3A_75] : memref<32x80x128xi32, #tpu.memory_space<hbm>> -> memref<1x80x128xi32, #tpu.memory_space<hbm>>
      %dma_start3A_77 = tpu.memref_squeeze %dma_start3A_76 : memref<1x80x128xi32, #tpu.memory_space<hbm>> -> memref<80x128xi32, #tpu.memory_space<hbm>>
      tpu.enqueue_dma source(%dma_start3A_77 : memref<80x128xi32, #tpu.memory_space<hbm>>) target(%arg6 : memref<80x128xi32, #tpu.memory_space<vmem>>) target_semaphore(%run_scoped3A : memref<!tpu.dma_semaphore, #tpu.memory_space<semaphore_mem>>)
      %dma_wait3A = arith.constant 0 : i32
      %dma_wait3A_78 = arith.constant 0 : i32
      %dma_wait3A_79 = tpu.memref_slice %arg3[%add3A, %dma_wait3A, %dma_wait3A_78] : memref<32x80x128xi32, #tpu.memory_space<hbm>> -> memref<1x80x128xi32, #tpu.memory_space<hbm>>
      %dma_wait3A_80 = tpu.memref_squeeze %dma_wait3A_79 : memref<1x80x128xi32, #tpu.memory_space<hbm>> -> memref<80x128xi32, #tpu.memory_space<hbm>>
      %dma_wait3A_81 = arith.constant 0 : i32
      %dma_wait3A_82 = arith.constant 0 : i32
      %dma_wait3A_83 = tpu.memref_slice %arg3[%add3A, %dma_wait3A_81, %dma_wait3A_82] : memref<32x80x128xi32, #tpu.memory_space<hbm>> -> memref<1x80x128xi32, #tpu.memory_space<hbm>>
      %dma_wait3A_84 = tpu.memref_squeeze %dma_wait3A_83 : memref<1x80x128xi32, #tpu.memory_space<hbm>> -> memref<80x128xi32, #tpu.memory_space<hbm>>
      tpu.wait_dma2 semaphore(%run_scoped3A : memref<!tpu.dma_semaphore, #tpu.memory_space<semaphore_mem>>) src(%dma_wait3A_84 : memref<80x128xi32, #tpu.memory_space<hbm>>) dst(%arg6 : memref<80x128xi32, #tpu.memory_space<vmem>>)
      tpu.yield
    }) : () -> ()
    "tpu.region"() ({
      %run_scoped3A = tpu.sem_alloc : memref<!tpu.dma_semaphore, #tpu.memory_space<semaphore_mem>>
      %dma_start3A = arith.constant 0 : i32
      %dma_start3A_71 = arith.constant 0 : i32
      %dma_start3A_72 = tpu.memref_slice %arg4[%add3A, %dma_start3A, %dma_start3A_71] : memref<32x80x128xi32, #tpu.memory_space<hbm>> -> memref<1x80x128xi32, #tpu.memory_space<hbm>>
      %dma_start3A_73 = tpu.memref_squeeze %dma_start3A_72 : memref<1x80x128xi32, #tpu.memory_space<hbm>> -> memref<80x128xi32, #tpu.memory_space<hbm>>
      %dma_start3A_74 = arith.constant 0 : i32
      %dma_start3A_75 = arith.constant 0 : i32
      %dma_start3A_76 = tpu.memref_slice %arg4[%add3A, %dma_start3A_74, %dma_start3A_75] : memref<32x80x128xi32, #tpu.memory_space<hbm>> -> memref<1x80x128xi32, #tpu.memory_space<hbm>>
      %dma_start3A_77 = tpu.memref_squeeze %dma_start3A_76 : memref<1x80x128xi32, #tpu.memory_space<hbm>> -> memref<80x128xi32, #tpu.memory_space<hbm>>
      tpu.enqueue_dma source(%dma_start3A_77 : memref<80x128xi32, #tpu.memory_space<hbm>>) target(%arg7 : memref<80x128xi32, #tpu.memory_space<vmem>>) target_semaphore(%run_scoped3A : memref<!tpu.dma_semaphore, #tpu.memory_space<semaphore_mem>>)
      %dma_wait3A = arith.constant 0 : i32
      %dma_wait3A_78 = arith.constant 0 : i32
      %dma_wait3A_79 = tpu.memref_slice %arg4[%add3A, %dma_wait3A, %dma_wait3A_78] : memref<32x80x128xi32, #tpu.memory_space<hbm>> -> memref<1x80x128xi32, #tpu.memory_space<hbm>>
      %dma_wait3A_80 = tpu.memref_squeeze %dma_wait3A_79 : memref<1x80x128xi32, #tpu.memory_space<hbm>> -> memref<80x128xi32, #tpu.memory_space<hbm>>
      %dma_wait3A_81 = arith.constant 0 : i32
      %dma_wait3A_82 = arith.constant 0 : i32
      %dma_wait3A_83 = tpu.memref_slice %arg4[%add3A, %dma_wait3A_81, %dma_wait3A_82] : memref<32x80x128xi32, #tpu.memory_space<hbm>> -> memref<1x80x128xi32, #tpu.memory_space<hbm>>
      %dma_wait3A_84 = tpu.memref_squeeze %dma_wait3A_83 : memref<1x80x128xi32, #tpu.memory_space<hbm>> -> memref<80x128xi32, #tpu.memory_space<hbm>>
      tpu.wait_dma2 semaphore(%run_scoped3A : memref<!tpu.dma_semaphore, #tpu.memory_space<semaphore_mem>>) src(%dma_wait3A_84 : memref<80x128xi32, #tpu.memory_space<hbm>>) dst(%arg7 : memref<80x128xi32, #tpu.memory_space<vmem>>)
      tpu.yield
    }) : () -> ()
    %barrier3A = arith.constant 0 : index
    tpu.barrier barrier_id(%barrier3A)
    %scan3A_25 = arith.constant 0 : i32
    %scan3A_26 = arith.constant 80 : i32
    %scan3A_27 = arith.addi %scan3A_25, %scan3A_26 : i32
    %scan3A_28 = arith.constant 1 : i32
    scf.for %scan3A_71 = %scan3A_25 to %scan3A_27 step %scan3A_28  : i32 {
      %mul3A_72 = arith.constant 1 : i32
      %mul3A_73 = arith.muli %scan3A_71, %mul3A_72 : i32
      %add3A_74 = arith.constant 0 : i32
      %add3A_75 = arith.addi %add3A_74, %mul3A_73 : i32
      "tpu.region"() ({
        %run_scoped3A = tpu.sem_alloc : memref<!tpu.dma_semaphore, #tpu.memory_space<semaphore_mem>>
        %dma_start3A = arith.constant 0 : i32
        %dma_start3A_76 = tpu.memref_slice %arg6[%add3A_75, %dma_start3A] : memref<80x128xi32, #tpu.memory_space<vmem>> -> memref<1x128xi32, #tpu.memory_space<vmem>>
        %dma_start3A_77 = tpu.memref_squeeze %dma_start3A_76 : memref<1x128xi32, #tpu.memory_space<vmem>> -> memref<128xi32, #tpu.memory_space<vmem>>
        %dma_start3A_78 = arith.constant 0 : i32
        %dma_start3A_79 = arith.constant 0 : i32
        %dma_start3A_80 = tpu.memref_slice %arg2[%dma_start3A_78, %dma_start3A_79] : memref<10240x128xf32, #tpu.memory_space<hbm>> -> memref<10240x128xf32, #tpu.memory_space<hbm>>
        tpu.enqueue_indirect_dma source(%dma_start3A_80 : memref<10240x128xf32, #tpu.memory_space<hbm>>) target(%arg8 : memref<128x128xf32, #tpu.memory_space<vmem>>) offsets(%dma_start3A_77 : memref<128xi32, #tpu.memory_space<vmem>>) semaphore(%run_scoped3A : memref<!tpu.dma_semaphore, #tpu.memory_space<semaphore_mem>>)
        %dma_wait3A = arith.constant 0 : i32
        %dma_wait3A_81 = tpu.memref_slice %arg6[%add3A_75, %dma_wait3A] : memref<80x128xi32, #tpu.memory_space<vmem>> -> memref<1x128xi32, #tpu.memory_space<vmem>>
        %dma_wait3A_82 = tpu.memref_squeeze %dma_wait3A_81 : memref<1x128xi32, #tpu.memory_space<vmem>> -> memref<128xi32, #tpu.memory_space<vmem>>
        %dma_wait3A_83 = arith.constant 0 : i32
        %dma_wait3A_84 = arith.constant 0 : i32
        %dma_wait3A_85 = tpu.memref_slice %arg2[%dma_wait3A_83, %dma_wait3A_84] : memref<10240x128xf32, #tpu.memory_space<hbm>> -> memref<10240x128xf32, #tpu.memory_space<hbm>>
        tpu.wait_indirect_dma semaphore(%run_scoped3A : memref<!tpu.dma_semaphore, #tpu.memory_space<semaphore_mem>>) src(%dma_wait3A_85 : memref<10240x128xf32, #tpu.memory_space<hbm>>) dst(%arg8 : memref<128x128xf32, #tpu.memory_space<vmem>>)
        tpu.yield
      }) : () -> ()
      "tpu.region"() ({
        %run_scoped3A = tpu.sem_alloc : memref<!tpu.dma_semaphore, #tpu.memory_space<semaphore_mem>>
        %dma_start3A = arith.constant 0 : i32
        %dma_start3A_76 = tpu.memref_slice %arg7[%add3A_75, %dma_start3A] : memref<80x128xi32, #tpu.memory_space<vmem>> -> memref<1x128xi32, #tpu.memory_space<vmem>>
        %dma_start3A_77 = tpu.memref_squeeze %dma_start3A_76 : memref<1x128xi32, #tpu.memory_space<vmem>> -> memref<128xi32, #tpu.memory_space<vmem>>
        %dma_start3A_78 = arith.constant 0 : i32
        %dma_start3A_79 = arith.constant 0 : i32
        %dma_start3A_80 = tpu.memref_slice %arg9[%dma_start3A_78, %dma_start3A_79] : memref<10240x128xf32, #tpu.memory_space<vmem_shared>> -> memref<10240x128xf32, #tpu.memory_space<vmem_shared>>
        tpu.enqueue_indirect_dma source(%arg8 : memref<128x128xf32, #tpu.memory_space<vmem>>) target(%dma_start3A_80 : memref<10240x128xf32, #tpu.memory_space<vmem_shared>>) offsets(%dma_start3A_77 : memref<128xi32, #tpu.memory_space<vmem>>) semaphore(%run_scoped3A : memref<!tpu.dma_semaphore, #tpu.memory_space<semaphore_mem>>) {add = true}
        %dma_wait3A = arith.constant 0 : i32
        %dma_wait3A_81 = tpu.memref_slice %arg7[%add3A_75, %dma_wait3A] : memref<80x128xi32, #tpu.memory_space<vmem>> -> memref<1x128xi32, #tpu.memory_space<vmem>>
        %dma_wait3A_82 = tpu.memref_squeeze %dma_wait3A_81 : memref<1x128xi32, #tpu.memory_space<vmem>> -> memref<128xi32, #tpu.memory_space<vmem>>
        %dma_wait3A_83 = arith.constant 0 : i32
        %dma_wait3A_84 = arith.constant 0 : i32
        %dma_wait3A_85 = tpu.memref_slice %arg9[%dma_wait3A_83, %dma_wait3A_84] : memref<10240x128xf32, #tpu.memory_space<vmem_shared>> -> memref<10240x128xf32, #tpu.memory_space<vmem_shared>>
        tpu.wait_indirect_dma semaphore(%run_scoped3A : memref<!tpu.dma_semaphore, #tpu.memory_space<semaphore_mem>>) src(%arg8 : memref<128x128xf32, #tpu.memory_space<vmem>>) dst(%dma_wait3A_85 : memref<10240x128xf32, #tpu.memory_space<vmem_shared>>)
        tpu.yield
      }) : () -> ()
    }
    %scan3A_29 = arith.constant 80 : i32
    %barrier3A_30 = arith.constant 0 : index
    tpu.barrier barrier_id(%barrier3A_30)
    %mul3A_31 = arith.constant 640 : i32
    %mul3A_32 = arith.muli %arg1, %mul3A_31 : i32
    %add3A_33 = arith.constant 0 : i32
    %add3A_34 = arith.addi %mul3A_32, %add3A_33 : i32
    %mul3A_35 = arith.constant 640 : i32
    %mul3A_36 = arith.muli %arg1, %mul3A_35 : i32
    %add3A_37 = arith.constant 0 : i32
    %add3A_38 = arith.addi %mul3A_36, %add3A_37 : i32
    "tpu.region"() ({
      %run_scoped3A = tpu.sem_alloc : memref<!tpu.dma_semaphore, #tpu.memory_space<semaphore_mem>>
      %dma_start3A = arith.constant 0 : i32
      %dma_start3A_71 = tpu.memref_slice %arg5[%arg0, %add3A_38, %dma_start3A] : memref<2x10240x128xf32, #tpu.memory_space<hbm>> -> memref<1x128x128xf32, #tpu.memory_space<hbm>>
      %dma_start3A_72 = tpu.memref_squeeze %dma_start3A_71 : memref<1x128x128xf32, #tpu.memory_space<hbm>> -> memref<128x128xf32, #tpu.memory_space<hbm>>
      %dma_start3A_73 = arith.constant 0 : i32
      %dma_start3A_74 = tpu.memref_slice %arg9[%add3A_34, %dma_start3A_73] : memref<10240x128xf32, #tpu.memory_space<vmem_shared>> -> memref<128x128xf32, #tpu.memory_space<vmem_shared>>
      tpu.enqueue_dma source(%dma_start3A_74 : memref<128x128xf32, #tpu.memory_space<vmem_shared>>) target(%dma_start3A_72 : memref<128x128xf32, #tpu.memory_space<hbm>>) target_semaphore(%run_scoped3A : memref<!tpu.dma_semaphore, #tpu.memory_space<semaphore_mem>>)
      %dma_wait3A = arith.constant 0 : i32
      %dma_wait3A_75 = tpu.memref_slice %arg5[%arg0, %add3A_38, %dma_wait3A] : memref<2x10240x128xf32, #tpu.memory_space<hbm>> -> memref<1x128x128xf32, #tpu.memory_space<hbm>>
      %dma_wait3A_76 = tpu.memref_squeeze %dma_wait3A_75 : memref<1x128x128xf32, #tpu.memory_space<hbm>> -> memref<128x128xf32, #tpu.memory_space<hbm>>
      %dma_wait3A_77 = arith.constant 0 : i32
      %dma_wait3A_78 = tpu.memref_slice %arg9[%add3A_34, %dma_wait3A_77] : memref<10240x128xf32, #tpu.memory_space<vmem_shared>> -> memref<128x128xf32, #tpu.memory_space<vmem_shared>>
      tpu.wait_dma2 semaphore(%run_scoped3A : memref<!tpu.dma_semaphore, #tpu.memory_space<semaphore_mem>>) src(%dma_wait3A_78 : memref<128x128xf32, #tpu.memory_space<vmem_shared>>) dst(%dma_wait3A_76 : memref<128x128xf32, #tpu.memory_space<hbm>>)
      tpu.yield
    }) : () -> ()
    %mul3A_39 = arith.constant 640 : i32
    %mul3A_40 = arith.muli %arg1, %mul3A_39 : i32
    %add3A_41 = arith.constant 128 : i32
    %add3A_42 = arith.addi %mul3A_40, %add3A_41 : i32
    %mul3A_43 = arith.constant 640 : i32
    %mul3A_44 = arith.muli %arg1, %mul3A_43 : i32
    %add3A_45 = arith.constant 128 : i32
    %add3A_46 = arith.addi %mul3A_44, %add3A_45 : i32
    "tpu.region"() ({
      %run_scoped3A = tpu.sem_alloc : memref<!tpu.dma_semaphore, #tpu.memory_space<semaphore_mem>>
      %dma_start3A = arith.constant 0 : i32
      %dma_start3A_71 = tpu.memref_slice %arg5[%arg0, %add3A_46, %dma_start3A] : memref<2x10240x128xf32, #tpu.memory_space<hbm>> -> memref<1x128x128xf32, #tpu.memory_space<hbm>>
      %dma_start3A_72 = tpu.memref_squeeze %dma_start3A_71 : memref<1x128x128xf32, #tpu.memory_space<hbm>> -> memref<128x128xf32, #tpu.memory_space<hbm>>
      %dma_start3A_73 = arith.constant 0 : i32
      %dma_start3A_74 = tpu.memref_slice %arg9[%add3A_42, %dma_start3A_73] : memref<10240x128xf32, #tpu.memory_space<vmem_shared>> -> memref<128x128xf32, #tpu.memory_space<vmem_shared>>
      tpu.enqueue_dma source(%dma_start3A_74 : memref<128x128xf32, #tpu.memory_space<vmem_shared>>) target(%dma_start3A_72 : memref<128x128xf32, #tpu.memory_space<hbm>>) target_semaphore(%run_scoped3A : memref<!tpu.dma_semaphore, #tpu.memory_space<semaphore_mem>>)
      %dma_wait3A = arith.constant 0 : i32
      %dma_wait3A_75 = tpu.memref_slice %arg5[%arg0, %add3A_46, %dma_wait3A] : memref<2x10240x128xf32, #tpu.memory_space<hbm>> -> memref<1x128x128xf32, #tpu.memory_space<hbm>>
      %dma_wait3A_76 = tpu.memref_squeeze %dma_wait3A_75 : memref<1x128x128xf32, #tpu.memory_space<hbm>> -> memref<128x128xf32, #tpu.memory_space<hbm>>
      %dma_wait3A_77 = arith.constant 0 : i32
      %dma_wait3A_78 = tpu.memref_slice %arg9[%add3A_42, %dma_wait3A_77] : memref<10240x128xf32, #tpu.memory_space<vmem_shared>> -> memref<128x128xf32, #tpu.memory_space<vmem_shared>>
      tpu.wait_dma2 semaphore(%run_scoped3A : memref<!tpu.dma_semaphore, #tpu.memory_space<semaphore_mem>>) src(%dma_wait3A_78 : memref<128x128xf32, #tpu.memory_space<vmem_shared>>) dst(%dma_wait3A_76 : memref<128x128xf32, #tpu.memory_space<hbm>>)
      tpu.yield
    }) : () -> ()
    %mul3A_47 = arith.constant 640 : i32
    %mul3A_48 = arith.muli %arg1, %mul3A_47 : i32
    %add3A_49 = arith.constant 256 : i32
    %add3A_50 = arith.addi %mul3A_48, %add3A_49 : i32
    %mul3A_51 = arith.constant 640 : i32
    %mul3A_52 = arith.muli %arg1, %mul3A_51 : i32
    %add3A_53 = arith.constant 256 : i32
    %add3A_54 = arith.addi %mul3A_52, %add3A_53 : i32
    "tpu.region"() ({
      %run_scoped3A = tpu.sem_alloc : memref<!tpu.dma_semaphore, #tpu.memory_space<semaphore_mem>>
      %dma_start3A = arith.constant 0 : i32
      %dma_start3A_71 = tpu.memref_slice %arg5[%arg0, %add3A_54, %dma_start3A] : memref<2x10240x128xf32, #tpu.memory_space<hbm>> -> memref<1x128x128xf32, #tpu.memory_space<hbm>>
      %dma_start3A_72 = tpu.memref_squeeze %dma_start3A_71 : memref<1x128x128xf32, #tpu.memory_space<hbm>> -> memref<128x128xf32, #tpu.memory_space<hbm>>
      %dma_start3A_73 = arith.constant 0 : i32
      %dma_start3A_74 = tpu.memref_slice %arg9[%add3A_50, %dma_start3A_73] : memref<10240x128xf32, #tpu.memory_space<vmem_shared>> -> memref<128x128xf32, #tpu.memory_space<vmem_shared>>
      tpu.enqueue_dma source(%dma_start3A_74 : memref<128x128xf32, #tpu.memory_space<vmem_shared>>) target(%dma_start3A_72 : memref<128x128xf32, #tpu.memory_space<hbm>>) target_semaphore(%run_scoped3A : memref<!tpu.dma_semaphore, #tpu.memory_space<semaphore_mem>>)
      %dma_wait3A = arith.constant 0 : i32
      %dma_wait3A_75 = tpu.memref_slice %arg5[%arg0, %add3A_54, %dma_wait3A] : memref<2x10240x128xf32, #tpu.memory_space<hbm>> -> memref<1x128x128xf32, #tpu.memory_space<hbm>>
      %dma_wait3A_76 = tpu.memref_squeeze %dma_wait3A_75 : memref<1x128x128xf32, #tpu.memory_space<hbm>> -> memref<128x128xf32, #tpu.memory_space<hbm>>
      %dma_wait3A_77 = arith.constant 0 : i32
      %dma_wait3A_78 = tpu.memref_slice %arg9[%add3A_50, %dma_wait3A_77] : memref<10240x128xf32, #tpu.memory_space<vmem_shared>> -> memref<128x128xf32, #tpu.memory_space<vmem_shared>>
      tpu.wait_dma2 semaphore(%run_scoped3A : memref<!tpu.dma_semaphore, #tpu.memory_space<semaphore_mem>>) src(%dma_wait3A_78 : memref<128x128xf32, #tpu.memory_space<vmem_shared>>) dst(%dma_wait3A_76 : memref<128x128xf32, #tpu.memory_space<hbm>>)
      tpu.yield
    }) : () -> ()
    %mul3A_55 = arith.constant 640 : i32
    %mul3A_56 = arith.muli %arg1, %mul3A_55 : i32
    %add3A_57 = arith.constant 384 : i32
    %add3A_58 = arith.addi %mul3A_56, %add3A_57 : i32
    %mul3A_59 = arith.constant 640 : i32
    %mul3A_60 = arith.muli %arg1, %mul3A_59 : i32
    %add3A_61 = arith.constant 384 : i32
    %add3A_62 = arith.addi %mul3A_60, %add3A_61 : i32
    "tpu.region"() ({
      %run_scoped3A = tpu.sem_alloc : memref<!tpu.dma_semaphore, #tpu.memory_space<semaphore_mem>>
      %dma_start3A = arith.constant 0 : i32
      %dma_start3A_71 = tpu.memref_slice %arg5[%arg0, %add3A_62, %dma_start3A] : memref<2x10240x128xf32, #tpu.memory_space<hbm>> -> memref<1x128x128xf32, #tpu.memory_space<hbm>>
      %dma_start3A_72 = tpu.memref_squeeze %dma_start3A_71 : memref<1x128x128xf32, #tpu.memory_space<hbm>> -> memref<128x128xf32, #tpu.memory_space<hbm>>
      %dma_start3A_73 = arith.constant 0 : i32
      %dma_start3A_74 = tpu.memref_slice %arg9[%add3A_58, %dma_start3A_73] : memref<10240x128xf32, #tpu.memory_space<vmem_shared>> -> memref<128x128xf32, #tpu.memory_space<vmem_shared>>
      tpu.enqueue_dma source(%dma_start3A_74 : memref<128x128xf32, #tpu.memory_space<vmem_shared>>) target(%dma_start3A_72 : memref<128x128xf32, #tpu.memory_space<hbm>>) target_semaphore(%run_scoped3A : memref<!tpu.dma_semaphore, #tpu.memory_space<semaphore_mem>>)
      %dma_wait3A = arith.constant 0 : i32
      %dma_wait3A_75 = tpu.memref_slice %arg5[%arg0, %add3A_62, %dma_wait3A] : memref<2x10240x128xf32, #tpu.memory_space<hbm>> -> memref<1x128x128xf32, #tpu.memory_space<hbm>>
      %dma_wait3A_76 = tpu.memref_squeeze %dma_wait3A_75 : memref<1x128x128xf32, #tpu.memory_space<hbm>> -> memref<128x128xf32, #tpu.memory_space<hbm>>
      %dma_wait3A_77 = arith.constant 0 : i32
      %dma_wait3A_78 = tpu.memref_slice %arg9[%add3A_58, %dma_wait3A_77] : memref<10240x128xf32, #tpu.memory_space<vmem_shared>> -> memref<128x128xf32, #tpu.memory_space<vmem_shared>>
      tpu.wait_dma2 semaphore(%run_scoped3A : memref<!tpu.dma_semaphore, #tpu.memory_space<semaphore_mem>>) src(%dma_wait3A_78 : memref<128x128xf32, #tpu.memory_space<vmem_shared>>) dst(%dma_wait3A_76 : memref<128x128xf32, #tpu.memory_space<hbm>>)
      tpu.yield
    }) : () -> ()
    %mul3A_63 = arith.constant 640 : i32
    %mul3A_64 = arith.muli %arg1, %mul3A_63 : i32
    %add3A_65 = arith.constant 512 : i32
    %add3A_66 = arith.addi %mul3A_64, %add3A_65 : i32
    %mul3A_67 = arith.constant 640 : i32
    %mul3A_68 = arith.muli %arg1, %mul3A_67 : i32
    %add3A_69 = arith.constant 512 : i32
    %add3A_70 = arith.addi %mul3A_68, %add3A_69 : i32
    "tpu.region"() ({
      %run_scoped3A = tpu.sem_alloc : memref<!tpu.dma_semaphore, #tpu.memory_space<semaphore_mem>>
      %dma_start3A = arith.constant 0 : i32
      %dma_start3A_71 = tpu.memref_slice %arg5[%arg0, %add3A_70, %dma_start3A] : memref<2x10240x128xf32, #tpu.memory_space<hbm>> -> memref<1x128x128xf32, #tpu.memory_space<hbm>>
      %dma_start3A_72 = tpu.memref_squeeze %dma_start3A_71 : memref<1x128x128xf32, #tpu.memory_space<hbm>> -> memref<128x128xf32, #tpu.memory_space<hbm>>
      %dma_start3A_73 = arith.constant 0 : i32
      %dma_start3A_74 = tpu.memref_slice %arg9[%add3A_66, %dma_start3A_73] : memref<10240x128xf32, #tpu.memory_space<vmem_shared>> -> memref<128x128xf32, #tpu.memory_space<vmem_shared>>
      tpu.enqueue_dma source(%dma_start3A_74 : memref<128x128xf32, #tpu.memory_space<vmem_shared>>) target(%dma_start3A_72 : memref<128x128xf32, #tpu.memory_space<hbm>>) target_semaphore(%run_scoped3A : memref<!tpu.dma_semaphore, #tpu.memory_space<semaphore_mem>>)
      %dma_wait3A = arith.constant 0 : i32
      %dma_wait3A_75 = tpu.memref_slice %arg5[%arg0, %add3A_70, %dma_wait3A] : memref<2x10240x128xf32, #tpu.memory_space<hbm>> -> memref<1x128x128xf32, #tpu.memory_space<hbm>>
      %dma_wait3A_76 = tpu.memref_squeeze %dma_wait3A_75 : memref<1x128x128xf32, #tpu.memory_space<hbm>> -> memref<128x128xf32, #tpu.memory_space<hbm>>
      %dma_wait3A_77 = arith.constant 0 : i32
      %dma_wait3A_78 = tpu.memref_slice %arg9[%add3A_66, %dma_wait3A_77] : memref<10240x128xf32, #tpu.memory_space<vmem_shared>> -> memref<128x128xf32, #tpu.memory_space<vmem_shared>>
      tpu.wait_dma2 semaphore(%run_scoped3A : memref<!tpu.dma_semaphore, #tpu.memory_space<semaphore_mem>>) src(%dma_wait3A_78 : memref<128x128xf32, #tpu.memory_space<vmem_shared>>) dst(%dma_wait3A_76 : memref<128x128xf32, #tpu.memory_space<hbm>>)
      tpu.yield
    }) : () -> ()
    return
  }
}

module attributes {stable_mosaic.version = 14 : i64} {
  func.func @body(%arg0: i32, %arg1: memref<1024x128xf32, #tpu.memory_space<vmem>>, %arg2: memref<128x128xf32, #tpu.memory_space<vmem>>, %arg3: memref<1024x128xf32, #tpu.memory_space<vmem>>) attributes {dimension_semantics = [#tpu.dimension_semantics<arbitrary>], iteration_bounds = array<i64: 10>, scalar_prefetch = 0 : i64, scratch_operands = 0 : i64, tpu.core_type = #tpu.core_type<tc>, window_params = [{transform_indices = @transform_0, window_bounds = array<i64: 1024, 128>}, {pipeline_mode = #tpu.pipeline_mode<synchronous>, transform_indices = @transform_1, window_bounds = array<i64: 128, 128>}, {transform_indices = @transform_2, window_bounds = array<i64: 1024, 128>}]} {
    %get3A = arith.constant 0 : index
    %get3A_0 = arith.constant 0 : index
    %get3A_1 = vector.load %arg1[%get3A, %get3A_0] : memref<1024x128xf32, #tpu.memory_space<vmem>>, vector<1024x128xf32>
    %get3A_2 = arith.constant 0 : index
    %get3A_3 = arith.constant 0 : index
    %get3A_4 = vector.load %arg2[%get3A_2, %get3A_3] : memref<128x128xf32, #tpu.memory_space<vmem>>, vector<128x128xf32>
    %dot_general3A = arith.constant dense<0.000000e+00> : vector<1024x128xf32>
    %dot_general3A_5 = tpu.matmul %get3A_1, %get3A_4, %dot_general3A {dimension_numbers = #tpu.dot_dimension_numbers<[1], [0], [0], [1], [0, 0, 1, 1], [], []>, precision = #tpu.contract_precision<fp32>, transpose_lhs_hint = false} : vector<1024x128xf32>, vector<128x128xf32>, vector<1024x128xf32> -> vector<1024x128xf32>
    %swap3A = arith.constant 0 : index
    %swap3A_6 = arith.constant 0 : index
    %swap3A_7 = vector.load %arg3[%swap3A, %swap3A_6] : memref<1024x128xf32, #tpu.memory_space<vmem>>, vector<1024x128xf32>
    tpu.vector_store %arg3[%swap3A, %swap3A_6], %dot_general3A_5 {strides = array<i32>} : memref<1024x128xf32, #tpu.memory_space<vmem>>, vector<1024x128xf32>,
    return
  }
  func.func @transform_0(%arg0: i32) -> (i32, i32) {
    %c0_i32 = arith.constant 0 : i32
    %c0_i32_0 = arith.constant 0 : i32
    return %arg0, %c0_i32 : i32, i32
  }
  func.func @transform_1(%arg0: i32) -> (i32, i32) {
    %c0_i32 = arith.constant 0 : i32
    %c0_i32_0 = arith.constant 0 : i32
    %c0_i32_1 = arith.constant 0 : i32
    return %c0_i32, %c0_i32_0 : i32, i32
  }
  func.func @transform_2(%arg0: i32) -> (i32, i32) {
    %c0_i32 = arith.constant 0 : i32
    %c0_i32_0 = arith.constant 0 : i32
    return %arg0, %c0_i32 : i32, i32
  }
}

module attributes {stable_mosaic.version = 14 : i64} {
  func.func @body(%arg0: i32, %arg1: memref<1024x128xf32, #tpu.memory_space<vmem>>, %arg2: memref<32x1024xf32, #tpu.memory_space<vmem>>, %arg3: memref<1024x128xf32, #tpu.memory_space<vmem>>) attributes {dimension_semantics = [#tpu.dimension_semantics<arbitrary>], iteration_bounds = array<i64: 10>, scalar_prefetch = 0 : i64, scratch_operands = 0 : i64, tpu.core_type = #tpu.core_type<tc>, window_params = [{transform_indices = @transform_0, window_bounds = array<i64: 1024, 128>}, {transform_indices = @transform_1, window_bounds = array<i64: 32, 1024>}, {transform_indices = @transform_2, window_bounds = array<i64: 1024, 128>}]} {
    %get3A = arith.constant 0 : index
    %get3A_0 = arith.constant 0 : index
    %get3A_1 = vector.load %arg1[%get3A, %get3A_0] : memref<1024x128xf32, #tpu.memory_space<vmem>>, vector<1024x128xf32>
    %get3A_2 = arith.constant 0 : index
    %get3A_3 = arith.constant 0 : index
    %get3A_4 = vector.load %arg2[%get3A_2, %get3A_3] : memref<32x1024xf32, #tpu.memory_space<vmem>>, vector<32x1024xf32>
    %broadcast_in_dim3A = arith.constant 1.000000e+00 : f32
    %broadcast_in_dim3A_5 = vector.broadcast %broadcast_in_dim3A : f32 to vector<32x1xf32>
    %dot_general3A = arith.constant dense<0.000000e+00> : vector<1024x1xf32>
    %dot_general3A_6 = tpu.matmul %get3A_4, %broadcast_in_dim3A_5, %dot_general3A {dimension_numbers = #tpu.dot_dimension_numbers<[0], [0], [1], [1], [0, 1, 1, 1], [], []>, precision = #tpu.contract_precision<fp32>, transpose_lhs_hint = false} : vector<32x1024xf32>, vector<32x1xf32>, vector<1024x1xf32> -> vector<1024x1xf32>
    %add3A = arith.constant 1.000000e+00 : f32
    %add3A_7 = vector.broadcast %add3A : f32 to vector<1024x1xf32>
    %add3A_8 = arith.addf %dot_general3A_6, %add3A_7 : vector<1024x1xf32>
    %rsqrt3A = math.rsqrt %add3A_8 : vector<1024x1xf32>
    %mul3A = vector.broadcast %rsqrt3A : vector<1024x1xf32> to vector<1024x128xf32>
    %mul3A_9 = arith.mulf %get3A_1, %mul3A : vector<1024x128xf32>
    %swap3A = arith.constant 0 : index
    %swap3A_10 = arith.constant 0 : index
    %swap3A_11 = vector.load %arg3[%swap3A, %swap3A_10] : memref<1024x128xf32, #tpu.memory_space<vmem>>, vector<1024x128xf32>
    tpu.vector_store %arg3[%swap3A, %swap3A_10], %mul3A_9 {strides = array<i32>} : memref<1024x128xf32, #tpu.memory_space<vmem>>, vector<1024x128xf32>,
    return
  }
  func.func @transform_0(%arg0: i32) -> (i32, i32) {
    %c0_i32 = arith.constant 0 : i32
    %c0_i32_0 = arith.constant 0 : i32
    return %arg0, %c0_i32 : i32, i32
  }
  func.func @transform_1(%arg0: i32) -> (i32, i32) {
    %c0_i32 = arith.constant 0 : i32
    %c0_i32_0 = arith.constant 0 : i32
    return %c0_i32, %arg0 : i32, i32
  }
  func.func @transform_2(%arg0: i32) -> (i32, i32) {
    %c0_i32 = arith.constant 0 : i32
    %c0_i32_0 = arith.constant 0 : i32
    return %arg0, %c0_i32 : i32, i32
  }
}

module attributes {stable_mosaic.version = 14 : i64} {
  func.func @body(%arg0: i32, %arg1: memref<1024x128xf32, #tpu.memory_space<vmem>>, %arg2: memref<1024x128xf32, #tpu.memory_space<vmem>>, %arg3: memref<1024x128xf32, #tpu.memory_space<vmem>>, %arg4: memref<32x1024xf32, #tpu.memory_space<vmem>>, %arg5: memref<1x128xf32, #tpu.memory_space<vmem>>, %arg6: memref<1x128xf32, #tpu.memory_space<vmem>>, %arg7: memref<1x128xf32, #tpu.memory_space<vmem>>, %arg8: memref<128x192xf32, #tpu.memory_space<vmem>>, %arg9: memref<1x192xf32, #tpu.memory_space<vmem>>, %arg10: memref<1x192xf32, #tpu.memory_space<vmem>>, %arg11: memref<1024x128xf32, #tpu.memory_space<vmem>>, %arg12: memref<1024x128xf32, #tpu.memory_space<vmem>>, %arg13: memref<1024x128xf32, #tpu.memory_space<vmem>>, %arg14: memref<1024x16xf32, #tpu.memory_space<vmem>>, %arg15: memref<1024x16xf32, #tpu.memory_space<vmem>>, %arg16: memref<128xf32, #tpu.memory_space<vmem>>, %arg17: memref<128xf32, #tpu.memory_space<vmem>>) attributes {dimension_semantics = [#tpu.dimension_semantics<arbitrary>], iteration_bounds = array<i64: 10>, scalar_prefetch = 0 : i64, scratch_operands = 0 : i64, tpu.core_type = #tpu.core_type<tc>, window_params = [{transform_indices = @transform_0, window_bounds = array<i64: 1024, 128>}, {transform_indices = @transform_1, window_bounds = array<i64: 1024, 128>}, {transform_indices = @transform_2, window_bounds = array<i64: 1024, 128>}, {transform_indices = @transform_3, window_bounds = array<i64: 32, 1024>}, {pipeline_mode = #tpu.pipeline_mode<synchronous>, transform_indices = @transform_4, window_bounds = array<i64: 1, 128>}, {pipeline_mode = #tpu.pipeline_mode<synchronous>, transform_indices = @transform_5, window_bounds = array<i64: 1, 128>}, {pipeline_mode = #tpu.pipeline_mode<synchronous>, transform_indices = @transform_6, window_bounds = array<i64: 1, 128>}, {pipeline_mode = #tpu.pipeline_mode<synchronous>, transform_indices = @transform_7, window_bounds = array<i64: 128, 192>}, {pipeline_mode = #tpu.pipeline_mode<synchronous>, transform_indices = @transform_8, window_bounds = array<i64: 1, 192>}, {pipeline_mode = #tpu.pipeline_mode<synchronous>, transform_indices = @transform_9, window_bounds = array<i64: 1, 192>}, {transform_indices = @transform_10, window_bounds = array<i64: 1024, 128>}, {transform_indices = @transform_11, window_bounds = array<i64: 1024, 128>}, {transform_indices = @transform_12, window_bounds = array<i64: 1024, 128>}, {transform_indices = @transform_13, window_bounds = array<i64: 1024, 16>}, {transform_indices = @transform_14, window_bounds = array<i64: 1024, 16>}, {pipeline_mode = #tpu.pipeline_mode<synchronous>, transform_indices = @transform_15, window_bounds = array<i64: 128>}, {pipeline_mode = #tpu.pipeline_mode<synchronous>, transform_indices = @transform_16, window_bounds = array<i64: 128>}]} {
    %get3A = arith.constant 0 : index
    %get3A_0 = arith.constant 0 : index
    %get3A_1 = vector.load %arg4[%get3A, %get3A_0] : memref<32x1024xf32, #tpu.memory_space<vmem>>, vector<32x1024xf32>
    %broadcast_in_dim3A = arith.constant 1.000000e+00 : f32
    %broadcast_in_dim3A_2 = vector.broadcast %broadcast_in_dim3A : f32 to vector<32x1xf32>
    %dot_general3A = arith.constant dense<0.000000e+00> : vector<1024x1xf32>
    %dot_general3A_3 = tpu.matmul %get3A_1, %broadcast_in_dim3A_2, %dot_general3A {dimension_numbers = #tpu.dot_dimension_numbers<[0], [0], [1], [1], [0, 1, 1, 1], [], []>, precision = #tpu.contract_precision<fp32>, transpose_lhs_hint = false} : vector<32x1024xf32>, vector<32x1xf32>, vector<1024x1xf32> -> vector<1024x1xf32>
    %add3A = arith.constant 1.000000e+00 : f32
    %add3A_4 = vector.broadcast %add3A : f32 to vector<1024x1xf32>
    %add3A_5 = arith.addf %dot_general3A_3, %add3A_4 : vector<1024x1xf32>
    %rsqrt3A = math.rsqrt %add3A_5 : vector<1024x1xf32>
    %get3A_6 = arith.constant 0 : index
    %get3A_7 = arith.constant 0 : index
    %get3A_8 = vector.load %arg1[%get3A_6, %get3A_7] : memref<1024x128xf32, #tpu.memory_space<vmem>>, vector<1024x128xf32>
    %get3A_9 = arith.constant 0 : index
    %get3A_10 = arith.constant 0 : index
    %get3A_11 = vector.load %arg2[%get3A_9, %get3A_10] : memref<1024x128xf32, #tpu.memory_space<vmem>>, vector<1024x128xf32>
    %add3A_12 = arith.addf %get3A_8, %get3A_11 : vector<1024x128xf32>
    %get3A_13 = arith.constant 0 : index
    %get3A_14 = arith.constant 0 : index
    %get3A_15 = vector.load %arg3[%get3A_13, %get3A_14] : memref<1024x128xf32, #tpu.memory_space<vmem>>, vector<1024x128xf32>
    %add3A_16 = arith.addf %add3A_12, %get3A_15 : vector<1024x128xf32>
    %mul3A = vector.broadcast %rsqrt3A : vector<1024x1xf32> to vector<1024x128xf32>
    %mul3A_17 = arith.mulf %mul3A, %add3A_16 : vector<1024x128xf32>
    %get3A_18 = arith.constant 0 : index
    %get3A_19 = arith.constant 0 : index
    %get3A_20 = vector.load %arg5[%get3A_18, %get3A_19] : memref<1x128xf32, #tpu.memory_space<vmem>>, vector<1x128xf32>
    %add3A_21 = vector.broadcast %get3A_20 : vector<1x128xf32> to vector<1024x128xf32>
    %add3A_22 = arith.addf %mul3A_17, %add3A_21 : vector<1024x128xf32>
    %get3A_23 = arith.constant 0 : index
    %get3A_24 = arith.constant 0 : index
    %get3A_25 = vector.load %arg6[%get3A_23, %get3A_24] : memref<1x128xf32, #tpu.memory_space<vmem>>, vector<1x128xf32>
    %get3A_26 = arith.constant 0 : index
    %get3A_27 = arith.constant 0 : index
    %get3A_28 = vector.load %arg7[%get3A_26, %get3A_27] : memref<1x128xf32, #tpu.memory_space<vmem>>, vector<1x128xf32>
    %reduce_sum3A = arith.constant dense<0.000000e+00> : vector<1024xf32>
    %reduce_sum3A_29 = vector.multi_reduction <add>, %add3A_22, %reduce_sum3A [1] : vector<1024x128xf32> to vector<1024xf32>
    %broadcast_in_dim3A_30 = vector.shape_cast %reduce_sum3A_29 : vector<1024xf32> to vector<1024x1xf32>
    %div3A = arith.constant 1.280000e+02 : f32
    %div3A_31 = vector.broadcast %div3A : f32 to vector<1024x1xf32>
    %div3A_32 = arith.divf %broadcast_in_dim3A_30, %div3A_31 : vector<1024x1xf32>
    %sub3A = vector.broadcast %div3A_32 : vector<1024x1xf32> to vector<1024x128xf32>
    %sub3A_33 = arith.subf %add3A_22, %sub3A : vector<1024x128xf32>
    %integer_pow3A = arith.mulf %sub3A_33, %sub3A_33 : vector<1024x128xf32>
    %reduce_sum3A_34 = arith.constant dense<0.000000e+00> : vector<1024xf32>
    %reduce_sum3A_35 = vector.multi_reduction <add>, %integer_pow3A, %reduce_sum3A_34 [1] : vector<1024x128xf32> to vector<1024xf32>
    %broadcast_in_dim3A_36 = vector.shape_cast %reduce_sum3A_35 : vector<1024xf32> to vector<1024x1xf32>
    %div3A_37 = arith.constant 1.280000e+02 : f32
    %div3A_38 = vector.broadcast %div3A_37 : f32 to vector<1024x1xf32>
    %div3A_39 = arith.divf %broadcast_in_dim3A_36, %div3A_38 : vector<1024x1xf32>
    %sub3A_40 = vector.broadcast %div3A_32 : vector<1024x1xf32> to vector<1024x128xf32>
    %sub3A_41 = arith.subf %add3A_22, %sub3A_40 : vector<1024x128xf32>
    %add3A_42 = arith.constant 9.99999974E-6 : f32
    %add3A_43 = vector.broadcast %add3A_42 : f32 to vector<1024x1xf32>
    %add3A_44 = arith.addf %div3A_39, %add3A_43 : vector<1024x1xf32>
    %rsqrt3A_45 = math.rsqrt %add3A_44 : vector<1024x1xf32>
    %mul3A_46 = vector.broadcast %rsqrt3A_45 : vector<1024x1xf32> to vector<1024x128xf32>
    %mul3A_47 = arith.mulf %sub3A_41, %mul3A_46 : vector<1024x128xf32>
    %mul3A_48 = vector.broadcast %get3A_25 : vector<1x128xf32> to vector<1024x128xf32>
    %mul3A_49 = arith.mulf %mul3A_47, %mul3A_48 : vector<1024x128xf32>
    %add3A_50 = vector.broadcast %get3A_28 : vector<1x128xf32> to vector<1024x128xf32>
    %add3A_51 = arith.addf %mul3A_49, %add3A_50 : vector<1024x128xf32>
    %custom_jvp_call3A = arith.constant 0.000000e+00 : f32
    %max3A = vector.broadcast %custom_jvp_call3A : f32 to vector<1024x128xf32>
    %max3A_52 = arith.maximumf %add3A_51, %max3A : vector<1024x128xf32>
    %sub3A_53 = vector.broadcast %custom_jvp_call3A : f32 to vector<1024x128xf32>
    %sub3A_54 = arith.subf %add3A_51, %sub3A_53 : vector<1024x128xf32>
    %ne3A = arith.cmpf one, %sub3A_54, %sub3A_54 : vector<1024x128xf32>
    %add3A_55 = vector.broadcast %custom_jvp_call3A : f32 to vector<1024x128xf32>
    %add3A_56 = arith.addf %add3A_51, %add3A_55 : vector<1024x128xf32>
    %abs3A = math.absf %sub3A_54 : vector<1024x128xf32>
    %neg3A = arith.constant 0.000000e+00 : f32
    %neg3A_57 = vector.broadcast %neg3A : f32 to vector<1024x128xf32>
    %neg3A_58 = arith.subf %neg3A_57, %abs3A : vector<1024x128xf32>
    %exp3A = math.exp %neg3A_58 : vector<1024x128xf32>
    %log1p3A = math.log1p %exp3A : vector<1024x128xf32>
    %add3A_59 = arith.addf %max3A_52, %log1p3A : vector<1024x128xf32>
    %select_n3A = arith.select %ne3A, %add3A_56, %add3A_59 : vector<1024x128xi1>, vector<1024x128xf32>
    %tanh3A = math.tanh %select_n3A : vector<1024x128xf32>
    %mul3A_60 = arith.mulf %add3A_51, %tanh3A : vector<1024x128xf32>
    %swap3A = arith.constant 0 : index
    %swap3A_61 = arith.constant 0 : index
    %swap3A_62 = vector.load %arg11[%swap3A, %swap3A_61] : memref<1024x128xf32, #tpu.memory_space<vmem>>, vector<1024x128xf32>
    tpu.vector_store %arg11[%swap3A, %swap3A_61], %mul3A_60 {strides = array<i32>} : memref<1024x128xf32, #tpu.memory_space<vmem>>, vector<1024x128xf32>,
    %get3A_63 = arith.constant 0 : index
    %get3A_64 = arith.constant 0 : index
    %get3A_65 = vector.load %arg8[%get3A_63, %get3A_64] : memref<128x192xf32, #tpu.memory_space<vmem>>, vector<128x192xf32>
    %dot_general3A_66 = arith.constant dense<0.000000e+00> : vector<1024x192xf32>
    %dot_general3A_67 = tpu.matmul %mul3A_60, %get3A_65, %dot_general3A_66 {dimension_numbers = #tpu.dot_dimension_numbers<[1], [0], [0], [1], [0, 0, 1, 1], [], []>, precision = #tpu.contract_precision<fp32>, transpose_lhs_hint = false} : vector<1024x128xf32>, vector<128x192xf32>, vector<1024x192xf32> -> vector<1024x192xf32>
    %slice3A = vector.extract_strided_slice %dot_general3A_67 {offsets = [0, 0], sizes = [1024, 128], strides = [1, 1]} : vector<1024x192xf32> to vector<1024x128xf32>
    %swap3A_68 = arith.constant 0 : index
    %swap3A_69 = arith.constant 0 : index
    %swap3A_70 = vector.load %arg12[%swap3A_68, %swap3A_69] : memref<1024x128xf32, #tpu.memory_space<vmem>>, vector<1024x128xf32>
    tpu.vector_store %arg12[%swap3A_68, %swap3A_69], %slice3A {strides = array<i32>} : memref<1024x128xf32, #tpu.memory_space<vmem>>, vector<1024x128xf32>,
    %slice3A_71 = vector.extract_strided_slice %dot_general3A_67 {offsets = [0, 128], sizes = [1024, 64], strides = [1, 1]} : vector<1024x192xf32> to vector<1024x64xf32>
    %broadcast_in_dim3A_72 = arith.constant 0.000000e+00 : f32
    %broadcast_in_dim3A_73 = vector.broadcast %broadcast_in_dim3A_72 : f32 to vector<1024x64xf32>
    %concatenate3A = tpu.concatenate %slice3A_71, %broadcast_in_dim3A_73 in 1 : vector<1024x64xf32>, vector<1024x64xf32> -> vector<1024x128xf32>
    %swap3A_74 = arith.constant 0 : index
    %swap3A_75 = arith.constant 0 : index
    %swap3A_76 = vector.load %arg13[%swap3A_74, %swap3A_75] : memref<1024x128xf32, #tpu.memory_space<vmem>>, vector<1024x128xf32>
    tpu.vector_store %arg13[%swap3A_74, %swap3A_75], %concatenate3A {strides = array<i32>} : memref<1024x128xf32, #tpu.memory_space<vmem>>, vector<1024x128xf32>,
    %get3A_77 = arith.constant 0 : index
    %get3A_78 = arith.constant 0 : index
    %get3A_79 = vector.load %arg9[%get3A_77, %get3A_78] : memref<1x192xf32, #tpu.memory_space<vmem>>, vector<1x192xf32>
    %mul3A_80 = vector.broadcast %get3A_79 : vector<1x192xf32> to vector<1024x192xf32>
    %mul3A_81 = arith.mulf %dot_general3A_67, %mul3A_80 : vector<1024x192xf32>
    %get3A_82 = arith.constant 0 : index
    %get3A_83 = arith.constant 0 : index
    %get3A_84 = vector.load %arg10[%get3A_82, %get3A_83] : memref<1x192xf32, #tpu.memory_space<vmem>>, vector<1x192xf32>
    %mul3A_85 = vector.broadcast %get3A_84 : vector<1x192xf32> to vector<1024x192xf32>
    %mul3A_86 = arith.mulf %dot_general3A_67, %mul3A_85 : vector<1024x192xf32>
    %slice3A_87 = vector.extract_strided_slice %mul3A_81 {offsets = [0, 0], sizes = [1024, 64], strides = [1, 1]} : vector<1024x192xf32> to vector<1024x64xf32>
    %reduce_sum3A_88 = arith.constant dense<0.000000e+00> : vector<1024xf32>
    %reduce_sum3A_89 = vector.multi_reduction <add>, %slice3A_87, %reduce_sum3A_88 [1] : vector<1024x64xf32> to vector<1024xf32>
    %broadcast_in_dim3A_90 = vector.shape_cast %reduce_sum3A_89 : vector<1024xf32> to vector<1024x1xf32>
    %slice3A_91 = vector.extract_strided_slice %mul3A_81 {offsets = [0, 64], sizes = [1024, 64], strides = [1, 1]} : vector<1024x192xf32> to vector<1024x64xf32>
    %reduce_sum3A_92 = arith.constant dense<0.000000e+00> : vector<1024xf32>
    %reduce_sum3A_93 = vector.multi_reduction <add>, %slice3A_91, %reduce_sum3A_92 [1] : vector<1024x64xf32> to vector<1024xf32>
    %broadcast_in_dim3A_94 = vector.shape_cast %reduce_sum3A_93 : vector<1024xf32> to vector<1024x1xf32>
    %slice3A_95 = vector.extract_strided_slice %mul3A_81 {offsets = [0, 128], sizes = [1024, 64], strides = [1, 1]} : vector<1024x192xf32> to vector<1024x64xf32>
    %reduce_sum3A_96 = arith.constant dense<0.000000e+00> : vector<1024xf32>
    %reduce_sum3A_97 = vector.multi_reduction <add>, %slice3A_95, %reduce_sum3A_96 [1] : vector<1024x64xf32> to vector<1024xf32>
    %broadcast_in_dim3A_98 = vector.shape_cast %reduce_sum3A_97 : vector<1024xf32> to vector<1024x1xf32>
    %slice3A_99 = vector.extract_strided_slice %mul3A_86 {offsets = [0, 0], sizes = [1024, 64], strides = [1, 1]} : vector<1024x192xf32> to vector<1024x64xf32>
    %reduce_sum3A_100 = arith.constant dense<0.000000e+00> : vector<1024xf32>
    %reduce_sum3A_101 = vector.multi_reduction <add>, %slice3A_99, %reduce_sum3A_100 [1] : vector<1024x64xf32> to vector<1024xf32>
    %broadcast_in_dim3A_102 = vector.shape_cast %reduce_sum3A_101 : vector<1024xf32> to vector<1024x1xf32>
    %slice3A_103 = vector.extract_strided_slice %mul3A_86 {offsets = [0, 64], sizes = [1024, 64], strides = [1, 1]} : vector<1024x192xf32> to vector<1024x64xf32>
    %reduce_sum3A_104 = arith.constant dense<0.000000e+00> : vector<1024xf32>
    %reduce_sum3A_105 = vector.multi_reduction <add>, %slice3A_103, %reduce_sum3A_104 [1] : vector<1024x64xf32> to vector<1024xf32>
    %broadcast_in_dim3A_106 = vector.shape_cast %reduce_sum3A_105 : vector<1024xf32> to vector<1024x1xf32>
    %slice3A_107 = vector.extract_strided_slice %mul3A_86 {offsets = [0, 128], sizes = [1024, 64], strides = [1, 1]} : vector<1024x192xf32> to vector<1024x64xf32>
    %reduce_sum3A_108 = arith.constant dense<0.000000e+00> : vector<1024xf32>
    %reduce_sum3A_109 = vector.multi_reduction <add>, %slice3A_107, %reduce_sum3A_108 [1] : vector<1024x64xf32> to vector<1024xf32>
    %broadcast_in_dim3A_110 = vector.shape_cast %reduce_sum3A_109 : vector<1024xf32> to vector<1024x1xf32>
    %broadcast_in_dim3A_111 = arith.constant 0.000000e+00 : f32
    %broadcast_in_dim3A_112 = vector.broadcast %broadcast_in_dim3A_111 : f32 to vector<1024x13xf32>
    %concatenate3A_113 = tpu.concatenate %broadcast_in_dim3A_90, %broadcast_in_dim3A_94, %broadcast_in_dim3A_98, %broadcast_in_dim3A_112 in 1 : vector<1024x1xf32>, vector<1024x1xf32>, vector<1024x1xf32>, vector<1024x13xf32> -> vector<1024x16xf32>
    %concatenate3A_114 = tpu.concatenate %broadcast_in_dim3A_102, %broadcast_in_dim3A_106, %broadcast_in_dim3A_110, %broadcast_in_dim3A_112 in 1 : vector<1024x1xf32>, vector<1024x1xf32>, vector<1024x1xf32>, vector<1024x13xf32> -> vector<1024x16xf32>
    %swap3A_115 = arith.constant 0 : index
    %swap3A_116 = arith.constant 0 : index
    %swap3A_117 = vector.load %arg14[%swap3A_115, %swap3A_116] : memref<1024x16xf32, #tpu.memory_space<vmem>>, vector<1024x16xf32>
    tpu.vector_store %arg14[%swap3A_115, %swap3A_116], %concatenate3A_113 {strides = array<i32>} : memref<1024x16xf32, #tpu.memory_space<vmem>>, vector<1024x16xf32>,
    %swap3A_118 = arith.constant 0 : index
    %swap3A_119 = arith.constant 0 : index
    %swap3A_120 = vector.load %arg15[%swap3A_118, %swap3A_119] : memref<1024x16xf32, #tpu.memory_space<vmem>>, vector<1024x16xf32>
    tpu.vector_store %arg15[%swap3A_118, %swap3A_119], %concatenate3A_114 {strides = array<i32>} : memref<1024x16xf32, #tpu.memory_space<vmem>>, vector<1024x16xf32>,
    %eq3A = arith.constant 0 : i32
    %eq3A_121 = arith.cmpi eq, %arg0, %eq3A : i32
    %convert_element_type3A = arith.extui %eq3A_121 : i1 to i32
    %cond3A = arith.constant 0 : i32
    %cond3A_122 = arith.cmpi ne, %convert_element_type3A, %cond3A : i32
    scf.if %cond3A_122 {
      %broadcast_in_dim3A_144 = arith.constant 0xFF800000 : f32
      %broadcast_in_dim3A_145 = vector.broadcast %broadcast_in_dim3A_144 : f32 to vector<128xf32>
      %swap3A_146 = arith.constant 0 : index
      %swap3A_147 = vector.load %arg16[%swap3A_146] : memref<128xf32, #tpu.memory_space<vmem>>, vector<128xf32>
      tpu.vector_store %arg16[%swap3A_146], %broadcast_in_dim3A_145 {strides = array<i32>} : memref<128xf32, #tpu.memory_space<vmem>>, vector<128xf32>,
      %broadcast_in_dim3A_148 = arith.constant 0xFF800000 : f32
      %broadcast_in_dim3A_149 = vector.broadcast %broadcast_in_dim3A_148 : f32 to vector<128xf32>
      %swap3A_150 = arith.constant 0 : index
      %swap3A_151 = vector.load %arg17[%swap3A_150] : memref<128xf32, #tpu.memory_space<vmem>>, vector<128xf32>
      tpu.vector_store %arg17[%swap3A_150], %broadcast_in_dim3A_149 {strides = array<i32>} : memref<128xf32, #tpu.memory_space<vmem>>, vector<128xf32>,
    } else {
    }
    %get3A_123 = arith.constant 0 : index
    %get3A_124 = vector.load %arg16[%get3A_123] : memref<128xf32, #tpu.memory_space<vmem>>, vector<128xf32>
    %reduce_max3A = vector.shape_cast %concatenate3A_113 : vector<1024x16xf32> to vector<1x1024x16xf32>
    %reduce_max3A_125 = arith.constant dense<0xFF800000> : vector<1xf32>
    %reduce_max3A_126 = vector.multi_reduction <maximumf>, %reduce_max3A, %reduce_max3A_125 [1, 2] : vector<1x1024x16xf32> to vector<1xf32>
    %reduce_max3A_127 = vector.shape_cast %reduce_max3A_126 : vector<1xf32> to vector<1x1x1xf32>
    %reduce_max3A_128 = vector.extract %reduce_max3A_127[0, 0, 0] : f32 from vector<1x1x1xf32>
    %max3A_129 = vector.broadcast %reduce_max3A_128 : f32 to vector<128xf32>
    %max3A_130 = arith.maximumf %get3A_124, %max3A_129 : vector<128xf32>
    %swap3A_131 = arith.constant 0 : index
    %swap3A_132 = vector.load %arg16[%swap3A_131] : memref<128xf32, #tpu.memory_space<vmem>>, vector<128xf32>
    tpu.vector_store %arg16[%swap3A_131], %max3A_130 {strides = array<i32>} : memref<128xf32, #tpu.memory_space<vmem>>, vector<128xf32>,
    %get3A_133 = arith.constant 0 : index
    %get3A_134 = vector.load %arg17[%get3A_133] : memref<128xf32, #tpu.memory_space<vmem>>, vector<128xf32>
    %reduce_max3A_135 = vector.shape_cast %concatenate3A_114 : vector<1024x16xf32> to vector<1x1024x16xf32>
    %reduce_max3A_136 = arith.constant dense<0xFF800000> : vector<1xf32>
    %reduce_max3A_137 = vector.multi_reduction <maximumf>, %reduce_max3A_135, %reduce_max3A_136 [1, 2] : vector<1x1024x16xf32> to vector<1xf32>
    %reduce_max3A_138 = vector.shape_cast %reduce_max3A_137 : vector<1xf32> to vector<1x1x1xf32>
    %reduce_max3A_139 = vector.extract %reduce_max3A_138[0, 0, 0] : f32 from vector<1x1x1xf32>
    %max3A_140 = vector.broadcast %reduce_max3A_139 : f32 to vector<128xf32>
    %max3A_141 = arith.maximumf %get3A_134, %max3A_140 : vector<128xf32>
    %swap3A_142 = arith.constant 0 : index
    %swap3A_143 = vector.load %arg17[%swap3A_142] : memref<128xf32, #tpu.memory_space<vmem>>, vector<128xf32>
    tpu.vector_store %arg17[%swap3A_142], %max3A_141 {strides = array<i32>} : memref<128xf32, #tpu.memory_space<vmem>>, vector<128xf32>,
    return
  }
  func.func @transform_0(%arg0: i32) -> (i32, i32) {
    %c0_i32 = arith.constant 0 : i32
    %c0_i32_0 = arith.constant 0 : i32
    return %arg0, %c0_i32 : i32, i32
  }
  func.func @transform_1(%arg0: i32) -> (i32, i32) {
    %c0_i32 = arith.constant 0 : i32
    %c0_i32_0 = arith.constant 0 : i32
    return %arg0, %c0_i32 : i32, i32
  }
  func.func @transform_2(%arg0: i32) -> (i32, i32) {
    %c0_i32 = arith.constant 0 : i32
    %c0_i32_0 = arith.constant 0 : i32
    return %arg0, %c0_i32 : i32, i32
  }
  func.func @transform_3(%arg0: i32) -> (i32, i32) {
    %c0_i32 = arith.constant 0 : i32
    %c0_i32_0 = arith.constant 0 : i32
    return %c0_i32, %arg0 : i32, i32
  }
  func.func @transform_4(%arg0: i32) -> (i32, i32) {
    %c0_i32 = arith.constant 0 : i32
    %c0_i32_0 = arith.constant 0 : i32
    %c0_i32_1 = arith.constant 0 : i32
    return %c0_i32, %c0_i32_0 : i32, i32
  }
  func.func @transform_5(%arg0: i32) -> (i32, i32) {
    %c0_i32 = arith.constant 0 : i32
    %c0_i32_0 = arith.constant 0 : i32
    %c0_i32_1 = arith.constant 0 : i32
    return %c0_i32, %c0_i32_0 : i32, i32
  }
  func.func @transform_6(%arg0: i32) -> (i32, i32) {
    %c0_i32 = arith.constant 0 : i32
    %c0_i32_0 = arith.constant 0 : i32
    %c0_i32_1 = arith.constant 0 : i32
    return %c0_i32, %c0_i32_0 : i32, i32
  }
  func.func @transform_7(%arg0: i32) -> (i32, i32) {
    %c0_i32 = arith.constant 0 : i32
    %c0_i32_0 = arith.constant 0 : i32
    %c0_i32_1 = arith.constant 0 : i32
    return %c0_i32, %c0_i32_0 : i32, i32
  }
  func.func @transform_8(%arg0: i32) -> (i32, i32) {
    %c0_i32 = arith.constant 0 : i32
    %c0_i32_0 = arith.constant 0 : i32
    %c0_i32_1 = arith.constant 0 : i32
    return %c0_i32, %c0_i32_0 : i32, i32
  }
  func.func @transform_9(%arg0: i32) -> (i32, i32) {
    %c0_i32 = arith.constant 0 : i32
    %c0_i32_0 = arith.constant 0 : i32
    %c0_i32_1 = arith.constant 0 : i32
    return %c0_i32, %c0_i32_0 : i32, i32
  }
  func.func @transform_10(%arg0: i32) -> (i32, i32) {
    %c0_i32 = arith.constant 0 : i32
    %c0_i32_0 = arith.constant 0 : i32
    return %arg0, %c0_i32 : i32, i32
  }
  func.func @transform_11(%arg0: i32) -> (i32, i32) {
    %c0_i32 = arith.constant 0 : i32
    %c0_i32_0 = arith.constant 0 : i32
    return %arg0, %c0_i32 : i32, i32
  }
  func.func @transform_12(%arg0: i32) -> (i32, i32) {
    %c0_i32 = arith.constant 0 : i32
    %c0_i32_0 = arith.constant 0 : i32
    return %arg0, %c0_i32 : i32, i32
  }
  func.func @transform_13(%arg0: i32) -> (i32, i32) {
    %c0_i32 = arith.constant 0 : i32
    %c0_i32_0 = arith.constant 0 : i32
    return %arg0, %c0_i32 : i32, i32
  }
  func.func @transform_14(%arg0: i32) -> (i32, i32) {
    %c0_i32 = arith.constant 0 : i32
    %c0_i32_0 = arith.constant 0 : i32
    return %arg0, %c0_i32 : i32, i32
  }
  func.func @transform_15(%arg0: i32) -> i32 {
    %c0_i32 = arith.constant 0 : i32
    %c0_i32_0 = arith.constant 0 : i32
    return %c0_i32 : i32
  }
  func.func @transform_16(%arg0: i32) -> i32 {
    %c0_i32 = arith.constant 0 : i32
    %c0_i32_0 = arith.constant 0 : i32
    return %c0_i32 : i32
  }
}

module attributes {stable_mosaic.version = 14 : i64} {
  func.func @body(%arg0: i32, %arg1: memref<1024x128xf32, #tpu.memory_space<vmem>>, %arg2: memref<1024x128xf32, #tpu.memory_space<vmem>>, %arg3: memref<1024x128xf32, #tpu.memory_space<vmem>>, %arg4: memref<1024x128xf32, #tpu.memory_space<vmem>>, %arg5: memref<1024x16xf32, #tpu.memory_space<vmem>>, %arg6: memref<1024x16xf32, #tpu.memory_space<vmem>>, %arg7: memref<128xf32, #tpu.memory_space<vmem>>, %arg8: memref<128xf32, #tpu.memory_space<vmem>>, %arg9: memref<1024x128xf32, #tpu.memory_space<vmem>>, %arg10: memref<1024x128xf32, #tpu.memory_space<vmem>>, %arg11: memref<1x192xf32, #tpu.memory_space<vmem>>, %arg12: memref<1x192xf32, #tpu.memory_space<vmem>>, %arg13: memref<1x192xf32, #tpu.memory_space<vmem>>, %arg14: memref<192x128xf32, #tpu.memory_space<vmem>>, %arg15: memref<32x1024xf32, #tpu.memory_space<vmem>>, %arg16: memref<1024x128xf32, #tpu.memory_space<vmem>>) attributes {dimension_semantics = [#tpu.dimension_semantics<arbitrary>], iteration_bounds = array<i64: 10>, scalar_prefetch = 0 : i64, scratch_operands = 0 : i64, tpu.core_type = #tpu.core_type<tc>, window_params = [{transform_indices = @transform_0, window_bounds = array<i64: 1024, 128>}, {transform_indices = @transform_1, window_bounds = array<i64: 1024, 128>}, {transform_indices = @transform_2, window_bounds = array<i64: 1024, 128>}, {transform_indices = @transform_3, window_bounds = array<i64: 1024, 128>}, {transform_indices = @transform_4, window_bounds = array<i64: 1024, 16>}, {transform_indices = @transform_5, window_bounds = array<i64: 1024, 16>}, {pipeline_mode = #tpu.pipeline_mode<synchronous>, transform_indices = @transform_6, window_bounds = array<i64: 128>}, {pipeline_mode = #tpu.pipeline_mode<synchronous>, transform_indices = @transform_7, window_bounds = array<i64: 128>}, {transform_indices = @transform_8, window_bounds = array<i64: 1024, 128>}, {transform_indices = @transform_9, window_bounds = array<i64: 1024, 128>}, {pipeline_mode = #tpu.pipeline_mode<synchronous>, transform_indices = @transform_10, window_bounds = array<i64: 1, 192>}, {pipeline_mode = #tpu.pipeline_mode<synchronous>, transform_indices = @transform_11, window_bounds = array<i64: 1, 192>}, {pipeline_mode = #tpu.pipeline_mode<synchronous>, transform_indices = @transform_12, window_bounds = array<i64: 1, 192>}, {pipeline_mode = #tpu.pipeline_mode<synchronous>, transform_indices = @transform_13, window_bounds = array<i64: 192, 128>}, {transform_indices = @transform_14, window_bounds = array<i64: 32, 1024>}, {transform_indices = @transform_15, window_bounds = array<i64: 1024, 128>}]} {
    %get3A = arith.constant 0 : index
    %get3A_0 = vector.load %arg7[%get3A] : memref<128xf32, #tpu.memory_space<vmem>>, vector<128xf32>
    %reduce_max3A = vector.shape_cast %get3A_0 : vector<128xf32> to vector<1x128xf32>
    %reduce_max3A_1 = arith.constant dense<0xFF800000> : vector<1xf32>
    %reduce_max3A_2 = vector.multi_reduction <maximumf>, %reduce_max3A, %reduce_max3A_1 [1] : vector<1x128xf32> to vector<1xf32>
    %reduce_max3A_3 = vector.shape_cast %reduce_max3A_2 : vector<1xf32> to vector<1x1xf32>
    %reduce_max3A_4 = vector.extract %reduce_max3A_3[0, 0] : f32 from vector<1x1xf32>
    %get3A_5 = arith.constant 0 : index
    %get3A_6 = vector.load %arg8[%get3A_5] : memref<128xf32, #tpu.memory_space<vmem>>, vector<128xf32>
    %reduce_max3A_7 = vector.shape_cast %get3A_6 : vector<128xf32> to vector<1x128xf32>
    %reduce_max3A_8 = arith.constant dense<0xFF800000> : vector<1xf32>
    %reduce_max3A_9 = vector.multi_reduction <maximumf>, %reduce_max3A_7, %reduce_max3A_8 [1] : vector<1x128xf32> to vector<1xf32>
    %reduce_max3A_10 = vector.shape_cast %reduce_max3A_9 : vector<1xf32> to vector<1x1xf32>
    %reduce_max3A_11 = vector.extract %reduce_max3A_10[0, 0] : f32 from vector<1x1xf32>
    %add3A = arith.addf %reduce_max3A_4, %reduce_max3A_11 : f32
    %get3A_12 = arith.constant 0 : index
    %get3A_13 = arith.constant 0 : index
    %get3A_14 = vector.load %arg5[%get3A_12, %get3A_13] : memref<1024x16xf32, #tpu.memory_space<vmem>>, vector<1024x16xf32>
    %get3A_15 = arith.constant 0 : index
    %get3A_16 = arith.constant 0 : index
    %get3A_17 = vector.load %arg6[%get3A_15, %get3A_16] : memref<1024x16xf32, #tpu.memory_space<vmem>>, vector<1024x16xf32>
    %add3A_18 = arith.addf %get3A_14, %get3A_17 : vector<1024x16xf32>
    %gt3A = arith.constant 0.000000e+00 : f32
    %gt3A_19 = vector.broadcast %gt3A : f32 to vector<1024x16xf32>
    %gt3A_20 = arith.cmpf ogt, %add3A_18, %gt3A_19 : vector<1024x16xf32>
    %mul3A = arith.constant 2.000000e-01 : f32
    %mul3A_21 = vector.broadcast %mul3A : f32 to vector<1024x16xf32>
    %mul3A_22 = arith.mulf %add3A_18, %mul3A_21 : vector<1024x16xf32>
    %select_n3A = arith.select %gt3A_20, %add3A_18, %mul3A_22 : vector<1024x16xi1>, vector<1024x16xf32>
    %sub3A = vector.broadcast %add3A : f32 to vector<1024x16xf32>
    %sub3A_23 = arith.subf %select_n3A, %sub3A : vector<1024x16xf32>
    %exp3A = math.exp %sub3A_23 : vector<1024x16xf32>
    %get3A_24 = arith.constant 0 : index
    %get3A_25 = arith.constant 0 : index
    %get3A_26 = vector.load %arg3[%get3A_24, %get3A_25] : memref<1024x128xf32, #tpu.memory_space<vmem>>, vector<1024x128xf32>
    %get3A_27 = arith.constant 0 : index
    %get3A_28 = arith.constant 0 : index
    %get3A_29 = vector.load %arg4[%get3A_27, %get3A_28] : memref<1024x128xf32, #tpu.memory_space<vmem>>, vector<1024x128xf32>
    %add3A_30 = arith.addf %get3A_26, %get3A_29 : vector<1024x128xf32>
    %slice3A = vector.extract_strided_slice %add3A_30 {offsets = [0, 64], sizes = [1024, 16], strides = [1, 1]} : vector<1024x128xf32> to vector<1024x16xf32>
    %add3A_31 = arith.addf %slice3A, %exp3A : vector<1024x16xf32>
    %neg3A = arith.constant 0.000000e+00 : f32
    %neg3A_32 = arith.subf %neg3A, %add3A : f32
    %exp3A_33 = math.exp %neg3A_32 : f32
    %mul3A_34 = arith.constant 1.000000e-16 : f32
    %mul3A_35 = arith.mulf %mul3A_34, %exp3A_33 : f32
    %add3A_36 = vector.broadcast %mul3A_35 : f32 to vector<1024x16xf32>
    %add3A_37 = arith.addf %add3A_31, %add3A_36 : vector<1024x16xf32>
    %div3A = arith.constant 1.000000e+00 : f32
    %div3A_38 = vector.broadcast %div3A : f32 to vector<1024x16xf32>
    %div3A_39 = arith.divf %div3A_38, %add3A_37 : vector<1024x16xf32>
    %slice3A_40 = vector.extract_strided_slice %div3A_39 {offsets = [0, 0], sizes = [1024, 1], strides = [1, 1]} : vector<1024x16xf32> to vector<1024x1xf32>
    %broadcast_in_dim3A = vector.shape_cast %slice3A_40 : vector<1024x1xf32> to vector<1024x1xf32>
    %broadcast_in_dim3A_41 = vector.broadcast %broadcast_in_dim3A : vector<1024x1xf32> to vector<1024x64xf32>
    %slice3A_42 = vector.extract_strided_slice %div3A_39 {offsets = [0, 1], sizes = [1024, 1], strides = [1, 1]} : vector<1024x16xf32> to vector<1024x1xf32>
    %broadcast_in_dim3A_43 = vector.shape_cast %slice3A_42 : vector<1024x1xf32> to vector<1024x1xf32>
    %broadcast_in_dim3A_44 = vector.broadcast %broadcast_in_dim3A_43 : vector<1024x1xf32> to vector<1024x64xf32>
    %slice3A_45 = vector.extract_strided_slice %div3A_39 {offsets = [0, 2], sizes = [1024, 1], strides = [1, 1]} : vector<1024x16xf32> to vector<1024x1xf32>
    %broadcast_in_dim3A_46 = vector.shape_cast %slice3A_45 : vector<1024x1xf32> to vector<1024x1xf32>
    %broadcast_in_dim3A_47 = vector.broadcast %broadcast_in_dim3A_46 : vector<1024x1xf32> to vector<1024x64xf32>
    %concatenate3A = tpu.concatenate %broadcast_in_dim3A_41, %broadcast_in_dim3A_44, %broadcast_in_dim3A_47 in 1 : vector<1024x64xf32>, vector<1024x64xf32>, vector<1024x64xf32> -> vector<1024x192xf32>
    %slice3A_48 = vector.extract_strided_slice %exp3A {offsets = [0, 0], sizes = [1024, 1], strides = [1, 1]} : vector<1024x16xf32> to vector<1024x1xf32>
    %broadcast_in_dim3A_49 = vector.shape_cast %slice3A_48 : vector<1024x1xf32> to vector<1024x1xf32>
    %broadcast_in_dim3A_50 = vector.broadcast %broadcast_in_dim3A_49 : vector<1024x1xf32> to vector<1024x64xf32>
    %slice3A_51 = vector.extract_strided_slice %exp3A {offsets = [0, 1], sizes = [1024, 1], strides = [1, 1]} : vector<1024x16xf32> to vector<1024x1xf32>
    %broadcast_in_dim3A_52 = vector.shape_cast %slice3A_51 : vector<1024x1xf32> to vector<1024x1xf32>
    %broadcast_in_dim3A_53 = vector.broadcast %broadcast_in_dim3A_52 : vector<1024x1xf32> to vector<1024x64xf32>
    %slice3A_54 = vector.extract_strided_slice %exp3A {offsets = [0, 2], sizes = [1024, 1], strides = [1, 1]} : vector<1024x16xf32> to vector<1024x1xf32>
    %broadcast_in_dim3A_55 = vector.shape_cast %slice3A_54 : vector<1024x1xf32> to vector<1024x1xf32>
    %broadcast_in_dim3A_56 = vector.broadcast %broadcast_in_dim3A_55 : vector<1024x1xf32> to vector<1024x64xf32>
    %concatenate3A_57 = tpu.concatenate %broadcast_in_dim3A_50, %broadcast_in_dim3A_53, %broadcast_in_dim3A_56 in 1 : vector<1024x64xf32>, vector<1024x64xf32>, vector<1024x64xf32> -> vector<1024x192xf32>
    %get3A_58 = arith.constant 0 : index
    %get3A_59 = arith.constant 0 : index
    %get3A_60 = vector.load %arg9[%get3A_58, %get3A_59] : memref<1024x128xf32, #tpu.memory_space<vmem>>, vector<1024x128xf32>
    %get3A_61 = arith.constant 0 : index
    %get3A_62 = arith.constant 0 : index
    %get3A_63 = vector.load %arg10[%get3A_61, %get3A_62] : memref<1024x128xf32, #tpu.memory_space<vmem>>, vector<1024x128xf32>
    %slice3A_64 = vector.extract_strided_slice %get3A_63 {offsets = [0, 0], sizes = [1024, 64], strides = [1, 1]} : vector<1024x128xf32> to vector<1024x64xf32>
    %concatenate3A_65 = tpu.concatenate %get3A_60, %slice3A_64 in 1 : vector<1024x128xf32>, vector<1024x64xf32> -> vector<1024x192xf32>
    %get3A_66 = arith.constant 0 : index
    %get3A_67 = arith.constant 0 : index
    %get3A_68 = vector.load %arg1[%get3A_66, %get3A_67] : memref<1024x128xf32, #tpu.memory_space<vmem>>, vector<1024x128xf32>
    %get3A_69 = arith.constant 0 : index
    %get3A_70 = arith.constant 0 : index
    %get3A_71 = vector.load %arg2[%get3A_69, %get3A_70] : memref<1024x128xf32, #tpu.memory_space<vmem>>, vector<1024x128xf32>
    %add3A_72 = arith.addf %get3A_68, %get3A_71 : vector<1024x128xf32>
    %slice3A_73 = vector.extract_strided_slice %add3A_30 {offsets = [0, 0], sizes = [1024, 64], strides = [1, 1]} : vector<1024x128xf32> to vector<1024x64xf32>
    %concatenate3A_74 = tpu.concatenate %add3A_72, %slice3A_73 in 1 : vector<1024x128xf32>, vector<1024x64xf32> -> vector<1024x192xf32>
    %mul3A_75 = arith.mulf %concatenate3A_57, %concatenate3A_65 : vector<1024x192xf32>
    %add3A_76 = arith.addf %concatenate3A_74, %mul3A_75 : vector<1024x192xf32>
    %mul3A_77 = arith.mulf %add3A_76, %concatenate3A : vector<1024x192xf32>
    %get3A_78 = arith.constant 0 : index
    %get3A_79 = arith.constant 0 : index
    %get3A_80 = vector.load %arg11[%get3A_78, %get3A_79] : memref<1x192xf32, #tpu.memory_space<vmem>>, vector<1x192xf32>
    %add3A_81 = vector.broadcast %get3A_80 : vector<1x192xf32> to vector<1024x192xf32>
    %add3A_82 = arith.addf %mul3A_77, %add3A_81 : vector<1024x192xf32>
    %get3A_83 = arith.constant 0 : index
    %get3A_84 = arith.constant 0 : index
    %get3A_85 = vector.load %arg12[%get3A_83, %get3A_84] : memref<1x192xf32, #tpu.memory_space<vmem>>, vector<1x192xf32>
    %get3A_86 = arith.constant 0 : index
    %get3A_87 = arith.constant 0 : index
    %get3A_88 = vector.load %arg13[%get3A_86, %get3A_87] : memref<1x192xf32, #tpu.memory_space<vmem>>, vector<1x192xf32>
    %reduce_sum3A = arith.constant dense<0.000000e+00> : vector<1024xf32>
    %reduce_sum3A_89 = vector.multi_reduction <add>, %add3A_82, %reduce_sum3A [1] : vector<1024x192xf32> to vector<1024xf32>
    %broadcast_in_dim3A_90 = vector.shape_cast %reduce_sum3A_89 : vector<1024xf32> to vector<1024x1xf32>
    %div3A_91 = arith.constant 1.920000e+02 : f32
    %div3A_92 = vector.broadcast %div3A_91 : f32 to vector<1024x1xf32>
    %div3A_93 = arith.divf %broadcast_in_dim3A_90, %div3A_92 : vector<1024x1xf32>
    %sub3A_94 = vector.broadcast %div3A_93 : vector<1024x1xf32> to vector<1024x192xf32>
    %sub3A_95 = arith.subf %add3A_82, %sub3A_94 : vector<1024x192xf32>
    %integer_pow3A = arith.mulf %sub3A_95, %sub3A_95 : vector<1024x192xf32>
    %reduce_sum3A_96 = arith.constant dense<0.000000e+00> : vector<1024xf32>
    %reduce_sum3A_97 = vector.multi_reduction <add>, %integer_pow3A, %reduce_sum3A_96 [1] : vector<1024x192xf32> to vector<1024xf32>
    %broadcast_in_dim3A_98 = vector.shape_cast %reduce_sum3A_97 : vector<1024xf32> to vector<1024x1xf32>
    %div3A_99 = arith.constant 1.920000e+02 : f32
    %div3A_100 = vector.broadcast %div3A_99 : f32 to vector<1024x1xf32>
    %div3A_101 = arith.divf %broadcast_in_dim3A_98, %div3A_100 : vector<1024x1xf32>
    %sub3A_102 = vector.broadcast %div3A_93 : vector<1024x1xf32> to vector<1024x192xf32>
    %sub3A_103 = arith.subf %add3A_82, %sub3A_102 : vector<1024x192xf32>
    %add3A_104 = arith.constant 9.99999974E-6 : f32
    %add3A_105 = vector.broadcast %add3A_104 : f32 to vector<1024x1xf32>
    %add3A_106 = arith.addf %div3A_101, %add3A_105 : vector<1024x1xf32>
    %rsqrt3A = math.rsqrt %add3A_106 : vector<1024x1xf32>
    %mul3A_107 = vector.broadcast %rsqrt3A : vector<1024x1xf32> to vector<1024x192xf32>
    %mul3A_108 = arith.mulf %sub3A_103, %mul3A_107 : vector<1024x192xf32>
    %mul3A_109 = vector.broadcast %get3A_85 : vector<1x192xf32> to vector<1024x192xf32>
    %mul3A_110 = arith.mulf %mul3A_108, %mul3A_109 : vector<1024x192xf32>
    %add3A_111 = vector.broadcast %get3A_88 : vector<1x192xf32> to vector<1024x192xf32>
    %add3A_112 = arith.addf %mul3A_110, %add3A_111 : vector<1024x192xf32>
    %custom_jvp_call3A = arith.constant 0.000000e+00 : f32
    %max3A = vector.broadcast %custom_jvp_call3A : f32 to vector<1024x192xf32>
    %max3A_113 = arith.maximumf %add3A_112, %max3A : vector<1024x192xf32>
    %sub3A_114 = vector.broadcast %custom_jvp_call3A : f32 to vector<1024x192xf32>
    %sub3A_115 = arith.subf %add3A_112, %sub3A_114 : vector<1024x192xf32>
    %ne3A = arith.cmpf one, %sub3A_115, %sub3A_115 : vector<1024x192xf32>
    %add3A_116 = vector.broadcast %custom_jvp_call3A : f32 to vector<1024x192xf32>
    %add3A_117 = arith.addf %add3A_112, %add3A_116 : vector<1024x192xf32>
    %abs3A = math.absf %sub3A_115 : vector<1024x192xf32>
    %neg3A_118 = arith.constant 0.000000e+00 : f32
    %neg3A_119 = vector.broadcast %neg3A_118 : f32 to vector<1024x192xf32>
    %neg3A_120 = arith.subf %neg3A_119, %abs3A : vector<1024x192xf32>
    %exp3A_121 = math.exp %neg3A_120 : vector<1024x192xf32>
    %log1p3A = math.log1p %exp3A_121 : vector<1024x192xf32>
    %add3A_122 = arith.addf %max3A_113, %log1p3A : vector<1024x192xf32>
    %select_n3A_123 = arith.select %ne3A, %add3A_117, %add3A_122 : vector<1024x192xi1>, vector<1024x192xf32>
    %tanh3A = math.tanh %select_n3A_123 : vector<1024x192xf32>
    %mul3A_124 = arith.mulf %add3A_112, %tanh3A : vector<1024x192xf32>
    %get3A_125 = arith.constant 0 : index
    %get3A_126 = arith.constant 0 : index
    %get3A_127 = vector.load %arg14[%get3A_125, %get3A_126] : memref<192x128xf32, #tpu.memory_space<vmem>>, vector<192x128xf32>
    %dot_general3A = arith.constant dense<0.000000e+00> : vector<1024x128xf32>
    %dot_general3A_128 = tpu.matmul %mul3A_124, %get3A_127, %dot_general3A {dimension_numbers = #tpu.dot_dimension_numbers<[1], [0], [0], [1], [0, 0, 1, 1], [], []>, precision = #tpu.contract_precision<fp32>, transpose_lhs_hint = false} : vector<1024x192xf32>, vector<192x128xf32>, vector<1024x128xf32> -> vector<1024x128xf32>
    %get3A_129 = arith.constant 0 : index
    %get3A_130 = arith.constant 0 : index
    %get3A_131 = vector.load %arg15[%get3A_129, %get3A_130] : memref<32x1024xf32, #tpu.memory_space<vmem>>, vector<32x1024xf32>
    %broadcast_in_dim3A_132 = arith.constant 1.000000e+00 : f32
    %broadcast_in_dim3A_133 = vector.broadcast %broadcast_in_dim3A_132 : f32 to vector<32x1xf32>
    %dot_general3A_134 = arith.constant dense<0.000000e+00> : vector<1024x1xf32>
    %dot_general3A_135 = tpu.matmul %get3A_131, %broadcast_in_dim3A_133, %dot_general3A_134 {dimension_numbers = #tpu.dot_dimension_numbers<[0], [0], [1], [1], [0, 1, 1, 1], [], []>, precision = #tpu.contract_precision<fp32>, transpose_lhs_hint = false} : vector<32x1024xf32>, vector<32x1xf32>, vector<1024x1xf32> -> vector<1024x1xf32>
    %add3A_136 = arith.constant 1.000000e+00 : f32
    %add3A_137 = vector.broadcast %add3A_136 : f32 to vector<1024x1xf32>
    %add3A_138 = arith.addf %dot_general3A_135, %add3A_137 : vector<1024x1xf32>
    %rsqrt3A_139 = math.rsqrt %add3A_138 : vector<1024x1xf32>
    %mul3A_140 = vector.broadcast %rsqrt3A_139 : vector<1024x1xf32> to vector<1024x128xf32>
    %mul3A_141 = arith.mulf %dot_general3A_128, %mul3A_140 : vector<1024x128xf32>
    %swap3A = arith.constant 0 : index
    %swap3A_142 = arith.constant 0 : index
    %swap3A_143 = vector.load %arg16[%swap3A, %swap3A_142] : memref<1024x128xf32, #tpu.memory_space<vmem>>, vector<1024x128xf32>
    tpu.vector_store %arg16[%swap3A, %swap3A_142], %mul3A_141 {strides = array<i32>} : memref<1024x128xf32, #tpu.memory_space<vmem>>, vector<1024x128xf32>,
    return
  }
  func.func @transform_0(%arg0: i32) -> (i32, i32) {
    %c0_i32 = arith.constant 0 : i32
    %c0_i32_0 = arith.constant 0 : i32
    return %arg0, %c0_i32 : i32, i32
  }
  func.func @transform_1(%arg0: i32) -> (i32, i32) {
    %c0_i32 = arith.constant 0 : i32
    %c0_i32_0 = arith.constant 0 : i32
    return %arg0, %c0_i32 : i32, i32
  }
  func.func @transform_2(%arg0: i32) -> (i32, i32) {
    %c0_i32 = arith.constant 0 : i32
    %c0_i32_0 = arith.constant 0 : i32
    return %arg0, %c0_i32 : i32, i32
  }
  func.func @transform_3(%arg0: i32) -> (i32, i32) {
    %c0_i32 = arith.constant 0 : i32
    %c0_i32_0 = arith.constant 0 : i32
    return %arg0, %c0_i32 : i32, i32
  }
  func.func @transform_4(%arg0: i32) -> (i32, i32) {
    %c0_i32 = arith.constant 0 : i32
    %c0_i32_0 = arith.constant 0 : i32
    return %arg0, %c0_i32 : i32, i32
  }
  func.func @transform_5(%arg0: i32) -> (i32, i32) {
    %c0_i32 = arith.constant 0 : i32
    %c0_i32_0 = arith.constant 0 : i32
    return %arg0, %c0_i32 : i32, i32
  }
  func.func @transform_6(%arg0: i32) -> i32 {
    %c0_i32 = arith.constant 0 : i32
    %c0_i32_0 = arith.constant 0 : i32
    return %c0_i32 : i32
  }
  func.func @transform_7(%arg0: i32) -> i32 {
    %c0_i32 = arith.constant 0 : i32
    %c0_i32_0 = arith.constant 0 : i32
    return %c0_i32 : i32
  }
  func.func @transform_8(%arg0: i32) -> (i32, i32) {
    %c0_i32 = arith.constant 0 : i32
    %c0_i32_0 = arith.constant 0 : i32
    return %arg0, %c0_i32 : i32, i32
  }
  func.func @transform_9(%arg0: i32) -> (i32, i32) {
    %c0_i32 = arith.constant 0 : i32
    %c0_i32_0 = arith.constant 0 : i32
    return %arg0, %c0_i32 : i32, i32
  }
  func.func @transform_10(%arg0: i32) -> (i32, i32) {
    %c0_i32 = arith.constant 0 : i32
    %c0_i32_0 = arith.constant 0 : i32
    %c0_i32_1 = arith.constant 0 : i32
    return %c0_i32, %c0_i32_0 : i32, i32
  }
  func.func @transform_11(%arg0: i32) -> (i32, i32) {
    %c0_i32 = arith.constant 0 : i32
    %c0_i32_0 = arith.constant 0 : i32
    %c0_i32_1 = arith.constant 0 : i32
    return %c0_i32, %c0_i32_0 : i32, i32
  }
  func.func @transform_12(%arg0: i32) -> (i32, i32) {
    %c0_i32 = arith.constant 0 : i32
    %c0_i32_0 = arith.constant 0 : i32
    %c0_i32_1 = arith.constant 0 : i32
    return %c0_i32, %c0_i32_0 : i32, i32
  }
  func.func @transform_13(%arg0: i32) -> (i32, i32) {
    %c0_i32 = arith.constant 0 : i32
    %c0_i32_0 = arith.constant 0 : i32
    %c0_i32_1 = arith.constant 0 : i32
    return %c0_i32, %c0_i32_0 : i32, i32
  }
  func.func @transform_14(%arg0: i32) -> (i32, i32) {
    %c0_i32 = arith.constant 0 : i32
    %c0_i32_0 = arith.constant 0 : i32
    return %c0_i32, %arg0 : i32, i32
  }
  func.func @transform_15(%arg0: i32) -> (i32, i32) {
    %c0_i32 = arith.constant 0 : i32
    %c0_i32_0 = arith.constant 0 : i32
    return %arg0, %c0_i32 : i32, i32
  }
}

module attributes {stable_mosaic.version = 14 : i64} {
  func.func @body(%arg0: i32, %arg1: memref<1024x128xf32, #tpu.memory_space<vmem>>, %arg2: memref<1024x128xf32, #tpu.memory_space<vmem>>, %arg3: memref<1024x128xf32, #tpu.memory_space<vmem>>, %arg4: memref<32x1024xf32, #tpu.memory_space<vmem>>, %arg5: memref<1x128xf32, #tpu.memory_space<vmem>>, %arg6: memref<1024x128xf32, #tpu.memory_space<vmem>>) attributes {dimension_semantics = [#tpu.dimension_semantics<arbitrary>], iteration_bounds = array<i64: 10>, scalar_prefetch = 0 : i64, scratch_operands = 0 : i64, tpu.core_type = #tpu.core_type<tc>, window_params = [{transform_indices = @transform_0, window_bounds = array<i64: 1024, 128>}, {transform_indices = @transform_1, window_bounds = array<i64: 1024, 128>}, {transform_indices = @transform_2, window_bounds = array<i64: 1024, 128>}, {transform_indices = @transform_3, window_bounds = array<i64: 32, 1024>}, {pipeline_mode = #tpu.pipeline_mode<synchronous>, transform_indices = @transform_4, window_bounds = array<i64: 1, 128>}, {transform_indices = @transform_5, window_bounds = array<i64: 1024, 128>}]} {
    %get3A = arith.constant 0 : index
    %get3A_0 = arith.constant 0 : index
    %get3A_1 = vector.load %arg4[%get3A, %get3A_0] : memref<32x1024xf32, #tpu.memory_space<vmem>>, vector<32x1024xf32>
    %broadcast_in_dim3A = arith.constant 1.000000e+00 : f32
    %broadcast_in_dim3A_2 = vector.broadcast %broadcast_in_dim3A : f32 to vector<32x1xf32>
    %dot_general3A = arith.constant dense<0.000000e+00> : vector<1024x1xf32>
    %dot_general3A_3 = tpu.matmul %get3A_1, %broadcast_in_dim3A_2, %dot_general3A {dimension_numbers = #tpu.dot_dimension_numbers<[0], [0], [1], [1], [0, 1, 1, 1], [], []>, precision = #tpu.contract_precision<fp32>, transpose_lhs_hint = false} : vector<32x1024xf32>, vector<32x1xf32>, vector<1024x1xf32> -> vector<1024x1xf32>
    %add3A = arith.constant 1.000000e+00 : f32
    %add3A_4 = vector.broadcast %add3A : f32 to vector<1024x1xf32>
    %add3A_5 = arith.addf %dot_general3A_3, %add3A_4 : vector<1024x1xf32>
    %rsqrt3A = math.rsqrt %add3A_5 : vector<1024x1xf32>
    %get3A_6 = arith.constant 0 : index
    %get3A_7 = arith.constant 0 : index
    %get3A_8 = vector.load %arg1[%get3A_6, %get3A_7] : memref<1024x128xf32, #tpu.memory_space<vmem>>, vector<1024x128xf32>
    %get3A_9 = arith.constant 0 : index
    %get3A_10 = arith.constant 0 : index
    %get3A_11 = vector.load %arg2[%get3A_9, %get3A_10] : memref<1024x128xf32, #tpu.memory_space<vmem>>, vector<1024x128xf32>
    %add3A_12 = arith.addf %get3A_8, %get3A_11 : vector<1024x128xf32>
    %get3A_13 = arith.constant 0 : index
    %get3A_14 = arith.constant 0 : index
    %get3A_15 = vector.load %arg3[%get3A_13, %get3A_14] : memref<1024x128xf32, #tpu.memory_space<vmem>>, vector<1024x128xf32>
    %add3A_16 = arith.addf %add3A_12, %get3A_15 : vector<1024x128xf32>
    %mul3A = vector.broadcast %rsqrt3A : vector<1024x1xf32> to vector<1024x128xf32>
    %mul3A_17 = arith.mulf %mul3A, %add3A_16 : vector<1024x128xf32>
    %get3A_18 = arith.constant 0 : index
    %get3A_19 = arith.constant 0 : index
    %get3A_20 = vector.load %arg5[%get3A_18, %get3A_19] : memref<1x128xf32, #tpu.memory_space<vmem>>, vector<1x128xf32>
    %add3A_21 = vector.broadcast %get3A_20 : vector<1x128xf32> to vector<1024x128xf32>
    %add3A_22 = arith.addf %mul3A_17, %add3A_21 : vector<1024x128xf32>
    %swap3A = arith.constant 0 : index
    %swap3A_23 = arith.constant 0 : index
    %swap3A_24 = vector.load %arg6[%swap3A, %swap3A_23] : memref<1024x128xf32, #tpu.memory_space<vmem>>, vector<1024x128xf32>
    tpu.vector_store %arg6[%swap3A, %swap3A_23], %add3A_22 {strides = array<i32>} : memref<1024x128xf32, #tpu.memory_space<vmem>>, vector<1024x128xf32>,
    return
  }
  func.func @transform_0(%arg0: i32) -> (i32, i32) {
    %c0_i32 = arith.constant 0 : i32
    %c0_i32_0 = arith.constant 0 : i32
    return %arg0, %c0_i32 : i32, i32
  }
  func.func @transform_1(%arg0: i32) -> (i32, i32) {
    %c0_i32 = arith.constant 0 : i32
    %c0_i32_0 = arith.constant 0 : i32
    return %arg0, %c0_i32 : i32, i32
  }
  func.func @transform_2(%arg0: i32) -> (i32, i32) {
    %c0_i32 = arith.constant 0 : i32
    %c0_i32_0 = arith.constant 0 : i32
    return %arg0, %c0_i32 : i32, i32
  }
  func.func @transform_3(%arg0: i32) -> (i32, i32) {
    %c0_i32 = arith.constant 0 : i32
    %c0_i32_0 = arith.constant 0 : i32
    return %c0_i32, %arg0 : i32, i32
  }
  func.func @transform_4(%arg0: i32) -> (i32, i32) {
    %c0_i32 = arith.constant 0 : i32
    %c0_i32_0 = arith.constant 0 : i32
    %c0_i32_1 = arith.constant 0 : i32
    return %c0_i32, %c0_i32_0 : i32, i32
  }
  func.func @transform_5(%arg0: i32) -> (i32, i32) {
    %c0_i32 = arith.constant 0 : i32
    %c0_i32_0 = arith.constant 0 : i32
    return %arg0, %c0_i32 : i32, i32
  }
}

</mosaic_0001>

<sc_bundles>
// kernel: kernel.13.cloned.1.call-start
scs
__scs_entry_jumppad:
0x0: {  	(pc) =	sbr.rel $0x88, $3  }
0x1: {  	(tag) =	ssettag $0x0;
	lr =	simm.s32 $0x1  }
0x2: {  	[smem:$0x3F93] =	sst lr;
	_ =	strace $0xD0000000  }
0x3: {  	_ = 	snop  }
0x4: {  	_ = 	snop  }
0x5: {  	_ = 	snop  }
0x6: {  	_ = 	snop  }
0x7: {  	_ = 	snop  }
__scs_overlays_trampoline_lowered:
0x8: {  	[smem:$0x3FA2] =	sst s0  }
0x9: {  	[smem:$0x3FA3] =	sst s1  }
0xa: {  	[smem:$0x3FA4] =	sst s2  }
0xb: {  	[smem:$0x3FA5] =	sst s3  }
0xc: {  	[smem:$0x3FA6] =	sst s4  }
0xd: {  	[smem:$0x3FA7] =	sst s5  }
0xe: {  	[smem:$0x3FA8] =	sst s6  }
0xf: {  	[smem:$0x3FA9] =	sst s7  }
0x10: {  	[smem:$0x3FAA] =	sst s8  }
0x11: {  	[smem:$0x3FAB] =	sst s9;
	s0 =	simm.s32 @!p0 $0x0  }
0x12: {  	s1 =	sld [smem:$0x3F91];
	s0 =	simm.s32 @p0 $0x1  }
0x13: {  	[smem:$0x3FAC] =	sst s0;
	s0 =	simm.s32 @!p1 $0x0  }
0x14: {  	s2 =	sld [smem:$0x3F90];
	s0 =	simm.s32 @p1 $0x1  }
0x15: {  	[smem:$0x3FAD] =	sst s0;
	s0 =	simm.s32 @!p2 $0x0  }
0x16: {  	s3 =	sld [smem:$0x3FDB];
	s0 =	simm.s32 @p2 $0x1  }
0x17: {  	s4 =	simm.s32 $0x1BF5;
	[smem:$0x3FAF] =	sst s0  }
0x18: {  	s0 =	sld [smem:$0x3F92];
	_ =	swait.ge [sflag:s4], $0x0  }
0x19: {  	s7 =	sld [smem:$0x3F93]  }
0x1a: {  	s8 =	sadd.s32 $0xFFFFE003, lr  }
0x1b: {  	s9 =	sadd.s32 $0xFFFFFEF7, lr;
	s5 =	simm.s32 $0xFFFFFFFF;
	p2 =	slt.u32 s8, $0xFFFFF086  }
0x1c: {  	p1 =	slt.u32 s9, $0xF7A;
	s5 =	simm.s32 @!p2 $0x0  }
0x1d: {  	s5 =	simm.s32 @p1 $0x1;
	p0 =	seq.s32 s7, s2  }
0x1e: {  	s7 =	smul.u32 @!p0 $0xF7A, s2;
	p2 =	seq.s32 @!p0 s5, $0x0  }
0x1f: {  	s9 =	smul.u32 $0xF7A, s1;
	s8 =	simm.s32 @!p0 $0x1BF5;
	p2 =	por !p2, p0  }
0x20: {  	[sflag:s8] =	ssyncset.s32 @!p0 $0xFFFFF086;
	s6 =	sadd.s32 @!p0 s3, s7;
	s7 =	simm.s32 @!p0 $0x108  }
0x21: {  	s3 =	sadd.s32 s3, s9;
	s6 =	sadd.s32 @!p0 $0x88, s6;
	s7 =	simm.s32 @p2 $0x1082  }
0x22: {  	[simem:s7], [sflag:s8] =	dma.local @!p0 [hbm:s6], $0xF7A  }
0x23: {  	s9 =	sor.u32 $0xD0000000, s2;
	s6 =	simm.s32 $0x108;
	_ =	swait.ge @!p0 [sflag:s8], $0x0  }
0x24: {  	s3 =	sadd.s32 $0x88, s3;
	s6 =	simm.s32 @!p1 $0x1082;
	[sflag:s4] =	ssyncset.s32 $0xFFFFF086  }
0x25: {  	[simem:s6], [sflag:s4] =	dma.local [hbm:s3], $0xF7A  }
0x26: {  	[smem:$0x3F93] =	sst s1;
	(tag) =	ssettag s2;
	_ =	strace s9  }
0x27: {  	s1 =	sld [smem:$0x3FA3]  }
0x28: {  	s2 =	sld [smem:$0x3FA4]  }
0x29: {  	s4 =	sld [smem:$0x3FA6]  }
0x2a: {  	p0 =	seq.s32 s5, $0x0;
	s5 =	sld [smem:$0x3FA7]  }
0x2b: {  	s6 =	sld [smem:$0x3FA8]  }
0x2c: {  	s7 =	sld [smem:$0x3FA9]  }
0x2d: {  	s3 =	simm.s32 $0x108;
	s8 =	sld [smem:$0x3FAA]  }
0x2e: {  	s3 =	simm.s32 @!p0 $0x1082;
	s9 =	sld [smem:$0x3FAB]  }
0x2f: {  	lr =	sadd.s32 s0, s3;
	s0 =	sld [smem:$0x3FA2]  }
0x30: {  	s3 =	sld [smem:$0x3FA5]  }
0x31: {  	[smem:$0x3FAE] =	sst s10  }
0x32: {  	s10 =	sld [smem:$0x3FAC];
	_ =	sdelay $0x3  }
0x33: {  	p0 =	seq.s32 s10, $0x1;
	s10 =	sld [smem:$0x3FAE];
	_ =	sdelay $0x3  }
0x34: {  	[smem:$0x3FAE] =	sst s10  }
0x35: {  	s10 =	sld [smem:$0x3FAD];
	_ =	sdelay $0x3  }
0x36: {  	p1 =	seq.s32 s10, $0x1;
	s10 =	sld [smem:$0x3FAE];
	_ =	sdelay $0x3  }
0x37: {  	[smem:$0x3FAE] =	sst s10  }
0x38: {  	s10 =	sld [smem:$0x3FAF]  }
0x39: {  	_ = 	snop;
	(pc) =	sbr.ind lr, $3  }
0x3a: {  	_ = 	snop  }
0x3b: {  	_ = 	snop  }
0x3c: {  	p2 =	seq.s32 s10, $0x1;
	s10 =	sld [smem:$0x3FAE]  }
0x3d: {  	_ =	shalt  }
0x3e: {  	_ =	shalt  }
0x3f: {  	_ =	shalt  }
0x40: {  	_ =	shalt  }
0x41: {  	_ =	shalt  }
0x42: {  	_ =	shalt  }
0x43: {  	_ =	shalt  }
0x44: {  	_ =	shalt  }
0x45: {  	_ =	shalt  }
0x46: {  	_ =	shalt  }
0x47: {  	_ =	shalt  }
0x48: {  	_ =	shalt  }
0x49: {  	_ =	shalt  }
0x4a: {  	_ =	shalt  }
0x4b: {  	_ =	shalt  }
0x4c: {  	_ =	shalt  }
0x4d: {  	_ =	shalt  }
0x4e: {  	_ =	shalt  }
0x4f: {  	_ =	shalt  }
0x50: {  	_ =	shalt  }
0x51: {  	_ =	shalt  }
0x52: {  	_ =	shalt  }
0x53: {  	_ =	shalt  }
0x54: {  	_ =	shalt  }
0x55: {  	_ =	shalt  }
0x56: {  	_ =	shalt  }
0x57: {  	_ =	shalt  }
0x58: {  	_ =	shalt  }
0x59: {  	_ =	shalt  }
0x5a: {  	_ =	shalt  }
0x5b: {  	_ =	shalt  }
0x5c: {  	_ =	shalt  }
0x5d: {  	_ =	shalt  }
0x5e: {  	_ =	shalt  }
0x5f: {  	_ =	shalt  }
0x60: {  	_ =	shalt  }
0x61: {  	_ =	shalt  }
0x62: {  	_ =	shalt  }
0x63: {  	_ =	shalt  }
0x64: {  	_ =	shalt  }
0x65: {  	_ =	shalt  }
0x66: {  	_ =	shalt  }
0x67: {  	_ =	shalt  }
0x68: {  	_ =	shalt  }
0x69: {  	_ =	shalt  }
0x6a: {  	_ =	shalt  }
0x6b: {  	_ =	shalt  }
0x6c: {  	_ =	shalt  }
0x6d: {  	_ =	shalt  }
0x6e: {  	_ =	shalt  }
0x6f: {  	_ =	shalt  }
0x70: {  	_ =	shalt  }
0x71: {  	_ =	shalt  }
0x72: {  	_ =	shalt  }
0x73: {  	_ =	shalt  }
0x74: {  	_ =	shalt  }
0x75: {  	_ =	shalt  }
0x76: {  	_ =	shalt  }
0x77: {  	_ =	shalt  }
0x78: {  	_ =	shalt  }
0x79: {  	_ =	shalt  }
0x7a: {  	_ =	shalt  }
0x7b: {  	_ =	shalt  }
0x7c: {  	_ =	shalt  }
0x7d: {  	_ =	shalt  }
0x7e: {  	_ =	shalt  }
0x7f: {  	_ =	shalt  }
0x80: {  	_ =	shalt  }
0x81: {  	_ =	shalt  }
0x82: {  	_ =	shalt  }
0x83: {  	_ =	shalt  }
0x84: {  	_ =	shalt  }
0x85: {  	_ =	shalt  }
0x86: {  	_ =	shalt  }
0x87: {  	_ =	shalt  }
.Lfunc_end0:
.L_simem_size_0:
called_computation_lowered:
.L_overlay_start_0:
0x88: {  	s2 =	sld [smem:$0x3FD9]  }
0x89: {  	s3 =	sld [smem:$0x3FFE];
	_ =	sdelay $0x1  }
0x8a: {  	s1 =	srdreg.scid  }
0x8b: {  	s0 =	sand.u32 $0x1, s1  }
0x8c: {  	s15 =	sshll.u32 s0, $0xA;
	s2 =	sadd.s32 s3, s2  }
0x8d: {  	s2 =	sadd.s32 s2, s15  }
0x8e: {  	[smem:$0x3FBA] =	sst s2  }
0x8f: {  	_ = 	snop  }
0x90: {  	s2 =	sld [smem:$0x3FD0];
	_ =	sdelay $0x2  }
0x91: {  	s16 =	simm.s32 $0xA;
	s4 =	simm.s32 $0x10  }
0x92: {  	[smem:s4], [sflag:s16] =	dma.local [hbm:s2], $0x1  }
0x93: {  	_ =	swait.eq [sflag:s16], $0x1  }
0x94: {  	[sflag:s16] =	ssyncset.done $0x0  }
0x95: {  	s17 =	sld [smem:$0x10];
	[sflag:s16] =	ssyncadd.s32 $0xFFFFFFFF  }
0x96: {  	s18 =	sld [smem:$0x11];
	(tm) =	ssettm $0x1  }
0x97: {  	s19 =	sld [smem:$0x3FFB];
	_ =	sdelay $0x3  }
0x98: {  	_ =	strace s19  }
0x99: {  	s4 =	sld [smem:$0x3FFC];
	_ =	sdelay $0x3  }
0x9a: {  	_ =	strace s4  }
0x9b: {  	s4 =	sld [smem:$0x3FFD];
	_ =	sdelay $0x3  }
0x9c: {  	_ =	strace s4  }
0x9d: {  	_ =	strace $0x8FFFFFFF  }
0x9e: {  	s20 =	sld [smem:$0x3FDB];
	_ =	sdelay $0x1  }
0x9f: {  	s5 =	simm.s32 $_scs_section_size  }
0xa0: {  	s6 =	simm.s32 $_size__tile_overlayer_lowered;
	s7 =	simm.s32 $_tile_overlayer_lowered  }
0xa1: {  	s23 =	simm.s32 $0x1BFF;
	s22 =	sshll.u32 s7, $0x1;
	s4 =	sadd.s32 s5, s20  }
0xa2: {  	s8 =	simm.s32 $0x0;
	s21 =	sshll.u32 s6, $0x1;
	s6 =	sadd.s32 s22, s4  }
0xa3: {  	[timem:s8], [sflag:s23] =	dma.local [hbm:s6], s21  }
0xa4: {  	_ =	swait.ge [sflag:s23], s21  }
0xa5: {  	s5 =	ssub.s32 $0x0, s21;
	[sflag:s23] =	ssyncset.done $0x0  }
0xa6: {  	[sflag:s23] =	ssyncadd.s32 s5;
	_ =	sdelay $0x1  }
0xa7: {  	s24 =	simm.s32 $0x1B8B  }
0xa8: {  	_ =	swait.ge [sflag:s24], $0x1  }
0xa9: {  	[sflag:s24] =	ssyncset.done $0x0  }
0xaa: {  	s25 =	simm.s32 $0x1B8E;
	[sflag:s24] =	ssyncadd.s32 $0xFFFFFFFF  }
0xab: {  	s26 =	simm.s32 $execute0_lowered;
	[smem:$0x3FD2] =	sst s25  }
0xac: {  	s5 =	sshll.u32 s26, $0x1;
	_ =	strace $0x80000046;
	[dreg:$0x1] =	wrdreg $0xFFFFFFFF  }
0xad: {  	s28 =	simm.s32 $_size_execute0_lowered;
	s4 =	sadd.s32 s4, s5;
	[dreg:$0x0] =	wrdreg $0x0  }
0xae: {  	s5 =	sshll.u32 s28, $0x1;
	[dreg:$0x2] =	wrdreg s4  }
0xaf: {  	[dreg:$0x3] =	wrdreg s5  }
0xb0: {  	[dreg:$0x4] =	wrdreg $0xC0  }
0xb1: {  	_ =	task [dreg:s8], $0x5FFFF  }
0xb2: {  	[dreg:$0x1] =	wrdreg $0xFFFFFFFF  }
0xb3: {  	[dreg:$0x0] =	wrdreg $0x60  }
0xb4: {  	[dreg:$0x2] =	wrdreg s18  }
0xb5: {  	[dreg:$0x3] =	wrdreg s17  }
0xb6: {  	[dreg:$0x4] =	wrdreg $0x9  }
0xb7: {  	_ =	task.clear_ibuf [dreg:s8], $0x5FFFF;
	_ =	strace $0x90000046  }
0xb8: {  	s29 =	simm.s32 $0x9;
	_ =	strace $0x80000048  }
0xb9: {  	_ =	swait.ge [sflag:s29], $0x1  }
0xba: {  	[sflag:s29] =	ssyncadd.s32 $0xFFFFFFFF  }
0xbb: {  	_ =	strace $0x90000048  }
0xbc: {  	_ =	sfence  }
0xbd: {  	s30 =	sld [smem:$0x0];
	_ =	sdelay $0x2  }
0xbe: {  	s31 =	sshll.u32 s1, $0xD;
	s1 =	sshrl.u32 s1, $0x2  }
0xbf: {  	s3 =	sand.u32 $0x4000, s31;
	s1 =	sadd.s32 s1, s30  }
0xc0: {  	s0 =	sor.u32 s3, s0;
	s1 =	sshll.u32 s1, $0x11  }
0xc1: {  	s0 =	sor.u32 s1, s0  }
0xc2: {  	s0 =	sadd.s32 $0x8F2B, s0  }
0xc3: {  	[sflag:s0] =	ssyncadd.remote.s32 $0x1  }
0xc4: {  	_ =	sfence.sel $0xFFFF  }
0xc5: {  	[dreg:$0x0] =	wrdreg $0xFFFFFFFF;
	(pc) =	sbr.abs _section_cstart, $3  }
0xc6: {  	[dreg:$0x1] =	wrdreg $0xFFFFFFFF  }
0xc7: {  	_ =	task.clear_ibuf [dreg:s8], $0x2FFFF;
	_ =	strace $0x9FFFFFFF  }
0xc8: {  	(tm) =	ssettm $0x7FFFFFFF  }
0xc9: {  	_ =	shalt  }
tec
execute0_lowered:
.L_overlay_start_1:
0x0: {  	(tag) =	ssettag $0x1  }
0x1: {  	s0 =	srdreg.scid;
	s3 =	rddreg [dreg:$0x0]  }
0x2: {  	s5 =	rddreg [dreg:$0x1];
	s4 =	sand.u32 $0x1, s0  }
0x3: {  	s1 =	stileid.u32;
	s8 =	simm.s32 $0x16800;
	s2 =	sshll.u32 s4, $0x4  }
0x4: {  	s0 =	rddreg [dreg:$0x2];
	s4 =	ssub.s32 $0x2, s4;
	s6 =	sor.u32 s1, s2  }
0x5: {  	s2 =	simm.s32 $0x0;
	s7 =	sshrl.u32 s4, $0x1;
	s6 =	smul.u32 $0x500, s6  }
0x6: {  	v1 =	vlaneseq.u32;
	s9 =	simm.s32 $0x0;
	[smem:$0x7FF] =	sst s2;
	s7 =	ssub.s32 s4, s7  }
0x7: {  	v0 =	vimm.f32 $0.0e+00;
	v1 =	vand.u32 $0x7, v1;
	_ =	strace $0x80000047;
	s3 =	sadd.s32 s3, s6;
	s4 =	sadd.s32 s5, s6  }
0x8: {  	v2 =	vimm.f32 $1.000000000e+00;
	vm0 =	vcmask $0x3F20;
	v1 =	vmul.u32 $0x80, v1;
	s5 =	smax.u32 s7, $0x1;
	s6 =	simm.s32 $0x1;
	s7 =	simm.s32 $0x2800  }
.LBB2_1:
0x9: {  	s10 =	sand.u32 $0x70, s2;
	s11 =	sand.u32 $0x1FC00, s2  }
0xa: {  	s10 =	sor.u32 s10, s11  }
0xb: {  	s12 =	simm.s32 $0x0;
	s11 =	simm.s32 $0x10;
	[tilespmem:s10+$0x2800] =	vst v0  }
.LBB2_2:
0xc: {  	p0 =	sne.s32 s11, $0x27F0  }
.Ltmp0:
0xd: {  	_ = 	snop;
	(pc) =	sbr.rel @p0 .LBB2_2-.Ltmp0, $4  }
0xe: {  	s12 =	sadd.s32 $0x80, s12  }
0xf: {  	s10 =	sand.u32 $0x70, s11;
	s13 =	sand.u32 $0x1FC00, s12  }
0x10: {  	s10 =	sor.u32 s10, s13  }
0x11: {  	s11 =	sadd.s32 $0x10, s11;
	[tilespmem:s10+$0x2800] =	vst v0;
	s10 =	simm.s32 $0x0  }
0x12: {  	s11 =	sand.u32 $0x70, s10;
	s12 =	sand.u32 $0x1FC00, s10  }
0x13: {  	s11 =	sor.u32 s11, s12  }
0x14: {  	s13 =	simm.s32 $0x0;
	s12 =	simm.s32 $0x10;
	[tilespmem:s11+$0x2880] =	vst v0  }
.LBB2_4:
0x15: {  	p0 =	sne.s32 s12, $0x27F0  }
.Ltmp1:
0x16: {  	_ = 	snop;
	(pc) =	sbr.rel @p0 .LBB2_4-.Ltmp1, $4  }
0x17: {  	s13 =	sadd.s32 $0x80, s13  }
0x18: {  	s14 =	sand.u32 $0x70, s12;
	s15 =	sand.u32 $0x1FC00, s13  }
0x19: {  	s14 =	sor.u32 s14, s15  }
0x1a: {  	s12 =	sadd.s32 $0x10, s12;
	[tilespmem:s14+$0x2880] =	vst v0  }
0x1b: {  	s12 =	simm.s32 $0x10;
	[tilespmem:s11+$0x2900] =	vst v0  }
.LBB2_6:
0x1c: {  	p0 =	sne.s32 s12, $0x27F0  }
.Ltmp2:
0x1d: {  	_ = 	snop;
	(pc) =	sbr.rel @p0 .LBB2_6-.Ltmp2, $4  }
0x1e: {  	s10 =	sadd.s32 $0x80, s10  }
0x1f: {  	s11 =	sand.u32 $0x70, s12;
	s13 =	sand.u32 $0x1FC00, s10  }
0x20: {  	s11 =	sor.u32 s11, s13  }
0x21: {  	s12 =	sadd.s32 $0x10, s12;
	[tilespmem:s11+$0x2900] =	vst v0;
	s11 =	simm.s32 $0x0  }
0x22: {  	s10 =	sand.u32 $0x70, s11;
	s12 =	sand.u32 $0x1FC00, s11  }
0x23: {  	s10 =	sor.u32 s10, s12  }
0x24: {  	s13 =	simm.s32 $0x0;
	s12 =	simm.s32 $0x10;
	[tilespmem:s10+$0x2980] =	vst v0  }
.LBB2_8:
0x25: {  	p0 =	sne.s32 s12, $0x27F0  }
.Ltmp3:
0x26: {  	_ = 	snop;
	(pc) =	sbr.rel @p0 .LBB2_8-.Ltmp3, $4  }
0x27: {  	s13 =	sadd.s32 $0x80, s13  }
0x28: {  	s14 =	sand.u32 $0x70, s12;
	s15 =	sand.u32 $0x1FC00, s13  }
0x29: {  	s14 =	sor.u32 s14, s15  }
0x2a: {  	s12 =	sadd.s32 $0x10, s12;
	[tilespmem:s14+$0x2980] =	vst v0  }
0x2b: {  	s12 =	simm.s32 $0x10;
	[tilespmem:s10+$0x2A00] =	vst v0  }
.LBB2_10:
0x2c: {  	p0 =	sne.s32 s12, $0x27F0  }
.Ltmp4:
0x2d: {  	_ = 	snop;
	(pc) =	sbr.rel @p0 .LBB2_10-.Ltmp4, $4  }
0x2e: {  	s11 =	sadd.s32 $0x80, s11  }
0x2f: {  	s10 =	sand.u32 $0x70, s12;
	s13 =	sand.u32 $0x1FC00, s11  }
0x30: {  	s10 =	sor.u32 s10, s13  }
0x31: {  	s12 =	sadd.s32 $0x10, s12;
	[tilespmem:s10+$0x2A00] =	vst v0;
	s10 =	simm.s32 $0x0  }
0x32: {  	s11 =	sand.u32 $0x70, s10;
	s12 =	sand.u32 $0x1FC00, s10  }
0x33: {  	s12 =	sor.u32 s11, s12  }
0x34: {  	s11 =	simm.s32 $0x10;
	[tilespmem:s12+$0x2A80] =	vst v0;
	s12 =	simm.s32 $0x0  }
.LBB2_12:
0x35: {  	p0 =	sne.s32 s11, $0x27F0  }
.Ltmp5:
0x36: {  	_ = 	snop;
	(pc) =	sbr.rel @p0 .LBB2_12-.Ltmp5, $4  }
0x37: {  	s12 =	sadd.s32 $0x80, s12  }
0x38: {  	s13 =	sand.u32 $0x70, s11;
	s14 =	sand.u32 $0x1FC00, s12  }
0x39: {  	s13 =	sor.u32 s13, s14  }
0x3a: {  	s11 =	sadd.s32 $0x10, s11;
	[tilespmem:s13+$0x2A80] =	vst v0  }
0x3b: {  	s11 =	simm.s32 $0x0  }
.LBB2_14:
0x3c: {  	p0 =	sne.s32 s11, $0x27F0  }
.Ltmp6:
0x3d: {  	_ = 	snop;
	(pc) =	sbr.rel @p0 .LBB2_14-.Ltmp6, $4  }
0x3e: {  	_ = 	snop  }
0x3f: {  	s12 =	sand.u32 $0x70, s11;
	s13 =	sand.u32 $0x1FC00, s10  }
0x40: {  	s12 =	sor.u32 s12, s13  }
0x41: {  	s10 =	sadd.s32 $0x80, s10;
	s11 =	sadd.s32 $0x10, s11;
	[tilespmem:s12+$0x2B00] =	vst v0  }
0x42: {  	s10 =	simm.s32 $0x0  }
0x43: {  	s11 =	sand.u32 $0x70, s10;
	s12 =	sand.u32 $0x1FC00, s10  }
0x44: {  	s12 =	sor.u32 s11, s12  }
0x45: {  	s11 =	simm.s32 $0x10;
	[tilespmem:s12+$0x2B80] =	vst v0  }
.LBB2_16:
0x46: {  	p0 =	sne.s32 s11, $0x27F0  }
.Ltmp7:
0x47: {  	_ = 	snop;
	(pc) =	sbr.rel @p0 .LBB2_16-.Ltmp7, $4  }
0x48: {  	s10 =	sadd.s32 $0x80, s10  }
0x49: {  	s12 =	sand.u32 $0x70, s11;
	s13 =	sand.u32 $0x1FC00, s10  }
0x4a: {  	s12 =	sor.u32 s12, s13  }
0x4b: {  	s11 =	sadd.s32 $0x10, s11;
	[tilespmem:s12+$0x2B80] =	vst v0  }
0x4c: {  	[tilespmem:s2], [sflag:$0x1] =	stream.linear.gather [hbm4b:s3+s2], $0x2800, $0x38;
	[tilespmem:$0x19000] =	vst v63  }
0x4d: {  	_ =	swait.ge [sflag:s6], $0x2800  }
0x4e: {  	[sflag:s6] =	ssyncset.done $0x0  }
0x4f: {  	s10 =	simm.s32 $0x1C0;
	[sflag:s6] =	ssyncadd.s32 $0xFFFFD800  }
.LBB2_18:
0x50: {  	s11 =	sshra.s32 s10, $0x2  }
0x51: {  	v3 =	vld [tilespmem:s11+$0xFFFFFF90];
	_ =	sdelay $0x4  }
0x52: {  	v4 =	vshll.u32 v3, $0x3  }
0x53: {  	v3 =	vand.u32 $0x7F, v3;
	v4 =	vand.u32 $0xFFFFFC00, v4  }
0x54: {  	v3 =	vor.u32 v4, v3  }
0x55: {  	v3 =	vor.u32 v1, v3;
	_ =	sdelay $0x4  }
0x56: {  	[tilespmem:v3+s7+$0x0] =	vst.idx.add.f32.msk $0xff, v2  }
0x57: {  	[tilespmem:v3+s7+$0x0] =	vst.idx.add.f32.msk vm0, v2  }
0x58: {  	v3 =	vld [tilespmem:s11+$0xFFFFFFA0];
	_ =	sdelay $0x4  }
0x59: {  	v57 =	vshll.u32 v3, $0x3  }
0x5a: {  	v3 =	vand.u32 $0x7F, v3;
	v4 =	vand.u32 $0xFFFFFC00, v57  }
0x5b: {  	v3 =	vor.u32 v4, v3  }
0x5c: {  	v3 =	vor.u32 v1, v3;
	_ =	sdelay $0x4  }
0x5d: {  	[tilespmem:v3+s7+$0x0] =	vst.idx.add.f32.msk $0xff, v2  }
0x5e: {  	[tilespmem:v3+s7+$0x0] =	vst.idx.add.f32.msk vm0, v2  }
0x5f: {  	v3 =	vld [tilespmem:s11+$0xFFFFFFB0];
	_ =	sdelay $0x4  }
0x60: {  	v58 =	vshll.u32 v3, $0x3  }
0x61: {  	v3 =	vand.u32 $0x7F, v3;
	v4 =	vand.u32 $0xFFFFFC00, v58  }
0x62: {  	v3 =	vor.u32 v4, v3  }
0x63: {  	v3 =	vor.u32 v1, v3;
	_ =	sdelay $0x4  }
0x64: {  	[tilespmem:v3+s7+$0x0] =	vst.idx.add.f32.msk $0xff, v2  }
0x65: {  	[tilespmem:v3+s7+$0x0] =	vst.idx.add.f32.msk vm0, v2  }
0x66: {  	v3 =	vld [tilespmem:s11+$0xFFFFFFC0];
	_ =	sdelay $0x4  }
0x67: {  	v59 =	vshll.u32 v3, $0x3  }
0x68: {  	v3 =	vand.u32 $0x7F, v3;
	v4 =	vand.u32 $0xFFFFFC00, v59  }
0x69: {  	v3 =	vor.u32 v4, v3  }
0x6a: {  	v3 =	vor.u32 v1, v3;
	_ =	sdelay $0x4  }
0x6b: {  	[tilespmem:v3+s7+$0x0] =	vst.idx.add.f32.msk $0xff, v2  }
0x6c: {  	[tilespmem:v3+s7+$0x0] =	vst.idx.add.f32.msk vm0, v2  }
0x6d: {  	v3 =	vld [tilespmem:s11+$0xFFFFFFD0];
	_ =	sdelay $0x4  }
0x6e: {  	v60 =	vshll.u32 v3, $0x3  }
0x6f: {  	v3 =	vand.u32 $0x7F, v3;
	v4 =	vand.u32 $0xFFFFFC00, v60  }
0x70: {  	v3 =	vor.u32 v4, v3  }
0x71: {  	v3 =	vor.u32 v1, v3;
	_ =	sdelay $0x4  }
0x72: {  	[tilespmem:v3+s7+$0x0] =	vst.idx.add.f32.msk $0xff, v2  }
0x73: {  	[tilespmem:v3+s7+$0x0] =	vst.idx.add.f32.msk vm0, v2  }
0x74: {  	v3 =	vld [tilespmem:s11+$0xFFFFFFE0];
	_ =	sdelay $0x4  }
0x75: {  	v61 =	vshll.u32 v3, $0x3  }
0x76: {  	v3 =	vand.u32 $0x7F, v3;
	v4 =	vand.u32 $0xFFFFFC00, v61  }
0x77: {  	v3 =	vor.u32 v4, v3  }
0x78: {  	v3 =	vor.u32 v1, v3;
	_ =	sdelay $0x4  }
0x79: {  	[tilespmem:v3+s7+$0x0] =	vst.idx.add.f32.msk $0xff, v2  }
0x7a: {  	[tilespmem:v3+s7+$0x0] =	vst.idx.add.f32.msk vm0, v2  }
0x7b: {  	v3 =	vld [tilespmem:s11+$0xFFFFFFF0];
	_ =	sdelay $0x4  }
0x7c: {  	v62 =	vshll.u32 v3, $0x3  }
0x7d: {  	v3 =	vand.u32 $0x7F, v3;
	v4 =	vand.u32 $0xFFFFFC00, v62  }
0x7e: {  	v3 =	vor.u32 v4, v3  }
0x7f: {  	v3 =	vor.u32 v1, v3;
	_ =	sdelay $0x4  }
0x80: {  	[tilespmem:v3+s7+$0x0] =	vst.idx.add.f32.msk $0xff, v2  }
0x81: {  	[tilespmem:v3+s7+$0x0] =	vst.idx.add.f32.msk vm0, v2  }
0x82: {  	v3 =	vld [tilespmem:s11+$0x0];
	_ =	sdelay $0x4  }
0x83: {  	v63 =	vshll.u32 v3, $0x3  }
0x84: {  	v3 =	vand.u32 $0x7F, v3;
	v4 =	vand.u32 $0xFFFFFC00, v63  }
0x85: {  	v3 =	vor.u32 v4, v3  }
0x86: {  	v3 =	vor.u32 v1, v3  }
0x87: {  	p0 =	sne.s32 s10, $0x9FC0  }
.Ltmp8:
0x88: {  	_ = 	snop;
	(pc) =	sbr.rel @p0 .LBB2_18-.Ltmp8, $3  }
0x89: {  	_ =	sdelay $0x1  }
0x8a: {  	[tilespmem:v3+s7+$0x0] =	vst.idx.add.f32.msk $0xff, v2  }
0x8b: {  	s10 =	sadd.s32 $0x200, s10;
	[tilespmem:v3+s7+$0x0] =	vst.idx.add.f32.msk vm0, v2  }
0x8c: {  	s10 =	simm.s32 $0x0  }
0x8d: {  	s11 =	sand.u32 $0x70, s10;
	s10 =	sand.u32 $0x1FC00, s10  }
0x8e: {  	s10 =	sor.u32 s11, s10  }
0x8f: {  	v3 =	vld [tilespmem:s10+$0x2880]  }
0x90: {  	v4 =	vld [tilespmem:s10+$0x2800];
	_ =	sdelay $0x1  }
0x91: {  	v5 =	vld [tilespmem:s10+$0x2900];
	_ =	sdelay $0x1  }
0x92: {  	v6 =	vld [tilespmem:s10+$0x2980]  }
0x93: {  	v3 =	vadd.f32 v3, v4  }
0x94: {  	v60 =	vld [tilespmem:s10+$0x2A00]  }
0x95: {  	v3 =	vadd.f32 v5, v3  }
0x96: {  	v61 =	vld [tilespmem:s10+$0x2A80]  }
0x97: {  	v3 =	vadd.f32 v6, v3  }
0x98: {  	v62 =	vld [tilespmem:s10+$0x2B00]  }
0x99: {  	v3 =	vadd.f32 v60, v3  }
0x9a: {  	v63 =	vld [tilespmem:s10+$0x2B80]  }
0x9b: {  	v3 =	vadd.f32 v61, v3;
	_ =	sdelay $0x1  }
0x9c: {  	v3 =	vadd.f32 v62, v3;
	_ =	sdelay $0x1  }
0x9d: {  	s12 =	simm.s32 $0x10;
	s11 =	simm.s32 $0x80;
	v3 =	vadd.f32 v63, v3  }
0x9e: {  	s12 =	sand.u32 $0x70, s12;
	s10 =	simm.s32 $0x16800;
	s13 =	sand.u32 $0x1FC00, s11  }
0x9f: {  	s13 =	sor.u32 s12, s13;
	s12 =	simm.s32 $0x20;
	[tilespmem:s10+$0x0] =	vst v3  }
.LBB2_20:
0xa0: {  	p0 =	sne.s32 s12, $0x27F0;
	v3 =	vld [tilespmem:s13+$0x2880]  }
0xa1: {  	v4 =	vld [tilespmem:s13+$0x2800];
	_ =	sdelay $0x1  }
0xa2: {  	v5 =	vld [tilespmem:s13+$0x2900];
	_ =	sdelay $0x1  }
0xa3: {  	v6 =	vld [tilespmem:s13+$0x2980]  }
0xa4: {  	v3 =	vadd.f32 v3, v4  }
0xa5: {  	v4 =	vld [tilespmem:s13+$0x2A00]  }
0xa6: {  	v3 =	vadd.f32 v5, v3  }
0xa7: {  	v5 =	vld [tilespmem:s13+$0x2A80]  }
0xa8: {  	v3 =	vadd.f32 v6, v3  }
0xa9: {  	v6 =	vld [tilespmem:s13+$0x2B00]  }
0xaa: {  	v3 =	vadd.f32 v4, v3  }
0xab: {  	v4 =	vld [tilespmem:s13+$0x2B80]  }
0xac: {  	v3 =	vadd.f32 v5, v3;
	_ =	sdelay $0x1  }
.Ltmp9:
0xad: {  	v3 =	vadd.f32 v6, v3;
	(pc) =	sbr.rel @p0 .LBB2_20-.Ltmp9, $4  }
0xae: {  	_ = 	snop  }
0xaf: {  	s11 =	sadd.s32 $0x80, s11;
	v3 =	vadd.f32 v4, v3  }
0xb0: {  	s10 =	sadd.s32 $0x10, s10;
	s14 =	sand.u32 $0x1FC00, s11;
	s13 =	sand.u32 $0x70, s12  }
0xb1: {  	s12 =	sadd.s32 $0x10, s12;
	s13 =	sor.u32 s13, s14;
	[tilespmem:s10+$0x0] =	vst v3  }
0xb2: {  	v3 =	vld [tilespmem:s13+$0x2880]  }
0xb3: {  	v4 =	vld [tilespmem:s13+$0x2800];
	_ =	sdelay $0x1  }
0xb4: {  	v5 =	vld [tilespmem:s13+$0x2900];
	_ =	sdelay $0x1  }
0xb5: {  	v6 =	vld [tilespmem:s13+$0x2980]  }
0xb6: {  	v3 =	vadd.f32 v3, v4  }
0xb7: {  	v60 =	vld [tilespmem:s13+$0x2A00]  }
0xb8: {  	v3 =	vadd.f32 v5, v3  }
0xb9: {  	v61 =	vld [tilespmem:s13+$0x2A80]  }
0xba: {  	v3 =	vadd.f32 v6, v3  }
0xbb: {  	v62 =	vld [tilespmem:s13+$0x2B00]  }
0xbc: {  	v3 =	vadd.f32 v60, v3  }
0xbd: {  	v63 =	vld [tilespmem:s13+$0x2B80]  }
0xbe: {  	v3 =	vadd.f32 v61, v3;
	_ =	sdelay $0x1  }
0xbf: {  	v3 =	vadd.f32 v62, v3;
	_ =	sdelay $0x1  }
0xc0: {  	s9 =	sadd.s32 $0x1, s9;
	v3 =	vadd.f32 v63, v3  }
0xc1: {  	s10 =	sadd.s32 $0x10, s10;
	p0 =	sne.s32 s9, s5  }
.Ltmp10:
0xc2: {  	[tilespmem:s10+$0x0] =	vst v3;
	(pc) =	sbr.rel @p0 .LBB2_1-.Ltmp10, $4  }
0xc3: {  	[hbm4b:s4+s2] =	stream.linear.scatter [tilespmem:s8], [sflag:$0x1], $0x2800, $0x38;
	[tilespmem:$0x19000] =	vst v63  }
0xc4: {  	_ =	swait.ge [sflag:s6], $0x2800  }
0xc5: {  	[sflag:s6] =	ssyncset.done $0x0  }
0xc6: {  	[sflag:s6] =	ssyncadd.s32 $0xFFFFD800  }
0xc7: {  	_ =	sfence.sel $0x180000  }
0xc8: {  	[bflag:$0x0] =	sbarrier.arrive $0xFFFF  }
0xc9: {  	p0 =	sne.s32 s1, $0x0;
	_ =	strace $0x90000047  }
0xca: {  	s0 =	sadd.s32 @!p0 $0x100000, s0;
	[bflag:$0x2] =	sbarrier.arrive $0xFFFF  }
0xcb: {  	[sflag:s0] =	ssyncadd.tile.s32 @!p0 $0x1;
	_ =	shalt  }
.Lfunc_end2:
_tile_overlayer_lowered:
.L_overlay_start_2:
0xcc: {  	(tag) =	ssettag $0x2  }
0xcd: {  	s0 =	rddreg [dreg:$0x0];
	s2 =	stileid.u32  }
0xce: {  	s1 =	rddreg [dreg:$0x1];
	p0 =	sne.s32 s2, $0x0  }
0xcf: {  	s3 =	rddreg [dreg:$0x2];
	[bflag:$0x3] =	sbarrier.arrive $0xFFFF;
	s2 =	simm.s32 @!p0 $0x1C01  }
0xd0: {  	[timem:s3], [sflag:s2] =	dma.local @!p0 [hbm:s0], s1  }
0xd1: {  	s0 =	simm.s32 @!p0 $0x1  }
0xd2: {  	_ =	swait.ge @!p0 [sflag:s0], s1  }
0xd3: {  	s1 =	ssub.s32 @!p0 $0x0, s1;
	[sflag:s0] =	ssyncset.done @!p0 $0x0  }
0xd4: {  	[sflag:s0] =	ssyncadd.s32 @!p0 s1  }
0xd5: {  	[bflag:$0x3] =	sbarrier.arrive $0xFFFF  }
0xd6: {  	_ =	shalt  }

// kernel: kernel.16.cloned.1.call-start
scs
__scs_entry_jumppad:
0x0: {  	(pc) =	sbr.rel $0x88, $3  }
0x1: {  	(tag) =	ssettag $0x0;
	lr =	simm.s32 $0x1  }
0x2: {  	[smem:$0x3F93] =	sst lr;
	_ =	strace $0xD0000000  }
0x3: {  	_ = 	snop  }
0x4: {  	_ = 	snop  }
0x5: {  	_ = 	snop  }
0x6: {  	_ = 	snop  }
0x7: {  	_ = 	snop  }
__scs_overlays_trampoline_lowered:
0x8: {  	[smem:$0x3FA2] =	sst s0  }
0x9: {  	[smem:$0x3FA3] =	sst s1  }
0xa: {  	[smem:$0x3FA4] =	sst s2  }
0xb: {  	[smem:$0x3FA5] =	sst s3  }
0xc: {  	[smem:$0x3FA6] =	sst s4  }
0xd: {  	[smem:$0x3FA7] =	sst s5  }
0xe: {  	[smem:$0x3FA8] =	sst s6  }
0xf: {  	[smem:$0x3FA9] =	sst s7  }
0x10: {  	[smem:$0x3FAA] =	sst s8  }
0x11: {  	[smem:$0x3FAB] =	sst s9;
	s0 =	simm.s32 @!p0 $0x0  }
0x12: {  	s1 =	sld [smem:$0x3F91];
	s0 =	simm.s32 @p0 $0x1  }
0x13: {  	[smem:$0x3FAC] =	sst s0;
	s0 =	simm.s32 @!p1 $0x0  }
0x14: {  	s2 =	sld [smem:$0x3F90];
	s0 =	simm.s32 @p1 $0x1  }
0x15: {  	[smem:$0x3FAD] =	sst s0;
	s0 =	simm.s32 @!p2 $0x0  }
0x16: {  	s3 =	sld [smem:$0x3FDB];
	s0 =	simm.s32 @p2 $0x1  }
0x17: {  	s4 =	simm.s32 $0x1BF5;
	[smem:$0x3FAF] =	sst s0  }
0x18: {  	s0 =	sld [smem:$0x3F92];
	_ =	swait.ge [sflag:s4], $0x0  }
0x19: {  	s7 =	sld [smem:$0x3F93]  }
0x1a: {  	s8 =	sadd.s32 $0xFFFFE003, lr  }
0x1b: {  	s9 =	sadd.s32 $0xFFFFFEF7, lr;
	s5 =	simm.s32 $0xFFFFFFFF;
	p2 =	slt.u32 s8, $0xFFFFF086  }
0x1c: {  	p1 =	slt.u32 s9, $0xF7A;
	s5 =	simm.s32 @!p2 $0x0  }
0x1d: {  	s5 =	simm.s32 @p1 $0x1;
	p0 =	seq.s32 s7, s2  }
0x1e: {  	s7 =	smul.u32 @!p0 $0xF7A, s2;
	p2 =	seq.s32 @!p0 s5, $0x0  }
0x1f: {  	s9 =	smul.u32 $0xF7A, s1;
	s8 =	simm.s32 @!p0 $0x1BF5;
	p2 =	por !p2, p0  }
0x20: {  	[sflag:s8] =	ssyncset.s32 @!p0 $0xFFFFF086;
	s6 =	sadd.s32 @!p0 s3, s7;
	s7 =	simm.s32 @!p0 $0x108  }
0x21: {  	s3 =	sadd.s32 s3, s9;
	s6 =	sadd.s32 @!p0 $0x88, s6;
	s7 =	simm.s32 @p2 $0x1082  }
0x22: {  	[simem:s7], [sflag:s8] =	dma.local @!p0 [hbm:s6], $0xF7A  }
0x23: {  	s9 =	sor.u32 $0xD0000000, s2;
	s6 =	simm.s32 $0x108;
	_ =	swait.ge @!p0 [sflag:s8], $0x0  }
0x24: {  	s3 =	sadd.s32 $0x88, s3;
	s6 =	simm.s32 @!p1 $0x1082;
	[sflag:s4] =	ssyncset.s32 $0xFFFFF086  }
0x25: {  	[simem:s6], [sflag:s4] =	dma.local [hbm:s3], $0xF7A  }
0x26: {  	[smem:$0x3F93] =	sst s1;
	(tag) =	ssettag s2;
	_ =	strace s9  }
0x27: {  	s1 =	sld [smem:$0x3FA3]  }
0x28: {  	s2 =	sld [smem:$0x3FA4]  }
0x29: {  	s4 =	sld [smem:$0x3FA6]  }
0x2a: {  	p0 =	seq.s32 s5, $0x0;
	s5 =	sld [smem:$0x3FA7]  }
0x2b: {  	s6 =	sld [smem:$0x3FA8]  }
0x2c: {  	s7 =	sld [smem:$0x3FA9]  }
0x2d: {  	s3 =	simm.s32 $0x108;
	s8 =	sld [smem:$0x3FAA]  }
0x2e: {  	s3 =	simm.s32 @!p0 $0x1082;
	s9 =	sld [smem:$0x3FAB]  }
0x2f: {  	lr =	sadd.s32 s0, s3;
	s0 =	sld [smem:$0x3FA2]  }
0x30: {  	s3 =	sld [smem:$0x3FA5]  }
0x31: {  	[smem:$0x3FAE] =	sst s10  }
0x32: {  	s10 =	sld [smem:$0x3FAC];
	_ =	sdelay $0x3  }
0x33: {  	p0 =	seq.s32 s10, $0x1;
	s10 =	sld [smem:$0x3FAE];
	_ =	sdelay $0x3  }
0x34: {  	[smem:$0x3FAE] =	sst s10  }
0x35: {  	s10 =	sld [smem:$0x3FAD];
	_ =	sdelay $0x3  }
0x36: {  	p1 =	seq.s32 s10, $0x1;
	s10 =	sld [smem:$0x3FAE];
	_ =	sdelay $0x3  }
0x37: {  	[smem:$0x3FAE] =	sst s10  }
0x38: {  	s10 =	sld [smem:$0x3FAF]  }
0x39: {  	_ = 	snop;
	(pc) =	sbr.ind lr, $3  }
0x3a: {  	_ = 	snop  }
0x3b: {  	_ = 	snop  }
0x3c: {  	p2 =	seq.s32 s10, $0x1;
	s10 =	sld [smem:$0x3FAE]  }
0x3d: {  	_ =	shalt  }
0x3e: {  	_ =	shalt  }
0x3f: {  	_ =	shalt  }
0x40: {  	_ =	shalt  }
0x41: {  	_ =	shalt  }
0x42: {  	_ =	shalt  }
0x43: {  	_ =	shalt  }
0x44: {  	_ =	shalt  }
0x45: {  	_ =	shalt  }
0x46: {  	_ =	shalt  }
0x47: {  	_ =	shalt  }
0x48: {  	_ =	shalt  }
0x49: {  	_ =	shalt  }
0x4a: {  	_ =	shalt  }
0x4b: {  	_ =	shalt  }
0x4c: {  	_ =	shalt  }
0x4d: {  	_ =	shalt  }
0x4e: {  	_ =	shalt  }
0x4f: {  	_ =	shalt  }
0x50: {  	_ =	shalt  }
0x51: {  	_ =	shalt  }
0x52: {  	_ =	shalt  }
0x53: {  	_ =	shalt  }
0x54: {  	_ =	shalt  }
0x55: {  	_ =	shalt  }
0x56: {  	_ =	shalt  }
0x57: {  	_ =	shalt  }
0x58: {  	_ =	shalt  }
0x59: {  	_ =	shalt  }
0x5a: {  	_ =	shalt  }
0x5b: {  	_ =	shalt  }
0x5c: {  	_ =	shalt  }
0x5d: {  	_ =	shalt  }
0x5e: {  	_ =	shalt  }
0x5f: {  	_ =	shalt  }
0x60: {  	_ =	shalt  }
0x61: {  	_ =	shalt  }
0x62: {  	_ =	shalt  }
0x63: {  	_ =	shalt  }
0x64: {  	_ =	shalt  }
0x65: {  	_ =	shalt  }
0x66: {  	_ =	shalt  }
0x67: {  	_ =	shalt  }
0x68: {  	_ =	shalt  }
0x69: {  	_ =	shalt  }
0x6a: {  	_ =	shalt  }
0x6b: {  	_ =	shalt  }
0x6c: {  	_ =	shalt  }
0x6d: {  	_ =	shalt  }
0x6e: {  	_ =	shalt  }
0x6f: {  	_ =	shalt  }
0x70: {  	_ =	shalt  }
0x71: {  	_ =	shalt  }
0x72: {  	_ =	shalt  }
0x73: {  	_ =	shalt  }
0x74: {  	_ =	shalt  }
0x75: {  	_ =	shalt  }
0x76: {  	_ =	shalt  }
0x77: {  	_ =	shalt  }
0x78: {  	_ =	shalt  }
0x79: {  	_ =	shalt  }
0x7a: {  	_ =	shalt  }
0x7b: {  	_ =	shalt  }
0x7c: {  	_ =	shalt  }
0x7d: {  	_ =	shalt  }
0x7e: {  	_ =	shalt  }
0x7f: {  	_ =	shalt  }
0x80: {  	_ =	shalt  }
0x81: {  	_ =	shalt  }
0x82: {  	_ =	shalt  }
0x83: {  	_ =	shalt  }
0x84: {  	_ =	shalt  }
0x85: {  	_ =	shalt  }
0x86: {  	_ =	shalt  }
0x87: {  	_ =	shalt  }
.Lfunc_end0:
.L_simem_size_0:
called_computation.1_lowered:
.L_overlay_start_0:
0x88: {  	s2 =	sld [smem:$0x3FD9]  }
0x89: {  	s3 =	sld [smem:$0x3FFE];
	_ =	sdelay $0x1  }
0x8a: {  	s1 =	srdreg.scid  }
0x8b: {  	s0 =	sand.u32 $0x1, s1  }
0x8c: {  	s14 =	sshll.u32 s0, $0xA;
	s2 =	sadd.s32 s3, s2  }
0x8d: {  	s2 =	sadd.s32 s2, s14  }
0x8e: {  	[smem:$0x3FBA] =	sst s2  }
0x8f: {  	_ = 	snop  }
0x90: {  	s2 =	sld [smem:$0x3FD0];
	_ =	sdelay $0x2  }
0x91: {  	s15 =	simm.s32 $0xA;
	s4 =	simm.s32 $0x10  }
0x92: {  	[smem:s4], [sflag:s15] =	dma.local [hbm:s2], $0x1  }
0x93: {  	_ =	swait.eq [sflag:s15], $0x1  }
0x94: {  	[sflag:s15] =	ssyncset.done $0x0  }
0x95: {  	[sflag:s15] =	ssyncadd.s32 $0xFFFFFFFF  }
0x96: {  	s16 =	sld [smem:$0x11];
	(tm) =	ssettm $0x1  }
0x97: {  	s17 =	sld [smem:$0x3FFB];
	_ =	sdelay $0x3  }
0x98: {  	_ =	strace s17  }
0x99: {  	s3 =	sld [smem:$0x3FFC];
	_ =	sdelay $0x3  }
0x9a: {  	_ =	strace s3  }
0x9b: {  	s3 =	sld [smem:$0x3FFD];
	_ =	sdelay $0x3  }
0x9c: {  	_ =	strace s3  }
0x9d: {  	_ =	strace $0x8FFFFFFF  }
0x9e: {  	s18 =	sld [smem:$0x3FDB];
	_ =	sdelay $0x1  }
0x9f: {  	s19 =	simm.s32 $_scs_section_size  }
0xa0: {  	s5 =	simm.s32 $_size__tile_overlayer_lowered;
	s6 =	simm.s32 $_tile_overlayer_lowered  }
0xa1: {  	s22 =	simm.s32 $0x1BFF;
	s21 =	sshll.u32 s6, $0x1;
	s3 =	sadd.s32 s19, s18  }
0xa2: {  	s7 =	simm.s32 $0x0;
	s20 =	sshll.u32 s5, $0x1;
	s5 =	sadd.s32 s21, s3  }
0xa3: {  	[timem:s7], [sflag:s22] =	dma.local [hbm:s5], s20  }
0xa4: {  	_ =	swait.ge [sflag:s22], s20  }
0xa5: {  	s4 =	ssub.s32 $0x0, s20;
	[sflag:s22] =	ssyncset.done $0x0  }
0xa6: {  	[sflag:s22] =	ssyncadd.s32 s4;
	_ =	sdelay $0x1  }
0xa7: {  	s23 =	simm.s32 $0x1B8B  }
0xa8: {  	_ =	swait.ge [sflag:s23], $0x1  }
0xa9: {  	[sflag:s23] =	ssyncset.done $0x0  }
0xaa: {  	s25 =	simm.s32 $0x1B8E;
	s24 =	sld [smem:$0x3FFE];
	[sflag:s23] =	ssyncadd.s32 $0xFFFFFFFF  }
0xab: {  	s26 =	simm.s32 $execute0_lowered;
	[smem:$0x3FD2] =	sst s25  }
0xac: {  	s5 =	sshll.u32 s26, $0x1;
	_ =	strace $0x80000049;
	[dreg:$0x1] =	wrdreg $0xFFFFFFFF  }
0xad: {  	s28 =	simm.s32 $_size_execute0_lowered;
	s3 =	sadd.s32 s3, s5;
	[dreg:$0x0] =	wrdreg $0x0  }
0xae: {  	s5 =	sshll.u32 s28, $0x1;
	[dreg:$0x2] =	wrdreg s3  }
0xaf: {  	[dreg:$0x3] =	wrdreg s5  }
0xb0: {  	[dreg:$0x4] =	wrdreg $0xC0  }
0xb1: {  	_ =	task [dreg:s7], $0x5FFFF  }
0xb2: {  	[dreg:$0x1] =	wrdreg $0xFFFFFFFF  }
0xb3: {  	[dreg:$0x0] =	wrdreg $0x60  }
0xb4: {  	[dreg:$0x2] =	wrdreg s24  }
0xb5: {  	[dreg:$0x3] =	wrdreg s16  }
0xb6: {  	[dreg:$0x4] =	wrdreg $0x90000  }
0xb7: {  	[dreg:$0x5] =	wrdreg $0x9  }
0xb8: {  	_ =	task.clear_ibuf [dreg:s7], $0x6FFFF;
	_ =	strace $0x90000049  }
0xb9: {  	s29 =	simm.s32 $0x9;
	_ =	strace $0x8000004B  }
0xba: {  	_ =	swait.ge [sflag:s29], $0x1  }
0xbb: {  	[sflag:s29] =	ssyncadd.s32 $0xFFFFFFFF  }
0xbc: {  	_ =	strace $0x9000004B  }
0xbd: {  	_ =	sfence  }
0xbe: {  	s30 =	sld [smem:$0x0];
	_ =	sdelay $0x2  }
0xbf: {  	s31 =	sshll.u32 s1, $0xD;
	s1 =	sshrl.u32 s1, $0x2  }
0xc0: {  	s3 =	sand.u32 $0x4000, s31;
	s1 =	sadd.s32 s1, s30  }
0xc1: {  	s0 =	sor.u32 s3, s0;
	s1 =	sshll.u32 s1, $0x11  }
0xc2: {  	s0 =	sor.u32 s1, s0  }
0xc3: {  	s0 =	sadd.s32 $0x8F2B, s0  }
0xc4: {  	[sflag:s0] =	ssyncadd.remote.s32 $0x1  }
0xc5: {  	_ =	sfence.sel $0xFFFF  }
0xc6: {  	[dreg:$0x0] =	wrdreg $0xFFFFFFFF;
	(pc) =	sbr.abs _section_cstart, $3  }
0xc7: {  	[dreg:$0x1] =	wrdreg $0xFFFFFFFF  }
0xc8: {  	_ =	task.clear_ibuf [dreg:s7], $0x2FFFF;
	_ =	strace $0x9FFFFFFF  }
0xc9: {  	(tm) =	ssettm $0x7FFFFFFF  }
tec
execute0_lowered:
.L_overlay_start_1:
0x0: {  	(tag) =	ssettag $0x1  }
0x1: {  	s5 =	rddreg [dreg:$0x0]  }
0x2: {  	s0 =	srdreg.scid;
	s11 =	rddreg [dreg:$0x1]  }
0x3: {  	s2 =	rddreg [dreg:$0x2];
	s1 =	stileid.u32;
	s3 =	simm.s32 $0x0  }
0x4: {  	s7 =	sand.u32 $0x1, s0;
	s0 =	rddreg [dreg:$0x3];
	s6 =	smul.u32 $0x50000, s1  }
0x5: {  	s21 =	simm.s32 $0x80;
	[smem:$0x7FF] =	sst s3;
	s13 =	smul.u32 $0x14000, s1  }
0x6: {  	s16 =	sadd.s32 $0x36800, s5;
	s4 =	sshll.u32 s7, $0x4;
	_ =	strace $0x8000004A  }
0x7: {  	s8 =	ssub.s32 $0x2, s7;
	s18 =	smul.u32 $0x140000, s7;
	s4 =	sor.u32 s1, s4  }
0x8: {  	s28 =	sshrl.u32 s8, $0x1;
	s6 =	sshrl.u32 s6, $0x2;
	s14 =	sadd.s32 $0x4000, s13  }
0x9: {  	s15 =	sadd.s32 $0x8000, s13;
	s19 =	sadd.s32 $0xC000, s13;
	s20 =	sadd.s32 $0x10000, s13  }
0xa: {  	s12 =	smul.u32 $0x500, s4;
	s4 =	sadd.s32 $0xE800, s5;
	s17 =	ssub.s32 s8, s28  }
0xb: {  	s7 =	sadd.s32 s15, s2;
	s8 =	sadd.s32 s19, s2;
	s9 =	sadd.s32 s20, s2  }
0xc: {  	s13 =	sadd.s32 s13, s18;
	s30 =	sadd.s32 s18, s15;
	s31 =	sadd.s32 s18, s19  }
0xd: {  	s19 =	simm.s32 $0x1;
	s13 =	sshrl.u32 s13, $0x3;
	s15 =	sshrl.u32 s31, $0x3  }
0xe: {  	s17 =	smax.u32 s17, $0x1;
	s10 =	sadd.s32 s12, s5;
	s5 =	sadd.s32 s6, s2  }
0xf: {  	s6 =	sadd.s32 s14, s2;
	s14 =	sadd.s32 s18, s14;
	s11 =	sadd.s32 s11, s12  }
0x10: {  	s12 =	sadd.s32 s16, s13;
	s18 =	sadd.s32 s18, s20;
	s15 =	sadd.s32 s16, s15  }
0x11: {  	s20 =	simm.s32 $0x2800;
	s10 =	sadd.s32 $0x4800, s10;
	s29 =	sshrl.u32 s14, $0x3  }
0x12: {  	s14 =	sshrl.u32 s30, $0x3;
	s18 =	sshrl.u32 s18, $0x3;
	s13 =	sadd.s32 s16, s29  }
0x13: {  	v0 =	vimm.f32 $0.0e+00;
	s14 =	sadd.s32 s16, s14;
	s16 =	sadd.s32 s16, s18;
	s18 =	simm.s32 $0x5000  }
.LBB2_1:
0x14: {  	s22 =	simm.s32 $0x0;
	s23 =	simm.s32 $0x200  }
.LBB2_2:
0x15: {  	p0 =	sne.s32 s23, $0xFE00;
	[tilespmem:s22+$0x5070] =	vst v0  }
0x16: {  	[tilespmem:s22+$0x5000] =	vst v0  }
0x17: {  	[tilespmem:s22+$0x5010] =	vst v0  }
.Ltmp0:
0x18: {  	[tilespmem:s22+$0x5020] =	vst v0;
	(pc) =	sbr.rel @p0 .LBB2_2-.Ltmp0, $4  }
0x19: {  	[tilespmem:s22+$0x5030] =	vst v0  }
0x1a: {  	[tilespmem:s22+$0x5040] =	vst v0  }
0x1b: {  	[tilespmem:s22+$0x5050] =	vst v0  }
0x1c: {  	[tilespmem:s22+$0x5060] =	vst v0;
	s22 =	sshra.s32 s23, $0x2;
	s23 =	sadd.s32 $0x200, s23  }
0x1d: {  	[tilespmem:s22+$0x5070] =	vst v0  }
0x1e: {  	[tilespmem:s22+$0x5000] =	vst v0  }
0x1f: {  	[tilespmem:s22+$0x5010] =	vst v0  }
0x20: {  	[tilespmem:s22+$0x5020] =	vst v0  }
0x21: {  	[tilespmem:s22+$0x5030] =	vst v0  }
0x22: {  	[tilespmem:s22+$0x5040] =	vst v0  }
0x23: {  	[tilespmem:s22+$0x5050] =	vst v0  }
0x24: {  	[tilespmem:s22+$0x5060] =	vst v0  }
0x25: {  	[spmem:s5] =	stream.linear.scatter [tilespmem:s18], [sflag:$0x1], $0x4000, $0x38;
	[tilespmem:$0x1D000] =	vst v63  }
0x26: {  	_ =	swait.ge [sflag:s19], $0x4000  }
0x27: {  	[sflag:s19] =	ssyncset.done $0x0  }
0x28: {  	[sflag:s19] =	ssyncadd.s32 $0xFFFFC000  }
0x29: {  	[spmem:s6] =	stream.linear.scatter [tilespmem:s18], [sflag:$0x1], $0x4000, $0x38;
	[tilespmem:$0x1D000] =	vst v63  }
0x2a: {  	_ =	swait.ge [sflag:s19], $0x4000  }
0x2b: {  	[sflag:s19] =	ssyncset.done $0x0  }
0x2c: {  	[sflag:s19] =	ssyncadd.s32 $0xFFFFC000  }
0x2d: {  	[spmem:s7] =	stream.linear.scatter [tilespmem:s18], [sflag:$0x1], $0x4000, $0x38;
	[tilespmem:$0x1D000] =	vst v63  }
0x2e: {  	_ =	swait.ge [sflag:s19], $0x4000  }
0x2f: {  	[sflag:s19] =	ssyncset.done $0x0  }
0x30: {  	[sflag:s19] =	ssyncadd.s32 $0xFFFFC000  }
0x31: {  	[spmem:s8] =	stream.linear.scatter [tilespmem:s18], [sflag:$0x1], $0x4000, $0x38;
	[tilespmem:$0x1D000] =	vst v63  }
0x32: {  	_ =	swait.ge [sflag:s19], $0x4000  }
0x33: {  	[sflag:s19] =	ssyncset.done $0x0  }
0x34: {  	[sflag:s19] =	ssyncadd.s32 $0xFFFFC000  }
0x35: {  	[spmem:s9] =	stream.linear.scatter [tilespmem:s18], [sflag:$0x1], $0x4000, $0x38;
	[tilespmem:$0x1D000] =	vst v63  }
0x36: {  	_ =	swait.ge [sflag:s19], $0x4000  }
0x37: {  	[sflag:s19] =	ssyncset.done $0x0  }
0x38: {  	s29 =	simm.s32 $0x0;
	[sflag:s19] =	ssyncadd.s32 $0xFFFFC000  }
0x39: {  	[tilespmem:s29], [sflag:$0x1] =	stream.linear.gather [hbm4b:s10+s29], $0x2800, $0x38;
	[tilespmem:$0x1D000] =	vst v63  }
0x3a: {  	_ =	swait.ge [sflag:s19], $0x2800  }
0x3b: {  	[sflag:s19] =	ssyncset.done $0x0  }
0x3c: {  	[sflag:s19] =	ssyncadd.s32 $0xFFFFD800  }
0x3d: {  	[tilespmem:s20], [sflag:$0x1] =	stream.linear.gather [hbm4b:s11+s29], $0x2800, $0x38;
	[tilespmem:$0x1D000] =	vst v63  }
0x3e: {  	_ =	swait.ge [sflag:s19], $0x2800  }
0x3f: {  	[sflag:s19] =	ssyncset.done $0x0  }
0x40: {  	[sflag:s19] =	ssyncadd.s32 $0xFFFFD800  }
0x41: {  	s30 =	simm.s32 $0x0;
	[bflag:$0x0] =	sbarrier.arrive $0xFFFF  }
0x42: {  	[tilespmem:s18], [sflag:$0x1] =	stream.indirect.gather [hbm4b:s4+s21], $0x80, s30, s21, $0xb8;
	[tilespmem:$0x1D000] =	vst v63  }
0x43: {  	_ =	swait.ge [sflag:s19], $0x4000  }
0x44: {  	[sflag:s19] =	ssyncset.done $0x0  }
0x45: {  	s31 =	simm.s32 $0x2800;
	[sflag:s19] =	ssyncadd.s32 $0xFFFFC000  }
0x46: {  	[spmem:s2] =	stream.indirect.scatter.add.f32 [tilespmem:s18], [sflag:$0x1], $0x80, s31, s21, $0xb8;
	[tilespmem:$0x1D000] =	vst v63  }
0x47: {  	_ =	swait.ge [sflag:s19], $0x4000  }
0x48: {  	s22 =	simm.s32 $0x200;
	s23 =	simm.s32 $0x400;
	[sflag:s19] =	ssyncset.done $0x0  }
.LBB2_4:
0x49: {  	s24 =	sshra.s32 s22, $0x2  }
0x4a: {  	[sflag:s19] =	ssyncadd.s32 $0xFFFFC000;
	s22 =	smov.u32 s23;
	s25 =	sadd.s32 $0x200, s23  }
0x4b: {  	[tilespmem:s18], [sflag:$0x1] =	stream.indirect.gather [hbm4b:s4+s21], $0x80, s24, s21, $0xb8;
	[tilespmem:$0x1D000] =	vst v63  }
0x4c: {  	p0 =	sne.s32 s23, $0x9E00;
	_ =	swait.ge [sflag:s19], $0x4000  }
.Ltmp1:
0x4d: {  	[sflag:s19] =	ssyncset.done $0x0;
	(pc) =	sbr.rel @p0 .LBB2_4-.Ltmp1, $4  }
0x4e: {  	s23 =	sadd.s32 $0x2800, s24;
	[sflag:s19] =	ssyncadd.s32 $0xFFFFC000  }
0x4f: {  	[spmem:s2] =	stream.indirect.scatter.add.f32 [tilespmem:s18], [sflag:$0x1], $0x80, s23, s21, $0xb8;
	[tilespmem:$0x1D000] =	vst v63  }
0x50: {  	_ =	swait.ge [sflag:s19], $0x4000  }
0x51: {  	s23 =	smov.u32 s25;
	[sflag:s19] =	ssyncset.done $0x0  }
0x52: {  	s22 =	sshra.s32 s22, $0x2;
	[sflag:s19] =	ssyncadd.s32 $0xFFFFC000  }
0x53: {  	[tilespmem:s18], [sflag:$0x1] =	stream.indirect.gather [hbm4b:s4+s21], $0x80, s22, s21, $0xb8;
	[tilespmem:$0x1D000] =	vst v63  }
0x54: {  	_ =	swait.ge [sflag:s19], $0x4000  }
0x55: {  	[sflag:s19] =	ssyncset.done $0x0  }
0x56: {  	s22 =	sadd.s32 $0x2800, s22;
	[sflag:s19] =	ssyncadd.s32 $0xFFFFC000  }
0x57: {  	[spmem:s2] =	stream.indirect.scatter.add.f32 [tilespmem:s18], [sflag:$0x1], $0x80, s22, s21, $0xb8;
	[tilespmem:$0x1D000] =	vst v63  }
0x58: {  	_ =	swait.ge [sflag:s19], $0x4000  }
0x59: {  	[sflag:s19] =	ssyncset.done $0x0  }
0x5a: {  	s26 =	sshll.u32 s1, $0x6;
	[sflag:s19] =	ssyncadd.s32 $0xFFFFC000  }
0x5b: {  	s23 =	sshrl.u32 s5, $0x3;
	s22 =	sor.u32 $0x1C01, s26;
	[bflag:$0x0] =	sbarrier.arrive $0xFFFF  }
0x5c: {  	[hbm:s12], [sflag:s22] =	dma.local [spmem:s23], $0x800  }
0x5d: {  	_ =	swait.ge [sflag:s19], $0x800  }
0x5e: {  	[sflag:s19] =	ssyncset.done $0x0  }
0x5f: {  	s28 =	sshrl.u32 s6, $0x3;
	[sflag:s19] =	ssyncadd.s32 $0xFFFFF800  }
0x60: {  	[hbm:s13], [sflag:s22] =	dma.local [spmem:s28], $0x800  }
0x61: {  	_ =	swait.ge [sflag:s19], $0x800  }
0x62: {  	[sflag:s19] =	ssyncset.done $0x0  }
0x63: {  	s29 =	sshrl.u32 s7, $0x3;
	[sflag:s19] =	ssyncadd.s32 $0xFFFFF800  }
0x64: {  	[hbm:s14], [sflag:s22] =	dma.local [spmem:s29], $0x800  }
0x65: {  	_ =	swait.ge [sflag:s19], $0x800  }
0x66: {  	[sflag:s19] =	ssyncset.done $0x0  }
0x67: {  	s30 =	sshrl.u32 s8, $0x3;
	[sflag:s19] =	ssyncadd.s32 $0xFFFFF800  }
0x68: {  	[hbm:s15], [sflag:s22] =	dma.local [spmem:s30], $0x800  }
0x69: {  	s3 =	sadd.s32 $0x1, s3;
	_ =	swait.ge [sflag:s19], $0x800  }
0x6a: {  	p0 =	sne.s32 s3, s17;
	[sflag:s19] =	ssyncset.done $0x0  }
.Ltmp2:
0x6b: {  	s31 =	sshrl.u32 s9, $0x3;
	[sflag:s19] =	ssyncadd.s32 $0xFFFFF800;
	(pc) =	sbr.rel @p0 .LBB2_1-.Ltmp2, $4  }
0x6c: {  	[hbm:s16], [sflag:s22] =	dma.local [spmem:s31], $0x800  }
0x6d: {  	_ =	swait.ge [sflag:s19], $0x800  }
0x6e: {  	[sflag:s19] =	ssyncset.done $0x0  }
0x6f: {  	[sflag:s19] =	ssyncadd.s32 $0xFFFFF800  }
0x70: {  	_ =	sfence.sel $0x180000  }
0x71: {  	[bflag:$0x0] =	sbarrier.arrive $0xFFFF  }
0x72: {  	p0 =	sne.s32 s1, $0x0;
	_ =	strace $0x9000004A  }
0x73: {  	s0 =	sadd.s32 @!p0 $0x100000, s0;
	[bflag:$0x2] =	sbarrier.arrive $0xFFFF  }
0x74: {  	[sflag:s0] =	ssyncadd.tile.s32 @!p0 $0x1;
	_ =	shalt  }
.Lfunc_end2:
_tile_overlayer_lowered:
.L_overlay_start_2:
0x75: {  	(tag) =	ssettag $0x2  }
0x76: {  	s0 =	rddreg [dreg:$0x0];
	s2 =	stileid.u32  }
0x77: {  	s1 =	rddreg [dreg:$0x1];
	p0 =	sne.s32 s2, $0x0  }
0x78: {  	s3 =	rddreg [dreg:$0x2];
	[bflag:$0x3] =	sbarrier.arrive $0xFFFF;
	s2 =	simm.s32 @!p0 $0x1C01  }
0x79: {  	[timem:s3], [sflag:s2] =	dma.local @!p0 [hbm:s0], s1  }
0x7a: {  	s0 =	simm.s32 @!p0 $0x1  }
0x7b: {  	_ =	swait.ge @!p0 [sflag:s0], s1  }
0x7c: {  	s1 =	ssub.s32 @!p0 $0x0, s1;
	[sflag:s0] =	ssyncset.done @!p0 $0x0  }
0x7d: {  	[sflag:s0] =	ssyncadd.s32 @!p0 s1  }
0x7e: {  	[bflag:$0x3] =	sbarrier.arrive $0xFFFF  }
0x7f: {  	_ =	shalt  }

// kernel: kernel.19.cloned.1.call-start
scs
__scs_entry_jumppad:
0x0: {  	(pc) =	sbr.rel $0x88, $3  }
0x1: {  	(tag) =	ssettag $0x0;
	lr =	simm.s32 $0x1  }
0x2: {  	[smem:$0x3F93] =	sst lr;
	_ =	strace $0xD0000000  }
0x3: {  	_ = 	snop  }
0x4: {  	_ = 	snop  }
0x5: {  	_ = 	snop  }
0x6: {  	_ = 	snop  }
0x7: {  	_ = 	snop  }
__scs_overlays_trampoline_lowered:
0x8: {  	[smem:$0x3FA2] =	sst s0  }
0x9: {  	[smem:$0x3FA3] =	sst s1  }
0xa: {  	[smem:$0x3FA4] =	sst s2  }
0xb: {  	[smem:$0x3FA5] =	sst s3  }
0xc: {  	[smem:$0x3FA6] =	sst s4  }
0xd: {  	[smem:$0x3FA7] =	sst s5  }
0xe: {  	[smem:$0x3FA8] =	sst s6  }
0xf: {  	[smem:$0x3FA9] =	sst s7  }
0x10: {  	[smem:$0x3FAA] =	sst s8  }
0x11: {  	[smem:$0x3FAB] =	sst s9;
	s0 =	simm.s32 @!p0 $0x0  }
0x12: {  	s1 =	sld [smem:$0x3F91];
	s0 =	simm.s32 @p0 $0x1  }
0x13: {  	[smem:$0x3FAC] =	sst s0;
	s0 =	simm.s32 @!p1 $0x0  }
0x14: {  	s2 =	sld [smem:$0x3F90];
	s0 =	simm.s32 @p1 $0x1  }
0x15: {  	[smem:$0x3FAD] =	sst s0;
	s0 =	simm.s32 @!p2 $0x0  }
0x16: {  	s3 =	sld [smem:$0x3FDB];
	s0 =	simm.s32 @p2 $0x1  }
0x17: {  	s4 =	simm.s32 $0x1BF5;
	[smem:$0x3FAF] =	sst s0  }
0x18: {  	s0 =	sld [smem:$0x3F92];
	_ =	swait.ge [sflag:s4], $0x0  }
0x19: {  	s7 =	sld [smem:$0x3F93]  }
0x1a: {  	s8 =	sadd.s32 $0xFFFFE003, lr  }
0x1b: {  	s9 =	sadd.s32 $0xFFFFFEF7, lr;
	s5 =	simm.s32 $0xFFFFFFFF;
	p2 =	slt.u32 s8, $0xFFFFF086  }
0x1c: {  	p1 =	slt.u32 s9, $0xF7A;
	s5 =	simm.s32 @!p2 $0x0  }
0x1d: {  	s5 =	simm.s32 @p1 $0x1;
	p0 =	seq.s32 s7, s2  }
0x1e: {  	s7 =	smul.u32 @!p0 $0xF7A, s2;
	p2 =	seq.s32 @!p0 s5, $0x0  }
0x1f: {  	s9 =	smul.u32 $0xF7A, s1;
	s8 =	simm.s32 @!p0 $0x1BF5;
	p2 =	por !p2, p0  }
0x20: {  	[sflag:s8] =	ssyncset.s32 @!p0 $0xFFFFF086;
	s6 =	sadd.s32 @!p0 s3, s7;
	s7 =	simm.s32 @!p0 $0x108  }
0x21: {  	s3 =	sadd.s32 s3, s9;
	s6 =	sadd.s32 @!p0 $0x88, s6;
	s7 =	simm.s32 @p2 $0x1082  }
0x22: {  	[simem:s7], [sflag:s8] =	dma.local @!p0 [hbm:s6], $0xF7A  }
0x23: {  	s9 =	sor.u32 $0xD0000000, s2;
	s6 =	simm.s32 $0x108;
	_ =	swait.ge @!p0 [sflag:s8], $0x0  }
0x24: {  	s3 =	sadd.s32 $0x88, s3;
	s6 =	simm.s32 @!p1 $0x1082;
	[sflag:s4] =	ssyncset.s32 $0xFFFFF086  }
0x25: {  	[simem:s6], [sflag:s4] =	dma.local [hbm:s3], $0xF7A  }
0x26: {  	[smem:$0x3F93] =	sst s1;
	(tag) =	ssettag s2;
	_ =	strace s9  }
0x27: {  	s1 =	sld [smem:$0x3FA3]  }
0x28: {  	s2 =	sld [smem:$0x3FA4]  }
0x29: {  	s4 =	sld [smem:$0x3FA6]  }
0x2a: {  	p0 =	seq.s32 s5, $0x0;
	s5 =	sld [smem:$0x3FA7]  }
0x2b: {  	s6 =	sld [smem:$0x3FA8]  }
0x2c: {  	s7 =	sld [smem:$0x3FA9]  }
0x2d: {  	s3 =	simm.s32 $0x108;
	s8 =	sld [smem:$0x3FAA]  }
0x2e: {  	s3 =	simm.s32 @!p0 $0x1082;
	s9 =	sld [smem:$0x3FAB]  }
0x2f: {  	lr =	sadd.s32 s0, s3;
	s0 =	sld [smem:$0x3FA2]  }
0x30: {  	s3 =	sld [smem:$0x3FA5]  }
0x31: {  	[smem:$0x3FAE] =	sst s10  }
0x32: {  	s10 =	sld [smem:$0x3FAC];
	_ =	sdelay $0x3  }
0x33: {  	p0 =	seq.s32 s10, $0x1;
	s10 =	sld [smem:$0x3FAE];
	_ =	sdelay $0x3  }
0x34: {  	[smem:$0x3FAE] =	sst s10  }
0x35: {  	s10 =	sld [smem:$0x3FAD];
	_ =	sdelay $0x3  }
0x36: {  	p1 =	seq.s32 s10, $0x1;
	s10 =	sld [smem:$0x3FAE];
	_ =	sdelay $0x3  }
0x37: {  	[smem:$0x3FAE] =	sst s10  }
0x38: {  	s10 =	sld [smem:$0x3FAF]  }
0x39: {  	_ = 	snop;
	(pc) =	sbr.ind lr, $3  }
0x3a: {  	_ = 	snop  }
0x3b: {  	_ = 	snop  }
0x3c: {  	p2 =	seq.s32 s10, $0x1;
	s10 =	sld [smem:$0x3FAE]  }
0x3d: {  	_ =	shalt  }
0x3e: {  	_ =	shalt  }
0x3f: {  	_ =	shalt  }
0x40: {  	_ =	shalt  }
0x41: {  	_ =	shalt  }
0x42: {  	_ =	shalt  }
0x43: {  	_ =	shalt  }
0x44: {  	_ =	shalt  }
0x45: {  	_ =	shalt  }
0x46: {  	_ =	shalt  }
0x47: {  	_ =	shalt  }
0x48: {  	_ =	shalt  }
0x49: {  	_ =	shalt  }
0x4a: {  	_ =	shalt  }
0x4b: {  	_ =	shalt  }
0x4c: {  	_ =	shalt  }
0x4d: {  	_ =	shalt  }
0x4e: {  	_ =	shalt  }
0x4f: {  	_ =	shalt  }
0x50: {  	_ =	shalt  }
0x51: {  	_ =	shalt  }
0x52: {  	_ =	shalt  }
0x53: {  	_ =	shalt  }
0x54: {  	_ =	shalt  }
0x55: {  	_ =	shalt  }
0x56: {  	_ =	shalt  }
0x57: {  	_ =	shalt  }
0x58: {  	_ =	shalt  }
0x59: {  	_ =	shalt  }
0x5a: {  	_ =	shalt  }
0x5b: {  	_ =	shalt  }
0x5c: {  	_ =	shalt  }
0x5d: {  	_ =	shalt  }
0x5e: {  	_ =	shalt  }
0x5f: {  	_ =	shalt  }
0x60: {  	_ =	shalt  }
0x61: {  	_ =	shalt  }
0x62: {  	_ =	shalt  }
0x63: {  	_ =	shalt  }
0x64: {  	_ =	shalt  }
0x65: {  	_ =	shalt  }
0x66: {  	_ =	shalt  }
0x67: {  	_ =	shalt  }
0x68: {  	_ =	shalt  }
0x69: {  	_ =	shalt  }
0x6a: {  	_ =	shalt  }
0x6b: {  	_ =	shalt  }
0x6c: {  	_ =	shalt  }
0x6d: {  	_ =	shalt  }
0x6e: {  	_ =	shalt  }
0x6f: {  	_ =	shalt  }
0x70: {  	_ =	shalt  }
0x71: {  	_ =	shalt  }
0x72: {  	_ =	shalt  }
0x73: {  	_ =	shalt  }
0x74: {  	_ =	shalt  }
0x75: {  	_ =	shalt  }
0x76: {  	_ =	shalt  }
0x77: {  	_ =	shalt  }
0x78: {  	_ =	shalt  }
0x79: {  	_ =	shalt  }
0x7a: {  	_ =	shalt  }
0x7b: {  	_ =	shalt  }
0x7c: {  	_ =	shalt  }
0x7d: {  	_ =	shalt  }
0x7e: {  	_ =	shalt  }
0x7f: {  	_ =	shalt  }
0x80: {  	_ =	shalt  }
0x81: {  	_ =	shalt  }
0x82: {  	_ =	shalt  }
0x83: {  	_ =	shalt  }
0x84: {  	_ =	shalt  }
0x85: {  	_ =	shalt  }
0x86: {  	_ =	shalt  }
0x87: {  	_ =	shalt  }
.Lfunc_end0:
.L_simem_size_0:
called_computation.2_lowered:
.L_overlay_start_0:
0x88: {  	s2 =	sld [smem:$0x3FD9]  }
0x89: {  	s3 =	sld [smem:$0x3FFE];
	_ =	sdelay $0x1  }
0x8a: {  	s1 =	srdreg.scid  }
0x8b: {  	s0 =	sand.u32 $0x1, s1  }
0x8c: {  	s14 =	sshll.u32 s0, $0xA;
	s2 =	sadd.s32 s3, s2  }
0x8d: {  	s2 =	sadd.s32 s2, s14  }
0x8e: {  	[smem:$0x3FBA] =	sst s2  }
0x8f: {  	_ = 	snop  }
0x90: {  	s2 =	sld [smem:$0x3FD0];
	_ =	sdelay $0x2  }
0x91: {  	s15 =	simm.s32 $0xA;
	s4 =	simm.s32 $0x10  }
0x92: {  	[smem:s4], [sflag:s15] =	dma.local [hbm:s2], $0x1  }
0x93: {  	_ =	swait.eq [sflag:s15], $0x1  }
0x94: {  	[sflag:s15] =	ssyncset.done $0x0  }
0x95: {  	s16 =	sld [smem:$0x10];
	[sflag:s15] =	ssyncadd.s32 $0xFFFFFFFF  }
0x96: {  	s17 =	sld [smem:$0x11];
	(tm) =	ssettm $0x1  }
0x97: {  	s18 =	sld [smem:$0x3FFB];
	_ =	sdelay $0x3  }
0x98: {  	_ =	strace s18  }
0x99: {  	s4 =	sld [smem:$0x3FFC];
	_ =	sdelay $0x3  }
0x9a: {  	_ =	strace s4  }
0x9b: {  	s4 =	sld [smem:$0x3FFD];
	_ =	sdelay $0x3  }
0x9c: {  	_ =	strace s4  }
0x9d: {  	_ =	strace $0x8FFFFFFF  }
0x9e: {  	s19 =	sld [smem:$0x3FDB];
	_ =	sdelay $0x1  }
0x9f: {  	s5 =	simm.s32 $_scs_section_size  }
0xa0: {  	s6 =	simm.s32 $_size__tile_overlayer_lowered;
	s7 =	simm.s32 $_tile_overlayer_lowered  }
0xa1: {  	s22 =	simm.s32 $0x1BFF;
	s21 =	sshll.u32 s7, $0x1;
	s4 =	sadd.s32 s5, s19  }
0xa2: {  	s8 =	simm.s32 $0x0;
	s20 =	sshll.u32 s6, $0x1;
	s6 =	sadd.s32 s21, s4  }
0xa3: {  	[timem:s8], [sflag:s22] =	dma.local [hbm:s6], s20  }
0xa4: {  	_ =	swait.ge [sflag:s22], s20  }
0xa5: {  	s5 =	ssub.s32 $0x0, s20;
	[sflag:s22] =	ssyncset.done $0x0  }
0xa6: {  	[sflag:s22] =	ssyncadd.s32 s5;
	_ =	sdelay $0x1  }
0xa7: {  	s23 =	simm.s32 $0x1B8B  }
0xa8: {  	_ =	swait.ge [sflag:s23], $0x1  }
0xa9: {  	[sflag:s23] =	ssyncset.done $0x0  }
0xaa: {  	s25 =	simm.s32 $0x1B8E;
	s24 =	sld [smem:$0x3FFE];
	[sflag:s23] =	ssyncadd.s32 $0xFFFFFFFF  }
0xab: {  	s26 =	simm.s32 $execute0_lowered;
	[smem:$0x3FD2] =	sst s25  }
0xac: {  	s6 =	sshll.u32 s26, $0x1;
	_ =	strace $0x8000004C;
	[dreg:$0x1] =	wrdreg $0xFFFFFFFF  }
0xad: {  	s28 =	simm.s32 $_size_execute0_lowered;
	s4 =	sadd.s32 s4, s6;
	[dreg:$0x0] =	wrdreg $0x0  }
0xae: {  	s6 =	sshll.u32 s28, $0x1;
	[dreg:$0x2] =	wrdreg s4  }
0xaf: {  	[dreg:$0x3] =	wrdreg s6  }
0xb0: {  	[dreg:$0x4] =	wrdreg $0xC0  }
0xb1: {  	_ =	task [dreg:s8], $0x5FFFF  }
0xb2: {  	[dreg:$0x1] =	wrdreg $0xFFFFFFFF  }
0xb3: {  	[dreg:$0x0] =	wrdreg $0x60  }
0xb4: {  	[dreg:$0x2] =	wrdreg s24  }
0xb5: {  	[dreg:$0x3] =	wrdreg s16  }
0xb6: {  	[dreg:$0x4] =	wrdreg s17  }
0xb7: {  	[dreg:$0x5] =	wrdreg $0x9  }
0xb8: {  	_ =	task.clear_ibuf [dreg:s8], $0x6FFFF;
	_ =	strace $0x9000004C  }
0xb9: {  	s29 =	simm.s32 $0x9;
	_ =	strace $0x8000004E  }
0xba: {  	_ =	swait.ge [sflag:s29], $0x1  }
0xbb: {  	[sflag:s29] =	ssyncadd.s32 $0xFFFFFFFF  }
0xbc: {  	_ =	strace $0x9000004E  }
0xbd: {  	_ =	sfence  }
0xbe: {  	s30 =	sld [smem:$0x0];
	_ =	sdelay $0x2  }
0xbf: {  	s31 =	sshll.u32 s1, $0xD;
	s1 =	sshrl.u32 s1, $0x2  }
0xc0: {  	s3 =	sand.u32 $0x4000, s31;
	s1 =	sadd.s32 s1, s30  }
0xc1: {  	s0 =	sor.u32 s3, s0;
	s1 =	sshll.u32 s1, $0x11  }
0xc2: {  	s0 =	sor.u32 s1, s0  }
0xc3: {  	s0 =	sadd.s32 $0x8F2B, s0  }
0xc4: {  	[sflag:s0] =	ssyncadd.remote.s32 $0x1  }
0xc5: {  	_ =	sfence.sel $0xFFFF  }
0xc6: {  	[dreg:$0x0] =	wrdreg $0xFFFFFFFF;
	(pc) =	sbr.abs _section_cstart, $3  }
0xc7: {  	[dreg:$0x1] =	wrdreg $0xFFFFFFFF  }
0xc8: {  	_ =	task.clear_ibuf [dreg:s8], $0x2FFFF;
	_ =	strace $0x9FFFFFFF  }
0xc9: {  	(tm) =	ssettm $0x7FFFFFFF  }
tec
execute0_lowered:
.L_overlay_start_1:
0x0: {  	(tag) =	ssettag $0x1  }
0x1: {  	s0 =	rddreg [dreg:$0x0]  }
0x2: {  	s1 =	rddreg [dreg:$0x2]  }
0x3: {  	s2 =	srdreg.scid;
	s3 =	simm.s32 $0x0;
	s6 =	stileid.u32  }
0x4: {  	s16 =	simm.s32 $0x1;
	s17 =	simm.s32 $0x5000;
	s18 =	simm.s32 $0x7800  }
0x5: {  	s19 =	simm.s32 $0xA000;
	s20 =	simm.s32 $0xC800;
	s21 =	simm.s32 $0xF000  }
0x6: {  	s22 =	simm.s32 $0x11800;
	s24 =	simm.s32 $0x14880;
	s25 =	simm.s32 $0x14000  }
0x7: {  	s26 =	simm.s32 $0x0;
	s28 =	simm.s32 $0x0;
	s2 =	sand.u32 $0x1, s2  }
0x8: {  	[smem:$0x7FF] =	sst s3;
	s4 =	sadd.s32 $0xD7800, s0;
	s7 =	sadd.s32 $0xD7200, s0  }
0x9: {  	s8 =	sadd.s32 $0xD6C00, s0;
	s9 =	sadd.s32 $0xD6800, s0;
	s5 =	sshll.u32 s2, $0x4  }
0xa: {  	v2 =	vlaneseq.u32;
	s10 =	sadd.s32 $0xD6A00, s0;
	s11 =	sadd.s32 $0xD8A00, s0;
	s14 =	sor.u32 s6, s5  }
0xb: {  	v0 =	vand.u32 $0x7, v2;
	_ =	strace $0x8000004D;
	s2 =	ssub.s32 $0x2, s2;
	s13 =	smul.u32 $0x500, s14  }
0xc: {  	v0 =	vmul.u32 $0x10, v0;
	s5 =	sadd.s32 $0xD7E00, s0;
	s6 =	sadd.s32 $0xD8400, s0;
	s15 =	sshrl.u32 s2, $0x1  }
0xd: {  	v1 =	vimm.f32 $0.0e+00;
	v2 =	vshrl.u32 v2, $0x3;
	s31 =	ssub.s32 s2, s15;
	s14 =	smul.u32 $0x50, s14;
	s12 =	sadd.s32 s13, s0  }
0xe: {  	v2 =	vmul.u32 $0x80, v2;
	v3 =	vor.u32 $0x1, v0;
	v4 =	vor.u32 $0x2, v0;
	s15 =	smax.u32 s31, $0x1;
	s13 =	sadd.s32 s1, s13;
	s12 =	sadd.s32 $0x4800, s12  }
.LBB2_1:
0xf: {  	s0 =	simm.s32 $0x0;
	s1 =	simm.s32 $0x200  }
.LBB2_2:
0x10: {  	p0 =	sne.s32 s1, $0x1E00;
	[tilespmem:s0+$0x14070] =	vst v1  }
0x11: {  	[tilespmem:s0+$0x14000] =	vst v1  }
0x12: {  	[tilespmem:s0+$0x14010] =	vst v1  }
.Ltmp0:
0x13: {  	[tilespmem:s0+$0x14020] =	vst v1;
	(pc) =	sbr.rel @p0 .LBB2_2-.Ltmp0, $4  }
0x14: {  	[tilespmem:s0+$0x14030] =	vst v1  }
0x15: {  	[tilespmem:s0+$0x14040] =	vst v1  }
0x16: {  	[tilespmem:s0+$0x14050] =	vst v1  }
0x17: {  	[tilespmem:s0+$0x14060] =	vst v1;
	s0 =	sshra.s32 s1, $0x2;
	s1 =	sadd.s32 $0x200, s1  }
0x18: {  	[tilespmem:s0+$0x14070] =	vst v1  }
0x19: {  	[tilespmem:s0+$0x14000] =	vst v1  }
0x1a: {  	[tilespmem:s0+$0x14010] =	vst v1  }
0x1b: {  	[tilespmem:s0+$0x14020] =	vst v1  }
0x1c: {  	[tilespmem:s0+$0x14030] =	vst v1  }
0x1d: {  	[tilespmem:s0+$0x14040] =	vst v1  }
0x1e: {  	[tilespmem:s0+$0x14050] =	vst v1  }
0x1f: {  	[tilespmem:s0+$0x14060] =	vst v1  }
0x20: {  	[tilespmem:s28], [sflag:$0x1] =	stream.linear.gather [hbm4b:s12+s28], $0x2800, $0x38;
	[tilespmem:$0x14900] =	vst v63  }
0x21: {  	_ =	swait.ge [sflag:s16], $0x2800  }
0x22: {  	[sflag:s16] =	ssyncset.done $0x0  }
0x23: {  	s2 =	simm.s32 $0x2800;
	[sflag:s16] =	ssyncadd.s32 $0xFFFFD800  }
0x24: {  	[tilespmem:s2], [sflag:$0x1] =	stream.linear.gather [hbm4b:s13+s28], $0x2800, $0x38;
	[tilespmem:$0x14900] =	vst v63  }
0x25: {  	_ =	swait.ge [sflag:s16], $0x2800  }
0x26: {  	[sflag:s16] =	ssyncset.done $0x0  }
0x27: {  	[sflag:s16] =	ssyncadd.s32 $0xFFFFD800  }
0x28: {  	[tilespmem:s17], [sflag:$0x1] =	stream.linear.gather [hbm4b:s4+s28], $0x2800, $0x38;
	[tilespmem:$0x14900] =	vst v63  }
0x29: {  	_ =	swait.ge [sflag:s16], $0x2800  }
0x2a: {  	[sflag:s16] =	ssyncset.done $0x0  }
0x2b: {  	[sflag:s16] =	ssyncadd.s32 $0xFFFFD800  }
0x2c: {  	[tilespmem:s18], [sflag:$0x1] =	stream.linear.gather [hbm4b:s5+s28], $0x2800, $0x38;
	[tilespmem:$0x14900] =	vst v63  }
0x2d: {  	_ =	swait.ge [sflag:s16], $0x2800  }
0x2e: {  	[sflag:s16] =	ssyncset.done $0x0  }
0x2f: {  	[sflag:s16] =	ssyncadd.s32 $0xFFFFD800  }
0x30: {  	[tilespmem:s19], [sflag:$0x1] =	stream.linear.gather [hbm4b:s6+s28], $0x2800, $0x38;
	[tilespmem:$0x14900] =	vst v63  }
0x31: {  	_ =	swait.ge [sflag:s16], $0x2800  }
0x32: {  	[sflag:s16] =	ssyncset.done $0x0  }
0x33: {  	[sflag:s16] =	ssyncadd.s32 $0xFFFFD800  }
0x34: {  	[tilespmem:s20], [sflag:$0x1] =	stream.linear.gather [hbm4b:s7+s28], $0x2800, $0x38;
	[tilespmem:$0x14900] =	vst v63  }
0x35: {  	_ =	swait.ge [sflag:s16], $0x2800  }
0x36: {  	[sflag:s16] =	ssyncset.done $0x0  }
0x37: {  	[sflag:s16] =	ssyncadd.s32 $0xFFFFD800  }
0x38: {  	[tilespmem:s21], [sflag:$0x1] =	stream.linear.gather [hbm4b:s8+s28], $0x2800, $0x38;
	[tilespmem:$0x14900] =	vst v63  }
0x39: {  	_ =	swait.ge [sflag:s16], $0x2800  }
0x3a: {  	[sflag:s16] =	ssyncset.done $0x0  }
0x3b: {  	[sflag:s16] =	ssyncadd.s32 $0xFFFFD800  }
0x3c: {  	s29 =	rddreg [dreg:$0x1]  }
0x3d: {  	[tilespmem:s22], [sflag:$0x1] =	stream.linear.gather [hbm4b:s29+s28], $0x2800, $0x38;
	[tilespmem:$0x14900] =	vst v63  }
0x3e: {  	_ =	swait.ge [sflag:s16], $0x2800  }
0x3f: {  	[sflag:s16] =	ssyncset.done $0x0  }
0x40: {  	s30 =	simm.s32 $0x14800;
	[sflag:s16] =	ssyncadd.s32 $0xFFFFD800  }
0x41: {  	[tilespmem:s30], [sflag:$0x1] =	stream.linear.gather [hbm4b:s9+s28], $0x80, $0x38;
	[tilespmem:$0x14900] =	vst v63  }
0x42: {  	_ =	swait.ge [sflag:s16], $0x80  }
0x43: {  	[sflag:s16] =	ssyncset.done $0x0  }
0x44: {  	[sflag:s16] =	ssyncadd.s32 $0xFFFFFF80  }
0x45: {  	[tilespmem:s24], [sflag:$0x1] =	stream.linear.gather [hbm4b:s10+s28], $0x80, $0x38;
	[tilespmem:$0x14900] =	vst v63  }
0x46: {  	_ =	swait.ge [sflag:s16], $0x80  }
0x47: {  	[sflag:s16] =	ssyncset.done $0x0  }
0x48: {  	[sflag:s16] =	ssyncadd.s32 $0xFFFFFF80  }
0x49: {  	v5 =	vld [tilespmem:$0x14800]  }
0x4a: {  	v6 =	vld [tilespmem:$0x14880];
	_ =	sdelay $0x4  }
0x4b: {  	s1 =	simm.s32 $0x0;
	s31 =	simm.s32 $0x0;
	v5 =	vadd.f32 v6, v5  }
.LBB2_4:
0x4c: {  	v6 =	vld [tilespmem:s1+$0x0]  }
0x4d: {  	v7 =	vld [tilespmem:s2+$0x0];
	_ =	sdelay $0x6  }
0x4e: {  	v8 =	vld.idx.msk [tilespmem:v6+s17+$0x0], $0xffff  }
0x4f: {  	v9 =	vld.idx.msk [tilespmem:v7+s20+$0x0], $0xffff;
	_ =	sdelay $0x4  }
0x50: {  	v8 =	vadd.f32 v9, v8;
	_ =	sdelay $0x1  }
0x51: {  	v9 =	vmul.f32 $2.000000030e-01, v8  }
0x52: {  	vm0 =	vgt.f32 v8, $0.0e+00  }
0x53: {  	v8 =	vsel vm0, v8, v9  }
0x54: {  	v8 =	vsub.f32 v8, v5;
	_ =	sdelay $0x1  }
0x55: {  	v8 =	vmul.f32 $1.442695020e+00, v8;
	_ =	sdelay $0x1  }
0x56: {  	(erf) = vpow2.f32 v8;
	_ =	sdelay $0x1  }
0x57: {  	v8 =	vmov s28  }
0x58: {  	v8 =	vshll.u32 v8, $0x7  }
0x59: {  	v8 =	vor.u32 v2, v8  }
0x5a: {  	v61 =	vor.u32 v0, v8;
	_ =	sdelay $0x3  }
0x5b: {  	v10 =	vpop (erf)  }
0x5c: {  	[tilespmem:v61+s25+$0x0] =	vst.idx.msk $0xffff, v10  }
0x5d: {  	v9 =	vld.idx.msk [tilespmem:v6+s18+$0x0], $0xffff  }
0x5e: {  	v10 =	vld.idx.msk [tilespmem:v7+s21+$0x0], $0xffff;
	_ =	sdelay $0x4  }
0x5f: {  	v9 =	vadd.f32 v10, v9;
	_ =	sdelay $0x1  }
0x60: {  	v10 =	vmul.f32 $2.000000030e-01, v9  }
0x61: {  	vm14 =	vgt.f32 v9, $0.0e+00  }
0x62: {  	v9 =	vsel vm14, v9, v10  }
0x63: {  	v9 =	vsub.f32 v9, v5;
	_ =	sdelay $0x1  }
0x64: {  	v9 =	vmul.f32 $1.442695020e+00, v9;
	_ =	sdelay $0x1  }
0x65: {  	(erf) = vpow2.f32 v9;
	_ =	sdelay $0x4  }
0x66: {  	v62 =	vor.u32 v3, v8;
	_ =	sdelay $0x3  }
0x67: {  	v63 =	vpop (erf)  }
0x68: {  	[tilespmem:v62+s25+$0x0] =	vst.idx.msk $0xffff, v63  }
0x69: {  	v6 =	vld.idx.msk [tilespmem:v6+s19+$0x0], $0xffff  }
0x6a: {  	v7 =	vld.idx.msk [tilespmem:v7+s22+$0x0], $0xffff;
	_ =	sdelay $0x4  }
0x6b: {  	v6 =	vadd.f32 v7, v6;
	_ =	sdelay $0x1  }
0x6c: {  	v7 =	vmul.f32 $2.000000030e-01, v6  }
0x6d: {  	vm15 =	vgt.f32 v6, $0.0e+00  }
0x6e: {  	v6 =	vsel vm15, v6, v7  }
0x6f: {  	v6 =	vsub.f32 v6, v5;
	_ =	sdelay $0x1  }
0x70: {  	v6 =	vmul.f32 $1.442695020e+00, v6;
	_ =	sdelay $0x1  }
0x71: {  	(erf) = vpow2.f32 v6;
	_ =	sdelay $0x2  }
0x72: {  	s0 =	simm.s32 $0x2;
	s29 =	smov.u32 s2;
	s30 =	smov.u32 s1;
	v6 =	vor.u32 v4, v8  }
.LBB2_5:
0x73: {  	_ =	sdelay $0x3  }
0x74: {  	p0 =	sne.s32 s0, $0xE;
	s29 =	sadd.s32 $0x10, s29;
	s30 =	sadd.s32 $0x10, s30  }
0x75: {  	s23 =	smov.u32 s0;
	s0 =	sadd.s32 $0x2, s0;
	v7 =	vpop (erf)  }
0x76: {  	[tilespmem:v6+s25+$0x0] =	vst.idx.msk $0xffff, v7  }
0x77: {  	v6 =	vld [tilespmem:s30+$0x0]  }
0x78: {  	v7 =	vld [tilespmem:s29+$0x0];
	_ =	sdelay $0x6  }
0x79: {  	v8 =	vld.idx.msk [tilespmem:v6+s17+$0x0], $0xffff  }
0x7a: {  	v9 =	vld.idx.msk [tilespmem:v7+s20+$0x0], $0xffff;
	_ =	sdelay $0x5  }
0x7b: {  	v8 =	vadd.f32 v9, v8;
	_ =	sdelay $0x1  }
0x7c: {  	v9 =	vmul.f32 $2.000000030e-01, v8  }
0x7d: {  	vm0 =	vgt.f32 v8, $0.0e+00  }
0x7e: {  	v8 =	vsel vm0, v8, v9  }
0x7f: {  	v8 =	vsub.f32 v8, v5;
	_ =	sdelay $0x1  }
0x80: {  	v8 =	vmul.f32 $1.442695020e+00, v8;
	_ =	sdelay $0x1  }
0x81: {  	(erf) = vpow2.f32 v8;
	_ =	sdelay $0x1  }
0x82: {  	v8 =	vmov s23  }
0x83: {  	v8 =	vshll.u32 v8, $0x7  }
0x84: {  	v8 =	vor.u32 v2, v8  }
0x85: {  	v9 =	vor.u32 v0, v8;
	_ =	sdelay $0x3  }
0x86: {  	v10 =	vpop (erf)  }
0x87: {  	[tilespmem:v9+s25+$0x0] =	vst.idx.msk $0xffff, v10  }
0x88: {  	v9 =	vld.idx.msk [tilespmem:v6+s18+$0x0], $0xffff  }
0x89: {  	v10 =	vld.idx.msk [tilespmem:v7+s21+$0x0], $0xffff;
	_ =	sdelay $0x5  }
0x8a: {  	v9 =	vadd.f32 v10, v9;
	_ =	sdelay $0x1  }
0x8b: {  	vm0 =	vgt.f32 v9, $0.0e+00;
	v10 =	vmul.f32 $2.000000030e-01, v9;
	_ =	sdelay $0x1  }
0x8c: {  	v9 =	vsel vm0, v9, v10  }
0x8d: {  	v9 =	vsub.f32 v9, v5;
	_ =	sdelay $0x1  }
0x8e: {  	v9 =	vmul.f32 $1.442695020e+00, v9;
	_ =	sdelay $0x1  }
0x8f: {  	(erf) = vpow2.f32 v9;
	_ =	sdelay $0x3  }
0x90: {  	v9 =	vor.u32 v3, v8;
	_ =	sdelay $0x4  }
0x91: {  	v10 =	vpop (erf)  }
0x92: {  	[tilespmem:v9+s25+$0x0] =	vst.idx.msk $0xffff, v10  }
0x93: {  	v6 =	vld.idx.msk [tilespmem:v6+s19+$0x0], $0xffff  }
0x94: {  	v7 =	vld.idx.msk [tilespmem:v7+s22+$0x0], $0xffff;
	_ =	sdelay $0x5  }
0x95: {  	v6 =	vadd.f32 v7, v6;
	_ =	sdelay $0x1  }
0x96: {  	vm0 =	vgt.f32 v6, $0.0e+00;
	v7 =	vmul.f32 $2.000000030e-01, v6;
	_ =	sdelay $0x1  }
0x97: {  	v6 =	vsel vm0, v6, v7  }
0x98: {  	v6 =	vsub.f32 v6, v5;
	_ =	sdelay $0x1  }
0x99: {  	v6 =	vmul.f32 $1.442695020e+00, v6  }
.Ltmp1:
0x9a: {  	(pc) =	sbr.rel @p0 .LBB2_5-.Ltmp1, $2  }
0x9b: {  	(erf) = vpow2.f32 v6;
	_ =	sdelay $0x2  }
0x9c: {  	v6 =	vor.u32 v4, v8  }
0x9d: {  	_ =	sdelay $0x3  }
0x9e: {  	s0 =	sadd.s32 s14, s31;
	s31 =	sadd.s32 $0x1, s31  }
0x9f: {  	s0 =	sshll.u32 s0, $0x8;
	p0 =	sne.s32 s31, $0x50;
	v7 =	vpop (erf)  }
.Ltmp2:
0xa0: {  	s0 =	sadd.s32 s11, s0;
	[tilespmem:v6+s25+$0x0] =	vst.idx.msk $0xffff, v7;
	(pc) =	sbr.rel @p0 .LBB2_4-.Ltmp2, $4  }
0xa1: {  	[hbm4b:s0+s3] =	stream.linear.scatter [tilespmem:s25], [sflag:$0x1], $0x800, $0x38;
	[tilespmem:$0x14900] =	vst v63  }
0xa2: {  	_ =	swait.ge [sflag:s16], $0x800  }
0xa3: {  	[sflag:s16] =	ssyncset.done $0x0  }
0xa4: {  	s2 =	sadd.s32 $0x80, s2;
	s1 =	sadd.s32 $0x80, s1;
	[sflag:s16] =	ssyncadd.s32 $0xFFFFF800  }
0xa5: {  	s26 =	sadd.s32 $0x1, s26  }
0xa6: {  	p0 =	sne.s32 s26, s15  }
.Ltmp3:
0xa7: {  	_ = 	snop;
	(pc) =	sbr.rel @p0 .LBB2_1-.Ltmp3, $1  }
0xa8: {  	_ =	sdelay $0x3  }
0xa9: {  	_ =	sfence.sel $0x180000  }
0xaa: {  	[bflag:$0x0] =	sbarrier.arrive $0xFFFF  }
0xab: {  	_ =	strace $0x9000004D  }
0xac: {  	s0 =	stileid.u32;
	[bflag:$0x2] =	sbarrier.arrive $0xFFFF  }
0xad: {  	p0 =	sne.s32 s0, $0x0;
	s0 =	rddreg [dreg:$0x3]  }
0xae: {  	s0 =	sadd.s32 @!p0 $0x100000, s0  }
0xaf: {  	[sflag:s0] =	ssyncadd.tile.s32 @!p0 $0x1;
	_ =	shalt  }
.Lfunc_end2:
_tile_overlayer_lowered:
.L_overlay_start_2:
0xb0: {  	(tag) =	ssettag $0x2  }
0xb1: {  	s0 =	rddreg [dreg:$0x0];
	s2 =	stileid.u32  }
0xb2: {  	s1 =	rddreg [dreg:$0x1];
	p0 =	sne.s32 s2, $0x0  }
0xb3: {  	s3 =	rddreg [dreg:$0x2];
	[bflag:$0x3] =	sbarrier.arrive $0xFFFF;
	s2 =	simm.s32 @!p0 $0x1C01  }
0xb4: {  	[timem:s3], [sflag:s2] =	dma.local @!p0 [hbm:s0], s1  }
0xb5: {  	s0 =	simm.s32 @!p0 $0x1  }
0xb6: {  	_ =	swait.ge @!p0 [sflag:s0], s1  }
0xb7: {  	s1 =	ssub.s32 @!p0 $0x0, s1;
	[sflag:s0] =	ssyncset.done @!p0 $0x0  }
0xb8: {  	[sflag:s0] =	ssyncadd.s32 @!p0 s1  }
0xb9: {  	[bflag:$0x3] =	sbarrier.arrive $0xFFFF  }
0xba: {  	_ =	shalt  }

// kernel: kernel.22.cloned.1.call-start
scs
__scs_entry_jumppad:
0x0: {  	(pc) =	sbr.rel $0x88, $3  }
0x1: {  	(tag) =	ssettag $0x0;
	lr =	simm.s32 $0x1  }
0x2: {  	[smem:$0x3F93] =	sst lr;
	_ =	strace $0xD0000000  }
0x3: {  	_ = 	snop  }
0x4: {  	_ = 	snop  }
0x5: {  	_ = 	snop  }
0x6: {  	_ = 	snop  }
0x7: {  	_ = 	snop  }
__scs_overlays_trampoline_lowered:
0x8: {  	[smem:$0x3FA2] =	sst s0  }
0x9: {  	[smem:$0x3FA3] =	sst s1  }
0xa: {  	[smem:$0x3FA4] =	sst s2  }
0xb: {  	[smem:$0x3FA5] =	sst s3  }
0xc: {  	[smem:$0x3FA6] =	sst s4  }
0xd: {  	[smem:$0x3FA7] =	sst s5  }
0xe: {  	[smem:$0x3FA8] =	sst s6  }
0xf: {  	[smem:$0x3FA9] =	sst s7  }
0x10: {  	[smem:$0x3FAA] =	sst s8  }
0x11: {  	[smem:$0x3FAB] =	sst s9;
	s0 =	simm.s32 @!p0 $0x0  }
0x12: {  	s1 =	sld [smem:$0x3F91];
	s0 =	simm.s32 @p0 $0x1  }
0x13: {  	[smem:$0x3FAC] =	sst s0;
	s0 =	simm.s32 @!p1 $0x0  }
0x14: {  	s2 =	sld [smem:$0x3F90];
	s0 =	simm.s32 @p1 $0x1  }
0x15: {  	[smem:$0x3FAD] =	sst s0;
	s0 =	simm.s32 @!p2 $0x0  }
0x16: {  	s3 =	sld [smem:$0x3FDB];
	s0 =	simm.s32 @p2 $0x1  }
0x17: {  	s4 =	simm.s32 $0x1BF5;
	[smem:$0x3FAF] =	sst s0  }
0x18: {  	s0 =	sld [smem:$0x3F92];
	_ =	swait.ge [sflag:s4], $0x0  }
0x19: {  	s7 =	sld [smem:$0x3F93]  }
0x1a: {  	s8 =	sadd.s32 $0xFFFFE003, lr  }
0x1b: {  	s9 =	sadd.s32 $0xFFFFFEF7, lr;
	s5 =	simm.s32 $0xFFFFFFFF;
	p2 =	slt.u32 s8, $0xFFFFF086  }
0x1c: {  	p1 =	slt.u32 s9, $0xF7A;
	s5 =	simm.s32 @!p2 $0x0  }
0x1d: {  	s5 =	simm.s32 @p1 $0x1;
	p0 =	seq.s32 s7, s2  }
0x1e: {  	s7 =	smul.u32 @!p0 $0xF7A, s2;
	p2 =	seq.s32 @!p0 s5, $0x0  }
0x1f: {  	s9 =	smul.u32 $0xF7A, s1;
	s8 =	simm.s32 @!p0 $0x1BF5;
	p2 =	por !p2, p0  }
0x20: {  	[sflag:s8] =	ssyncset.s32 @!p0 $0xFFFFF086;
	s6 =	sadd.s32 @!p0 s3, s7;
	s7 =	simm.s32 @!p0 $0x108  }
0x21: {  	s3 =	sadd.s32 s3, s9;
	s6 =	sadd.s32 @!p0 $0x88, s6;
	s7 =	simm.s32 @p2 $0x1082  }
0x22: {  	[simem:s7], [sflag:s8] =	dma.local @!p0 [hbm:s6], $0xF7A  }
0x23: {  	s9 =	sor.u32 $0xD0000000, s2;
	s6 =	simm.s32 $0x108;
	_ =	swait.ge @!p0 [sflag:s8], $0x0  }
0x24: {  	s3 =	sadd.s32 $0x88, s3;
	s6 =	simm.s32 @!p1 $0x1082;
	[sflag:s4] =	ssyncset.s32 $0xFFFFF086  }
0x25: {  	[simem:s6], [sflag:s4] =	dma.local [hbm:s3], $0xF7A  }
0x26: {  	[smem:$0x3F93] =	sst s1;
	(tag) =	ssettag s2;
	_ =	strace s9  }
0x27: {  	s1 =	sld [smem:$0x3FA3]  }
0x28: {  	s2 =	sld [smem:$0x3FA4]  }
0x29: {  	s4 =	sld [smem:$0x3FA6]  }
0x2a: {  	p0 =	seq.s32 s5, $0x0;
	s5 =	sld [smem:$0x3FA7]  }
0x2b: {  	s6 =	sld [smem:$0x3FA8]  }
0x2c: {  	s7 =	sld [smem:$0x3FA9]  }
0x2d: {  	s3 =	simm.s32 $0x108;
	s8 =	sld [smem:$0x3FAA]  }
0x2e: {  	s3 =	simm.s32 @!p0 $0x1082;
	s9 =	sld [smem:$0x3FAB]  }
0x2f: {  	lr =	sadd.s32 s0, s3;
	s0 =	sld [smem:$0x3FA2]  }
0x30: {  	s3 =	sld [smem:$0x3FA5]  }
0x31: {  	[smem:$0x3FAE] =	sst s10  }
0x32: {  	s10 =	sld [smem:$0x3FAC];
	_ =	sdelay $0x3  }
0x33: {  	p0 =	seq.s32 s10, $0x1;
	s10 =	sld [smem:$0x3FAE];
	_ =	sdelay $0x3  }
0x34: {  	[smem:$0x3FAE] =	sst s10  }
0x35: {  	s10 =	sld [smem:$0x3FAD];
	_ =	sdelay $0x3  }
0x36: {  	p1 =	seq.s32 s10, $0x1;
	s10 =	sld [smem:$0x3FAE];
	_ =	sdelay $0x3  }
0x37: {  	[smem:$0x3FAE] =	sst s10  }
0x38: {  	s10 =	sld [smem:$0x3FAF]  }
0x39: {  	_ = 	snop;
	(pc) =	sbr.ind lr, $3  }
0x3a: {  	_ = 	snop  }
0x3b: {  	_ = 	snop  }
0x3c: {  	p2 =	seq.s32 s10, $0x1;
	s10 =	sld [smem:$0x3FAE]  }
0x3d: {  	_ =	shalt  }
0x3e: {  	_ =	shalt  }
0x3f: {  	_ =	shalt  }
0x40: {  	_ =	shalt  }
0x41: {  	_ =	shalt  }
0x42: {  	_ =	shalt  }
0x43: {  	_ =	shalt  }
0x44: {  	_ =	shalt  }
0x45: {  	_ =	shalt  }
0x46: {  	_ =	shalt  }
0x47: {  	_ =	shalt  }
0x48: {  	_ =	shalt  }
0x49: {  	_ =	shalt  }
0x4a: {  	_ =	shalt  }
0x4b: {  	_ =	shalt  }
0x4c: {  	_ =	shalt  }
0x4d: {  	_ =	shalt  }
0x4e: {  	_ =	shalt  }
0x4f: {  	_ =	shalt  }
0x50: {  	_ =	shalt  }
0x51: {  	_ =	shalt  }
0x52: {  	_ =	shalt  }
0x53: {  	_ =	shalt  }
0x54: {  	_ =	shalt  }
0x55: {  	_ =	shalt  }
0x56: {  	_ =	shalt  }
0x57: {  	_ =	shalt  }
0x58: {  	_ =	shalt  }
0x59: {  	_ =	shalt  }
0x5a: {  	_ =	shalt  }
0x5b: {  	_ =	shalt  }
0x5c: {  	_ =	shalt  }
0x5d: {  	_ =	shalt  }
0x5e: {  	_ =	shalt  }
0x5f: {  	_ =	shalt  }
0x60: {  	_ =	shalt  }
0x61: {  	_ =	shalt  }
0x62: {  	_ =	shalt  }
0x63: {  	_ =	shalt  }
0x64: {  	_ =	shalt  }
0x65: {  	_ =	shalt  }
0x66: {  	_ =	shalt  }
0x67: {  	_ =	shalt  }
0x68: {  	_ =	shalt  }
0x69: {  	_ =	shalt  }
0x6a: {  	_ =	shalt  }
0x6b: {  	_ =	shalt  }
0x6c: {  	_ =	shalt  }
0x6d: {  	_ =	shalt  }
0x6e: {  	_ =	shalt  }
0x6f: {  	_ =	shalt  }
0x70: {  	_ =	shalt  }
0x71: {  	_ =	shalt  }
0x72: {  	_ =	shalt  }
0x73: {  	_ =	shalt  }
0x74: {  	_ =	shalt  }
0x75: {  	_ =	shalt  }
0x76: {  	_ =	shalt  }
0x77: {  	_ =	shalt  }
0x78: {  	_ =	shalt  }
0x79: {  	_ =	shalt  }
0x7a: {  	_ =	shalt  }
0x7b: {  	_ =	shalt  }
0x7c: {  	_ =	shalt  }
0x7d: {  	_ =	shalt  }
0x7e: {  	_ =	shalt  }
0x7f: {  	_ =	shalt  }
0x80: {  	_ =	shalt  }
0x81: {  	_ =	shalt  }
0x82: {  	_ =	shalt  }
0x83: {  	_ =	shalt  }
0x84: {  	_ =	shalt  }
0x85: {  	_ =	shalt  }
0x86: {  	_ =	shalt  }
0x87: {  	_ =	shalt  }
.Lfunc_end0:
.L_simem_size_0:
called_computation.3_lowered:
.L_overlay_start_0:
0x88: {  	s2 =	sld [smem:$0x3FD9]  }
0x89: {  	s3 =	sld [smem:$0x3FFE];
	_ =	sdelay $0x1  }
0x8a: {  	s1 =	srdreg.scid  }
0x8b: {  	s0 =	sand.u32 $0x1, s1  }
0x8c: {  	s14 =	sshll.u32 s0, $0xA;
	s2 =	sadd.s32 s3, s2  }
0x8d: {  	s2 =	sadd.s32 s2, s14  }
0x8e: {  	[smem:$0x3FBA] =	sst s2  }
0x8f: {  	_ = 	snop  }
0x90: {  	s2 =	sld [smem:$0x3FD0];
	_ =	sdelay $0x2  }
0x91: {  	s15 =	simm.s32 $0xA;
	s4 =	simm.s32 $0x10  }
0x92: {  	[smem:s4], [sflag:s15] =	dma.local [hbm:s2], $0x1  }
0x93: {  	_ =	swait.eq [sflag:s15], $0x1  }
0x94: {  	[sflag:s15] =	ssyncset.done $0x0  }
0x95: {  	[sflag:s15] =	ssyncadd.s32 $0xFFFFFFFF  }
0x96: {  	s16 =	sld [smem:$0x11];
	(tm) =	ssettm $0x1  }
0x97: {  	s17 =	sld [smem:$0x3FFB];
	_ =	sdelay $0x3  }
0x98: {  	_ =	strace s17  }
0x99: {  	s3 =	sld [smem:$0x3FFC];
	_ =	sdelay $0x3  }
0x9a: {  	_ =	strace s3  }
0x9b: {  	s3 =	sld [smem:$0x3FFD];
	_ =	sdelay $0x3  }
0x9c: {  	_ =	strace s3  }
0x9d: {  	_ =	strace $0x8FFFFFFF  }
0x9e: {  	s18 =	sld [smem:$0x3FDB];
	_ =	sdelay $0x1  }
0x9f: {  	s19 =	simm.s32 $_scs_section_size  }
0xa0: {  	s5 =	simm.s32 $_size__tile_overlayer_lowered;
	s6 =	simm.s32 $_tile_overlayer_lowered  }
0xa1: {  	s22 =	simm.s32 $0x1BFF;
	s21 =	sshll.u32 s6, $0x1;
	s3 =	sadd.s32 s19, s18  }
0xa2: {  	s7 =	simm.s32 $0x0;
	s20 =	sshll.u32 s5, $0x1;
	s5 =	sadd.s32 s21, s3  }
0xa3: {  	[timem:s7], [sflag:s22] =	dma.local [hbm:s5], s20  }
0xa4: {  	_ =	swait.ge [sflag:s22], s20  }
0xa5: {  	s4 =	ssub.s32 $0x0, s20;
	[sflag:s22] =	ssyncset.done $0x0  }
0xa6: {  	[sflag:s22] =	ssyncadd.s32 s4;
	_ =	sdelay $0x1  }
0xa7: {  	s23 =	simm.s32 $0x1B8B  }
0xa8: {  	_ =	swait.ge [sflag:s23], $0x1  }
0xa9: {  	[sflag:s23] =	ssyncset.done $0x0  }
0xaa: {  	s25 =	simm.s32 $0x1B8E;
	s24 =	sld [smem:$0x3FFE];
	[sflag:s23] =	ssyncadd.s32 $0xFFFFFFFF  }
0xab: {  	s26 =	simm.s32 $execute0_lowered;
	[smem:$0x3FD2] =	sst s25  }
0xac: {  	s5 =	sshll.u32 s26, $0x1;
	_ =	strace $0x8000004F;
	[dreg:$0x1] =	wrdreg $0xFFFFFFFF  }
0xad: {  	s28 =	simm.s32 $_size_execute0_lowered;
	s3 =	sadd.s32 s3, s5;
	[dreg:$0x0] =	wrdreg $0x0  }
0xae: {  	s5 =	sshll.u32 s28, $0x1;
	[dreg:$0x2] =	wrdreg s3  }
0xaf: {  	[dreg:$0x3] =	wrdreg s5  }
0xb0: {  	[dreg:$0x4] =	wrdreg $0xC0  }
0xb1: {  	_ =	task [dreg:s7], $0x5FFFF  }
0xb2: {  	[dreg:$0x1] =	wrdreg $0xFFFFFFFF  }
0xb3: {  	[dreg:$0x0] =	wrdreg $0x60  }
0xb4: {  	[dreg:$0x2] =	wrdreg s24  }
0xb5: {  	[dreg:$0x3] =	wrdreg s16  }
0xb6: {  	[dreg:$0x4] =	wrdreg $0x98000  }
0xb7: {  	[dreg:$0x5] =	wrdreg $0x9  }
0xb8: {  	_ =	task.clear_ibuf [dreg:s7], $0x6FFFF;
	_ =	strace $0x9000004F  }
0xb9: {  	s29 =	simm.s32 $0x9;
	_ =	strace $0x80000051  }
0xba: {  	_ =	swait.ge [sflag:s29], $0x1  }
0xbb: {  	[sflag:s29] =	ssyncadd.s32 $0xFFFFFFFF  }
0xbc: {  	_ =	strace $0x90000051  }
0xbd: {  	_ =	sfence  }
0xbe: {  	s30 =	sld [smem:$0x0];
	_ =	sdelay $0x2  }
0xbf: {  	s31 =	sshll.u32 s1, $0xD;
	s1 =	sshrl.u32 s1, $0x2  }
0xc0: {  	s3 =	sand.u32 $0x4000, s31;
	s1 =	sadd.s32 s1, s30  }
0xc1: {  	s0 =	sor.u32 s3, s0;
	s1 =	sshll.u32 s1, $0x11  }
0xc2: {  	s0 =	sor.u32 s1, s0  }
0xc3: {  	s0 =	sadd.s32 $0x8F2B, s0  }
0xc4: {  	[sflag:s0] =	ssyncadd.remote.s32 $0x1  }
0xc5: {  	_ =	sfence.sel $0xFFFF  }
0xc6: {  	[dreg:$0x0] =	wrdreg $0xFFFFFFFF;
	(pc) =	sbr.abs _section_cstart, $3  }
0xc7: {  	[dreg:$0x1] =	wrdreg $0xFFFFFFFF  }
0xc8: {  	_ =	task.clear_ibuf [dreg:s7], $0x2FFFF;
	_ =	strace $0x9FFFFFFF  }
0xc9: {  	(tm) =	ssettm $0x7FFFFFFF  }
tec
execute0_lowered:
.L_overlay_start_1:
0x0: {  	(tag) =	ssettag $0x1  }
0x1: {  	s0 =	rddreg [dreg:$0x0]  }
0x2: {  	s12 =	rddreg [dreg:$0x1]  }
0x3: {  	s1 =	srdreg.scid;
	s2 =	rddreg [dreg:$0x2];
	s3 =	simm.s32 $0x0  }
0x4: {  	s22 =	simm.s32 $0x2800;
	s23 =	simm.s32 $0x80;
	s24 =	simm.s32 $0x5000  }
0x5: {  	s8 =	sand.u32 $0x1, s1;
	s1 =	stileid.u32;
	[smem:$0x7FF] =	sst s3  }
0x6: {  	s5 =	sadd.s32 $0xD8A00, s0;
	s4 =	sshll.u32 s8, $0x4;
	s6 =	smul.u32 $0x50000, s1  }
0x7: {  	_ =	strace $0x80000050;
	s7 =	ssub.s32 $0x2, s8;
	s15 =	smul.u32 $0x14000, s1  }
0x8: {  	s21 =	smul.u32 $0x140000, s8;
	s13 =	sor.u32 s1, s4;
	s9 =	sshrl.u32 s7, $0x1  }
0x9: {  	s4 =	sadd.s32 $0xE800, s0;
	s14 =	smul.u32 $0x500, s13;
	s19 =	ssub.s32 s7, s9  }
0xa: {  	s6 =	sshrl.u32 s6, $0x2;
	s16 =	sadd.s32 $0x4000, s15;
	s17 =	sadd.s32 $0x8000, s15  }
0xb: {  	s18 =	sadd.s32 $0xC000, s15;
	s20 =	sadd.s32 $0x10000, s15;
	s15 =	sadd.s32 s15, s21  }
0xc: {  	s13 =	smul.u32 $0x50, s13;
	s6 =	sadd.s32 s6, s2;
	s7 =	sadd.s32 s16, s2  }
0xd: {  	s8 =	sadd.s32 s17, s2;
	s9 =	sadd.s32 s18, s2;
	s10 =	sadd.s32 s20, s2  }
0xe: {  	s16 =	sadd.s32 s21, s16;
	s26 =	sshrl.u32 s15, $0x3;
	s29 =	sadd.s32 s21, s17  }
0xf: {  	s30 =	sadd.s32 s21, s18;
	s31 =	sadd.s32 s21, s20;
	s19 =	smax.u32 s19, $0x1  }
0x10: {  	s20 =	simm.s32 $0x5800;
	s21 =	simm.s32 $0x1;
	s11 =	sadd.s32 s14, s0  }
0x11: {  	s0 =	sadd.s32 $0x178A00, s0;
	s12 =	sadd.s32 s12, s14;
	s28 =	sshrl.u32 s16, $0x3  }
0x12: {  	s16 =	sshrl.u32 s29, $0x3;
	s17 =	sshrl.u32 s30, $0x3;
	s18 =	sshrl.u32 s31, $0x3  }
0x13: {  	s11 =	sadd.s32 $0x4800, s11;
	s14 =	sadd.s32 s0, s26;
	s15 =	sadd.s32 s0, s28  }
0x14: {  	v0 =	vimm.f32 $0.0e+00;
	s16 =	sadd.s32 s0, s16;
	s17 =	sadd.s32 s0, s17;
	s18 =	sadd.s32 s0, s18  }
.LBB2_1:
0x15: {  	s25 =	simm.s32 $0x0;
	s26 =	simm.s32 $0x200  }
.LBB2_2:
0x16: {  	p0 =	sne.s32 s26, $0xFE00;
	[tilespmem:s25+$0x5870] =	vst v0  }
0x17: {  	[tilespmem:s25+$0x5800] =	vst v0  }
0x18: {  	[tilespmem:s25+$0x5810] =	vst v0  }
.Ltmp0:
0x19: {  	[tilespmem:s25+$0x5820] =	vst v0;
	(pc) =	sbr.rel @p0 .LBB2_2-.Ltmp0, $4  }
0x1a: {  	[tilespmem:s25+$0x5830] =	vst v0  }
0x1b: {  	[tilespmem:s25+$0x5840] =	vst v0  }
0x1c: {  	[tilespmem:s25+$0x5850] =	vst v0  }
0x1d: {  	[tilespmem:s25+$0x5860] =	vst v0;
	s25 =	sshra.s32 s26, $0x2;
	s26 =	sadd.s32 $0x200, s26  }
0x1e: {  	[tilespmem:s25+$0x5870] =	vst v0  }
0x1f: {  	[tilespmem:s25+$0x5800] =	vst v0  }
0x20: {  	[tilespmem:s25+$0x5810] =	vst v0  }
0x21: {  	[tilespmem:s25+$0x5820] =	vst v0  }
0x22: {  	[tilespmem:s25+$0x5830] =	vst v0  }
0x23: {  	[tilespmem:s25+$0x5840] =	vst v0  }
0x24: {  	[tilespmem:s25+$0x5850] =	vst v0  }
0x25: {  	[tilespmem:s25+$0x5860] =	vst v0  }
0x26: {  	[spmem:s6] =	stream.linear.scatter [tilespmem:s20], [sflag:$0x1], $0x4000, $0x38;
	[tilespmem:$0x1D800] =	vst v63  }
0x27: {  	_ =	swait.ge [sflag:s21], $0x4000  }
0x28: {  	[sflag:s21] =	ssyncset.done $0x0  }
0x29: {  	[sflag:s21] =	ssyncadd.s32 $0xFFFFC000  }
0x2a: {  	[spmem:s7] =	stream.linear.scatter [tilespmem:s20], [sflag:$0x1], $0x4000, $0x38;
	[tilespmem:$0x1D800] =	vst v63  }
0x2b: {  	_ =	swait.ge [sflag:s21], $0x4000  }
0x2c: {  	[sflag:s21] =	ssyncset.done $0x0  }
0x2d: {  	[sflag:s21] =	ssyncadd.s32 $0xFFFFC000  }
0x2e: {  	[spmem:s8] =	stream.linear.scatter [tilespmem:s20], [sflag:$0x1], $0x4000, $0x38;
	[tilespmem:$0x1D800] =	vst v63  }
0x2f: {  	_ =	swait.ge [sflag:s21], $0x4000  }
0x30: {  	[sflag:s21] =	ssyncset.done $0x0  }
0x31: {  	[sflag:s21] =	ssyncadd.s32 $0xFFFFC000  }
0x32: {  	[spmem:s9] =	stream.linear.scatter [tilespmem:s20], [sflag:$0x1], $0x4000, $0x38;
	[tilespmem:$0x1D800] =	vst v63  }
0x33: {  	_ =	swait.ge [sflag:s21], $0x4000  }
0x34: {  	[sflag:s21] =	ssyncset.done $0x0  }
0x35: {  	[sflag:s21] =	ssyncadd.s32 $0xFFFFC000  }
0x36: {  	[spmem:s10] =	stream.linear.scatter [tilespmem:s20], [sflag:$0x1], $0x4000, $0x38;
	[tilespmem:$0x1D800] =	vst v63  }
0x37: {  	_ =	swait.ge [sflag:s21], $0x4000  }
0x38: {  	[sflag:s21] =	ssyncset.done $0x0  }
0x39: {  	s25 =	simm.s32 $0x0;
	[sflag:s21] =	ssyncadd.s32 $0xFFFFC000  }
0x3a: {  	[tilespmem:s25], [sflag:$0x1] =	stream.linear.gather [hbm4b:s11+s25], $0x2800, $0x38;
	[tilespmem:$0x1D800] =	vst v63  }
0x3b: {  	_ =	swait.ge [sflag:s21], $0x2800  }
0x3c: {  	[sflag:s21] =	ssyncset.done $0x0  }
0x3d: {  	[sflag:s21] =	ssyncadd.s32 $0xFFFFD800  }
0x3e: {  	[tilespmem:s22], [sflag:$0x1] =	stream.linear.gather [hbm4b:s12+s25], $0x2800, $0x38;
	[tilespmem:$0x1D800] =	vst v63  }
0x3f: {  	_ =	swait.ge [sflag:s21], $0x2800  }
0x40: {  	[sflag:s21] =	ssyncset.done $0x0  }
0x41: {  	[sflag:s21] =	ssyncadd.s32 $0xFFFFD800  }
0x42: {  	s26 =	simm.s32 $0x0;
	[bflag:$0x0] =	sbarrier.arrive $0xFFFF  }
.LBB2_4:
0x43: {  	s28 =	sshll.u32 s26, $0x7  }
0x44: {  	[tilespmem:s20], [sflag:$0x1] =	stream.indirect.gather [hbm4b:s4+s23], $0x80, s28, s23, $0xb8;
	[tilespmem:$0x1D800] =	vst v63  }
0x45: {  	s0 =	sadd.s32 s13, s26;
	_ =	swait.ge [sflag:s21], $0x4000  }
0x46: {  	s0 =	sshll.u32 s0, $0x8;
	[sflag:s21] =	ssyncset.done $0x0  }
0x47: {  	s0 =	sadd.s32 s5, s0;
	[sflag:s21] =	ssyncadd.s32 $0xFFFFC000  }
0x48: {  	[tilespmem:s24], [sflag:$0x1] =	stream.linear.gather [hbm4b:s0+s25], $0x800, $0x38;
	[tilespmem:$0x1D800] =	vst v63  }
0x49: {  	_ =	swait.ge [sflag:s21], $0x800  }
0x4a: {  	[sflag:s21] =	ssyncset.done $0x0  }
0x4b: {  	s29 =	simm.s32 $0x5840;
	[sflag:s21] =	ssyncadd.s32 $0xFFFFF800  }
0x4c: {  	v1 =	vld [tilespmem:s29+$0xFFFFFFF0]  }
0x4d: {  	v2 =	vld [tilespmem:s29+$0x20]  }
0x4e: {  	s31 =	simm.s32 $0x10;
	s30 =	simm.s32 $0x5840;
	s0 =	sand.u32 $0x7F0, s25;
	v3 =	vld [tilespmem:s29+$0x10]  }
.LBB2_5:
0x4f: {  	p0 =	sne.s32 s31, $0x7F0;
	v4 =	vld [tilespmem:s0+$0x5000]  }
0x50: {  	v5 =	vld [tilespmem:s29+$0x0]  }
0x51: {  	v6 =	vld [tilespmem:s29+$0xFFFFFFC0]  }
0x52: {  	v7 =	vld [tilespmem:s29+$0xFFFFFFD0]  }
0x53: {  	v8 =	vld [tilespmem:s29+$0xFFFFFFE0]  }
0x54: {  	v9 =	vbroadcast v4, $0x0;
	v4 =	vbroadcast v4, $0x1;
	v10 =	vld [tilespmem:s29+$0x30];
	_ =	sdelay $0x1  }
0x55: {  	v6 =	vmul.f32 v9, v6;
	v5 =	vmul.f32 v5, v4  }
0x56: {  	v3 =	vmul.f32 v3, v4;
	v7 =	vmul.f32 v7, v9  }
0x57: {  	v2 =	vmul.f32 v2, v4;
	[tilespmem:s29+$0xFFFFFFC0] =	vst v6;
	v6 =	vmul.f32 v8, v9  }
0x58: {  	[tilespmem:s29+$0x0] =	vst v5;
	v5 =	vmul.f32 v1, v9;
	v4 =	vmul.f32 v10, v4  }
0x59: {  	[tilespmem:s29+$0xFFFFFFD0] =	vst v7  }
.Ltmp1:
0x5a: {  	[tilespmem:s29+$0x10] =	vst v3;
	(pc) =	sbr.rel @p0 .LBB2_5-.Ltmp1, $4  }
0x5b: {  	s29 =	sadd.s32 $0x80, s29;
	[tilespmem:s30+$0xFFFFFFE0] =	vst v6  }
0x5c: {  	v1 =	vld [tilespmem:s29+$0xFFFFFFF0];
	[tilespmem:s30+$0x20] =	vst v2  }
0x5d: {  	v2 =	vld [tilespmem:s29+$0x20];
	[tilespmem:s30+$0xFFFFFFF0] =	vst v5  }
0x5e: {  	s0 =	sand.u32 $0x7F0, s31;
	s31 =	sadd.s32 $0x10, s31;
	v3 =	vld [tilespmem:s29+$0x10];
	[tilespmem:s30+$0x30] =	vst v4;
	s30 =	smov.u32 s29  }
0x5f: {  	v4 =	vld [tilespmem:s0+$0x5000];
	_ =	sdelay $0x1  }
0x60: {  	v5 =	vld [tilespmem:s29+$0xFFFFFFC0]  }
0x61: {  	v6 =	vld [tilespmem:s29+$0x0]  }
0x62: {  	v7 =	vld [tilespmem:s29+$0xFFFFFFD0]  }
0x63: {  	v8 =	vbroadcast v4, $0x0  }
0x64: {  	v9 =	vld [tilespmem:s29+$0xFFFFFFE0];
	v4 =	vbroadcast v4, $0x1  }
0x65: {  	v5 =	vmul.f32 v8, v5  }
0x66: {  	v6 =	vmul.f32 v6, v4  }
0x67: {  	v10 =	vld [tilespmem:s29+$0x30];
	v7 =	vmul.f32 v7, v8;
	[tilespmem:s29+$0xFFFFFFC0] =	vst v5  }
0x68: {  	v3 =	vmul.f32 v3, v4;
	[tilespmem:s29+$0x0] =	vst v6  }
0x69: {  	v63 =	vmul.f32 v9, v8;
	[tilespmem:s29+$0xFFFFFFD0] =	vst v7  }
0x6a: {  	v2 =	vmul.f32 v2, v4;
	[tilespmem:s29+$0x10] =	vst v3  }
0x6b: {  	v1 =	vmul.f32 v1, v8;
	[tilespmem:s30+$0xFFFFFFE0] =	vst v63  }
0x6c: {  	s26 =	sadd.s32 $0x1, s26;
	v3 =	vmul.f32 v10, v4;
	[tilespmem:s30+$0x20] =	vst v2  }
0x6d: {  	p0 =	sne.s32 s26, $0x50;
	[tilespmem:s30+$0xFFFFFFF0] =	vst v1  }
.Ltmp2:
0x6e: {  	s31 =	sadd.s32 $0x2800, s28;
	[tilespmem:s30+$0x30] =	vst v3;
	(pc) =	sbr.rel @p0 .LBB2_4-.Ltmp2, $4  }
0x6f: {  	[spmem:s2] =	stream.indirect.scatter.add.f32 [tilespmem:s20], [sflag:$0x1], $0x80, s31, s23, $0xb8;
	[tilespmem:$0x1D800] =	vst v63  }
0x70: {  	_ =	swait.ge [sflag:s21], $0x4000  }
0x71: {  	[sflag:s21] =	ssyncset.done $0x0  }
0x72: {  	[sflag:s21] =	ssyncadd.s32 $0xFFFFC000  }
0x73: {  	s0 =	sshll.u32 s1, $0x6  }
0x74: {  	[bflag:$0x0] =	sbarrier.arrive $0xFFFF;
	s25 =	sshrl.u32 s6, $0x3;
	s0 =	sor.u32 $0x1C01, s0  }
0x75: {  	[hbm:s14], [sflag:s0] =	dma.local [spmem:s25], $0x800  }
0x76: {  	_ =	swait.ge [sflag:s21], $0x800  }
0x77: {  	[sflag:s21] =	ssyncset.done $0x0  }
0x78: {  	s28 =	sshrl.u32 s7, $0x3;
	[sflag:s21] =	ssyncadd.s32 $0xFFFFF800  }
0x79: {  	[hbm:s15], [sflag:s0] =	dma.local [spmem:s28], $0x800  }
0x7a: {  	_ =	swait.ge [sflag:s21], $0x800  }
0x7b: {  	[sflag:s21] =	ssyncset.done $0x0  }
0x7c: {  	s29 =	sshrl.u32 s8, $0x3;
	[sflag:s21] =	ssyncadd.s32 $0xFFFFF800  }
0x7d: {  	[hbm:s16], [sflag:s0] =	dma.local [spmem:s29], $0x800  }
0x7e: {  	_ =	swait.ge [sflag:s21], $0x800  }
0x7f: {  	[sflag:s21] =	ssyncset.done $0x0  }
0x80: {  	s30 =	sshrl.u32 s9, $0x3;
	[sflag:s21] =	ssyncadd.s32 $0xFFFFF800  }
0x81: {  	[hbm:s17], [sflag:s0] =	dma.local [spmem:s30], $0x800  }
0x82: {  	s3 =	sadd.s32 $0x1, s3;
	_ =	swait.ge [sflag:s21], $0x800  }
0x83: {  	p0 =	sne.s32 s3, s19;
	[sflag:s21] =	ssyncset.done $0x0  }
.Ltmp3:
0x84: {  	s31 =	sshrl.u32 s10, $0x3;
	[sflag:s21] =	ssyncadd.s32 $0xFFFFF800;
	(pc) =	sbr.rel @p0 .LBB2_1-.Ltmp3, $4  }
0x85: {  	[hbm:s18], [sflag:s0] =	dma.local [spmem:s31], $0x800  }
0x86: {  	_ =	swait.ge [sflag:s21], $0x800  }
0x87: {  	[sflag:s21] =	ssyncset.done $0x0  }
0x88: {  	[sflag:s21] =	ssyncadd.s32 $0xFFFFF800  }
0x89: {  	_ =	sfence.sel $0x180000  }
0x8a: {  	[bflag:$0x0] =	sbarrier.arrive $0xFFFF  }
0x8b: {  	_ =	strace $0x90000050  }
0x8c: {  	[bflag:$0x2] =	sbarrier.arrive $0xFFFF  }
0x8d: {  	p0 =	sne.s32 s1, $0x0;
	s0 =	rddreg [dreg:$0x3]  }
0x8e: {  	s0 =	sadd.s32 @!p0 $0x100000, s0  }
0x8f: {  	[sflag:s0] =	ssyncadd.tile.s32 @!p0 $0x1;
	_ =	shalt  }
.Lfunc_end2:
_tile_overlayer_lowered:
.L_overlay_start_2:
0x90: {  	(tag) =	ssettag $0x2  }
0x91: {  	s0 =	rddreg [dreg:$0x0];
	s2 =	stileid.u32  }
0x92: {  	s1 =	rddreg [dreg:$0x1];
	p0 =	sne.s32 s2, $0x0  }
0x93: {  	s3 =	rddreg [dreg:$0x2];
	[bflag:$0x3] =	sbarrier.arrive $0xFFFF;
	s2 =	simm.s32 @!p0 $0x1C01  }
0x94: {  	[timem:s3], [sflag:s2] =	dma.local @!p0 [hbm:s0], s1  }
0x95: {  	s0 =	simm.s32 @!p0 $0x1  }
0x96: {  	_ =	swait.ge @!p0 [sflag:s0], s1  }
0x97: {  	s1 =	ssub.s32 @!p0 $0x0, s1;
	[sflag:s0] =	ssyncset.done @!p0 $0x0  }
0x98: {  	[sflag:s0] =	ssyncadd.s32 @!p0 s1  }
0x99: {  	[bflag:$0x3] =	sbarrier.arrive $0xFFFF  }
0x9a: {  	_ =	shalt  }

// kernel: kernel.25.cloned.1.call-start
scs
__scs_entry_jumppad:
0x0: {  	(pc) =	sbr.rel $0x88, $3  }
0x1: {  	(tag) =	ssettag $0x0;
	lr =	simm.s32 $0x1  }
0x2: {  	[smem:$0x3F93] =	sst lr;
	_ =	strace $0xD0000000  }
0x3: {  	_ = 	snop  }
0x4: {  	_ = 	snop  }
0x5: {  	_ = 	snop  }
0x6: {  	_ = 	snop  }
0x7: {  	_ = 	snop  }
__scs_overlays_trampoline_lowered:
0x8: {  	[smem:$0x3FA2] =	sst s0  }
0x9: {  	[smem:$0x3FA3] =	sst s1  }
0xa: {  	[smem:$0x3FA4] =	sst s2  }
0xb: {  	[smem:$0x3FA5] =	sst s3  }
0xc: {  	[smem:$0x3FA6] =	sst s4  }
0xd: {  	[smem:$0x3FA7] =	sst s5  }
0xe: {  	[smem:$0x3FA8] =	sst s6  }
0xf: {  	[smem:$0x3FA9] =	sst s7  }
0x10: {  	[smem:$0x3FAA] =	sst s8  }
0x11: {  	[smem:$0x3FAB] =	sst s9;
	s0 =	simm.s32 @!p0 $0x0  }
0x12: {  	s1 =	sld [smem:$0x3F91];
	s0 =	simm.s32 @p0 $0x1  }
0x13: {  	[smem:$0x3FAC] =	sst s0;
	s0 =	simm.s32 @!p1 $0x0  }
0x14: {  	s2 =	sld [smem:$0x3F90];
	s0 =	simm.s32 @p1 $0x1  }
0x15: {  	[smem:$0x3FAD] =	sst s0;
	s0 =	simm.s32 @!p2 $0x0  }
0x16: {  	s3 =	sld [smem:$0x3FDB];
	s0 =	simm.s32 @p2 $0x1  }
0x17: {  	s4 =	simm.s32 $0x1BF5;
	[smem:$0x3FAF] =	sst s0  }
0x18: {  	s0 =	sld [smem:$0x3F92];
	_ =	swait.ge [sflag:s4], $0x0  }
0x19: {  	s7 =	sld [smem:$0x3F93]  }
0x1a: {  	s8 =	sadd.s32 $0xFFFFE003, lr  }
0x1b: {  	s9 =	sadd.s32 $0xFFFFFEF7, lr;
	s5 =	simm.s32 $0xFFFFFFFF;
	p2 =	slt.u32 s8, $0xFFFFF086  }
0x1c: {  	p1 =	slt.u32 s9, $0xF7A;
	s5 =	simm.s32 @!p2 $0x0  }
0x1d: {  	s5 =	simm.s32 @p1 $0x1;
	p0 =	seq.s32 s7, s2  }
0x1e: {  	s7 =	smul.u32 @!p0 $0xF7A, s2;
	p2 =	seq.s32 @!p0 s5, $0x0  }
0x1f: {  	s9 =	smul.u32 $0xF7A, s1;
	s8 =	simm.s32 @!p0 $0x1BF5;
	p2 =	por !p2, p0  }
0x20: {  	[sflag:s8] =	ssyncset.s32 @!p0 $0xFFFFF086;
	s6 =	sadd.s32 @!p0 s3, s7;
	s7 =	simm.s32 @!p0 $0x108  }
0x21: {  	s3 =	sadd.s32 s3, s9;
	s6 =	sadd.s32 @!p0 $0x88, s6;
	s7 =	simm.s32 @p2 $0x1082  }
0x22: {  	[simem:s7], [sflag:s8] =	dma.local @!p0 [hbm:s6], $0xF7A  }
0x23: {  	s9 =	sor.u32 $0xD0000000, s2;
	s6 =	simm.s32 $0x108;
	_ =	swait.ge @!p0 [sflag:s8], $0x0  }
0x24: {  	s3 =	sadd.s32 $0x88, s3;
	s6 =	simm.s32 @!p1 $0x1082;
	[sflag:s4] =	ssyncset.s32 $0xFFFFF086  }
0x25: {  	[simem:s6], [sflag:s4] =	dma.local [hbm:s3], $0xF7A  }
0x26: {  	[smem:$0x3F93] =	sst s1;
	(tag) =	ssettag s2;
	_ =	strace s9  }
0x27: {  	s1 =	sld [smem:$0x3FA3]  }
0x28: {  	s2 =	sld [smem:$0x3FA4]  }
0x29: {  	s4 =	sld [smem:$0x3FA6]  }
0x2a: {  	p0 =	seq.s32 s5, $0x0;
	s5 =	sld [smem:$0x3FA7]  }
0x2b: {  	s6 =	sld [smem:$0x3FA8]  }
0x2c: {  	s7 =	sld [smem:$0x3FA9]  }
0x2d: {  	s3 =	simm.s32 $0x108;
	s8 =	sld [smem:$0x3FAA]  }
0x2e: {  	s3 =	simm.s32 @!p0 $0x1082;
	s9 =	sld [smem:$0x3FAB]  }
0x2f: {  	lr =	sadd.s32 s0, s3;
	s0 =	sld [smem:$0x3FA2]  }
0x30: {  	s3 =	sld [smem:$0x3FA5]  }
0x31: {  	[smem:$0x3FAE] =	sst s10  }
0x32: {  	s10 =	sld [smem:$0x3FAC];
	_ =	sdelay $0x3  }
0x33: {  	p0 =	seq.s32 s10, $0x1;
	s10 =	sld [smem:$0x3FAE];
	_ =	sdelay $0x3  }
0x34: {  	[smem:$0x3FAE] =	sst s10  }
0x35: {  	s10 =	sld [smem:$0x3FAD];
	_ =	sdelay $0x3  }
0x36: {  	p1 =	seq.s32 s10, $0x1;
	s10 =	sld [smem:$0x3FAE];
	_ =	sdelay $0x3  }
0x37: {  	[smem:$0x3FAE] =	sst s10  }
0x38: {  	s10 =	sld [smem:$0x3FAF]  }
0x39: {  	_ = 	snop;
	(pc) =	sbr.ind lr, $3  }
0x3a: {  	_ = 	snop  }
0x3b: {  	_ = 	snop  }
0x3c: {  	p2 =	seq.s32 s10, $0x1;
	s10 =	sld [smem:$0x3FAE]  }
0x3d: {  	_ =	shalt  }
0x3e: {  	_ =	shalt  }
0x3f: {  	_ =	shalt  }
0x40: {  	_ =	shalt  }
0x41: {  	_ =	shalt  }
0x42: {  	_ =	shalt  }
0x43: {  	_ =	shalt  }
0x44: {  	_ =	shalt  }
0x45: {  	_ =	shalt  }
0x46: {  	_ =	shalt  }
0x47: {  	_ =	shalt  }
0x48: {  	_ =	shalt  }
0x49: {  	_ =	shalt  }
0x4a: {  	_ =	shalt  }
0x4b: {  	_ =	shalt  }
0x4c: {  	_ =	shalt  }
0x4d: {  	_ =	shalt  }
0x4e: {  	_ =	shalt  }
0x4f: {  	_ =	shalt  }
0x50: {  	_ =	shalt  }
0x51: {  	_ =	shalt  }
0x52: {  	_ =	shalt  }
0x53: {  	_ =	shalt  }
0x54: {  	_ =	shalt  }
0x55: {  	_ =	shalt  }
0x56: {  	_ =	shalt  }
0x57: {  	_ =	shalt  }
0x58: {  	_ =	shalt  }
0x59: {  	_ =	shalt  }
0x5a: {  	_ =	shalt  }
0x5b: {  	_ =	shalt  }
0x5c: {  	_ =	shalt  }
0x5d: {  	_ =	shalt  }
0x5e: {  	_ =	shalt  }
0x5f: {  	_ =	shalt  }
0x60: {  	_ =	shalt  }
0x61: {  	_ =	shalt  }
0x62: {  	_ =	shalt  }
0x63: {  	_ =	shalt  }
0x64: {  	_ =	shalt  }
0x65: {  	_ =	shalt  }
0x66: {  	_ =	shalt  }
0x67: {  	_ =	shalt  }
0x68: {  	_ =	shalt  }
0x69: {  	_ =	shalt  }
0x6a: {  	_ =	shalt  }
0x6b: {  	_ =	shalt  }
0x6c: {  	_ =	shalt  }
0x6d: {  	_ =	shalt  }
0x6e: {  	_ =	shalt  }
0x6f: {  	_ =	shalt  }
0x70: {  	_ =	shalt  }
0x71: {  	_ =	shalt  }
0x72: {  	_ =	shalt  }
0x73: {  	_ =	shalt  }
0x74: {  	_ =	shalt  }
0x75: {  	_ =	shalt  }
0x76: {  	_ =	shalt  }
0x77: {  	_ =	shalt  }
0x78: {  	_ =	shalt  }
0x79: {  	_ =	shalt  }
0x7a: {  	_ =	shalt  }
0x7b: {  	_ =	shalt  }
0x7c: {  	_ =	shalt  }
0x7d: {  	_ =	shalt  }
0x7e: {  	_ =	shalt  }
0x7f: {  	_ =	shalt  }
0x80: {  	_ =	shalt  }
0x81: {  	_ =	shalt  }
0x82: {  	_ =	shalt  }
0x83: {  	_ =	shalt  }
0x84: {  	_ =	shalt  }
0x85: {  	_ =	shalt  }
0x86: {  	_ =	shalt  }
0x87: {  	_ =	shalt  }
.Lfunc_end0:
.L_simem_size_0:
called_computation.4_lowered:
.L_overlay_start_0:
0x88: {  	s2 =	sld [smem:$0x3FD9]  }
0x89: {  	s3 =	sld [smem:$0x3FFE];
	_ =	sdelay $0x1  }
0x8a: {  	s1 =	srdreg.scid  }
0x8b: {  	s0 =	sand.u32 $0x1, s1  }
0x8c: {  	s14 =	sshll.u32 s0, $0xA;
	s2 =	sadd.s32 s3, s2  }
0x8d: {  	s2 =	sadd.s32 s2, s14  }
0x8e: {  	[smem:$0x3FBA] =	sst s2  }
0x8f: {  	_ = 	snop  }
0x90: {  	s2 =	sld [smem:$0x3FD0];
	_ =	sdelay $0x2  }
0x91: {  	s15 =	simm.s32 $0xA;
	s4 =	simm.s32 $0x10  }
0x92: {  	[smem:s4], [sflag:s15] =	dma.local [hbm:s2], $0x1  }
0x93: {  	_ =	swait.eq [sflag:s15], $0x1  }
0x94: {  	[sflag:s15] =	ssyncset.done $0x0  }
0x95: {  	[sflag:s15] =	ssyncadd.s32 $0xFFFFFFFF  }
0x96: {  	s16 =	sld [smem:$0x11];
	(tm) =	ssettm $0x1  }
0x97: {  	s17 =	sld [smem:$0x3FFB];
	_ =	sdelay $0x3  }
0x98: {  	_ =	strace s17  }
0x99: {  	s3 =	sld [smem:$0x3FFC];
	_ =	sdelay $0x3  }
0x9a: {  	_ =	strace s3  }
0x9b: {  	s3 =	sld [smem:$0x3FFD];
	_ =	sdelay $0x3  }
0x9c: {  	_ =	strace s3  }
0x9d: {  	_ =	strace $0x8FFFFFFF  }
0x9e: {  	s18 =	sld [smem:$0x3FDB];
	_ =	sdelay $0x1  }
0x9f: {  	s19 =	simm.s32 $_scs_section_size  }
0xa0: {  	s5 =	simm.s32 $_size__tile_overlayer_lowered;
	s6 =	simm.s32 $_tile_overlayer_lowered  }
0xa1: {  	s22 =	simm.s32 $0x1BFF;
	s21 =	sshll.u32 s6, $0x1;
	s3 =	sadd.s32 s19, s18  }
0xa2: {  	s7 =	simm.s32 $0x0;
	s20 =	sshll.u32 s5, $0x1;
	s5 =	sadd.s32 s21, s3  }
0xa3: {  	[timem:s7], [sflag:s22] =	dma.local [hbm:s5], s20  }
0xa4: {  	_ =	swait.ge [sflag:s22], s20  }
0xa5: {  	s4 =	ssub.s32 $0x0, s20;
	[sflag:s22] =	ssyncset.done $0x0  }
0xa6: {  	[sflag:s22] =	ssyncadd.s32 s4;
	_ =	sdelay $0x1  }
0xa7: {  	s23 =	simm.s32 $0x1B8B  }
0xa8: {  	_ =	swait.ge [sflag:s23], $0x1  }
0xa9: {  	[sflag:s23] =	ssyncset.done $0x0  }
0xaa: {  	s25 =	simm.s32 $0x1B8E;
	s24 =	sld [smem:$0x3FFE];
	[sflag:s23] =	ssyncadd.s32 $0xFFFFFFFF  }
0xab: {  	s26 =	simm.s32 $execute0_lowered;
	[smem:$0x3FD2] =	sst s25  }
0xac: {  	s5 =	sshll.u32 s26, $0x1;
	_ =	strace $0x80000052;
	[dreg:$0x1] =	wrdreg $0xFFFFFFFF  }
0xad: {  	s28 =	simm.s32 $_size_execute0_lowered;
	s3 =	sadd.s32 s3, s5;
	[dreg:$0x0] =	wrdreg $0x0  }
0xae: {  	s5 =	sshll.u32 s28, $0x1;
	[dreg:$0x2] =	wrdreg s3  }
0xaf: {  	[dreg:$0x3] =	wrdreg s5  }
0xb0: {  	[dreg:$0x4] =	wrdreg $0xC0  }
0xb1: {  	_ =	task [dreg:s7], $0x5FFFF  }
0xb2: {  	[dreg:$0x1] =	wrdreg $0xFFFFFFFF  }
0xb3: {  	[dreg:$0x0] =	wrdreg $0x60  }
0xb4: {  	[dreg:$0x2] =	wrdreg s24  }
0xb5: {  	[dreg:$0x3] =	wrdreg s16  }
0xb6: {  	[dreg:$0x4] =	wrdreg $0x98000  }
0xb7: {  	[dreg:$0x5] =	wrdreg $0x9  }
0xb8: {  	_ =	task.clear_ibuf [dreg:s7], $0x6FFFF;
	_ =	strace $0x90000052  }
0xb9: {  	s29 =	simm.s32 $0x9;
	_ =	strace $0x80000054  }
0xba: {  	_ =	swait.ge [sflag:s29], $0x1  }
0xbb: {  	[sflag:s29] =	ssyncadd.s32 $0xFFFFFFFF  }
0xbc: {  	_ =	strace $0x90000054  }
0xbd: {  	_ =	sfence  }
0xbe: {  	s30 =	sld [smem:$0x0];
	_ =	sdelay $0x2  }
0xbf: {  	s31 =	sshll.u32 s1, $0xD;
	s1 =	sshrl.u32 s1, $0x2  }
0xc0: {  	s3 =	sand.u32 $0x4000, s31;
	s1 =	sadd.s32 s1, s30  }
0xc1: {  	s0 =	sor.u32 s3, s0;
	s1 =	sshll.u32 s1, $0x11  }
0xc2: {  	s0 =	sor.u32 s1, s0  }
0xc3: {  	s0 =	sadd.s32 $0x8F2B, s0  }
0xc4: {  	[sflag:s0] =	ssyncadd.remote.s32 $0x1  }
0xc5: {  	_ =	sfence.sel $0xFFFF  }
0xc6: {  	[dreg:$0x0] =	wrdreg $0xFFFFFFFF;
	(pc) =	sbr.abs _section_cstart, $3  }
0xc7: {  	[dreg:$0x1] =	wrdreg $0xFFFFFFFF  }
0xc8: {  	_ =	task.clear_ibuf [dreg:s7], $0x2FFFF;
	_ =	strace $0x9FFFFFFF  }
0xc9: {  	(tm) =	ssettm $0x7FFFFFFF  }
tec
execute0_lowered:
.L_overlay_start_1:
0x0: {  	(tag) =	ssettag $0x1  }
0x1: {  	s0 =	rddreg [dreg:$0x0]  }
0x2: {  	s12 =	rddreg [dreg:$0x1]  }
0x3: {  	s1 =	srdreg.scid;
	s2 =	rddreg [dreg:$0x2];
	s3 =	simm.s32 $0x0  }
0x4: {  	s22 =	simm.s32 $0x2800;
	s23 =	simm.s32 $0x80;
	s24 =	simm.s32 $0x5000  }
0x5: {  	s8 =	sand.u32 $0x1, s1;
	s1 =	stileid.u32;
	[smem:$0x7FF] =	sst s3  }
0x6: {  	s5 =	sadd.s32 $0xD8A00, s0;
	s4 =	sshll.u32 s8, $0x4;
	s6 =	smul.u32 $0x50000, s1  }
0x7: {  	_ =	strace $0x80000053;
	s7 =	ssub.s32 $0x2, s8;
	s15 =	smul.u32 $0x14000, s1  }
0x8: {  	s21 =	smul.u32 $0x140000, s8;
	s13 =	sor.u32 s1, s4;
	s9 =	sshrl.u32 s7, $0x1  }
0x9: {  	s4 =	sadd.s32 $0x5E800, s0;
	s14 =	smul.u32 $0x500, s13;
	s19 =	ssub.s32 s7, s9  }
0xa: {  	s6 =	sshrl.u32 s6, $0x2;
	s16 =	sadd.s32 $0x4000, s15;
	s17 =	sadd.s32 $0x8000, s15  }
0xb: {  	s18 =	sadd.s32 $0xC000, s15;
	s20 =	sadd.s32 $0x10000, s15;
	s15 =	sadd.s32 s15, s21  }
0xc: {  	s13 =	smul.u32 $0x50, s13;
	s6 =	sadd.s32 s6, s2;
	s7 =	sadd.s32 s16, s2  }
0xd: {  	s8 =	sadd.s32 s17, s2;
	s9 =	sadd.s32 s18, s2;
	s10 =	sadd.s32 s20, s2  }
0xe: {  	s16 =	sadd.s32 s21, s16;
	s26 =	sshrl.u32 s15, $0x3;
	s29 =	sadd.s32 s21, s17  }
0xf: {  	s30 =	sadd.s32 s21, s18;
	s31 =	sadd.s32 s21, s20;
	s19 =	smax.u32 s19, $0x1  }
0x10: {  	s20 =	simm.s32 $0x5800;
	s21 =	simm.s32 $0x1;
	s11 =	sadd.s32 s14, s0  }
0x11: {  	s0 =	sadd.s32 $0x1C8A00, s0;
	s12 =	sadd.s32 s12, s14;
	s28 =	sshrl.u32 s16, $0x3  }
0x12: {  	s16 =	sshrl.u32 s29, $0x3;
	s17 =	sshrl.u32 s30, $0x3;
	s18 =	sshrl.u32 s31, $0x3  }
0x13: {  	s11 =	sadd.s32 $0x4800, s11;
	s14 =	sadd.s32 s0, s26;
	s15 =	sadd.s32 s0, s28  }
0x14: {  	v0 =	vimm.f32 $0.0e+00;
	s16 =	sadd.s32 s0, s16;
	s17 =	sadd.s32 s0, s17;
	s18 =	sadd.s32 s0, s18  }
.LBB2_1:
0x15: {  	s25 =	simm.s32 $0x0;
	s26 =	simm.s32 $0x200  }
.LBB2_2:
0x16: {  	p0 =	sne.s32 s26, $0xFE00;
	[tilespmem:s25+$0x5870] =	vst v0  }
0x17: {  	[tilespmem:s25+$0x5800] =	vst v0  }
0x18: {  	[tilespmem:s25+$0x5810] =	vst v0  }
.Ltmp0:
0x19: {  	[tilespmem:s25+$0x5820] =	vst v0;
	(pc) =	sbr.rel @p0 .LBB2_2-.Ltmp0, $4  }
0x1a: {  	[tilespmem:s25+$0x5830] =	vst v0  }
0x1b: {  	[tilespmem:s25+$0x5840] =	vst v0  }
0x1c: {  	[tilespmem:s25+$0x5850] =	vst v0  }
0x1d: {  	[tilespmem:s25+$0x5860] =	vst v0;
	s25 =	sshra.s32 s26, $0x2;
	s26 =	sadd.s32 $0x200, s26  }
0x1e: {  	[tilespmem:s25+$0x5870] =	vst v0  }
0x1f: {  	[tilespmem:s25+$0x5800] =	vst v0  }
0x20: {  	[tilespmem:s25+$0x5810] =	vst v0  }
0x21: {  	[tilespmem:s25+$0x5820] =	vst v0  }
0x22: {  	[tilespmem:s25+$0x5830] =	vst v0  }
0x23: {  	[tilespmem:s25+$0x5840] =	vst v0  }
0x24: {  	[tilespmem:s25+$0x5850] =	vst v0  }
0x25: {  	[tilespmem:s25+$0x5860] =	vst v0  }
0x26: {  	[spmem:s6] =	stream.linear.scatter [tilespmem:s20], [sflag:$0x1], $0x4000, $0x38;
	[tilespmem:$0x1D800] =	vst v63  }
0x27: {  	_ =	swait.ge [sflag:s21], $0x4000  }
0x28: {  	[sflag:s21] =	ssyncset.done $0x0  }
0x29: {  	[sflag:s21] =	ssyncadd.s32 $0xFFFFC000  }
0x2a: {  	[spmem:s7] =	stream.linear.scatter [tilespmem:s20], [sflag:$0x1], $0x4000, $0x38;
	[tilespmem:$0x1D800] =	vst v63  }
0x2b: {  	_ =	swait.ge [sflag:s21], $0x4000  }
0x2c: {  	[sflag:s21] =	ssyncset.done $0x0  }
0x2d: {  	[sflag:s21] =	ssyncadd.s32 $0xFFFFC000  }
0x2e: {  	[spmem:s8] =	stream.linear.scatter [tilespmem:s20], [sflag:$0x1], $0x4000, $0x38;
	[tilespmem:$0x1D800] =	vst v63  }
0x2f: {  	_ =	swait.ge [sflag:s21], $0x4000  }
0x30: {  	[sflag:s21] =	ssyncset.done $0x0  }
0x31: {  	[sflag:s21] =	ssyncadd.s32 $0xFFFFC000  }
0x32: {  	[spmem:s9] =	stream.linear.scatter [tilespmem:s20], [sflag:$0x1], $0x4000, $0x38;
	[tilespmem:$0x1D800] =	vst v63  }
0x33: {  	_ =	swait.ge [sflag:s21], $0x4000  }
0x34: {  	[sflag:s21] =	ssyncset.done $0x0  }
0x35: {  	[sflag:s21] =	ssyncadd.s32 $0xFFFFC000  }
0x36: {  	[spmem:s10] =	stream.linear.scatter [tilespmem:s20], [sflag:$0x1], $0x4000, $0x38;
	[tilespmem:$0x1D800] =	vst v63  }
0x37: {  	_ =	swait.ge [sflag:s21], $0x4000  }
0x38: {  	[sflag:s21] =	ssyncset.done $0x0  }
0x39: {  	s25 =	simm.s32 $0x0;
	[sflag:s21] =	ssyncadd.s32 $0xFFFFC000  }
0x3a: {  	[tilespmem:s25], [sflag:$0x1] =	stream.linear.gather [hbm4b:s11+s25], $0x2800, $0x38;
	[tilespmem:$0x1D800] =	vst v63  }
0x3b: {  	_ =	swait.ge [sflag:s21], $0x2800  }
0x3c: {  	[sflag:s21] =	ssyncset.done $0x0  }
0x3d: {  	[sflag:s21] =	ssyncadd.s32 $0xFFFFD800  }
0x3e: {  	[tilespmem:s22], [sflag:$0x1] =	stream.linear.gather [hbm4b:s12+s25], $0x2800, $0x38;
	[tilespmem:$0x1D800] =	vst v63  }
0x3f: {  	_ =	swait.ge [sflag:s21], $0x2800  }
0x40: {  	[sflag:s21] =	ssyncset.done $0x0  }
0x41: {  	[sflag:s21] =	ssyncadd.s32 $0xFFFFD800  }
0x42: {  	s26 =	simm.s32 $0x0;
	[bflag:$0x0] =	sbarrier.arrive $0xFFFF  }
.LBB2_4:
0x43: {  	s28 =	sshll.u32 s26, $0x7  }
0x44: {  	[tilespmem:s20], [sflag:$0x1] =	stream.indirect.gather [hbm4b:s4+s23], $0x80, s28, s23, $0xb8;
	[tilespmem:$0x1D800] =	vst v63  }
0x45: {  	s0 =	sadd.s32 s13, s26;
	_ =	swait.ge [sflag:s21], $0x4000  }
0x46: {  	s0 =	sshll.u32 s0, $0x8;
	[sflag:s21] =	ssyncset.done $0x0  }
0x47: {  	s0 =	sadd.s32 s5, s0;
	[sflag:s21] =	ssyncadd.s32 $0xFFFFC000  }
0x48: {  	[tilespmem:s24], [sflag:$0x1] =	stream.linear.gather [hbm4b:s0+s25], $0x800, $0x38;
	[tilespmem:$0x1D800] =	vst v63  }
0x49: {  	_ =	swait.ge [sflag:s21], $0x800  }
0x4a: {  	[sflag:s21] =	ssyncset.done $0x0  }
0x4b: {  	s29 =	simm.s32 $0x5820;
	[sflag:s21] =	ssyncadd.s32 $0xFFFFF800  }
0x4c: {  	s31 =	simm.s32 $0x10;
	s30 =	simm.s32 $0x5820;
	s0 =	sand.u32 $0x7F0, s25;
	v1 =	vld [tilespmem:s29+$0xFFFFFFF0]  }
.LBB2_5:
0x4d: {  	p0 =	sne.s32 s31, $0x7F0;
	v2 =	vld [tilespmem:s0+$0x5000]  }
0x4e: {  	v3 =	vld [tilespmem:s29+$0x10]  }
0x4f: {  	v4 =	vld [tilespmem:s29+$0xFFFFFFE0]  }
0x50: {  	v5 =	vld [tilespmem:s29+$0x0];
	_ =	sdelay $0x1  }
0x51: {  	v6 =	vbroadcast v2, $0x2;
	[tilespmem:s29+$0x20] =	vst v2;
	_ =	sdelay $0x1  }
0x52: {  	v2 =	vmul.f32 v6, v4;
	v1 =	vmul.f32 v1, v6  }
.Ltmp1:
0x53: {  	v3 =	vmul.f32 v3, v6;
	v4 =	vmul.f32 v5, v6;
	(pc) =	sbr.rel @p0 .LBB2_5-.Ltmp1, $4  }
0x54: {  	[tilespmem:s29+$0xFFFFFFE0] =	vst v2  }
0x55: {  	[tilespmem:s29+$0xFFFFFFF0] =	vst v1  }
0x56: {  	s29 =	sadd.s32 $0x80, s29;
	[tilespmem:s30+$0x0] =	vst v4  }
0x57: {  	s0 =	sand.u32 $0x7F0, s31;
	s31 =	sadd.s32 $0x10, s31;
	v1 =	vld [tilespmem:s29+$0xFFFFFFF0];
	[tilespmem:s30+$0x10] =	vst v3;
	s30 =	smov.u32 s29  }
0x58: {  	v2 =	vld [tilespmem:s0+$0x5000];
	_ =	sdelay $0x1  }
0x59: {  	v3 =	vld [tilespmem:s29+$0xFFFFFFE0];
	_ =	sdelay $0x1  }
0x5a: {  	v4 =	vld [tilespmem:s29+$0x0]  }
0x5b: {  	v5 =	vld [tilespmem:s29+$0x10];
	v6 =	vbroadcast v2, $0x2;
	_ =	sdelay $0x1  }
0x5c: {  	v3 =	vmul.f32 v6, v3  }
0x5d: {  	[tilespmem:s29+$0x20] =	vst v2;
	v1 =	vmul.f32 v1, v6  }
0x5e: {  	v2 =	vmul.f32 v4, v6;
	[tilespmem:s29+$0xFFFFFFE0] =	vst v3  }
0x5f: {  	s26 =	sadd.s32 $0x1, s26;
	v3 =	vmul.f32 v5, v6;
	[tilespmem:s29+$0xFFFFFFF0] =	vst v1  }
0x60: {  	p0 =	sne.s32 s26, $0x50;
	[tilespmem:s30+$0x0] =	vst v2  }
.Ltmp2:
0x61: {  	s31 =	sadd.s32 $0x2800, s28;
	[tilespmem:s30+$0x10] =	vst v3;
	(pc) =	sbr.rel @p0 .LBB2_4-.Ltmp2, $4  }
0x62: {  	[spmem:s2] =	stream.indirect.scatter.add.f32 [tilespmem:s20], [sflag:$0x1], $0x80, s31, s23, $0xb8;
	[tilespmem:$0x1D800] =	vst v63  }
0x63: {  	_ =	swait.ge [sflag:s21], $0x4000  }
0x64: {  	[sflag:s21] =	ssyncset.done $0x0  }
0x65: {  	[sflag:s21] =	ssyncadd.s32 $0xFFFFC000  }
0x66: {  	s0 =	sshll.u32 s1, $0x6  }
0x67: {  	[bflag:$0x0] =	sbarrier.arrive $0xFFFF;
	s25 =	sshrl.u32 s6, $0x3;
	s0 =	sor.u32 $0x1C01, s0  }
0x68: {  	[hbm:s14], [sflag:s0] =	dma.local [spmem:s25], $0x800  }
0x69: {  	_ =	swait.ge [sflag:s21], $0x800  }
0x6a: {  	[sflag:s21] =	ssyncset.done $0x0  }
0x6b: {  	s28 =	sshrl.u32 s7, $0x3;
	[sflag:s21] =	ssyncadd.s32 $0xFFFFF800  }
0x6c: {  	[hbm:s15], [sflag:s0] =	dma.local [spmem:s28], $0x800  }
0x6d: {  	_ =	swait.ge [sflag:s21], $0x800  }
0x6e: {  	[sflag:s21] =	ssyncset.done $0x0  }
0x6f: {  	s29 =	sshrl.u32 s8, $0x3;
	[sflag:s21] =	ssyncadd.s32 $0xFFFFF800  }
0x70: {  	[hbm:s16], [sflag:s0] =	dma.local [spmem:s29], $0x800  }
0x71: {  	_ =	swait.ge [sflag:s21], $0x800  }
0x72: {  	[sflag:s21] =	ssyncset.done $0x0  }
0x73: {  	s30 =	sshrl.u32 s9, $0x3;
	[sflag:s21] =	ssyncadd.s32 $0xFFFFF800  }
0x74: {  	[hbm:s17], [sflag:s0] =	dma.local [spmem:s30], $0x800  }
0x75: {  	s3 =	sadd.s32 $0x1, s3;
	_ =	swait.ge [sflag:s21], $0x800  }
0x76: {  	p0 =	sne.s32 s3, s19;
	[sflag:s21] =	ssyncset.done $0x0  }
.Ltmp3:
0x77: {  	s31 =	sshrl.u32 s10, $0x3;
	[sflag:s21] =	ssyncadd.s32 $0xFFFFF800;
	(pc) =	sbr.rel @p0 .LBB2_1-.Ltmp3, $4  }
0x78: {  	[hbm:s18], [sflag:s0] =	dma.local [spmem:s31], $0x800  }
0x79: {  	_ =	swait.ge [sflag:s21], $0x800  }
0x7a: {  	[sflag:s21] =	ssyncset.done $0x0  }
0x7b: {  	[sflag:s21] =	ssyncadd.s32 $0xFFFFF800  }
0x7c: {  	_ =	sfence.sel $0x180000  }
0x7d: {  	[bflag:$0x0] =	sbarrier.arrive $0xFFFF  }
0x7e: {  	_ =	strace $0x90000053  }
0x7f: {  	[bflag:$0x2] =	sbarrier.arrive $0xFFFF  }
0x80: {  	p0 =	sne.s32 s1, $0x0;
	s0 =	rddreg [dreg:$0x3]  }
0x81: {  	s0 =	sadd.s32 @!p0 $0x100000, s0  }
0x82: {  	[sflag:s0] =	ssyncadd.tile.s32 @!p0 $0x1;
	_ =	shalt  }
.Lfunc_end2:
_tile_overlayer_lowered:
.L_overlay_start_2:
0x83: {  	(tag) =	ssettag $0x2  }
0x84: {  	s0 =	rddreg [dreg:$0x0];
	s2 =	stileid.u32  }
0x85: {  	s1 =	rddreg [dreg:$0x1];
	p0 =	sne.s32 s2, $0x0  }
0x86: {  	s3 =	rddreg [dreg:$0x2];
	[bflag:$0x3] =	sbarrier.arrive $0xFFFF;
	s2 =	simm.s32 @!p0 $0x1C01  }
0x87: {  	[timem:s3], [sflag:s2] =	dma.local @!p0 [hbm:s0], s1  }
0x88: {  	s0 =	simm.s32 @!p0 $0x1  }
0x89: {  	_ =	swait.ge @!p0 [sflag:s0], s1  }
0x8a: {  	s1 =	ssub.s32 @!p0 $0x0, s1;
	[sflag:s0] =	ssyncset.done @!p0 $0x0  }
0x8b: {  	[sflag:s0] =	ssyncadd.s32 @!p0 s1  }
0x8c: {  	[bflag:$0x3] =	sbarrier.arrive $0xFFFF  }
0x8d: {  	_ =	shalt  }

// kernel: kernel.28.cloned.1.call-start
scs
__scs_entry_jumppad:
0x0: {  	(pc) =	sbr.rel $0x88, $3  }
0x1: {  	(tag) =	ssettag $0x0;
	lr =	simm.s32 $0x1  }
0x2: {  	[smem:$0x3F93] =	sst lr;
	_ =	strace $0xD0000000  }
0x3: {  	_ = 	snop  }
0x4: {  	_ = 	snop  }
0x5: {  	_ = 	snop  }
0x6: {  	_ = 	snop  }
0x7: {  	_ = 	snop  }
__scs_overlays_trampoline_lowered:
0x8: {  	[smem:$0x3FA2] =	sst s0  }
0x9: {  	[smem:$0x3FA3] =	sst s1  }
0xa: {  	[smem:$0x3FA4] =	sst s2  }
0xb: {  	[smem:$0x3FA5] =	sst s3  }
0xc: {  	[smem:$0x3FA6] =	sst s4  }
0xd: {  	[smem:$0x3FA7] =	sst s5  }
0xe: {  	[smem:$0x3FA8] =	sst s6  }
0xf: {  	[smem:$0x3FA9] =	sst s7  }
0x10: {  	[smem:$0x3FAA] =	sst s8  }
0x11: {  	[smem:$0x3FAB] =	sst s9;
	s0 =	simm.s32 @!p0 $0x0  }
0x12: {  	s1 =	sld [smem:$0x3F91];
	s0 =	simm.s32 @p0 $0x1  }
0x13: {  	[smem:$0x3FAC] =	sst s0;
	s0 =	simm.s32 @!p1 $0x0  }
0x14: {  	s2 =	sld [smem:$0x3F90];
	s0 =	simm.s32 @p1 $0x1  }
0x15: {  	[smem:$0x3FAD] =	sst s0;
	s0 =	simm.s32 @!p2 $0x0  }
0x16: {  	s3 =	sld [smem:$0x3FDB];
	s0 =	simm.s32 @p2 $0x1  }
0x17: {  	s4 =	simm.s32 $0x1BF5;
	[smem:$0x3FAF] =	sst s0  }
0x18: {  	s0 =	sld [smem:$0x3F92];
	_ =	swait.ge [sflag:s4], $0x0  }
0x19: {  	s7 =	sld [smem:$0x3F93]  }
0x1a: {  	s8 =	sadd.s32 $0xFFFFE003, lr  }
0x1b: {  	s9 =	sadd.s32 $0xFFFFFEF7, lr;
	s5 =	simm.s32 $0xFFFFFFFF;
	p2 =	slt.u32 s8, $0xFFFFF086  }
0x1c: {  	p1 =	slt.u32 s9, $0xF7A;
	s5 =	simm.s32 @!p2 $0x0  }
0x1d: {  	s5 =	simm.s32 @p1 $0x1;
	p0 =	seq.s32 s7, s2  }
0x1e: {  	s7 =	smul.u32 @!p0 $0xF7A, s2;
	p2 =	seq.s32 @!p0 s5, $0x0  }
0x1f: {  	s9 =	smul.u32 $0xF7A, s1;
	s8 =	simm.s32 @!p0 $0x1BF5;
	p2 =	por !p2, p0  }
0x20: {  	[sflag:s8] =	ssyncset.s32 @!p0 $0xFFFFF086;
	s6 =	sadd.s32 @!p0 s3, s7;
	s7 =	simm.s32 @!p0 $0x108  }
0x21: {  	s3 =	sadd.s32 s3, s9;
	s6 =	sadd.s32 @!p0 $0x88, s6;
	s7 =	simm.s32 @p2 $0x1082  }
0x22: {  	[simem:s7], [sflag:s8] =	dma.local @!p0 [hbm:s6], $0xF7A  }
0x23: {  	s9 =	sor.u32 $0xD0000000, s2;
	s6 =	simm.s32 $0x108;
	_ =	swait.ge @!p0 [sflag:s8], $0x0  }
0x24: {  	s3 =	sadd.s32 $0x88, s3;
	s6 =	simm.s32 @!p1 $0x1082;
	[sflag:s4] =	ssyncset.s32 $0xFFFFF086  }
0x25: {  	[simem:s6], [sflag:s4] =	dma.local [hbm:s3], $0xF7A  }
0x26: {  	[smem:$0x3F93] =	sst s1;
	(tag) =	ssettag s2;
	_ =	strace s9  }
0x27: {  	s1 =	sld [smem:$0x3FA3]  }
0x28: {  	s2 =	sld [smem:$0x3FA4]  }
0x29: {  	s4 =	sld [smem:$0x3FA6]  }
0x2a: {  	p0 =	seq.s32 s5, $0x0;
	s5 =	sld [smem:$0x3FA7]  }
0x2b: {  	s6 =	sld [smem:$0x3FA8]  }
0x2c: {  	s7 =	sld [smem:$0x3FA9]  }
0x2d: {  	s3 =	simm.s32 $0x108;
	s8 =	sld [smem:$0x3FAA]  }
0x2e: {  	s3 =	simm.s32 @!p0 $0x1082;
	s9 =	sld [smem:$0x3FAB]  }
0x2f: {  	lr =	sadd.s32 s0, s3;
	s0 =	sld [smem:$0x3FA2]  }
0x30: {  	s3 =	sld [smem:$0x3FA5]  }
0x31: {  	[smem:$0x3FAE] =	sst s10  }
0x32: {  	s10 =	sld [smem:$0x3FAC];
	_ =	sdelay $0x3  }
0x33: {  	p0 =	seq.s32 s10, $0x1;
	s10 =	sld [smem:$0x3FAE];
	_ =	sdelay $0x3  }
0x34: {  	[smem:$0x3FAE] =	sst s10  }
0x35: {  	s10 =	sld [smem:$0x3FAD];
	_ =	sdelay $0x3  }
0x36: {  	p1 =	seq.s32 s10, $0x1;
	s10 =	sld [smem:$0x3FAE];
	_ =	sdelay $0x3  }
0x37: {  	[smem:$0x3FAE] =	sst s10  }
0x38: {  	s10 =	sld [smem:$0x3FAF]  }
0x39: {  	_ = 	snop;
	(pc) =	sbr.ind lr, $3  }
0x3a: {  	_ = 	snop  }
0x3b: {  	_ = 	snop  }
0x3c: {  	p2 =	seq.s32 s10, $0x1;
	s10 =	sld [smem:$0x3FAE]  }
0x3d: {  	_ =	shalt  }
0x3e: {  	_ =	shalt  }
0x3f: {  	_ =	shalt  }
0x40: {  	_ =	shalt  }
0x41: {  	_ =	shalt  }
0x42: {  	_ =	shalt  }
0x43: {  	_ =	shalt  }
0x44: {  	_ =	shalt  }
0x45: {  	_ =	shalt  }
0x46: {  	_ =	shalt  }
0x47: {  	_ =	shalt  }
0x48: {  	_ =	shalt  }
0x49: {  	_ =	shalt  }
0x4a: {  	_ =	shalt  }
0x4b: {  	_ =	shalt  }
0x4c: {  	_ =	shalt  }
0x4d: {  	_ =	shalt  }
0x4e: {  	_ =	shalt  }
0x4f: {  	_ =	shalt  }
0x50: {  	_ =	shalt  }
0x51: {  	_ =	shalt  }
0x52: {  	_ =	shalt  }
0x53: {  	_ =	shalt  }
0x54: {  	_ =	shalt  }
0x55: {  	_ =	shalt  }
0x56: {  	_ =	shalt  }
0x57: {  	_ =	shalt  }
0x58: {  	_ =	shalt  }
0x59: {  	_ =	shalt  }
0x5a: {  	_ =	shalt  }
0x5b: {  	_ =	shalt  }
0x5c: {  	_ =	shalt  }
0x5d: {  	_ =	shalt  }
0x5e: {  	_ =	shalt  }
0x5f: {  	_ =	shalt  }
0x60: {  	_ =	shalt  }
0x61: {  	_ =	shalt  }
0x62: {  	_ =	shalt  }
0x63: {  	_ =	shalt  }
0x64: {  	_ =	shalt  }
0x65: {  	_ =	shalt  }
0x66: {  	_ =	shalt  }
0x67: {  	_ =	shalt  }
0x68: {  	_ =	shalt  }
0x69: {  	_ =	shalt  }
0x6a: {  	_ =	shalt  }
0x6b: {  	_ =	shalt  }
0x6c: {  	_ =	shalt  }
0x6d: {  	_ =	shalt  }
0x6e: {  	_ =	shalt  }
0x6f: {  	_ =	shalt  }
0x70: {  	_ =	shalt  }
0x71: {  	_ =	shalt  }
0x72: {  	_ =	shalt  }
0x73: {  	_ =	shalt  }
0x74: {  	_ =	shalt  }
0x75: {  	_ =	shalt  }
0x76: {  	_ =	shalt  }
0x77: {  	_ =	shalt  }
0x78: {  	_ =	shalt  }
0x79: {  	_ =	shalt  }
0x7a: {  	_ =	shalt  }
0x7b: {  	_ =	shalt  }
0x7c: {  	_ =	shalt  }
0x7d: {  	_ =	shalt  }
0x7e: {  	_ =	shalt  }
0x7f: {  	_ =	shalt  }
0x80: {  	_ =	shalt  }
0x81: {  	_ =	shalt  }
0x82: {  	_ =	shalt  }
0x83: {  	_ =	shalt  }
0x84: {  	_ =	shalt  }
0x85: {  	_ =	shalt  }
0x86: {  	_ =	shalt  }
0x87: {  	_ =	shalt  }
.Lfunc_end0:
.L_simem_size_0:
called_computation.5_lowered:
.L_overlay_start_0:
0x88: {  	s2 =	sld [smem:$0x3FD9]  }
0x89: {  	s3 =	sld [smem:$0x3FFE];
	_ =	sdelay $0x1  }
0x8a: {  	s1 =	srdreg.scid  }
0x8b: {  	s0 =	sand.u32 $0x1, s1  }
0x8c: {  	s14 =	sshll.u32 s0, $0xA;
	s2 =	sadd.s32 s3, s2  }
0x8d: {  	s2 =	sadd.s32 s2, s14  }
0x8e: {  	[smem:$0x3FBA] =	sst s2  }
0x8f: {  	_ = 	snop  }
0x90: {  	s2 =	sld [smem:$0x3FD0];
	_ =	sdelay $0x2  }
0x91: {  	s15 =	simm.s32 $0xA;
	s4 =	simm.s32 $0x10  }
0x92: {  	[smem:s4], [sflag:s15] =	dma.local [hbm:s2], $0x1  }
0x93: {  	_ =	swait.eq [sflag:s15], $0x1  }
0x94: {  	[sflag:s15] =	ssyncset.done $0x0  }
0x95: {  	[sflag:s15] =	ssyncadd.s32 $0xFFFFFFFF  }
0x96: {  	s16 =	sld [smem:$0x11];
	(tm) =	ssettm $0x1  }
0x97: {  	s17 =	sld [smem:$0x3FFB];
	_ =	sdelay $0x3  }
0x98: {  	_ =	strace s17  }
0x99: {  	s3 =	sld [smem:$0x3FFC];
	_ =	sdelay $0x3  }
0x9a: {  	_ =	strace s3  }
0x9b: {  	s3 =	sld [smem:$0x3FFD];
	_ =	sdelay $0x3  }
0x9c: {  	_ =	strace s3  }
0x9d: {  	_ =	strace $0x8FFFFFFF  }
0x9e: {  	s18 =	sld [smem:$0x3FDB];
	_ =	sdelay $0x1  }
0x9f: {  	s19 =	simm.s32 $_scs_section_size  }
0xa0: {  	s5 =	simm.s32 $_size__tile_overlayer_lowered;
	s6 =	simm.s32 $_tile_overlayer_lowered  }
0xa1: {  	s22 =	simm.s32 $0x1BFF;
	s21 =	sshll.u32 s6, $0x1;
	s3 =	sadd.s32 s19, s18  }
0xa2: {  	s7 =	simm.s32 $0x0;
	s20 =	sshll.u32 s5, $0x1;
	s5 =	sadd.s32 s21, s3  }
0xa3: {  	[timem:s7], [sflag:s22] =	dma.local [hbm:s5], s20  }
0xa4: {  	_ =	swait.ge [sflag:s22], s20  }
0xa5: {  	s4 =	ssub.s32 $0x0, s20;
	[sflag:s22] =	ssyncset.done $0x0  }
0xa6: {  	[sflag:s22] =	ssyncadd.s32 s4;
	_ =	sdelay $0x1  }
0xa7: {  	s23 =	simm.s32 $0x1B8B  }
0xa8: {  	_ =	swait.ge [sflag:s23], $0x1  }
0xa9: {  	[sflag:s23] =	ssyncset.done $0x0  }
0xaa: {  	s25 =	simm.s32 $0x1B8E;
	s24 =	sld [smem:$0x3FFE];
	[sflag:s23] =	ssyncadd.s32 $0xFFFFFFFF  }
0xab: {  	s26 =	simm.s32 $execute0_lowered;
	[smem:$0x3FD2] =	sst s25  }
0xac: {  	s5 =	sshll.u32 s26, $0x1;
	_ =	strace $0x80000055;
	[dreg:$0x1] =	wrdreg $0xFFFFFFFF  }
0xad: {  	s28 =	simm.s32 $_size_execute0_lowered;
	s3 =	sadd.s32 s3, s5;
	[dreg:$0x0] =	wrdreg $0x0  }
0xae: {  	s5 =	sshll.u32 s28, $0x1;
	[dreg:$0x2] =	wrdreg s3  }
0xaf: {  	[dreg:$0x3] =	wrdreg s5  }
0xb0: {  	[dreg:$0x4] =	wrdreg $0xC0  }
0xb1: {  	_ =	task [dreg:s7], $0x5FFFF  }
0xb2: {  	[dreg:$0x1] =	wrdreg $0xFFFFFFFF  }
0xb3: {  	[dreg:$0x0] =	wrdreg $0x60  }
0xb4: {  	[dreg:$0x2] =	wrdreg s24  }
0xb5: {  	[dreg:$0x3] =	wrdreg s16  }
0xb6: {  	[dreg:$0x4] =	wrdreg $0x90000  }
0xb7: {  	[dreg:$0x5] =	wrdreg $0x9  }
0xb8: {  	_ =	task.clear_ibuf [dreg:s7], $0x6FFFF;
	_ =	strace $0x90000055  }
0xb9: {  	s29 =	simm.s32 $0x9;
	_ =	strace $0x80000057  }
0xba: {  	_ =	swait.ge [sflag:s29], $0x1  }
0xbb: {  	[sflag:s29] =	ssyncadd.s32 $0xFFFFFFFF  }
0xbc: {  	_ =	strace $0x90000057  }
0xbd: {  	_ =	sfence  }
0xbe: {  	s30 =	sld [smem:$0x0];
	_ =	sdelay $0x2  }
0xbf: {  	s31 =	sshll.u32 s1, $0xD;
	s1 =	sshrl.u32 s1, $0x2  }
0xc0: {  	s3 =	sand.u32 $0x4000, s31;
	s1 =	sadd.s32 s1, s30  }
0xc1: {  	s0 =	sor.u32 s3, s0;
	s1 =	sshll.u32 s1, $0x11  }
0xc2: {  	s0 =	sor.u32 s1, s0  }
0xc3: {  	s0 =	sadd.s32 $0x8F2B, s0  }
0xc4: {  	[sflag:s0] =	ssyncadd.remote.s32 $0x1  }
0xc5: {  	_ =	sfence.sel $0xFFFF  }
0xc6: {  	[dreg:$0x0] =	wrdreg $0xFFFFFFFF;
	(pc) =	sbr.abs _section_cstart, $3  }
0xc7: {  	[dreg:$0x1] =	wrdreg $0xFFFFFFFF  }
0xc8: {  	_ =	task.clear_ibuf [dreg:s7], $0x2FFFF;
	_ =	strace $0x9FFFFFFF  }
0xc9: {  	(tm) =	ssettm $0x7FFFFFFF  }
tec
execute0_lowered:
.L_overlay_start_1:
0x0: {  	(tag) =	ssettag $0x1  }
0x1: {  	s5 =	rddreg [dreg:$0x0]  }
0x2: {  	s0 =	srdreg.scid;
	s11 =	rddreg [dreg:$0x1]  }
0x3: {  	s2 =	rddreg [dreg:$0x2];
	s1 =	stileid.u32;
	s3 =	simm.s32 $0x0  }
0x4: {  	s7 =	sand.u32 $0x1, s0;
	s0 =	rddreg [dreg:$0x3];
	s6 =	smul.u32 $0x50000, s1  }
0x5: {  	s21 =	simm.s32 $0x80;
	[smem:$0x7FF] =	sst s3;
	s13 =	smul.u32 $0x14000, s1  }
0x6: {  	s16 =	sadd.s32 $0x36800, s5;
	s4 =	sshll.u32 s7, $0x4;
	_ =	strace $0x80000056  }
0x7: {  	s8 =	ssub.s32 $0x2, s7;
	s18 =	smul.u32 $0x140000, s7;
	s4 =	sor.u32 s1, s4  }
0x8: {  	s28 =	sshrl.u32 s8, $0x1;
	s6 =	sshrl.u32 s6, $0x2;
	s14 =	sadd.s32 $0x4000, s13  }
0x9: {  	s15 =	sadd.s32 $0x8000, s13;
	s19 =	sadd.s32 $0xC000, s13;
	s20 =	sadd.s32 $0x10000, s13  }
0xa: {  	s12 =	smul.u32 $0x500, s4;
	s4 =	sadd.s32 $0xE800, s5;
	s17 =	ssub.s32 s8, s28  }
0xb: {  	s7 =	sadd.s32 s15, s2;
	s8 =	sadd.s32 s19, s2;
	s9 =	sadd.s32 s20, s2  }
0xc: {  	s13 =	sadd.s32 s13, s18;
	s30 =	sadd.s32 s18, s15;
	s31 =	sadd.s32 s18, s19  }
0xd: {  	s19 =	simm.s32 $0x1;
	s13 =	sshrl.u32 s13, $0x3;
	s15 =	sshrl.u32 s31, $0x3  }
0xe: {  	s17 =	smax.u32 s17, $0x1;
	s10 =	sadd.s32 s12, s5;
	s5 =	sadd.s32 s6, s2  }
0xf: {  	s6 =	sadd.s32 s14, s2;
	s14 =	sadd.s32 s18, s14;
	s11 =	sadd.s32 s11, s12  }
0x10: {  	s12 =	sadd.s32 s16, s13;
	s18 =	sadd.s32 s18, s20;
	s15 =	sadd.s32 s16, s15  }
0x11: {  	s20 =	simm.s32 $0x2800;
	s10 =	sadd.s32 $0x4800, s10;
	s29 =	sshrl.u32 s14, $0x3  }
0x12: {  	s14 =	sshrl.u32 s30, $0x3;
	s18 =	sshrl.u32 s18, $0x3;
	s13 =	sadd.s32 s16, s29  }
0x13: {  	v0 =	vimm.f32 $0.0e+00;
	s14 =	sadd.s32 s16, s14;
	s16 =	sadd.s32 s16, s18;
	s18 =	simm.s32 $0x5000  }
.LBB2_1:
0x14: {  	s22 =	simm.s32 $0x0;
	s23 =	simm.s32 $0x200  }
.LBB2_2:
0x15: {  	p0 =	sne.s32 s23, $0xFE00;
	[tilespmem:s22+$0x5070] =	vst v0  }
0x16: {  	[tilespmem:s22+$0x5000] =	vst v0  }
0x17: {  	[tilespmem:s22+$0x5010] =	vst v0  }
.Ltmp0:
0x18: {  	[tilespmem:s22+$0x5020] =	vst v0;
	(pc) =	sbr.rel @p0 .LBB2_2-.Ltmp0, $4  }
0x19: {  	[tilespmem:s22+$0x5030] =	vst v0  }
0x1a: {  	[tilespmem:s22+$0x5040] =	vst v0  }
0x1b: {  	[tilespmem:s22+$0x5050] =	vst v0  }
0x1c: {  	[tilespmem:s22+$0x5060] =	vst v0;
	s22 =	sshra.s32 s23, $0x2;
	s23 =	sadd.s32 $0x200, s23  }
0x1d: {  	[tilespmem:s22+$0x5070] =	vst v0  }
0x1e: {  	[tilespmem:s22+$0x5000] =	vst v0  }
0x1f: {  	[tilespmem:s22+$0x5010] =	vst v0  }
0x20: {  	[tilespmem:s22+$0x5020] =	vst v0  }
0x21: {  	[tilespmem:s22+$0x5030] =	vst v0  }
0x22: {  	[tilespmem:s22+$0x5040] =	vst v0  }
0x23: {  	[tilespmem:s22+$0x5050] =	vst v0  }
0x24: {  	[tilespmem:s22+$0x5060] =	vst v0  }
0x25: {  	[spmem:s5] =	stream.linear.scatter [tilespmem:s18], [sflag:$0x1], $0x4000, $0x38;
	[tilespmem:$0x1D000] =	vst v63  }
0x26: {  	_ =	swait.ge [sflag:s19], $0x4000  }
0x27: {  	[sflag:s19] =	ssyncset.done $0x0  }
0x28: {  	[sflag:s19] =	ssyncadd.s32 $0xFFFFC000  }
0x29: {  	[spmem:s6] =	stream.linear.scatter [tilespmem:s18], [sflag:$0x1], $0x4000, $0x38;
	[tilespmem:$0x1D000] =	vst v63  }
0x2a: {  	_ =	swait.ge [sflag:s19], $0x4000  }
0x2b: {  	[sflag:s19] =	ssyncset.done $0x0  }
0x2c: {  	[sflag:s19] =	ssyncadd.s32 $0xFFFFC000  }
0x2d: {  	[spmem:s7] =	stream.linear.scatter [tilespmem:s18], [sflag:$0x1], $0x4000, $0x38;
	[tilespmem:$0x1D000] =	vst v63  }
0x2e: {  	_ =	swait.ge [sflag:s19], $0x4000  }
0x2f: {  	[sflag:s19] =	ssyncset.done $0x0  }
0x30: {  	[sflag:s19] =	ssyncadd.s32 $0xFFFFC000  }
0x31: {  	[spmem:s8] =	stream.linear.scatter [tilespmem:s18], [sflag:$0x1], $0x4000, $0x38;
	[tilespmem:$0x1D000] =	vst v63  }
0x32: {  	_ =	swait.ge [sflag:s19], $0x4000  }
0x33: {  	[sflag:s19] =	ssyncset.done $0x0  }
0x34: {  	[sflag:s19] =	ssyncadd.s32 $0xFFFFC000  }
0x35: {  	[spmem:s9] =	stream.linear.scatter [tilespmem:s18], [sflag:$0x1], $0x4000, $0x38;
	[tilespmem:$0x1D000] =	vst v63  }
0x36: {  	_ =	swait.ge [sflag:s19], $0x4000  }
0x37: {  	[sflag:s19] =	ssyncset.done $0x0  }
0x38: {  	s29 =	simm.s32 $0x0;
	[sflag:s19] =	ssyncadd.s32 $0xFFFFC000  }
0x39: {  	[tilespmem:s29], [sflag:$0x1] =	stream.linear.gather [hbm4b:s10+s29], $0x2800, $0x38;
	[tilespmem:$0x1D000] =	vst v63  }
0x3a: {  	_ =	swait.ge [sflag:s19], $0x2800  }
0x3b: {  	[sflag:s19] =	ssyncset.done $0x0  }
0x3c: {  	[sflag:s19] =	ssyncadd.s32 $0xFFFFD800  }
0x3d: {  	[tilespmem:s20], [sflag:$0x1] =	stream.linear.gather [hbm4b:s11+s29], $0x2800, $0x38;
	[tilespmem:$0x1D000] =	vst v63  }
0x3e: {  	_ =	swait.ge [sflag:s19], $0x2800  }
0x3f: {  	[sflag:s19] =	ssyncset.done $0x0  }
0x40: {  	[sflag:s19] =	ssyncadd.s32 $0xFFFFD800  }
0x41: {  	s30 =	simm.s32 $0x0;
	[bflag:$0x0] =	sbarrier.arrive $0xFFFF  }
0x42: {  	[tilespmem:s18], [sflag:$0x1] =	stream.indirect.gather [hbm4b:s4+s21], $0x80, s30, s21, $0xb8;
	[tilespmem:$0x1D000] =	vst v63  }
0x43: {  	_ =	swait.ge [sflag:s19], $0x4000  }
0x44: {  	[sflag:s19] =	ssyncset.done $0x0  }
0x45: {  	s31 =	simm.s32 $0x2800;
	[sflag:s19] =	ssyncadd.s32 $0xFFFFC000  }
0x46: {  	[spmem:s2] =	stream.indirect.scatter.add.f32 [tilespmem:s18], [sflag:$0x1], $0x80, s31, s21, $0xb8;
	[tilespmem:$0x1D000] =	vst v63  }
0x47: {  	_ =	swait.ge [sflag:s19], $0x4000  }
0x48: {  	s22 =	simm.s32 $0x200;
	s23 =	simm.s32 $0x400;
	[sflag:s19] =	ssyncset.done $0x0  }
.LBB2_4:
0x49: {  	s24 =	sshra.s32 s22, $0x2  }
0x4a: {  	[sflag:s19] =	ssyncadd.s32 $0xFFFFC000;
	s22 =	smov.u32 s23;
	s25 =	sadd.s32 $0x200, s23  }
0x4b: {  	[tilespmem:s18], [sflag:$0x1] =	stream.indirect.gather [hbm4b:s4+s21], $0x80, s24, s21, $0xb8;
	[tilespmem:$0x1D000] =	vst v63  }
0x4c: {  	p0 =	sne.s32 s23, $0x9E00;
	_ =	swait.ge [sflag:s19], $0x4000  }
.Ltmp1:
0x4d: {  	[sflag:s19] =	ssyncset.done $0x0;
	(pc) =	sbr.rel @p0 .LBB2_4-.Ltmp1, $4  }
0x4e: {  	s23 =	sadd.s32 $0x2800, s24;
	[sflag:s19] =	ssyncadd.s32 $0xFFFFC000  }
0x4f: {  	[spmem:s2] =	stream.indirect.scatter.add.f32 [tilespmem:s18], [sflag:$0x1], $0x80, s23, s21, $0xb8;
	[tilespmem:$0x1D000] =	vst v63  }
0x50: {  	_ =	swait.ge [sflag:s19], $0x4000  }
0x51: {  	s23 =	smov.u32 s25;
	[sflag:s19] =	ssyncset.done $0x0  }
0x52: {  	s22 =	sshra.s32 s22, $0x2;
	[sflag:s19] =	ssyncadd.s32 $0xFFFFC000  }
0x53: {  	[tilespmem:s18], [sflag:$0x1] =	stream.indirect.gather [hbm4b:s4+s21], $0x80, s22, s21, $0xb8;
	[tilespmem:$0x1D000] =	vst v63  }
0x54: {  	_ =	swait.ge [sflag:s19], $0x4000  }
0x55: {  	[sflag:s19] =	ssyncset.done $0x0  }
0x56: {  	s22 =	sadd.s32 $0x2800, s22;
	[sflag:s19] =	ssyncadd.s32 $0xFFFFC000  }
0x57: {  	[spmem:s2] =	stream.indirect.scatter.add.f32 [tilespmem:s18], [sflag:$0x1], $0x80, s22, s21, $0xb8;
	[tilespmem:$0x1D000] =	vst v63  }
0x58: {  	_ =	swait.ge [sflag:s19], $0x4000  }
0x59: {  	[sflag:s19] =	ssyncset.done $0x0  }
0x5a: {  	s26 =	sshll.u32 s1, $0x6;
	[sflag:s19] =	ssyncadd.s32 $0xFFFFC000  }
0x5b: {  	s23 =	sshrl.u32 s5, $0x3;
	s22 =	sor.u32 $0x1C01, s26;
	[bflag:$0x0] =	sbarrier.arrive $0xFFFF  }
0x5c: {  	[hbm:s12], [sflag:s22] =	dma.local [spmem:s23], $0x800  }
0x5d: {  	_ =	swait.ge [sflag:s19], $0x800  }
0x5e: {  	[sflag:s19] =	ssyncset.done $0x0  }
0x5f: {  	s28 =	sshrl.u32 s6, $0x3;
	[sflag:s19] =	ssyncadd.s32 $0xFFFFF800  }
0x60: {  	[hbm:s13], [sflag:s22] =	dma.local [spmem:s28], $0x800  }
0x61: {  	_ =	swait.ge [sflag:s19], $0x800  }
0x62: {  	[sflag:s19] =	ssyncset.done $0x0  }
0x63: {  	s29 =	sshrl.u32 s7, $0x3;
	[sflag:s19] =	ssyncadd.s32 $0xFFFFF800  }
0x64: {  	[hbm:s14], [sflag:s22] =	dma.local [spmem:s29], $0x800  }
0x65: {  	_ =	swait.ge [sflag:s19], $0x800  }
0x66: {  	[sflag:s19] =	ssyncset.done $0x0  }
0x67: {  	s30 =	sshrl.u32 s8, $0x3;
	[sflag:s19] =	ssyncadd.s32 $0xFFFFF800  }
0x68: {  	[hbm:s15], [sflag:s22] =	dma.local [spmem:s30], $0x800  }
0x69: {  	s3 =	sadd.s32 $0x1, s3;
	_ =	swait.ge [sflag:s19], $0x800  }
0x6a: {  	p0 =	sne.s32 s3, s17;
	[sflag:s19] =	ssyncset.done $0x0  }
.Ltmp2:
0x6b: {  	s31 =	sshrl.u32 s9, $0x3;
	[sflag:s19] =	ssyncadd.s32 $0xFFFFF800;
	(pc) =	sbr.rel @p0 .LBB2_1-.Ltmp2, $4  }
0x6c: {  	[hbm:s16], [sflag:s22] =	dma.local [spmem:s31], $0x800  }
0x6d: {  	_ =	swait.ge [sflag:s19], $0x800  }
0x6e: {  	[sflag:s19] =	ssyncset.done $0x0  }
0x6f: {  	[sflag:s19] =	ssyncadd.s32 $0xFFFFF800  }
0x70: {  	_ =	sfence.sel $0x180000  }
0x71: {  	[bflag:$0x0] =	sbarrier.arrive $0xFFFF  }
0x72: {  	p0 =	sne.s32 s1, $0x0;
	_ =	strace $0x90000056  }
0x73: {  	s0 =	sadd.s32 @!p0 $0x100000, s0;
	[bflag:$0x2] =	sbarrier.arrive $0xFFFF  }
0x74: {  	[sflag:s0] =	ssyncadd.tile.s32 @!p0 $0x1;
	_ =	shalt  }
.Lfunc_end2:
_tile_overlayer_lowered:
.L_overlay_start_2:
0x75: {  	(tag) =	ssettag $0x2  }
0x76: {  	s0 =	rddreg [dreg:$0x0];
	s2 =	stileid.u32  }
0x77: {  	s1 =	rddreg [dreg:$0x1];
	p0 =	sne.s32 s2, $0x0  }
0x78: {  	s3 =	rddreg [dreg:$0x2];
	[bflag:$0x3] =	sbarrier.arrive $0xFFFF;
	s2 =	simm.s32 @!p0 $0x1C01  }
0x79: {  	[timem:s3], [sflag:s2] =	dma.local @!p0 [hbm:s0], s1  }
0x7a: {  	s0 =	simm.s32 @!p0 $0x1  }
0x7b: {  	_ =	swait.ge @!p0 [sflag:s0], s1  }
0x7c: {  	s1 =	ssub.s32 @!p0 $0x0, s1;
	[sflag:s0] =	ssyncset.done @!p0 $0x0  }
0x7d: {  	[sflag:s0] =	ssyncadd.s32 @!p0 s1  }
0x7e: {  	[bflag:$0x3] =	sbarrier.arrive $0xFFFF  }
0x7f: {  	_ =	shalt  }

</sc_bundles>
